<compile_context>
chip_gen: v7x
topology: tpu7x:2x2x1
jax: 0.10.2.dev20260603
libtpu: 0.0.44.dev20260713+nightly
codegen_flags: <defaults>
</compile_context>

<pallas_src>
import functools
import math

import jax
import jax.numpy as jnp
from jax import lax
from jax.experimental import pallas as pl
from jax.experimental.pallas import tpu as pltpu
from jax.experimental.pallas import tpu_sc as plsc

NUM_TOKENS = 1000000
DIM = 64
SCALE = float(math.sqrt(DIM))

_info = plsc.get_sparse_core_info()
NC, NS, L = _info.num_cores, _info.num_subcores, _info.num_lanes
NW = NC * NS

LB = 128
LBP = LB + 1
U = 2
RT = DIM // 8


@functools.partial(jax.jit, static_argnames=("batch", "hist"))
def _emb_lookup(xt, table, *, batch, hist):
    cblocks = batch // LB
    su_total = hist * (cblocks // U)
    su_per_w = su_total // NW
    assert su_total % NW == 0 and su_per_w % 2 == 0
    cb_per_h = cblocks // U

    mesh = plsc.VectorSubcoreMesh(core_axis_name="c", subcore_axis_name="s")

    @functools.partial(
        pl.kernel,
        mesh=mesh,
        out_type=jax.ShapeDtypeStruct((hist, RT, cblocks, 8, LB), jnp.float32),
        scratch_types=[
            pltpu.VMEM((U, LB), jnp.int32),
            pltpu.VMEM((U, LB), jnp.int32),
            pltpu.VMEM((U * LB, DIM), jnp.float32),
            pltpu.VMEM((U * LB, DIM), jnp.float32),
            pltpu.VMEM((U * DIM, LBP), jnp.float32),
            pltpu.VMEM((U * DIM, LBP), jnp.float32),
            pltpu.SemaphoreType.DMA,
            pltpu.SemaphoreType.DMA,
            pltpu.SemaphoreType.DMA,
            pltpu.SemaphoreType.DMA,
        ],
        compiler_params=pltpu.CompilerParams(
            use_tc_tiling_on_sc=False, needs_layout_passes=False
        ),
    )
    def k(xt_hbm, tab_hbm, out_hbm, i0, i1, g0, g1, t0, t1, sg0, sg1, sw0, sw1):
        wid = lax.axis_index("s") * NC + lax.axis_index("c")
        su0 = wid * su_per_w
        idx = (i0, i1)
        G = (g0, g1)
        TR = (t0, t1)
        sg = (sg0, sg1)
        sw = (sw0, sw1)

        iota = lax.iota(jnp.int32, L)
        rvecs = [
            [iota + (u * DIM + dc * L) for dc in range(DIM // L)]
            for u in range(U)
        ]

        def fire(su, b):
            h = su // cb_per_h
            c0 = (su % cb_per_h) * U
            pltpu.sync_copy(xt_hbm.at[h, pl.ds(c0, U)], idx[b])
            for u in range(U):
                pltpu.async_copy(
                    tab_hbm.at[idx[b].at[u]],
                    G[b].at[pl.ds(u * LB, LB)],
                    sg[b],
                )

        def wait_gathers(b):
            for _ in range(U):
                pltpu.make_async_copy(
                    tab_hbm.at[pl.ds(0, LB)], G[b].at[pl.ds(0, LB)], sg[b]
                ).wait()

        def wait_writes(b):
            for _ in range(U * RT):
                pltpu.make_async_copy(
                    TR[b].at[pl.ds(0, 8), pl.ds(0, LB)],
                    out_hbm.at[0, 0, 0],
                    sw[b],
                ).wait()

        def transpose_scale(b):
            for u in range(U):

                @plsc.parallel_loop(0, LB, unroll=4)
                def _(l):
                    row = u * LB + l
                    col = jnp.broadcast_to(l, (L,)).astype(jnp.int32)
                    for dc in range(DIM // L):
                        vals = G[b][row, pl.ds(dc * L, L)]
                        plsc.store_scatter(
                            TR[b], [rvecs[u][dc], col], vals * SCALE
                        )

        def fire_writes(su, b):
            h = su // cb_per_h
            c0 = (su % cb_per_h) * U
            for u in range(U):
                for r in range(RT):
                    pltpu.async_copy(
                        TR[b].at[pl.ds(u * DIM + r * 8, 8), pl.ds(0, LB)],
                        out_hbm.at[h, r, c0 + u],
                        sw[b],
                    )

        fire(su0, 0)

        @pl.loop(0, su_per_w, step=2)
        def _(t):
            for b in range(2):
                su = su0 + t + b
                nb = 1 - b

                @pl.when(t + b + 1 < su_per_w)
                def _():
                    @pl.when(t + b >= 1)
                    def _():
                        wait_writes(nb)

                    fire(su + 1, nb)

                wait_gathers(b)
                transpose_scale(b)
                fire_writes(su, b)

        wait_writes(0)
        wait_writes(1)

    return k(xt, table)


def kernel(x, table):
    b, h = x.shape
    xt = jnp.transpose(x).reshape(h, b // LB, LB)
    ot = _emb_lookup(xt, table, batch=b, hist=h)
    out = jnp.transpose(ot, (2, 4, 0, 1, 3)).reshape(b, h, DIM)
    return out

# --- scband reference (transcript-rebuilt; emitter-appended) ---
"""Pipeline reference for scband-scaled-embedding-60455959658866 (READ-ONLY COPY).

The authoritative reference and input builder live on the scoring server;
editing this copy changes nothing except your own understanding.
"""

import jax, jax.numpy as jnp
import numpy as np

NUM_TOKENS = 1000000
DIM = 64
BATCH = 16384
HIST = 50

def setup_inputs(seed: int = 0) -> dict:
    key = jax.random.key(seed)
    k_idx, k_tab = jax.random.split(key)
    x = jax.random.randint(k_idx, (BATCH, HIST), 0, NUM_TOKENS, dtype=jnp.int64) if jax.config.jax_enable_x64 else jax.random.randint(k_idx, (BATCH, HIST), 0, NUM_TOKENS, dtype=jnp.int32)
    # Keras Embedding default initializer is uniform(-0.05, 0.05)
    table = jax.random.uniform(k_tab, (NUM_TOKENS, DIM), dtype=jnp.float32, minval=-0.05, maxval=0.05)
    return {"x": x, "table": table}

def reference(x, table):
    # ScaledEmbedding.call: sqrt(dim) * embed(x)
    scale = jnp.sqrt(jnp.asarray(float(DIM), dtype=jnp.float32))
    emb = jnp.take(table, x, axis=0)
    return scale * emb

if __name__ == "__main__":
    import jax
    _d = setup_inputs()
    print(jax.jit(kernel)(*tuple(_d.values())))

</pallas_src>

<mosaic_0001>
#map = affine_map<(d0, d1) -> (0, 0, 0)>
#map1 = affine_map<(d0, d1) -> (0, 0)>
#map2 = affine_map<(d0, d1) -> (0, 0, 0, 0, 0)>
module attributes {stable_mosaic.version = 14 : i64} {
  func.func @k(%arg0: i32, %arg1: i32, %arg2: memref<50x128x128xi32, #tpu.memory_space<hbm>>, %arg3: memref<1000000x64xf32, #tpu.memory_space<hbm>>, %arg4: memref<50x8x128x8x128xf32, #tpu.memory_space<hbm>>, %arg5: memref<2x128xi32, #tpu.memory_space<vmem>>, %arg6: memref<2x128xi32, #tpu.memory_space<vmem>>, %arg7: memref<256x64xf32, #tpu.memory_space<vmem>>, %arg8: memref<256x64xf32, #tpu.memory_space<vmem>>, %arg9: memref<128x129xf32, #tpu.memory_space<vmem>>, %arg10: memref<128x129xf32, #tpu.memory_space<vmem>>, %arg11: memref<!tpu.dma_semaphore, #tpu.memory_space<semaphore_mem>>, %arg12: memref<!tpu.dma_semaphore, #tpu.memory_space<semaphore_mem>>, %arg13: memref<!tpu.dma_semaphore, #tpu.memory_space<semaphore_mem>>, %arg14: memref<!tpu.dma_semaphore, #tpu.memory_space<semaphore_mem>>) attributes {dimension_semantics = [#tpu.dimension_semantics<core_parallel>, #tpu.dimension_semantics<subcore_parallel>], iteration_bounds = array<i64: 2, 16>, scalar_prefetch = 0 : i64, scratch_operands = 10 : i64, tpu.core_type = #tpu.core_type<sc_vector_subcore>, window_params = [{transform_indices = #map}, {transform_indices = #map1}, {transform_indices = #map2}]} {
    %mul3A = arith.constant 2 : i32
    %mul3A_0 = arith.muli %arg1, %mul3A : i32
    %add3A = arith.addi %mul3A_0, %arg0 : i32
    %mul3A_1 = arith.constant 100 : i32
    %mul3A_2 = arith.muli %add3A, %mul3A_1 : i32
    %iota3A = tpu.iota {dimensions = array<i32: 0>} : vector<16xi32>
    %add3A_3 = arith.constant 0 : i32
    %add3A_4 = vector.broadcast %add3A_3 : i32 to vector<16xi32>
    %add3A_5 = arith.addi %iota3A, %add3A_4 : vector<16xi32>
    %add3A_6 = arith.constant 16 : i32
    %add3A_7 = vector.broadcast %add3A_6 : i32 to vector<16xi32>
    %add3A_8 = arith.addi %iota3A, %add3A_7 : vector<16xi32>
    %add3A_9 = arith.constant 32 : i32
    %add3A_10 = vector.broadcast %add3A_9 : i32 to vector<16xi32>
    %add3A_11 = arith.addi %iota3A, %add3A_10 : vector<16xi32>
    %add3A_12 = arith.constant 48 : i32
    %add3A_13 = vector.broadcast %add3A_12 : i32 to vector<16xi32>
    %add3A_14 = arith.addi %iota3A, %add3A_13 : vector<16xi32>
    %add3A_15 = arith.constant 64 : i32
    %add3A_16 = vector.broadcast %add3A_15 : i32 to vector<16xi32>
    %add3A_17 = arith.addi %iota3A, %add3A_16 : vector<16xi32>
    %add3A_18 = arith.constant 80 : i32
    %add3A_19 = vector.broadcast %add3A_18 : i32 to vector<16xi32>
    %add3A_20 = arith.addi %iota3A, %add3A_19 : vector<16xi32>
    %add3A_21 = arith.constant 96 : i32
    %add3A_22 = vector.broadcast %add3A_21 : i32 to vector<16xi32>
    %add3A_23 = arith.addi %iota3A, %add3A_22 : vector<16xi32>
    %add3A_24 = arith.constant 112 : i32
    %add3A_25 = vector.broadcast %add3A_24 : i32 to vector<16xi32>
    %add3A_26 = arith.addi %iota3A, %add3A_25 : vector<16xi32>
    %jit3A = arith.constant 64 : i32
    %div3A = arith.divsi %mul3A_2, %jit3A : i32
    %sign3A = arith.constant 0 : i32
    %sign3A_27 = arith.cmpi sgt, %mul3A_2, %sign3A : i32
    %sign3A_28 = arith.extui %sign3A_27 : i1 to i32
    %sign3A_29 = arith.constant 0 : i32
    %sign3A_30 = arith.cmpi slt, %mul3A_2, %sign3A_29 : i32
    %sign3A_31 = arith.extui %sign3A_30 : i1 to i32
    %sign3A_32 = arith.subi %sign3A_28, %sign3A_31 : i32
    %sign3A_33 = arith.constant 0 : i32
    %sign3A_34 = arith.cmpi sgt, %jit3A, %sign3A_33 : i32
    %sign3A_35 = arith.extui %sign3A_34 : i1 to i32
    %sign3A_36 = arith.constant 0 : i32
    %sign3A_37 = arith.cmpi slt, %jit3A, %sign3A_36 : i32
    %sign3A_38 = arith.extui %sign3A_37 : i1 to i32
    %sign3A_39 = arith.subi %sign3A_35, %sign3A_38 : i32
    %ne3A = arith.cmpi ne, %sign3A_32, %sign3A_39 : i32
    %rem3A = arith.remsi %mul3A_2, %jit3A : i32
    %ne3A_40 = arith.constant 0 : i32
    %ne3A_41 = arith.cmpi ne, %rem3A, %ne3A_40 : i32
    %and3A = arith.andi %ne3A, %ne3A_41 : i1
    %sub3A = arith.constant 1 : i32
    %sub3A_42 = arith.subi %div3A, %sub3A : i32
    %select_n3A = arith.select %and3A, %sub3A_42, %div3A : i32
    %jit3A_43 = arith.constant 64 : i32
    %eq3A = arith.constant 0 : i32
    %eq3A_44 = arith.cmpi eq, %jit3A_43, %eq3A : i32
    %jit3A_45 = arith.constant 1 : i32
    %select_n3A_46 = arith.select %eq3A_44, %jit3A_45, %jit3A_43 : i32
    %rem3A_47 = arith.remsi %mul3A_2, %select_n3A_46 : i32
    %ne3A_48 = arith.constant 0 : i32
    %ne3A_49 = arith.cmpi ne, %rem3A_47, %ne3A_48 : i32
    %lt3A = arith.constant 0 : i32
    %lt3A_50 = arith.cmpi slt, %rem3A_47, %lt3A : i32
    %lt3A_51 = arith.constant 0 : i32
    %lt3A_52 = arith.cmpi slt, %select_n3A_46, %lt3A_51 : i32
    %ne3A_53 = arith.xori %lt3A_50, %lt3A_52 : i1
    %and3A_54 = arith.andi %ne3A_53, %ne3A_49 : i1
    %add3A_55 = arith.addi %rem3A_47, %select_n3A_46 : i32
    %select_n3A_56 = arith.select %and3A_54, %add3A_55, %rem3A_47 : i32
    %mul3A_57 = arith.constant 2 : i32
    %mul3A_58 = arith.muli %select_n3A_56, %mul3A_57 : i32
    "tpu.region"() ({
      %run_scoped3A = tpu.sem_alloc : memref<!tpu.dma_semaphore, #tpu.memory_space<semaphore_mem>>
      %dma_start3A_625 = arith.constant 0 : i32
      %dma_start3A_626 = tpu.memref_slice %arg2[%select_n3A, %mul3A_58, %dma_start3A_625] : memref<50x128x128xi32, #tpu.memory_space<hbm>> -> memref<1x2x128xi32, #tpu.memory_space<hbm>>
      %dma_start3A_627 = tpu.memref_squeeze %dma_start3A_626 : memref<1x2x128xi32, #tpu.memory_space<hbm>> -> memref<2x128xi32, #tpu.memory_space<hbm>>
      %dma_start3A_628 = arith.constant 0 : i32
      %dma_start3A_629 = tpu.memref_slice %arg2[%select_n3A, %mul3A_58, %dma_start3A_628] : memref<50x128x128xi32, #tpu.memory_space<hbm>> -> memref<1x2x128xi32, #tpu.memory_space<hbm>>
      %dma_start3A_630 = tpu.memref_squeeze %dma_start3A_629 : memref<1x2x128xi32, #tpu.memory_space<hbm>> -> memref<2x128xi32, #tpu.memory_space<hbm>>
      tpu.enqueue_dma source(%dma_start3A_630 : memref<2x128xi32, #tpu.memory_space<hbm>>) target(%arg5 : memref<2x128xi32, #tpu.memory_space<vmem>>) target_semaphore(%run_scoped3A : memref<!tpu.dma_semaphore, #tpu.memory_space<semaphore_mem>>)
      %dma_wait3A_631 = arith.constant 0 : i32
      %dma_wait3A_632 = tpu.memref_slice %arg2[%select_n3A, %mul3A_58, %dma_wait3A_631] : memref<50x128x128xi32, #tpu.memory_space<hbm>> -> memref<1x2x128xi32, #tpu.memory_space<hbm>>
      %dma_wait3A_633 = tpu.memref_squeeze %dma_wait3A_632 : memref<1x2x128xi32, #tpu.memory_space<hbm>> -> memref<2x128xi32, #tpu.memory_space<hbm>>
      %dma_wait3A_634 = arith.constant 0 : i32
      %dma_wait3A_635 = tpu.memref_slice %arg2[%select_n3A, %mul3A_58, %dma_wait3A_634] : memref<50x128x128xi32, #tpu.memory_space<hbm>> -> memref<1x2x128xi32, #tpu.memory_space<hbm>>
      %dma_wait3A_636 = tpu.memref_squeeze %dma_wait3A_635 : memref<1x2x128xi32, #tpu.memory_space<hbm>> -> memref<2x128xi32, #tpu.memory_space<hbm>>
      tpu.wait_dma2 semaphore(%run_scoped3A : memref<!tpu.dma_semaphore, #tpu.memory_space<semaphore_mem>>) src(%dma_wait3A_636 : memref<2x128xi32, #tpu.memory_space<hbm>>) dst(%arg5 : memref<2x128xi32, #tpu.memory_space<vmem>>)
      tpu.yield
    }) : () -> ()
    %dma_start3A = arith.constant 0 : i32
    %dma_start3A_59 = arith.constant 0 : i32
    %dma_start3A_60 = arith.constant 0 : i32
    %dma_start3A_61 = tpu.memref_slice %arg7[%dma_start3A_59, %dma_start3A_60] : memref<256x64xf32, #tpu.memory_space<vmem>> -> memref<128x64xf32, #tpu.memory_space<vmem>>
    %dma_start3A_62 = arith.constant 0 : i32
    %dma_start3A_63 = tpu.memref_slice %arg5[%dma_start3A, %dma_start3A_62] : memref<2x128xi32, #tpu.memory_space<vmem>> -> memref<1x128xi32, #tpu.memory_space<vmem>>
    %dma_start3A_64 = tpu.memref_squeeze %dma_start3A_63 : memref<1x128xi32, #tpu.memory_space<vmem>> -> memref<128xi32, #tpu.memory_space<vmem>>
    %dma_start3A_65 = arith.constant 0 : i32
    %dma_start3A_66 = arith.constant 0 : i32
    %dma_start3A_67 = tpu.memref_slice %arg3[%dma_start3A_65, %dma_start3A_66] : memref<1000000x64xf32, #tpu.memory_space<hbm>> -> memref<1000000x64xf32, #tpu.memory_space<hbm>>
    tpu.enqueue_indirect_dma source(%dma_start3A_67 : memref<1000000x64xf32, #tpu.memory_space<hbm>>) target(%dma_start3A_61 : memref<128x64xf32, #tpu.memory_space<vmem>>) offsets(%dma_start3A_64 : memref<128xi32, #tpu.memory_space<vmem>>) semaphore(%arg11 : memref<!tpu.dma_semaphore, #tpu.memory_space<semaphore_mem>>)
    %dma_start3A_68 = arith.constant 1 : i32
    %dma_start3A_69 = arith.constant 128 : i32
    %dma_start3A_70 = arith.constant 0 : i32
    %dma_start3A_71 = tpu.memref_slice %arg7[%dma_start3A_69, %dma_start3A_70] : memref<256x64xf32, #tpu.memory_space<vmem>> -> memref<128x64xf32, #tpu.memory_space<vmem>>
    %dma_start3A_72 = arith.constant 0 : i32
    %dma_start3A_73 = tpu.memref_slice %arg5[%dma_start3A_68, %dma_start3A_72] : memref<2x128xi32, #tpu.memory_space<vmem>> -> memref<1x128xi32, #tpu.memory_space<vmem>>
    %dma_start3A_74 = tpu.memref_squeeze %dma_start3A_73 : memref<1x128xi32, #tpu.memory_space<vmem>> -> memref<128xi32, #tpu.memory_space<vmem>>
    %dma_start3A_75 = arith.constant 0 : i32
    %dma_start3A_76 = arith.constant 0 : i32
    %dma_start3A_77 = tpu.memref_slice %arg3[%dma_start3A_75, %dma_start3A_76] : memref<1000000x64xf32, #tpu.memory_space<hbm>> -> memref<1000000x64xf32, #tpu.memory_space<hbm>>
    tpu.enqueue_indirect_dma source(%dma_start3A_77 : memref<1000000x64xf32, #tpu.memory_space<hbm>>) target(%dma_start3A_71 : memref<128x64xf32, #tpu.memory_space<vmem>>) offsets(%dma_start3A_74 : memref<128xi32, #tpu.memory_space<vmem>>) semaphore(%arg11 : memref<!tpu.dma_semaphore, #tpu.memory_space<semaphore_mem>>)
    %scan3A = arith.constant 0 : i32
    %scan3A_78 = arith.constant 50 : i32
    %scan3A_79 = arith.addi %scan3A, %scan3A_78 : i32
    %scan3A_80 = arith.constant 1 : i32
    scf.for %scan3A_625 = %scan3A to %scan3A_79 step %scan3A_80  : i32 {
      %mul3A_626 = arith.constant 2 : i32
      %mul3A_627 = arith.muli %scan3A_625, %mul3A_626 : i32
      %add3A_628 = arith.constant 0 : i32
      %add3A_629 = arith.addi %add3A_628, %mul3A_627 : i32
      %add3A_630 = arith.addi %mul3A_2, %add3A_629 : i32
      %add3A_631 = arith.constant 0 : i32
      %add3A_632 = arith.addi %add3A_630, %add3A_631 : i32
      %add3A_633 = arith.constant 0 : i32
      %add3A_634 = arith.addi %add3A_629, %add3A_633 : i32
      %add3A_635 = arith.constant 1 : i32
      %add3A_636 = arith.addi %add3A_634, %add3A_635 : i32
      %lt3A_637 = arith.constant 100 : i32
      %lt3A_638 = arith.cmpi slt, %add3A_636, %lt3A_637 : i32
      %convert_element_type3A = arith.extui %lt3A_638 : i1 to i32
      %cond3A = arith.constant 0 : i32
      %cond3A_639 = arith.cmpi ne, %convert_element_type3A, %cond3A : i32
      scf.if %cond3A_639 {
        %add3A_1339 = arith.constant 0 : i32
        %add3A_1340 = arith.addi %add3A_629, %add3A_1339 : i32
        %ge3A = arith.constant 1 : i32
        %ge3A_1341 = arith.cmpi sge, %add3A_1340, %ge3A : i32
        %convert_element_type3A_1342 = arith.extui %ge3A_1341 : i1 to i32
        %cond3A_1343 = arith.constant 0 : i32
        %cond3A_1344 = arith.cmpi ne, %convert_element_type3A_1342, %cond3A_1343 : i32
        scf.if %cond3A_1344 {
          %dma_wait3A_1409 = arith.constant 0 : i32
          %dma_wait3A_1410 = arith.constant 0 : i32
          %dma_wait3A_1411 = arith.constant 0 : i32
          %dma_wait3A_1412 = arith.constant 0 : i32
          %dma_wait3A_1413 = arith.constant 0 : i32
          %dma_wait3A_1414 = tpu.memref_slice %arg10[%dma_wait3A_1412, %dma_wait3A_1413] : memref<128x129xf32, #tpu.memory_space<vmem>> -> memref<8x128xf32, #tpu.memory_space<vmem>>
          %dma_wait3A_1415 = arith.constant 0 : i32
          %dma_wait3A_1416 = arith.constant 0 : i32
          %dma_wait3A_1417 = tpu.memref_slice %arg4[%dma_wait3A_1409, %dma_wait3A_1410, %dma_wait3A_1411, %dma_wait3A_1415, %dma_wait3A_1416] : memref<50x8x128x8x128xf32, #tpu.memory_space<hbm>> -> memref<1x1x1x8x128xf32, #tpu.memory_space<hbm>>
          %dma_wait3A_1418 = tpu.memref_squeeze %dma_wait3A_1417 : memref<1x1x1x8x128xf32, #tpu.memory_space<hbm>> -> memref<8x128xf32, #tpu.memory_space<hbm>>
          %dma_wait3A_1419 = arith.constant 0 : i32
          %dma_wait3A_1420 = arith.constant 0 : i32
          %dma_wait3A_1421 = tpu.memref_slice %arg4[%dma_wait3A_1409, %dma_wait3A_1410, %dma_wait3A_1411, %dma_wait3A_1419, %dma_wait3A_1420] : memref<50x8x128x8x128xf32, #tpu.memory_space<hbm>> -> memref<1x1x1x8x128xf32, #tpu.memory_space<hbm>>
          %dma_wait3A_1422 = tpu.memref_squeeze %dma_wait3A_1421 : memref<1x1x1x8x128xf32, #tpu.memory_space<hbm>> -> memref<8x128xf32, #tpu.memory_space<hbm>>
          %dma_wait3A_1423 = arith.constant 0 : i32
          %dma_wait3A_1424 = arith.constant 0 : i32
          %dma_wait3A_1425 = tpu.memref_slice %arg10[%dma_wait3A_1423, %dma_wait3A_1424] : memref<128x129xf32, #tpu.memory_space<vmem>> -> memref<8x128xf32, #tpu.memory_space<vmem>>
          tpu.wait_dma2 semaphore(%arg14 : memref<!tpu.dma_semaphore, #tpu.memory_space<semaphore_mem>>) src(%dma_wait3A_1425 : memref<8x128xf32, #tpu.memory_space<vmem>>) dst(%dma_wait3A_1422 : memref<8x128xf32, #tpu.memory_space<hbm>>)
          %dma_wait3A_1426 = arith.constant 0 : i32
          %dma_wait3A_1427 = arith.constant 0 : i32
          %dma_wait3A_1428 = arith.constant 0 : i32
          %dma_wait3A_1429 = arith.constant 0 : i32
          %dma_wait3A_1430 = arith.constant 0 : i32
          %dma_wait3A_1431 = tpu.memref_slice %arg10[%dma_wait3A_1429, %dma_wait3A_1430] : memref<128x129xf32, #tpu.memory_space<vmem>> -> memref<8x128xf32, #tpu.memory_space<vmem>>
          %dma_wait3A_1432 = arith.constant 0 : i32
          %dma_wait3A_1433 = arith.constant 0 : i32
          %dma_wait3A_1434 = tpu.memref_slice %arg4[%dma_wait3A_1426, %dma_wait3A_1427, %dma_wait3A_1428, %dma_wait3A_1432, %dma_wait3A_1433] : memref<50x8x128x8x128xf32, #tpu.memory_space<hbm>> -> memref<1x1x1x8x128xf32, #tpu.memory_space<hbm>>
          %dma_wait3A_1435 = tpu.memref_squeeze %dma_wait3A_1434 : memref<1x1x1x8x128xf32, #tpu.memory_space<hbm>> -> memref<8x128xf32, #tpu.memory_space<hbm>>
          %dma_wait3A_1436 = arith.constant 0 : i32
          %dma_wait3A_1437 = arith.constant 0 : i32
          %dma_wait3A_1438 = tpu.memref_slice %arg4[%dma_wait3A_1426, %dma_wait3A_1427, %dma_wait3A_1428, %dma_wait3A_1436, %dma_wait3A_1437] : memref<50x8x128x8x128xf32, #tpu.memory_space<hbm>> -> memref<1x1x1x8x128xf32, #tpu.memory_space<hbm>>
          %dma_wait3A_1439 = tpu.memref_squeeze %dma_wait3A_1438 : memref<1x1x1x8x128xf32, #tpu.memory_space<hbm>> -> memref<8x128xf32, #tpu.memory_space<hbm>>
          %dma_wait3A_1440 = arith.constant 0 : i32
          %dma_wait3A_1441 = arith.constant 0 : i32
          %dma_wait3A_1442 = tpu.memref_slice %arg10[%dma_wait3A_1440, %dma_wait3A_1441] : memref<128x129xf32, #tpu.memory_space<vmem>> -> memref<8x128xf32, #tpu.memory_space<vmem>>
          tpu.wait_dma2 semaphore(%arg14 : memref<!tpu.dma_semaphore, #tpu.memory_space<semaphore_mem>>) src(%dma_wait3A_1442 : memref<8x128xf32, #tpu.memory_space<vmem>>) dst(%dma_wait3A_1439 : memref<8x128xf32, #tpu.memory_space<hbm>>)
          %dma_wait3A_1443 = arith.constant 0 : i32
          %dma_wait3A_1444 = arith.constant 0 : i32
          %dma_wait3A_1445 = arith.constant 0 : i32
          %dma_wait3A_1446 = arith.constant 0 : i32
          %dma_wait3A_1447 = arith.constant 0 : i32
          %dma_wait3A_1448 = tpu.memref_slice %arg10[%dma_wait3A_1446, %dma_wait3A_1447] : memref<128x129xf32, #tpu.memory_space<vmem>> -> memref<8x128xf32, #tpu.memory_space<vmem>>
          %dma_wait3A_1449 = arith.constant 0 : i32
          %dma_wait3A_1450 = arith.constant 0 : i32
          %dma_wait3A_1451 = tpu.memref_slice %arg4[%dma_wait3A_1443, %dma_wait3A_1444, %dma_wait3A_1445, %dma_wait3A_1449, %dma_wait3A_1450] : memref<50x8x128x8x128xf32, #tpu.memory_space<hbm>> -> memref<1x1x1x8x128xf32, #tpu.memory_space<hbm>>
          %dma_wait3A_1452 = tpu.memref_squeeze %dma_wait3A_1451 : memref<1x1x1x8x128xf32, #tpu.memory_space<hbm>> -> memref<8x128xf32, #tpu.memory_space<hbm>>
          %dma_wait3A_1453 = arith.constant 0 : i32
          %dma_wait3A_1454 = arith.constant 0 : i32
          %dma_wait3A_1455 = tpu.memref_slice %arg4[%dma_wait3A_1443, %dma_wait3A_1444, %dma_wait3A_1445, %dma_wait3A_1453, %dma_wait3A_1454] : memref<50x8x128x8x128xf32, #tpu.memory_space<hbm>> -> memref<1x1x1x8x128xf32, #tpu.memory_space<hbm>>
          %dma_wait3A_1456 = tpu.memref_squeeze %dma_wait3A_1455 : memref<1x1x1x8x128xf32, #tpu.memory_space<hbm>> -> memref<8x128xf32, #tpu.memory_space<hbm>>
          %dma_wait3A_1457 = arith.constant 0 : i32
          %dma_wait3A_1458 = arith.constant 0 : i32
          %dma_wait3A_1459 = tpu.memref_slice %arg10[%dma_wait3A_1457, %dma_wait3A_1458] : memref<128x129xf32, #tpu.memory_space<vmem>> -> memref<8x128xf32, #tpu.memory_space<vmem>>
          tpu.wait_dma2 semaphore(%arg14 : memref<!tpu.dma_semaphore, #tpu.memory_space<semaphore_mem>>) src(%dma_wait3A_1459 : memref<8x128xf32, #tpu.memory_space<vmem>>) dst(%dma_wait3A_1456 : memref<8x128xf32, #tpu.memory_space<hbm>>)
          %dma_wait3A_1460 = arith.constant 0 : i32
          %dma_wait3A_1461 = arith.constant 0 : i32
          %dma_wait3A_1462 = arith.constant 0 : i32
          %dma_wait3A_1463 = arith.constant 0 : i32
          %dma_wait3A_1464 = arith.constant 0 : i32
          %dma_wait3A_1465 = tpu.memref_slice %arg10[%dma_wait3A_1463, %dma_wait3A_1464] : memref<128x129xf32, #tpu.memory_space<vmem>> -> memref<8x128xf32, #tpu.memory_space<vmem>>
          %dma_wait3A_1466 = arith.constant 0 : i32
          %dma_wait3A_1467 = arith.constant 0 : i32
          %dma_wait3A_1468 = tpu.memref_slice %arg4[%dma_wait3A_1460, %dma_wait3A_1461, %dma_wait3A_1462, %dma_wait3A_1466, %dma_wait3A_1467] : memref<50x8x128x8x128xf32, #tpu.memory_space<hbm>> -> memref<1x1x1x8x128xf32, #tpu.memory_space<hbm>>
          %dma_wait3A_1469 = tpu.memref_squeeze %dma_wait3A_1468 : memref<1x1x1x8x128xf32, #tpu.memory_space<hbm>> -> memref<8x128xf32, #tpu.memory_space<hbm>>
          %dma_wait3A_1470 = arith.constant 0 : i32
          %dma_wait3A_1471 = arith.constant 0 : i32
          %dma_wait3A_1472 = tpu.memref_slice %arg4[%dma_wait3A_1460, %dma_wait3A_1461, %dma_wait3A_1462, %dma_wait3A_1470, %dma_wait3A_1471] : memref<50x8x128x8x128xf32, #tpu.memory_space<hbm>> -> memref<1x1x1x8x128xf32, #tpu.memory_space<hbm>>
          %dma_wait3A_1473 = tpu.memref_squeeze %dma_wait3A_1472 : memref<1x1x1x8x128xf32, #tpu.memory_space<hbm>> -> memref<8x128xf32, #tpu.memory_space<hbm>>
          %dma_wait3A_1474 = arith.constant 0 : i32
          %dma_wait3A_1475 = arith.constant 0 : i32
          %dma_wait3A_1476 = tpu.memref_slice %arg10[%dma_wait3A_1474, %dma_wait3A_1475] : memref<128x129xf32, #tpu.memory_space<vmem>> -> memref<8x128xf32, #tpu.memory_space<vmem>>
          tpu.wait_dma2 semaphore(%arg14 : memref<!tpu.dma_semaphore, #tpu.memory_space<semaphore_mem>>) src(%dma_wait3A_1476 : memref<8x128xf32, #tpu.memory_space<vmem>>) dst(%dma_wait3A_1473 : memref<8x128xf32, #tpu.memory_space<hbm>>)
          %dma_wait3A_1477 = arith.constant 0 : i32
          %dma_wait3A_1478 = arith.constant 0 : i32
          %dma_wait3A_1479 = arith.constant 0 : i32
          %dma_wait3A_1480 = arith.constant 0 : i32
          %dma_wait3A_1481 = arith.constant 0 : i32
          %dma_wait3A_1482 = tpu.memref_slice %arg10[%dma_wait3A_1480, %dma_wait3A_1481] : memref<128x129xf32, #tpu.memory_space<vmem>> -> memref<8x128xf32, #tpu.memory_space<vmem>>
          %dma_wait3A_1483 = arith.constant 0 : i32
          %dma_wait3A_1484 = arith.constant 0 : i32
          %dma_wait3A_1485 = tpu.memref_slice %arg4[%dma_wait3A_1477, %dma_wait3A_1478, %dma_wait3A_1479, %dma_wait3A_1483, %dma_wait3A_1484] : memref<50x8x128x8x128xf32, #tpu.memory_space<hbm>> -> memref<1x1x1x8x128xf32, #tpu.memory_space<hbm>>
          %dma_wait3A_1486 = tpu.memref_squeeze %dma_wait3A_1485 : memref<1x1x1x8x128xf32, #tpu.memory_space<hbm>> -> memref<8x128xf32, #tpu.memory_space<hbm>>
          %dma_wait3A_1487 = arith.constant 0 : i32
          %dma_wait3A_1488 = arith.constant 0 : i32
          %dma_wait3A_1489 = tpu.memref_slice %arg4[%dma_wait3A_1477, %dma_wait3A_1478, %dma_wait3A_1479, %dma_wait3A_1487, %dma_wait3A_1488] : memref<50x8x128x8x128xf32, #tpu.memory_space<hbm>> -> memref<1x1x1x8x128xf32, #tpu.memory_space<hbm>>
          %dma_wait3A_1490 = tpu.memref_squeeze %dma_wait3A_1489 : memref<1x1x1x8x128xf32, #tpu.memory_space<hbm>> -> memref<8x128xf32, #tpu.memory_space<hbm>>
          %dma_wait3A_1491 = arith.constant 0 : i32
          %dma_wait3A_1492 = arith.constant 0 : i32
          %dma_wait3A_1493 = tpu.memref_slice %arg10[%dma_wait3A_1491, %dma_wait3A_1492] : memref<128x129xf32, #tpu.memory_space<vmem>> -> memref<8x128xf32, #tpu.memory_space<vmem>>
          tpu.wait_dma2 semaphore(%arg14 : memref<!tpu.dma_semaphore, #tpu.memory_space<semaphore_mem>>) src(%dma_wait3A_1493 : memref<8x128xf32, #tpu.memory_space<vmem>>) dst(%dma_wait3A_1490 : memref<8x128xf32, #tpu.memory_space<hbm>>)
          %dma_wait3A_1494 = arith.constant 0 : i32
          %dma_wait3A_1495 = arith.constant 0 : i32
          %dma_wait3A_1496 = arith.constant 0 : i32
          %dma_wait3A_1497 = arith.constant 0 : i32
          %dma_wait3A_1498 = arith.constant 0 : i32
          %dma_wait3A_1499 = tpu.memref_slice %arg10[%dma_wait3A_1497, %dma_wait3A_1498] : memref<128x129xf32, #tpu.memory_space<vmem>> -> memref<8x128xf32, #tpu.memory_space<vmem>>
          %dma_wait3A_1500 = arith.constant 0 : i32
          %dma_wait3A_1501 = arith.constant 0 : i32
          %dma_wait3A_1502 = tpu.memref_slice %arg4[%dma_wait3A_1494, %dma_wait3A_1495, %dma_wait3A_1496, %dma_wait3A_1500, %dma_wait3A_1501] : memref<50x8x128x8x128xf32, #tpu.memory_space<hbm>> -> memref<1x1x1x8x128xf32, #tpu.memory_space<hbm>>
          %dma_wait3A_1503 = tpu.memref_squeeze %dma_wait3A_1502 : memref<1x1x1x8x128xf32, #tpu.memory_space<hbm>> -> memref<8x128xf32, #tpu.memory_space<hbm>>
          %dma_wait3A_1504 = arith.constant 0 : i32
          %dma_wait3A_1505 = arith.constant 0 : i32
          %dma_wait3A_1506 = tpu.memref_slice %arg4[%dma_wait3A_1494, %dma_wait3A_1495, %dma_wait3A_1496, %dma_wait3A_1504, %dma_wait3A_1505] : memref<50x8x128x8x128xf32, #tpu.memory_space<hbm>> -> memref<1x1x1x8x128xf32, #tpu.memory_space<hbm>>
          %dma_wait3A_1507 = tpu.memref_squeeze %dma_wait3A_1506 : memref<1x1x1x8x128xf32, #tpu.memory_space<hbm>> -> memref<8x128xf32, #tpu.memory_space<hbm>>
          %dma_wait3A_1508 = arith.constant 0 : i32
          %dma_wait3A_1509 = arith.constant 0 : i32
          %dma_wait3A_1510 = tpu.memref_slice %arg10[%dma_wait3A_1508, %dma_wait3A_1509] : memref<128x129xf32, #tpu.memory_space<vmem>> -> memref<8x128xf32, #tpu.memory_space<vmem>>
          tpu.wait_dma2 semaphore(%arg14 : memref<!tpu.dma_semaphore, #tpu.memory_space<semaphore_mem>>) src(%dma_wait3A_1510 : memref<8x128xf32, #tpu.memory_space<vmem>>) dst(%dma_wait3A_1507 : memref<8x128xf32, #tpu.memory_space<hbm>>)
          %dma_wait3A_1511 = arith.constant 0 : i32
          %dma_wait3A_1512 = arith.constant 0 : i32
          %dma_wait3A_1513 = arith.constant 0 : i32
          %dma_wait3A_1514 = arith.constant 0 : i32
          %dma_wait3A_1515 = arith.constant 0 : i32
          %dma_wait3A_1516 = tpu.memref_slice %arg10[%dma_wait3A_1514, %dma_wait3A_1515] : memref<128x129xf32, #tpu.memory_space<vmem>> -> memref<8x128xf32, #tpu.memory_space<vmem>>
          %dma_wait3A_1517 = arith.constant 0 : i32
          %dma_wait3A_1518 = arith.constant 0 : i32
          %dma_wait3A_1519 = tpu.memref_slice %arg4[%dma_wait3A_1511, %dma_wait3A_1512, %dma_wait3A_1513, %dma_wait3A_1517, %dma_wait3A_1518] : memref<50x8x128x8x128xf32, #tpu.memory_space<hbm>> -> memref<1x1x1x8x128xf32, #tpu.memory_space<hbm>>
          %dma_wait3A_1520 = tpu.memref_squeeze %dma_wait3A_1519 : memref<1x1x1x8x128xf32, #tpu.memory_space<hbm>> -> memref<8x128xf32, #tpu.memory_space<hbm>>
          %dma_wait3A_1521 = arith.constant 0 : i32
          %dma_wait3A_1522 = arith.constant 0 : i32
          %dma_wait3A_1523 = tpu.memref_slice %arg4[%dma_wait3A_1511, %dma_wait3A_1512, %dma_wait3A_1513, %dma_wait3A_1521, %dma_wait3A_1522] : memref<50x8x128x8x128xf32, #tpu.memory_space<hbm>> -> memref<1x1x1x8x128xf32, #tpu.memory_space<hbm>>
          %dma_wait3A_1524 = tpu.memref_squeeze %dma_wait3A_1523 : memref<1x1x1x8x128xf32, #tpu.memory_space<hbm>> -> memref<8x128xf32, #tpu.memory_space<hbm>>
          %dma_wait3A_1525 = arith.constant 0 : i32
          %dma_wait3A_1526 = arith.constant 0 : i32
          %dma_wait3A_1527 = tpu.memref_slice %arg10[%dma_wait3A_1525, %dma_wait3A_1526] : memref<128x129xf32, #tpu.memory_space<vmem>> -> memref<8x128xf32, #tpu.memory_space<vmem>>
          tpu.wait_dma2 semaphore(%arg14 : memref<!tpu.dma_semaphore, #tpu.memory_space<semaphore_mem>>) src(%dma_wait3A_1527 : memref<8x128xf32, #tpu.memory_space<vmem>>) dst(%dma_wait3A_1524 : memref<8x128xf32, #tpu.memory_space<hbm>>)
          %dma_wait3A_1528 = arith.constant 0 : i32
          %dma_wait3A_1529 = arith.constant 0 : i32
          %dma_wait3A_1530 = arith.constant 0 : i32
          %dma_wait3A_1531 = arith.constant 0 : i32
          %dma_wait3A_1532 = arith.constant 0 : i32
          %dma_wait3A_1533 = tpu.memref_slice %arg10[%dma_wait3A_1531, %dma_wait3A_1532] : memref<128x129xf32, #tpu.memory_space<vmem>> -> memref<8x128xf32, #tpu.memory_space<vmem>>
          %dma_wait3A_1534 = arith.constant 0 : i32
          %dma_wait3A_1535 = arith.constant 0 : i32
          %dma_wait3A_1536 = tpu.memref_slice %arg4[%dma_wait3A_1528, %dma_wait3A_1529, %dma_wait3A_1530, %dma_wait3A_1534, %dma_wait3A_1535] : memref<50x8x128x8x128xf32, #tpu.memory_space<hbm>> -> memref<1x1x1x8x128xf32, #tpu.memory_space<hbm>>
          %dma_wait3A_1537 = tpu.memref_squeeze %dma_wait3A_1536 : memref<1x1x1x8x128xf32, #tpu.memory_space<hbm>> -> memref<8x128xf32, #tpu.memory_space<hbm>>
          %dma_wait3A_1538 = arith.constant 0 : i32
          %dma_wait3A_1539 = arith.constant 0 : i32
          %dma_wait3A_1540 = tpu.memref_slice %arg4[%dma_wait3A_1528, %dma_wait3A_1529, %dma_wait3A_1530, %dma_wait3A_1538, %dma_wait3A_1539] : memref<50x8x128x8x128xf32, #tpu.memory_space<hbm>> -> memref<1x1x1x8x128xf32, #tpu.memory_space<hbm>>
          %dma_wait3A_1541 = tpu.memref_squeeze %dma_wait3A_1540 : memref<1x1x1x8x128xf32, #tpu.memory_space<hbm>> -> memref<8x128xf32, #tpu.memory_space<hbm>>
          %dma_wait3A_1542 = arith.constant 0 : i32
          %dma_wait3A_1543 = arith.constant 0 : i32
          %dma_wait3A_1544 = tpu.memref_slice %arg10[%dma_wait3A_1542, %dma_wait3A_1543] : memref<128x129xf32, #tpu.memory_space<vmem>> -> memref<8x128xf32, #tpu.memory_space<vmem>>
          tpu.wait_dma2 semaphore(%arg14 : memref<!tpu.dma_semaphore, #tpu.memory_space<semaphore_mem>>) src(%dma_wait3A_1544 : memref<8x128xf32, #tpu.memory_space<vmem>>) dst(%dma_wait3A_1541 : memref<8x128xf32, #tpu.memory_space<hbm>>)
          %dma_wait3A_1545 = arith.constant 0 : i32
          %dma_wait3A_1546 = arith.constant 0 : i32
          %dma_wait3A_1547 = arith.constant 0 : i32
          %dma_wait3A_1548 = arith.constant 0 : i32
          %dma_wait3A_1549 = arith.constant 0 : i32
          %dma_wait3A_1550 = tpu.memref_slice %arg10[%dma_wait3A_1548, %dma_wait3A_1549] : memref<128x129xf32, #tpu.memory_space<vmem>> -> memref<8x128xf32, #tpu.memory_space<vmem>>
          %dma_wait3A_1551 = arith.constant 0 : i32
          %dma_wait3A_1552 = arith.constant 0 : i32
          %dma_wait3A_1553 = tpu.memref_slice %arg4[%dma_wait3A_1545, %dma_wait3A_1546, %dma_wait3A_1547, %dma_wait3A_1551, %dma_wait3A_1552] : memref<50x8x128x8x128xf32, #tpu.memory_space<hbm>> -> memref<1x1x1x8x128xf32, #tpu.memory_space<hbm>>
          %dma_wait3A_1554 = tpu.memref_squeeze %dma_wait3A_1553 : memref<1x1x1x8x128xf32, #tpu.memory_space<hbm>> -> memref<8x128xf32, #tpu.memory_space<hbm>>
          %dma_wait3A_1555 = arith.constant 0 : i32
          %dma_wait3A_1556 = arith.constant 0 : i32
          %dma_wait3A_1557 = tpu.memref_slice %arg4[%dma_wait3A_1545, %dma_wait3A_1546, %dma_wait3A_1547, %dma_wait3A_1555, %dma_wait3A_1556] : memref<50x8x128x8x128xf32, #tpu.memory_space<hbm>> -> memref<1x1x1x8x128xf32, #tpu.memory_space<hbm>>
          %dma_wait3A_1558 = tpu.memref_squeeze %dma_wait3A_1557 : memref<1x1x1x8x128xf32, #tpu.memory_space<hbm>> -> memref<8x128xf32, #tpu.memory_space<hbm>>
          %dma_wait3A_1559 = arith.constant 0 : i32
          %dma_wait3A_1560 = arith.constant 0 : i32
          %dma_wait3A_1561 = tpu.memref_slice %arg10[%dma_wait3A_1559, %dma_wait3A_1560] : memref<128x129xf32, #tpu.memory_space<vmem>> -> memref<8x128xf32, #tpu.memory_space<vmem>>
          tpu.wait_dma2 semaphore(%arg14 : memref<!tpu.dma_semaphore, #tpu.memory_space<semaphore_mem>>) src(%dma_wait3A_1561 : memref<8x128xf32, #tpu.memory_space<vmem>>) dst(%dma_wait3A_1558 : memref<8x128xf32, #tpu.memory_space<hbm>>)
          %dma_wait3A_1562 = arith.constant 0 : i32
          %dma_wait3A_1563 = arith.constant 0 : i32
          %dma_wait3A_1564 = arith.constant 0 : i32
          %dma_wait3A_1565 = arith.constant 0 : i32
          %dma_wait3A_1566 = arith.constant 0 : i32
          %dma_wait3A_1567 = tpu.memref_slice %arg10[%dma_wait3A_1565, %dma_wait3A_1566] : memref<128x129xf32, #tpu.memory_space<vmem>> -> memref<8x128xf32, #tpu.memory_space<vmem>>
          %dma_wait3A_1568 = arith.constant 0 : i32
          %dma_wait3A_1569 = arith.constant 0 : i32
          %dma_wait3A_1570 = tpu.memref_slice %arg4[%dma_wait3A_1562, %dma_wait3A_1563, %dma_wait3A_1564, %dma_wait3A_1568, %dma_wait3A_1569] : memref<50x8x128x8x128xf32, #tpu.memory_space<hbm>> -> memref<1x1x1x8x128xf32, #tpu.memory_space<hbm>>
          %dma_wait3A_1571 = tpu.memref_squeeze %dma_wait3A_1570 : memref<1x1x1x8x128xf32, #tpu.memory_space<hbm>> -> memref<8x128xf32, #tpu.memory_space<hbm>>
          %dma_wait3A_1572 = arith.constant 0 : i32
          %dma_wait3A_1573 = arith.constant 0 : i32
          %dma_wait3A_1574 = tpu.memref_slice %arg4[%dma_wait3A_1562, %dma_wait3A_1563, %dma_wait3A_1564, %dma_wait3A_1572, %dma_wait3A_1573] : memref<50x8x128x8x128xf32, #tpu.memory_space<hbm>> -> memref<1x1x1x8x128xf32, #tpu.memory_space<hbm>>
          %dma_wait3A_1575 = tpu.memref_squeeze %dma_wait3A_1574 : memref<1x1x1x8x128xf32, #tpu.memory_space<hbm>> -> memref<8x128xf32, #tpu.memory_space<hbm>>
          %dma_wait3A_1576 = arith.constant 0 : i32
          %dma_wait3A_1577 = arith.constant 0 : i32
          %dma_wait3A_1578 = tpu.memref_slice %arg10[%dma_wait3A_1576, %dma_wait3A_1577] : memref<128x129xf32, #tpu.memory_space<vmem>> -> memref<8x128xf32, #tpu.memory_space<vmem>>
          tpu.wait_dma2 semaphore(%arg14 : memref<!tpu.dma_semaphore, #tpu.memory_space<semaphore_mem>>) src(%dma_wait3A_1578 : memref<8x128xf32, #tpu.memory_space<vmem>>) dst(%dma_wait3A_1575 : memref<8x128xf32, #tpu.memory_space<hbm>>)
          %dma_wait3A_1579 = arith.constant 0 : i32
          %dma_wait3A_1580 = arith.constant 0 : i32
          %dma_wait3A_1581 = arith.constant 0 : i32
          %dma_wait3A_1582 = arith.constant 0 : i32
          %dma_wait3A_1583 = arith.constant 0 : i32
          %dma_wait3A_1584 = tpu.memref_slice %arg10[%dma_wait3A_1582, %dma_wait3A_1583] : memref<128x129xf32, #tpu.memory_space<vmem>> -> memref<8x128xf32, #tpu.memory_space<vmem>>
          %dma_wait3A_1585 = arith.constant 0 : i32
          %dma_wait3A_1586 = arith.constant 0 : i32
          %dma_wait3A_1587 = tpu.memref_slice %arg4[%dma_wait3A_1579, %dma_wait3A_1580, %dma_wait3A_1581, %dma_wait3A_1585, %dma_wait3A_1586] : memref<50x8x128x8x128xf32, #tpu.memory_space<hbm>> -> memref<1x1x1x8x128xf32, #tpu.memory_space<hbm>>
          %dma_wait3A_1588 = tpu.memref_squeeze %dma_wait3A_1587 : memref<1x1x1x8x128xf32, #tpu.memory_space<hbm>> -> memref<8x128xf32, #tpu.memory_space<hbm>>
          %dma_wait3A_1589 = arith.constant 0 : i32
          %dma_wait3A_1590 = arith.constant 0 : i32
          %dma_wait3A_1591 = tpu.memref_slice %arg4[%dma_wait3A_1579, %dma_wait3A_1580, %dma_wait3A_1581, %dma_wait3A_1589, %dma_wait3A_1590] : memref<50x8x128x8x128xf32, #tpu.memory_space<hbm>> -> memref<1x1x1x8x128xf32, #tpu.memory_space<hbm>>
          %dma_wait3A_1592 = tpu.memref_squeeze %dma_wait3A_1591 : memref<1x1x1x8x128xf32, #tpu.memory_space<hbm>> -> memref<8x128xf32, #tpu.memory_space<hbm>>
          %dma_wait3A_1593 = arith.constant 0 : i32
          %dma_wait3A_1594 = arith.constant 0 : i32
          %dma_wait3A_1595 = tpu.memref_slice %arg10[%dma_wait3A_1593, %dma_wait3A_1594] : memref<128x129xf32, #tpu.memory_space<vmem>> -> memref<8x128xf32, #tpu.memory_space<vmem>>
          tpu.wait_dma2 semaphore(%arg14 : memref<!tpu.dma_semaphore, #tpu.memory_space<semaphore_mem>>) src(%dma_wait3A_1595 : memref<8x128xf32, #tpu.memory_space<vmem>>) dst(%dma_wait3A_1592 : memref<8x128xf32, #tpu.memory_space<hbm>>)
          %dma_wait3A_1596 = arith.constant 0 : i32
          %dma_wait3A_1597 = arith.constant 0 : i32
          %dma_wait3A_1598 = arith.constant 0 : i32
          %dma_wait3A_1599 = arith.constant 0 : i32
          %dma_wait3A_1600 = arith.constant 0 : i32
          %dma_wait3A_1601 = tpu.memref_slice %arg10[%dma_wait3A_1599, %dma_wait3A_1600] : memref<128x129xf32, #tpu.memory_space<vmem>> -> memref<8x128xf32, #tpu.memory_space<vmem>>
          %dma_wait3A_1602 = arith.constant 0 : i32
          %dma_wait3A_1603 = arith.constant 0 : i32
          %dma_wait3A_1604 = tpu.memref_slice %arg4[%dma_wait3A_1596, %dma_wait3A_1597, %dma_wait3A_1598, %dma_wait3A_1602, %dma_wait3A_1603] : memref<50x8x128x8x128xf32, #tpu.memory_space<hbm>> -> memref<1x1x1x8x128xf32, #tpu.memory_space<hbm>>
          %dma_wait3A_1605 = tpu.memref_squeeze %dma_wait3A_1604 : memref<1x1x1x8x128xf32, #tpu.memory_space<hbm>> -> memref<8x128xf32, #tpu.memory_space<hbm>>
          %dma_wait3A_1606 = arith.constant 0 : i32
          %dma_wait3A_1607 = arith.constant 0 : i32
          %dma_wait3A_1608 = tpu.memref_slice %arg4[%dma_wait3A_1596, %dma_wait3A_1597, %dma_wait3A_1598, %dma_wait3A_1606, %dma_wait3A_1607] : memref<50x8x128x8x128xf32, #tpu.memory_space<hbm>> -> memref<1x1x1x8x128xf32, #tpu.memory_space<hbm>>
          %dma_wait3A_1609 = tpu.memref_squeeze %dma_wait3A_1608 : memref<1x1x1x8x128xf32, #tpu.memory_space<hbm>> -> memref<8x128xf32, #tpu.memory_space<hbm>>
          %dma_wait3A_1610 = arith.constant 0 : i32
          %dma_wait3A_1611 = arith.constant 0 : i32
          %dma_wait3A_1612 = tpu.memref_slice %arg10[%dma_wait3A_1610, %dma_wait3A_1611] : memref<128x129xf32, #tpu.memory_space<vmem>> -> memref<8x128xf32, #tpu.memory_space<vmem>>
          tpu.wait_dma2 semaphore(%arg14 : memref<!tpu.dma_semaphore, #tpu.memory_space<semaphore_mem>>) src(%dma_wait3A_1612 : memref<8x128xf32, #tpu.memory_space<vmem>>) dst(%dma_wait3A_1609 : memref<8x128xf32, #tpu.memory_space<hbm>>)
          %dma_wait3A_1613 = arith.constant 0 : i32
          %dma_wait3A_1614 = arith.constant 0 : i32
          %dma_wait3A_1615 = arith.constant 0 : i32
          %dma_wait3A_1616 = arith.constant 0 : i32
          %dma_wait3A_1617 = arith.constant 0 : i32
          %dma_wait3A_1618 = tpu.memref_slice %arg10[%dma_wait3A_1616, %dma_wait3A_1617] : memref<128x129xf32, #tpu.memory_space<vmem>> -> memref<8x128xf32, #tpu.memory_space<vmem>>
          %dma_wait3A_1619 = arith.constant 0 : i32
          %dma_wait3A_1620 = arith.constant 0 : i32
          %dma_wait3A_1621 = tpu.memref_slice %arg4[%dma_wait3A_1613, %dma_wait3A_1614, %dma_wait3A_1615, %dma_wait3A_1619, %dma_wait3A_1620] : memref<50x8x128x8x128xf32, #tpu.memory_space<hbm>> -> memref<1x1x1x8x128xf32, #tpu.memory_space<hbm>>
          %dma_wait3A_1622 = tpu.memref_squeeze %dma_wait3A_1621 : memref<1x1x1x8x128xf32, #tpu.memory_space<hbm>> -> memref<8x128xf32, #tpu.memory_space<hbm>>
          %dma_wait3A_1623 = arith.constant 0 : i32
          %dma_wait3A_1624 = arith.constant 0 : i32
          %dma_wait3A_1625 = tpu.memref_slice %arg4[%dma_wait3A_1613, %dma_wait3A_1614, %dma_wait3A_1615, %dma_wait3A_1623, %dma_wait3A_1624] : memref<50x8x128x8x128xf32, #tpu.memory_space<hbm>> -> memref<1x1x1x8x128xf32, #tpu.memory_space<hbm>>
          %dma_wait3A_1626 = tpu.memref_squeeze %dma_wait3A_1625 : memref<1x1x1x8x128xf32, #tpu.memory_space<hbm>> -> memref<8x128xf32, #tpu.memory_space<hbm>>
          %dma_wait3A_1627 = arith.constant 0 : i32
          %dma_wait3A_1628 = arith.constant 0 : i32
          %dma_wait3A_1629 = tpu.memref_slice %arg10[%dma_wait3A_1627, %dma_wait3A_1628] : memref<128x129xf32, #tpu.memory_space<vmem>> -> memref<8x128xf32, #tpu.memory_space<vmem>>
          tpu.wait_dma2 semaphore(%arg14 : memref<!tpu.dma_semaphore, #tpu.memory_space<semaphore_mem>>) src(%dma_wait3A_1629 : memref<8x128xf32, #tpu.memory_space<vmem>>) dst(%dma_wait3A_1626 : memref<8x128xf32, #tpu.memory_space<hbm>>)
          %dma_wait3A_1630 = arith.constant 0 : i32
          %dma_wait3A_1631 = arith.constant 0 : i32
          %dma_wait3A_1632 = arith.constant 0 : i32
          %dma_wait3A_1633 = arith.constant 0 : i32
          %dma_wait3A_1634 = arith.constant 0 : i32
          %dma_wait3A_1635 = tpu.memref_slice %arg10[%dma_wait3A_1633, %dma_wait3A_1634] : memref<128x129xf32, #tpu.memory_space<vmem>> -> memref<8x128xf32, #tpu.memory_space<vmem>>
          %dma_wait3A_1636 = arith.constant 0 : i32
          %dma_wait3A_1637 = arith.constant 0 : i32
          %dma_wait3A_1638 = tpu.memref_slice %arg4[%dma_wait3A_1630, %dma_wait3A_1631, %dma_wait3A_1632, %dma_wait3A_1636, %dma_wait3A_1637] : memref<50x8x128x8x128xf32, #tpu.memory_space<hbm>> -> memref<1x1x1x8x128xf32, #tpu.memory_space<hbm>>
          %dma_wait3A_1639 = tpu.memref_squeeze %dma_wait3A_1638 : memref<1x1x1x8x128xf32, #tpu.memory_space<hbm>> -> memref<8x128xf32, #tpu.memory_space<hbm>>
          %dma_wait3A_1640 = arith.constant 0 : i32
          %dma_wait3A_1641 = arith.constant 0 : i32
          %dma_wait3A_1642 = tpu.memref_slice %arg4[%dma_wait3A_1630, %dma_wait3A_1631, %dma_wait3A_1632, %dma_wait3A_1640, %dma_wait3A_1641] : memref<50x8x128x8x128xf32, #tpu.memory_space<hbm>> -> memref<1x1x1x8x128xf32, #tpu.memory_space<hbm>>
          %dma_wait3A_1643 = tpu.memref_squeeze %dma_wait3A_1642 : memref<1x1x1x8x128xf32, #tpu.memory_space<hbm>> -> memref<8x128xf32, #tpu.memory_space<hbm>>
          %dma_wait3A_1644 = arith.constant 0 : i32
          %dma_wait3A_1645 = arith.constant 0 : i32
          %dma_wait3A_1646 = tpu.memref_slice %arg10[%dma_wait3A_1644, %dma_wait3A_1645] : memref<128x129xf32, #tpu.memory_space<vmem>> -> memref<8x128xf32, #tpu.memory_space<vmem>>
          tpu.wait_dma2 semaphore(%arg14 : memref<!tpu.dma_semaphore, #tpu.memory_space<semaphore_mem>>) src(%dma_wait3A_1646 : memref<8x128xf32, #tpu.memory_space<vmem>>) dst(%dma_wait3A_1643 : memref<8x128xf32, #tpu.memory_space<hbm>>)
          %dma_wait3A_1647 = arith.constant 0 : i32
          %dma_wait3A_1648 = arith.constant 0 : i32
          %dma_wait3A_1649 = arith.constant 0 : i32
          %dma_wait3A_1650 = arith.constant 0 : i32
          %dma_wait3A_1651 = arith.constant 0 : i32
          %dma_wait3A_1652 = tpu.memref_slice %arg10[%dma_wait3A_1650, %dma_wait3A_1651] : memref<128x129xf32, #tpu.memory_space<vmem>> -> memref<8x128xf32, #tpu.memory_space<vmem>>
          %dma_wait3A_1653 = arith.constant 0 : i32
          %dma_wait3A_1654 = arith.constant 0 : i32
          %dma_wait3A_1655 = tpu.memref_slice %arg4[%dma_wait3A_1647, %dma_wait3A_1648, %dma_wait3A_1649, %dma_wait3A_1653, %dma_wait3A_1654] : memref<50x8x128x8x128xf32, #tpu.memory_space<hbm>> -> memref<1x1x1x8x128xf32, #tpu.memory_space<hbm>>
          %dma_wait3A_1656 = tpu.memref_squeeze %dma_wait3A_1655 : memref<1x1x1x8x128xf32, #tpu.memory_space<hbm>> -> memref<8x128xf32, #tpu.memory_space<hbm>>
          %dma_wait3A_1657 = arith.constant 0 : i32
          %dma_wait3A_1658 = arith.constant 0 : i32
          %dma_wait3A_1659 = tpu.memref_slice %arg4[%dma_wait3A_1647, %dma_wait3A_1648, %dma_wait3A_1649, %dma_wait3A_1657, %dma_wait3A_1658] : memref<50x8x128x8x128xf32, #tpu.memory_space<hbm>> -> memref<1x1x1x8x128xf32, #tpu.memory_space<hbm>>
          %dma_wait3A_1660 = tpu.memref_squeeze %dma_wait3A_1659 : memref<1x1x1x8x128xf32, #tpu.memory_space<hbm>> -> memref<8x128xf32, #tpu.memory_space<hbm>>
          %dma_wait3A_1661 = arith.constant 0 : i32
          %dma_wait3A_1662 = arith.constant 0 : i32
          %dma_wait3A_1663 = tpu.memref_slice %arg10[%dma_wait3A_1661, %dma_wait3A_1662] : memref<128x129xf32, #tpu.memory_space<vmem>> -> memref<8x128xf32, #tpu.memory_space<vmem>>
          tpu.wait_dma2 semaphore(%arg14 : memref<!tpu.dma_semaphore, #tpu.memory_space<semaphore_mem>>) src(%dma_wait3A_1663 : memref<8x128xf32, #tpu.memory_space<vmem>>) dst(%dma_wait3A_1660 : memref<8x128xf32, #tpu.memory_space<hbm>>)
          %dma_wait3A_1664 = arith.constant 0 : i32
          %dma_wait3A_1665 = arith.constant 0 : i32
          %dma_wait3A_1666 = arith.constant 0 : i32
          %dma_wait3A_1667 = arith.constant 0 : i32
          %dma_wait3A_1668 = arith.constant 0 : i32
          %dma_wait3A_1669 = tpu.memref_slice %arg10[%dma_wait3A_1667, %dma_wait3A_1668] : memref<128x129xf32, #tpu.memory_space<vmem>> -> memref<8x128xf32, #tpu.memory_space<vmem>>
          %dma_wait3A_1670 = arith.constant 0 : i32
          %dma_wait3A_1671 = arith.constant 0 : i32
          %dma_wait3A_1672 = tpu.memref_slice %arg4[%dma_wait3A_1664, %dma_wait3A_1665, %dma_wait3A_1666, %dma_wait3A_1670, %dma_wait3A_1671] : memref<50x8x128x8x128xf32, #tpu.memory_space<hbm>> -> memref<1x1x1x8x128xf32, #tpu.memory_space<hbm>>
          %dma_wait3A_1673 = tpu.memref_squeeze %dma_wait3A_1672 : memref<1x1x1x8x128xf32, #tpu.memory_space<hbm>> -> memref<8x128xf32, #tpu.memory_space<hbm>>
          %dma_wait3A_1674 = arith.constant 0 : i32
          %dma_wait3A_1675 = arith.constant 0 : i32
          %dma_wait3A_1676 = tpu.memref_slice %arg4[%dma_wait3A_1664, %dma_wait3A_1665, %dma_wait3A_1666, %dma_wait3A_1674, %dma_wait3A_1675] : memref<50x8x128x8x128xf32, #tpu.memory_space<hbm>> -> memref<1x1x1x8x128xf32, #tpu.memory_space<hbm>>
          %dma_wait3A_1677 = tpu.memref_squeeze %dma_wait3A_1676 : memref<1x1x1x8x128xf32, #tpu.memory_space<hbm>> -> memref<8x128xf32, #tpu.memory_space<hbm>>
          %dma_wait3A_1678 = arith.constant 0 : i32
          %dma_wait3A_1679 = arith.constant 0 : i32
          %dma_wait3A_1680 = tpu.memref_slice %arg10[%dma_wait3A_1678, %dma_wait3A_1679] : memref<128x129xf32, #tpu.memory_space<vmem>> -> memref<8x128xf32, #tpu.memory_space<vmem>>
          tpu.wait_dma2 semaphore(%arg14 : memref<!tpu.dma_semaphore, #tpu.memory_space<semaphore_mem>>) src(%dma_wait3A_1680 : memref<8x128xf32, #tpu.memory_space<vmem>>) dst(%dma_wait3A_1677 : memref<8x128xf32, #tpu.memory_space<hbm>>)
        } else {
        }
        %add3A_1345 = arith.constant 1 : i32
        %add3A_1346 = arith.addi %add3A_632, %add3A_1345 : i32
        %jit3A_1347 = arith.constant 64 : i32
        %div3A_1348 = arith.divsi %add3A_1346, %jit3A_1347 : i32
        %sign3A_1349 = arith.constant 0 : i32
        %sign3A_1350 = arith.cmpi sgt, %add3A_1346, %sign3A_1349 : i32
        %sign3A_1351 = arith.extui %sign3A_1350 : i1 to i32
        %sign3A_1352 = arith.constant 0 : i32
        %sign3A_1353 = arith.cmpi slt, %add3A_1346, %sign3A_1352 : i32
        %sign3A_1354 = arith.extui %sign3A_1353 : i1 to i32
        %sign3A_1355 = arith.subi %sign3A_1351, %sign3A_1354 : i32
        %sign3A_1356 = arith.constant 0 : i32
        %sign3A_1357 = arith.cmpi sgt, %jit3A_1347, %sign3A_1356 : i32
        %sign3A_1358 = arith.extui %sign3A_1357 : i1 to i32
        %sign3A_1359 = arith.constant 0 : i32
        %sign3A_1360 = arith.cmpi slt, %jit3A_1347, %sign3A_1359 : i32
        %sign3A_1361 = arith.extui %sign3A_1360 : i1 to i32
        %sign3A_1362 = arith.subi %sign3A_1358, %sign3A_1361 : i32
        %ne3A_1363 = arith.cmpi ne, %sign3A_1355, %sign3A_1362 : i32
        %rem3A_1364 = arith.remsi %add3A_1346, %jit3A_1347 : i32
        %ne3A_1365 = arith.constant 0 : i32
        %ne3A_1366 = arith.cmpi ne, %rem3A_1364, %ne3A_1365 : i32
        %and3A_1367 = arith.andi %ne3A_1363, %ne3A_1366 : i1
        %sub3A_1368 = arith.constant 1 : i32
        %sub3A_1369 = arith.subi %div3A_1348, %sub3A_1368 : i32
        %select_n3A_1370 = arith.select %and3A_1367, %sub3A_1369, %div3A_1348 : i32
        %jit3A_1371 = arith.constant 64 : i32
        %eq3A_1372 = arith.constant 0 : i32
        %eq3A_1373 = arith.cmpi eq, %jit3A_1371, %eq3A_1372 : i32
        %jit3A_1374 = arith.constant 1 : i32
        %select_n3A_1375 = arith.select %eq3A_1373, %jit3A_1374, %jit3A_1371 : i32
        %rem3A_1376 = arith.remsi %add3A_1346, %select_n3A_1375 : i32
        %ne3A_1377 = arith.constant 0 : i32
        %ne3A_1378 = arith.cmpi ne, %rem3A_1376, %ne3A_1377 : i32
        %lt3A_1379 = arith.constant 0 : i32
        %lt3A_1380 = arith.cmpi slt, %rem3A_1376, %lt3A_1379 : i32
        %lt3A_1381 = arith.constant 0 : i32
        %lt3A_1382 = arith.cmpi slt, %select_n3A_1375, %lt3A_1381 : i32
        %ne3A_1383 = arith.xori %lt3A_1380, %lt3A_1382 : i1
        %and3A_1384 = arith.andi %ne3A_1383, %ne3A_1378 : i1
        %add3A_1385 = arith.addi %rem3A_1376, %select_n3A_1375 : i32
        %select_n3A_1386 = arith.select %and3A_1384, %add3A_1385, %rem3A_1376 : i32
        %mul3A_1387 = arith.constant 2 : i32
        %mul3A_1388 = arith.muli %select_n3A_1386, %mul3A_1387 : i32
        "tpu.region"() ({
          %run_scoped3A = tpu.sem_alloc : memref<!tpu.dma_semaphore, #tpu.memory_space<semaphore_mem>>
          %dma_start3A_1409 = arith.constant 0 : i32
          %dma_start3A_1410 = tpu.memref_slice %arg2[%select_n3A_1370, %mul3A_1388, %dma_start3A_1409] : memref<50x128x128xi32, #tpu.memory_space<hbm>> -> memref<1x2x128xi32, #tpu.memory_space<hbm>>
          %dma_start3A_1411 = tpu.memref_squeeze %dma_start3A_1410 : memref<1x2x128xi32, #tpu.memory_space<hbm>> -> memref<2x128xi32, #tpu.memory_space<hbm>>
          %dma_start3A_1412 = arith.constant 0 : i32
          %dma_start3A_1413 = tpu.memref_slice %arg2[%select_n3A_1370, %mul3A_1388, %dma_start3A_1412] : memref<50x128x128xi32, #tpu.memory_space<hbm>> -> memref<1x2x128xi32, #tpu.memory_space<hbm>>
          %dma_start3A_1414 = tpu.memref_squeeze %dma_start3A_1413 : memref<1x2x128xi32, #tpu.memory_space<hbm>> -> memref<2x128xi32, #tpu.memory_space<hbm>>
          tpu.enqueue_dma source(%dma_start3A_1414 : memref<2x128xi32, #tpu.memory_space<hbm>>) target(%arg6 : memref<2x128xi32, #tpu.memory_space<vmem>>) target_semaphore(%run_scoped3A : memref<!tpu.dma_semaphore, #tpu.memory_space<semaphore_mem>>)
          %dma_wait3A_1415 = arith.constant 0 : i32
          %dma_wait3A_1416 = tpu.memref_slice %arg2[%select_n3A_1370, %mul3A_1388, %dma_wait3A_1415] : memref<50x128x128xi32, #tpu.memory_space<hbm>> -> memref<1x2x128xi32, #tpu.memory_space<hbm>>
          %dma_wait3A_1417 = tpu.memref_squeeze %dma_wait3A_1416 : memref<1x2x128xi32, #tpu.memory_space<hbm>> -> memref<2x128xi32, #tpu.memory_space<hbm>>
          %dma_wait3A_1418 = arith.constant 0 : i32
          %dma_wait3A_1419 = tpu.memref_slice %arg2[%select_n3A_1370, %mul3A_1388, %dma_wait3A_1418] : memref<50x128x128xi32, #tpu.memory_space<hbm>> -> memref<1x2x128xi32, #tpu.memory_space<hbm>>
          %dma_wait3A_1420 = tpu.memref_squeeze %dma_wait3A_1419 : memref<1x2x128xi32, #tpu.memory_space<hbm>> -> memref<2x128xi32, #tpu.memory_space<hbm>>
          tpu.wait_dma2 semaphore(%run_scoped3A : memref<!tpu.dma_semaphore, #tpu.memory_space<semaphore_mem>>) src(%dma_wait3A_1420 : memref<2x128xi32, #tpu.memory_space<hbm>>) dst(%arg6 : memref<2x128xi32, #tpu.memory_space<vmem>>)
          tpu.yield
        }) : () -> ()
        %dma_start3A_1389 = arith.constant 0 : i32
        %dma_start3A_1390 = arith.constant 0 : i32
        %dma_start3A_1391 = arith.constant 0 : i32
        %dma_start3A_1392 = tpu.memref_slice %arg8[%dma_start3A_1390, %dma_start3A_1391] : memref<256x64xf32, #tpu.memory_space<vmem>> -> memref<128x64xf32, #tpu.memory_space<vmem>>
        %dma_start3A_1393 = arith.constant 0 : i32
        %dma_start3A_1394 = tpu.memref_slice %arg6[%dma_start3A_1389, %dma_start3A_1393] : memref<2x128xi32, #tpu.memory_space<vmem>> -> memref<1x128xi32, #tpu.memory_space<vmem>>
        %dma_start3A_1395 = tpu.memref_squeeze %dma_start3A_1394 : memref<1x128xi32, #tpu.memory_space<vmem>> -> memref<128xi32, #tpu.memory_space<vmem>>
        %dma_start3A_1396 = arith.constant 0 : i32
        %dma_start3A_1397 = arith.constant 0 : i32
        %dma_start3A_1398 = tpu.memref_slice %arg3[%dma_start3A_1396, %dma_start3A_1397] : memref<1000000x64xf32, #tpu.memory_space<hbm>> -> memref<1000000x64xf32, #tpu.memory_space<hbm>>
        tpu.enqueue_indirect_dma source(%dma_start3A_1398 : memref<1000000x64xf32, #tpu.memory_space<hbm>>) target(%dma_start3A_1392 : memref<128x64xf32, #tpu.memory_space<vmem>>) offsets(%dma_start3A_1395 : memref<128xi32, #tpu.memory_space<vmem>>) semaphore(%arg12 : memref<!tpu.dma_semaphore, #tpu.memory_space<semaphore_mem>>)
        %dma_start3A_1399 = arith.constant 1 : i32
        %dma_start3A_1400 = arith.constant 128 : i32
        %dma_start3A_1401 = arith.constant 0 : i32
        %dma_start3A_1402 = tpu.memref_slice %arg8[%dma_start3A_1400, %dma_start3A_1401] : memref<256x64xf32, #tpu.memory_space<vmem>> -> memref<128x64xf32, #tpu.memory_space<vmem>>
        %dma_start3A_1403 = arith.constant 0 : i32
        %dma_start3A_1404 = tpu.memref_slice %arg6[%dma_start3A_1399, %dma_start3A_1403] : memref<2x128xi32, #tpu.memory_space<vmem>> -> memref<1x128xi32, #tpu.memory_space<vmem>>
        %dma_start3A_1405 = tpu.memref_squeeze %dma_start3A_1404 : memref<1x128xi32, #tpu.memory_space<vmem>> -> memref<128xi32, #tpu.memory_space<vmem>>
        %dma_start3A_1406 = arith.constant 0 : i32
        %dma_start3A_1407 = arith.constant 0 : i32
        %dma_start3A_1408 = tpu.memref_slice %arg3[%dma_start3A_1406, %dma_start3A_1407] : memref<1000000x64xf32, #tpu.memory_space<hbm>> -> memref<1000000x64xf32, #tpu.memory_space<hbm>>
        tpu.enqueue_indirect_dma source(%dma_start3A_1408 : memref<1000000x64xf32, #tpu.memory_space<hbm>>) target(%dma_start3A_1402 : memref<128x64xf32, #tpu.memory_space<vmem>>) offsets(%dma_start3A_1405 : memref<128xi32, #tpu.memory_space<vmem>>) semaphore(%arg12 : memref<!tpu.dma_semaphore, #tpu.memory_space<semaphore_mem>>)
      } else {
      }
      %dma_wait3A_640 = arith.constant 0 : i32
      %dma_wait3A_641 = arith.constant 0 : i32
      %dma_wait3A_642 = tpu.memref_slice %arg7[%dma_wait3A_640, %dma_wait3A_641] : memref<256x64xf32, #tpu.memory_space<vmem>> -> memref<128x64xf32, #tpu.memory_space<vmem>>
      %dma_wait3A_643 = arith.constant 0 : i32
      %dma_wait3A_644 = arith.constant 0 : i32
      %dma_wait3A_645 = tpu.memref_slice %arg3[%dma_wait3A_643, %dma_wait3A_644] : memref<1000000x64xf32, #tpu.memory_space<hbm>> -> memref<128x64xf32, #tpu.memory_space<hbm>>
      %dma_wait3A_646 = arith.constant 0 : i32
      %dma_wait3A_647 = arith.constant 0 : i32
      %dma_wait3A_648 = tpu.memref_slice %arg7[%dma_wait3A_646, %dma_wait3A_647] : memref<256x64xf32, #tpu.memory_space<vmem>> -> memref<128x64xf32, #tpu.memory_space<vmem>>
      %dma_wait3A_649 = arith.constant 0 : i32
      %dma_wait3A_650 = arith.constant 0 : i32
      %dma_wait3A_651 = tpu.memref_slice %arg3[%dma_wait3A_649, %dma_wait3A_650] : memref<1000000x64xf32, #tpu.memory_space<hbm>> -> memref<128x64xf32, #tpu.memory_space<hbm>>
      tpu.wait_dma2 semaphore(%arg11 : memref<!tpu.dma_semaphore, #tpu.memory_space<semaphore_mem>>) src(%dma_wait3A_651 : memref<128x64xf32, #tpu.memory_space<hbm>>) dst(%dma_wait3A_648 : memref<128x64xf32, #tpu.memory_space<vmem>>)
      %dma_wait3A_652 = arith.constant 0 : i32
      %dma_wait3A_653 = arith.constant 0 : i32
      %dma_wait3A_654 = tpu.memref_slice %arg7[%dma_wait3A_652, %dma_wait3A_653] : memref<256x64xf32, #tpu.memory_space<vmem>> -> memref<128x64xf32, #tpu.memory_space<vmem>>
      %dma_wait3A_655 = arith.constant 0 : i32
      %dma_wait3A_656 = arith.constant 0 : i32
      %dma_wait3A_657 = tpu.memref_slice %arg3[%dma_wait3A_655, %dma_wait3A_656] : memref<1000000x64xf32, #tpu.memory_space<hbm>> -> memref<128x64xf32, #tpu.memory_space<hbm>>
      %dma_wait3A_658 = arith.constant 0 : i32
      %dma_wait3A_659 = arith.constant 0 : i32
      %dma_wait3A_660 = tpu.memref_slice %arg7[%dma_wait3A_658, %dma_wait3A_659] : memref<256x64xf32, #tpu.memory_space<vmem>> -> memref<128x64xf32, #tpu.memory_space<vmem>>
      %dma_wait3A_661 = arith.constant 0 : i32
      %dma_wait3A_662 = arith.constant 0 : i32
      %dma_wait3A_663 = tpu.memref_slice %arg3[%dma_wait3A_661, %dma_wait3A_662] : memref<1000000x64xf32, #tpu.memory_space<hbm>> -> memref<128x64xf32, #tpu.memory_space<hbm>>
      tpu.wait_dma2 semaphore(%arg11 : memref<!tpu.dma_semaphore, #tpu.memory_space<semaphore_mem>>) src(%dma_wait3A_663 : memref<128x64xf32, #tpu.memory_space<hbm>>) dst(%dma_wait3A_660 : memref<128x64xf32, #tpu.memory_space<vmem>>)
      %parallel_loop3A = arith.constant 0 : i32
      %parallel_loop3A_664 = arith.constant 128 : i32
      %parallel_loop3A_665 = arith.constant 1 : i32
      scf.for %parallel_loop3A_1339 = %parallel_loop3A to %parallel_loop3A_664 step %parallel_loop3A_665  : i32 {
        %parallel_loop3A_1340 = arith.constant 0 : i32
        %parallel_loop3A_1341 = arith.addi %parallel_loop3A_1340, %parallel_loop3A_1339 : i32
        %parallel_loop3A_1342 = vector.broadcast %parallel_loop3A_1339 : i32 to vector<16xi32>
        %parallel_loop3A_1343 = arith.index_cast %parallel_loop3A_1341 : i32 to index
        %parallel_loop3A_1344 = arith.constant 0 : index
        %parallel_loop3A_1345 = tpu.vector_load %arg7[%parallel_loop3A_1343, %parallel_loop3A_1344] {strides = array<i32>} : memref<256x64xf32, #tpu.memory_space<vmem>>, vector<16xf32>,
        %parallel_loop3A_1346 = arith.constant 8.000000e+00 : f32
        %parallel_loop3A_1347 = vector.broadcast %parallel_loop3A_1346 : f32 to vector<16xf32>
        %parallel_loop3A_1348 = arith.mulf %parallel_loop3A_1345, %parallel_loop3A_1347 : vector<16xf32>
        tpu.vector_store_idx %arg9[%add3A_5, %parallel_loop3A_1342], %parallel_loop3A_1348 : memref<128x129xf32, #tpu.memory_space<vmem>>[vector<16xi32>, vector<16xi32>], vector<16xf32>,
        %parallel_loop3A_1349 = arith.index_cast %parallel_loop3A_1341 : i32 to index
        %parallel_loop3A_1350 = arith.constant 16 : index
        %parallel_loop3A_1351 = tpu.vector_load %arg7[%parallel_loop3A_1349, %parallel_loop3A_1350] {strides = array<i32>} : memref<256x64xf32, #tpu.memory_space<vmem>>, vector<16xf32>,
        %parallel_loop3A_1352 = arith.constant 8.000000e+00 : f32
        %parallel_loop3A_1353 = vector.broadcast %parallel_loop3A_1352 : f32 to vector<16xf32>
        %parallel_loop3A_1354 = arith.mulf %parallel_loop3A_1351, %parallel_loop3A_1353 : vector<16xf32>
        tpu.vector_store_idx %arg9[%add3A_8, %parallel_loop3A_1342], %parallel_loop3A_1354 : memref<128x129xf32, #tpu.memory_space<vmem>>[vector<16xi32>, vector<16xi32>], vector<16xf32>,
        %parallel_loop3A_1355 = arith.index_cast %parallel_loop3A_1341 : i32 to index
        %parallel_loop3A_1356 = arith.constant 32 : index
        %parallel_loop3A_1357 = tpu.vector_load %arg7[%parallel_loop3A_1355, %parallel_loop3A_1356] {strides = array<i32>} : memref<256x64xf32, #tpu.memory_space<vmem>>, vector<16xf32>,
        %parallel_loop3A_1358 = arith.constant 8.000000e+00 : f32
        %parallel_loop3A_1359 = vector.broadcast %parallel_loop3A_1358 : f32 to vector<16xf32>
        %parallel_loop3A_1360 = arith.mulf %parallel_loop3A_1357, %parallel_loop3A_1359 : vector<16xf32>
        tpu.vector_store_idx %arg9[%add3A_11, %parallel_loop3A_1342], %parallel_loop3A_1360 : memref<128x129xf32, #tpu.memory_space<vmem>>[vector<16xi32>, vector<16xi32>], vector<16xf32>,
        %parallel_loop3A_1361 = arith.index_cast %parallel_loop3A_1341 : i32 to index
        %parallel_loop3A_1362 = arith.constant 48 : index
        %parallel_loop3A_1363 = tpu.vector_load %arg7[%parallel_loop3A_1361, %parallel_loop3A_1362] {strides = array<i32>} : memref<256x64xf32, #tpu.memory_space<vmem>>, vector<16xf32>,
        %parallel_loop3A_1364 = arith.constant 8.000000e+00 : f32
        %parallel_loop3A_1365 = vector.broadcast %parallel_loop3A_1364 : f32 to vector<16xf32>
        %parallel_loop3A_1366 = arith.mulf %parallel_loop3A_1363, %parallel_loop3A_1365 : vector<16xf32>
        tpu.vector_store_idx %arg9[%add3A_14, %parallel_loop3A_1342], %parallel_loop3A_1366 : memref<128x129xf32, #tpu.memory_space<vmem>>[vector<16xi32>, vector<16xi32>], vector<16xf32>,
      } {sc.loop_unroll_factor = 4 : i64, sc.parallel_access}
      %parallel_loop3A_666 = arith.constant 0 : i32
      %parallel_loop3A_667 = arith.constant 128 : i32
      %parallel_loop3A_668 = arith.constant 1 : i32
      scf.for %parallel_loop3A_1339 = %parallel_loop3A_666 to %parallel_loop3A_667 step %parallel_loop3A_668  : i32 {
        %parallel_loop3A_1340 = arith.constant 128 : i32
        %parallel_loop3A_1341 = arith.addi %parallel_loop3A_1340, %parallel_loop3A_1339 : i32
        %parallel_loop3A_1342 = vector.broadcast %parallel_loop3A_1339 : i32 to vector<16xi32>
        %parallel_loop3A_1343 = arith.index_cast %parallel_loop3A_1341 : i32 to index
        %parallel_loop3A_1344 = arith.constant 0 : index
        %parallel_loop3A_1345 = tpu.vector_load %arg7[%parallel_loop3A_1343, %parallel_loop3A_1344] {strides = array<i32>} : memref<256x64xf32, #tpu.memory_space<vmem>>, vector<16xf32>,
        %parallel_loop3A_1346 = arith.constant 8.000000e+00 : f32
        %parallel_loop3A_1347 = vector.broadcast %parallel_loop3A_1346 : f32 to vector<16xf32>
        %parallel_loop3A_1348 = arith.mulf %parallel_loop3A_1345, %parallel_loop3A_1347 : vector<16xf32>
        tpu.vector_store_idx %arg9[%add3A_17, %parallel_loop3A_1342], %parallel_loop3A_1348 : memref<128x129xf32, #tpu.memory_space<vmem>>[vector<16xi32>, vector<16xi32>], vector<16xf32>,
        %parallel_loop3A_1349 = arith.index_cast %parallel_loop3A_1341 : i32 to index
        %parallel_loop3A_1350 = arith.constant 16 : index
        %parallel_loop3A_1351 = tpu.vector_load %arg7[%parallel_loop3A_1349, %parallel_loop3A_1350] {strides = array<i32>} : memref<256x64xf32, #tpu.memory_space<vmem>>, vector<16xf32>,
        %parallel_loop3A_1352 = arith.constant 8.000000e+00 : f32
        %parallel_loop3A_1353 = vector.broadcast %parallel_loop3A_1352 : f32 to vector<16xf32>
        %parallel_loop3A_1354 = arith.mulf %parallel_loop3A_1351, %parallel_loop3A_1353 : vector<16xf32>
        tpu.vector_store_idx %arg9[%add3A_20, %parallel_loop3A_1342], %parallel_loop3A_1354 : memref<128x129xf32, #tpu.memory_space<vmem>>[vector<16xi32>, vector<16xi32>], vector<16xf32>,
        %parallel_loop3A_1355 = arith.index_cast %parallel_loop3A_1341 : i32 to index
        %parallel_loop3A_1356 = arith.constant 32 : index
        %parallel_loop3A_1357 = tpu.vector_load %arg7[%parallel_loop3A_1355, %parallel_loop3A_1356] {strides = array<i32>} : memref<256x64xf32, #tpu.memory_space<vmem>>, vector<16xf32>,
        %parallel_loop3A_1358 = arith.constant 8.000000e+00 : f32
        %parallel_loop3A_1359 = vector.broadcast %parallel_loop3A_1358 : f32 to vector<16xf32>
        %parallel_loop3A_1360 = arith.mulf %parallel_loop3A_1357, %parallel_loop3A_1359 : vector<16xf32>
        tpu.vector_store_idx %arg9[%add3A_23, %parallel_loop3A_1342], %parallel_loop3A_1360 : memref<128x129xf32, #tpu.memory_space<vmem>>[vector<16xi32>, vector<16xi32>], vector<16xf32>,
        %parallel_loop3A_1361 = arith.index_cast %parallel_loop3A_1341 : i32 to index
        %parallel_loop3A_1362 = arith.constant 48 : index
        %parallel_loop3A_1363 = tpu.vector_load %arg7[%parallel_loop3A_1361, %parallel_loop3A_1362] {strides = array<i32>} : memref<256x64xf32, #tpu.memory_space<vmem>>, vector<16xf32>,
        %parallel_loop3A_1364 = arith.constant 8.000000e+00 : f32
        %parallel_loop3A_1365 = vector.broadcast %parallel_loop3A_1364 : f32 to vector<16xf32>
        %parallel_loop3A_1366 = arith.mulf %parallel_loop3A_1363, %parallel_loop3A_1365 : vector<16xf32>
        tpu.vector_store_idx %arg9[%add3A_26, %parallel_loop3A_1342], %parallel_loop3A_1366 : memref<128x129xf32, #tpu.memory_space<vmem>>[vector<16xi32>, vector<16xi32>], vector<16xf32>,
      } {sc.loop_unroll_factor = 4 : i64, sc.parallel_access}
      %jit3A_669 = arith.constant 64 : i32
      %div3A_670 = arith.divsi %add3A_632, %jit3A_669 : i32
      %sign3A_671 = arith.constant 0 : i32
      %sign3A_672 = arith.cmpi sgt, %add3A_632, %sign3A_671 : i32
      %sign3A_673 = arith.extui %sign3A_672 : i1 to i32
      %sign3A_674 = arith.constant 0 : i32
      %sign3A_675 = arith.cmpi slt, %add3A_632, %sign3A_674 : i32
      %sign3A_676 = arith.extui %sign3A_675 : i1 to i32
      %sign3A_677 = arith.subi %sign3A_673, %sign3A_676 : i32
      %sign3A_678 = arith.constant 0 : i32
      %sign3A_679 = arith.cmpi sgt, %jit3A_669, %sign3A_678 : i32
      %sign3A_680 = arith.extui %sign3A_679 : i1 to i32
      %sign3A_681 = arith.constant 0 : i32
      %sign3A_682 = arith.cmpi slt, %jit3A_669, %sign3A_681 : i32
      %sign3A_683 = arith.extui %sign3A_682 : i1 to i32
      %sign3A_684 = arith.subi %sign3A_680, %sign3A_683 : i32
      %ne3A_685 = arith.cmpi ne, %sign3A_677, %sign3A_684 : i32
      %rem3A_686 = arith.remsi %add3A_632, %jit3A_669 : i32
      %ne3A_687 = arith.constant 0 : i32
      %ne3A_688 = arith.cmpi ne, %rem3A_686, %ne3A_687 : i32
      %and3A_689 = arith.andi %ne3A_685, %ne3A_688 : i1
      %sub3A_690 = arith.constant 1 : i32
      %sub3A_691 = arith.subi %div3A_670, %sub3A_690 : i32
      %select_n3A_692 = arith.select %and3A_689, %sub3A_691, %div3A_670 : i32
      %jit3A_693 = arith.constant 64 : i32
      %eq3A_694 = arith.constant 0 : i32
      %eq3A_695 = arith.cmpi eq, %jit3A_693, %eq3A_694 : i32
      %jit3A_696 = arith.constant 1 : i32
      %select_n3A_697 = arith.select %eq3A_695, %jit3A_696, %jit3A_693 : i32
      %rem3A_698 = arith.remsi %add3A_632, %select_n3A_697 : i32
      %ne3A_699 = arith.constant 0 : i32
      %ne3A_700 = arith.cmpi ne, %rem3A_698, %ne3A_699 : i32
      %lt3A_701 = arith.constant 0 : i32
      %lt3A_702 = arith.cmpi slt, %rem3A_698, %lt3A_701 : i32
      %lt3A_703 = arith.constant 0 : i32
      %lt3A_704 = arith.cmpi slt, %select_n3A_697, %lt3A_703 : i32
      %ne3A_705 = arith.xori %lt3A_702, %lt3A_704 : i1
      %and3A_706 = arith.andi %ne3A_705, %ne3A_700 : i1
      %add3A_707 = arith.addi %rem3A_698, %select_n3A_697 : i32
      %select_n3A_708 = arith.select %and3A_706, %add3A_707, %rem3A_698 : i32
      %mul3A_709 = arith.constant 2 : i32
      %mul3A_710 = arith.muli %select_n3A_708, %mul3A_709 : i32
      %add3A_711 = arith.constant 0 : i32
      %add3A_712 = arith.addi %mul3A_710, %add3A_711 : i32
      %dma_start3A_713 = arith.constant 0 : i32
      %dma_start3A_714 = arith.constant 0 : i32
      %dma_start3A_715 = arith.constant 0 : i32
      %dma_start3A_716 = tpu.memref_slice %arg9[%dma_start3A_714, %dma_start3A_715] : memref<128x129xf32, #tpu.memory_space<vmem>> -> memref<8x128xf32, #tpu.memory_space<vmem>>
      %dma_start3A_717 = arith.constant 0 : i32
      %dma_start3A_718 = arith.constant 0 : i32
      %dma_start3A_719 = tpu.memref_slice %arg4[%select_n3A_692, %dma_start3A_713, %add3A_712, %dma_start3A_717, %dma_start3A_718] : memref<50x8x128x8x128xf32, #tpu.memory_space<hbm>> -> memref<1x1x1x8x128xf32, #tpu.memory_space<hbm>>
      %dma_start3A_720 = tpu.memref_squeeze %dma_start3A_719 : memref<1x1x1x8x128xf32, #tpu.memory_space<hbm>> -> memref<8x128xf32, #tpu.memory_space<hbm>>
      %dma_start3A_721 = arith.constant 0 : i32
      %dma_start3A_722 = arith.constant 0 : i32
      %dma_start3A_723 = tpu.memref_slice %arg4[%select_n3A_692, %dma_start3A_713, %add3A_712, %dma_start3A_721, %dma_start3A_722] : memref<50x8x128x8x128xf32, #tpu.memory_space<hbm>> -> memref<1x1x1x8x128xf32, #tpu.memory_space<hbm>>
      %dma_start3A_724 = tpu.memref_squeeze %dma_start3A_723 : memref<1x1x1x8x128xf32, #tpu.memory_space<hbm>> -> memref<8x128xf32, #tpu.memory_space<hbm>>
      %dma_start3A_725 = arith.constant 0 : i32
      %dma_start3A_726 = arith.constant 0 : i32
      %dma_start3A_727 = tpu.memref_slice %arg9[%dma_start3A_725, %dma_start3A_726] : memref<128x129xf32, #tpu.memory_space<vmem>> -> memref<8x128xf32, #tpu.memory_space<vmem>>
      tpu.enqueue_dma source(%dma_start3A_727 : memref<8x128xf32, #tpu.memory_space<vmem>>) target(%dma_start3A_724 : memref<8x128xf32, #tpu.memory_space<hbm>>) target_semaphore(%arg13 : memref<!tpu.dma_semaphore, #tpu.memory_space<semaphore_mem>>)
      %add3A_728 = arith.constant 0 : i32
      %add3A_729 = arith.addi %mul3A_710, %add3A_728 : i32
      %dma_start3A_730 = arith.constant 1 : i32
      %dma_start3A_731 = arith.constant 8 : i32
      %dma_start3A_732 = arith.constant 0 : i32
      %dma_start3A_733 = tpu.memref_slice %arg9[%dma_start3A_731, %dma_start3A_732] : memref<128x129xf32, #tpu.memory_space<vmem>> -> memref<8x128xf32, #tpu.memory_space<vmem>>
      %dma_start3A_734 = arith.constant 0 : i32
      %dma_start3A_735 = arith.constant 0 : i32
      %dma_start3A_736 = tpu.memref_slice %arg4[%select_n3A_692, %dma_start3A_730, %add3A_729, %dma_start3A_734, %dma_start3A_735] : memref<50x8x128x8x128xf32, #tpu.memory_space<hbm>> -> memref<1x1x1x8x128xf32, #tpu.memory_space<hbm>>
      %dma_start3A_737 = tpu.memref_squeeze %dma_start3A_736 : memref<1x1x1x8x128xf32, #tpu.memory_space<hbm>> -> memref<8x128xf32, #tpu.memory_space<hbm>>
      %dma_start3A_738 = arith.constant 0 : i32
      %dma_start3A_739 = arith.constant 0 : i32
      %dma_start3A_740 = tpu.memref_slice %arg4[%select_n3A_692, %dma_start3A_730, %add3A_729, %dma_start3A_738, %dma_start3A_739] : memref<50x8x128x8x128xf32, #tpu.memory_space<hbm>> -> memref<1x1x1x8x128xf32, #tpu.memory_space<hbm>>
      %dma_start3A_741 = tpu.memref_squeeze %dma_start3A_740 : memref<1x1x1x8x128xf32, #tpu.memory_space<hbm>> -> memref<8x128xf32, #tpu.memory_space<hbm>>
      %dma_start3A_742 = arith.constant 8 : i32
      %dma_start3A_743 = arith.constant 0 : i32
      %dma_start3A_744 = tpu.memref_slice %arg9[%dma_start3A_742, %dma_start3A_743] : memref<128x129xf32, #tpu.memory_space<vmem>> -> memref<8x128xf32, #tpu.memory_space<vmem>>
      tpu.enqueue_dma source(%dma_start3A_744 : memref<8x128xf32, #tpu.memory_space<vmem>>) target(%dma_start3A_741 : memref<8x128xf32, #tpu.memory_space<hbm>>) target_semaphore(%arg13 : memref<!tpu.dma_semaphore, #tpu.memory_space<semaphore_mem>>)
      %add3A_745 = arith.constant 0 : i32
      %add3A_746 = arith.addi %mul3A_710, %add3A_745 : i32
      %dma_start3A_747 = arith.constant 2 : i32
      %dma_start3A_748 = arith.constant 16 : i32
      %dma_start3A_749 = arith.constant 0 : i32
      %dma_start3A_750 = tpu.memref_slice %arg9[%dma_start3A_748, %dma_start3A_749] : memref<128x129xf32, #tpu.memory_space<vmem>> -> memref<8x128xf32, #tpu.memory_space<vmem>>
      %dma_start3A_751 = arith.constant 0 : i32
      %dma_start3A_752 = arith.constant 0 : i32
      %dma_start3A_753 = tpu.memref_slice %arg4[%select_n3A_692, %dma_start3A_747, %add3A_746, %dma_start3A_751, %dma_start3A_752] : memref<50x8x128x8x128xf32, #tpu.memory_space<hbm>> -> memref<1x1x1x8x128xf32, #tpu.memory_space<hbm>>
      %dma_start3A_754 = tpu.memref_squeeze %dma_start3A_753 : memref<1x1x1x8x128xf32, #tpu.memory_space<hbm>> -> memref<8x128xf32, #tpu.memory_space<hbm>>
      %dma_start3A_755 = arith.constant 0 : i32
      %dma_start3A_756 = arith.constant 0 : i32
      %dma_start3A_757 = tpu.memref_slice %arg4[%select_n3A_692, %dma_start3A_747, %add3A_746, %dma_start3A_755, %dma_start3A_756] : memref<50x8x128x8x128xf32, #tpu.memory_space<hbm>> -> memref<1x1x1x8x128xf32, #tpu.memory_space<hbm>>
      %dma_start3A_758 = tpu.memref_squeeze %dma_start3A_757 : memref<1x1x1x8x128xf32, #tpu.memory_space<hbm>> -> memref<8x128xf32, #tpu.memory_space<hbm>>
      %dma_start3A_759 = arith.constant 16 : i32
      %dma_start3A_760 = arith.constant 0 : i32
      %dma_start3A_761 = tpu.memref_slice %arg9[%dma_start3A_759, %dma_start3A_760] : memref<128x129xf32, #tpu.memory_space<vmem>> -> memref<8x128xf32, #tpu.memory_space<vmem>>
      tpu.enqueue_dma source(%dma_start3A_761 : memref<8x128xf32, #tpu.memory_space<vmem>>) target(%dma_start3A_758 : memref<8x128xf32, #tpu.memory_space<hbm>>) target_semaphore(%arg13 : memref<!tpu.dma_semaphore, #tpu.memory_space<semaphore_mem>>)
      %add3A_762 = arith.constant 0 : i32
      %add3A_763 = arith.addi %mul3A_710, %add3A_762 : i32
      %dma_start3A_764 = arith.constant 3 : i32
      %dma_start3A_765 = arith.constant 24 : i32
      %dma_start3A_766 = arith.constant 0 : i32
      %dma_start3A_767 = tpu.memref_slice %arg9[%dma_start3A_765, %dma_start3A_766] : memref<128x129xf32, #tpu.memory_space<vmem>> -> memref<8x128xf32, #tpu.memory_space<vmem>>
      %dma_start3A_768 = arith.constant 0 : i32
      %dma_start3A_769 = arith.constant 0 : i32
      %dma_start3A_770 = tpu.memref_slice %arg4[%select_n3A_692, %dma_start3A_764, %add3A_763, %dma_start3A_768, %dma_start3A_769] : memref<50x8x128x8x128xf32, #tpu.memory_space<hbm>> -> memref<1x1x1x8x128xf32, #tpu.memory_space<hbm>>
      %dma_start3A_771 = tpu.memref_squeeze %dma_start3A_770 : memref<1x1x1x8x128xf32, #tpu.memory_space<hbm>> -> memref<8x128xf32, #tpu.memory_space<hbm>>
      %dma_start3A_772 = arith.constant 0 : i32
      %dma_start3A_773 = arith.constant 0 : i32
      %dma_start3A_774 = tpu.memref_slice %arg4[%select_n3A_692, %dma_start3A_764, %add3A_763, %dma_start3A_772, %dma_start3A_773] : memref<50x8x128x8x128xf32, #tpu.memory_space<hbm>> -> memref<1x1x1x8x128xf32, #tpu.memory_space<hbm>>
      %dma_start3A_775 = tpu.memref_squeeze %dma_start3A_774 : memref<1x1x1x8x128xf32, #tpu.memory_space<hbm>> -> memref<8x128xf32, #tpu.memory_space<hbm>>
      %dma_start3A_776 = arith.constant 24 : i32
      %dma_start3A_777 = arith.constant 0 : i32
      %dma_start3A_778 = tpu.memref_slice %arg9[%dma_start3A_776, %dma_start3A_777] : memref<128x129xf32, #tpu.memory_space<vmem>> -> memref<8x128xf32, #tpu.memory_space<vmem>>
      tpu.enqueue_dma source(%dma_start3A_778 : memref<8x128xf32, #tpu.memory_space<vmem>>) target(%dma_start3A_775 : memref<8x128xf32, #tpu.memory_space<hbm>>) target_semaphore(%arg13 : memref<!tpu.dma_semaphore, #tpu.memory_space<semaphore_mem>>)
      %add3A_779 = arith.constant 0 : i32
      %add3A_780 = arith.addi %mul3A_710, %add3A_779 : i32
      %dma_start3A_781 = arith.constant 4 : i32
      %dma_start3A_782 = arith.constant 32 : i32
      %dma_start3A_783 = arith.constant 0 : i32
      %dma_start3A_784 = tpu.memref_slice %arg9[%dma_start3A_782, %dma_start3A_783] : memref<128x129xf32, #tpu.memory_space<vmem>> -> memref<8x128xf32, #tpu.memory_space<vmem>>
      %dma_start3A_785 = arith.constant 0 : i32
      %dma_start3A_786 = arith.constant 0 : i32
      %dma_start3A_787 = tpu.memref_slice %arg4[%select_n3A_692, %dma_start3A_781, %add3A_780, %dma_start3A_785, %dma_start3A_786] : memref<50x8x128x8x128xf32, #tpu.memory_space<hbm>> -> memref<1x1x1x8x128xf32, #tpu.memory_space<hbm>>
      %dma_start3A_788 = tpu.memref_squeeze %dma_start3A_787 : memref<1x1x1x8x128xf32, #tpu.memory_space<hbm>> -> memref<8x128xf32, #tpu.memory_space<hbm>>
      %dma_start3A_789 = arith.constant 0 : i32
      %dma_start3A_790 = arith.constant 0 : i32
      %dma_start3A_791 = tpu.memref_slice %arg4[%select_n3A_692, %dma_start3A_781, %add3A_780, %dma_start3A_789, %dma_start3A_790] : memref<50x8x128x8x128xf32, #tpu.memory_space<hbm>> -> memref<1x1x1x8x128xf32, #tpu.memory_space<hbm>>
      %dma_start3A_792 = tpu.memref_squeeze %dma_start3A_791 : memref<1x1x1x8x128xf32, #tpu.memory_space<hbm>> -> memref<8x128xf32, #tpu.memory_space<hbm>>
      %dma_start3A_793 = arith.constant 32 : i32
      %dma_start3A_794 = arith.constant 0 : i32
      %dma_start3A_795 = tpu.memref_slice %arg9[%dma_start3A_793, %dma_start3A_794] : memref<128x129xf32, #tpu.memory_space<vmem>> -> memref<8x128xf32, #tpu.memory_space<vmem>>
      tpu.enqueue_dma source(%dma_start3A_795 : memref<8x128xf32, #tpu.memory_space<vmem>>) target(%dma_start3A_792 : memref<8x128xf32, #tpu.memory_space<hbm>>) target_semaphore(%arg13 : memref<!tpu.dma_semaphore, #tpu.memory_space<semaphore_mem>>)
      %add3A_796 = arith.constant 0 : i32
      %add3A_797 = arith.addi %mul3A_710, %add3A_796 : i32
      %dma_start3A_798 = arith.constant 5 : i32
      %dma_start3A_799 = arith.constant 40 : i32
      %dma_start3A_800 = arith.constant 0 : i32
      %dma_start3A_801 = tpu.memref_slice %arg9[%dma_start3A_799, %dma_start3A_800] : memref<128x129xf32, #tpu.memory_space<vmem>> -> memref<8x128xf32, #tpu.memory_space<vmem>>
      %dma_start3A_802 = arith.constant 0 : i32
      %dma_start3A_803 = arith.constant 0 : i32
      %dma_start3A_804 = tpu.memref_slice %arg4[%select_n3A_692, %dma_start3A_798, %add3A_797, %dma_start3A_802, %dma_start3A_803] : memref<50x8x128x8x128xf32, #tpu.memory_space<hbm>> -> memref<1x1x1x8x128xf32, #tpu.memory_space<hbm>>
      %dma_start3A_805 = tpu.memref_squeeze %dma_start3A_804 : memref<1x1x1x8x128xf32, #tpu.memory_space<hbm>> -> memref<8x128xf32, #tpu.memory_space<hbm>>
      %dma_start3A_806 = arith.constant 0 : i32
      %dma_start3A_807 = arith.constant 0 : i32
      %dma_start3A_808 = tpu.memref_slice %arg4[%select_n3A_692, %dma_start3A_798, %add3A_797, %dma_start3A_806, %dma_start3A_807] : memref<50x8x128x8x128xf32, #tpu.memory_space<hbm>> -> memref<1x1x1x8x128xf32, #tpu.memory_space<hbm>>
      %dma_start3A_809 = tpu.memref_squeeze %dma_start3A_808 : memref<1x1x1x8x128xf32, #tpu.memory_space<hbm>> -> memref<8x128xf32, #tpu.memory_space<hbm>>
      %dma_start3A_810 = arith.constant 40 : i32
      %dma_start3A_811 = arith.constant 0 : i32
      %dma_start3A_812 = tpu.memref_slice %arg9[%dma_start3A_810, %dma_start3A_811] : memref<128x129xf32, #tpu.memory_space<vmem>> -> memref<8x128xf32, #tpu.memory_space<vmem>>
      tpu.enqueue_dma source(%dma_start3A_812 : memref<8x128xf32, #tpu.memory_space<vmem>>) target(%dma_start3A_809 : memref<8x128xf32, #tpu.memory_space<hbm>>) target_semaphore(%arg13 : memref<!tpu.dma_semaphore, #tpu.memory_space<semaphore_mem>>)
      %add3A_813 = arith.constant 0 : i32
      %add3A_814 = arith.addi %mul3A_710, %add3A_813 : i32
      %dma_start3A_815 = arith.constant 6 : i32
      %dma_start3A_816 = arith.constant 48 : i32
      %dma_start3A_817 = arith.constant 0 : i32
      %dma_start3A_818 = tpu.memref_slice %arg9[%dma_start3A_816, %dma_start3A_817] : memref<128x129xf32, #tpu.memory_space<vmem>> -> memref<8x128xf32, #tpu.memory_space<vmem>>
      %dma_start3A_819 = arith.constant 0 : i32
      %dma_start3A_820 = arith.constant 0 : i32
      %dma_start3A_821 = tpu.memref_slice %arg4[%select_n3A_692, %dma_start3A_815, %add3A_814, %dma_start3A_819, %dma_start3A_820] : memref<50x8x128x8x128xf32, #tpu.memory_space<hbm>> -> memref<1x1x1x8x128xf32, #tpu.memory_space<hbm>>
      %dma_start3A_822 = tpu.memref_squeeze %dma_start3A_821 : memref<1x1x1x8x128xf32, #tpu.memory_space<hbm>> -> memref<8x128xf32, #tpu.memory_space<hbm>>
      %dma_start3A_823 = arith.constant 0 : i32
      %dma_start3A_824 = arith.constant 0 : i32
      %dma_start3A_825 = tpu.memref_slice %arg4[%select_n3A_692, %dma_start3A_815, %add3A_814, %dma_start3A_823, %dma_start3A_824] : memref<50x8x128x8x128xf32, #tpu.memory_space<hbm>> -> memref<1x1x1x8x128xf32, #tpu.memory_space<hbm>>
      %dma_start3A_826 = tpu.memref_squeeze %dma_start3A_825 : memref<1x1x1x8x128xf32, #tpu.memory_space<hbm>> -> memref<8x128xf32, #tpu.memory_space<hbm>>
      %dma_start3A_827 = arith.constant 48 : i32
      %dma_start3A_828 = arith.constant 0 : i32
      %dma_start3A_829 = tpu.memref_slice %arg9[%dma_start3A_827, %dma_start3A_828] : memref<128x129xf32, #tpu.memory_space<vmem>> -> memref<8x128xf32, #tpu.memory_space<vmem>>
      tpu.enqueue_dma source(%dma_start3A_829 : memref<8x128xf32, #tpu.memory_space<vmem>>) target(%dma_start3A_826 : memref<8x128xf32, #tpu.memory_space<hbm>>) target_semaphore(%arg13 : memref<!tpu.dma_semaphore, #tpu.memory_space<semaphore_mem>>)
      %add3A_830 = arith.constant 0 : i32
      %add3A_831 = arith.addi %mul3A_710, %add3A_830 : i32
      %dma_start3A_832 = arith.constant 7 : i32
      %dma_start3A_833 = arith.constant 56 : i32
      %dma_start3A_834 = arith.constant 0 : i32
      %dma_start3A_835 = tpu.memref_slice %arg9[%dma_start3A_833, %dma_start3A_834] : memref<128x129xf32, #tpu.memory_space<vmem>> -> memref<8x128xf32, #tpu.memory_space<vmem>>
      %dma_start3A_836 = arith.constant 0 : i32
      %dma_start3A_837 = arith.constant 0 : i32
      %dma_start3A_838 = tpu.memref_slice %arg4[%select_n3A_692, %dma_start3A_832, %add3A_831, %dma_start3A_836, %dma_start3A_837] : memref<50x8x128x8x128xf32, #tpu.memory_space<hbm>> -> memref<1x1x1x8x128xf32, #tpu.memory_space<hbm>>
      %dma_start3A_839 = tpu.memref_squeeze %dma_start3A_838 : memref<1x1x1x8x128xf32, #tpu.memory_space<hbm>> -> memref<8x128xf32, #tpu.memory_space<hbm>>
      %dma_start3A_840 = arith.constant 0 : i32
      %dma_start3A_841 = arith.constant 0 : i32
      %dma_start3A_842 = tpu.memref_slice %arg4[%select_n3A_692, %dma_start3A_832, %add3A_831, %dma_start3A_840, %dma_start3A_841] : memref<50x8x128x8x128xf32, #tpu.memory_space<hbm>> -> memref<1x1x1x8x128xf32, #tpu.memory_space<hbm>>
      %dma_start3A_843 = tpu.memref_squeeze %dma_start3A_842 : memref<1x1x1x8x128xf32, #tpu.memory_space<hbm>> -> memref<8x128xf32, #tpu.memory_space<hbm>>
      %dma_start3A_844 = arith.constant 56 : i32
      %dma_start3A_845 = arith.constant 0 : i32
      %dma_start3A_846 = tpu.memref_slice %arg9[%dma_start3A_844, %dma_start3A_845] : memref<128x129xf32, #tpu.memory_space<vmem>> -> memref<8x128xf32, #tpu.memory_space<vmem>>
      tpu.enqueue_dma source(%dma_start3A_846 : memref<8x128xf32, #tpu.memory_space<vmem>>) target(%dma_start3A_843 : memref<8x128xf32, #tpu.memory_space<hbm>>) target_semaphore(%arg13 : memref<!tpu.dma_semaphore, #tpu.memory_space<semaphore_mem>>)
      %add3A_847 = arith.constant 1 : i32
      %add3A_848 = arith.addi %mul3A_710, %add3A_847 : i32
      %dma_start3A_849 = arith.constant 0 : i32
      %dma_start3A_850 = arith.constant 64 : i32
      %dma_start3A_851 = arith.constant 0 : i32
      %dma_start3A_852 = tpu.memref_slice %arg9[%dma_start3A_850, %dma_start3A_851] : memref<128x129xf32, #tpu.memory_space<vmem>> -> memref<8x128xf32, #tpu.memory_space<vmem>>
      %dma_start3A_853 = arith.constant 0 : i32
      %dma_start3A_854 = arith.constant 0 : i32
      %dma_start3A_855 = tpu.memref_slice %arg4[%select_n3A_692, %dma_start3A_849, %add3A_848, %dma_start3A_853, %dma_start3A_854] : memref<50x8x128x8x128xf32, #tpu.memory_space<hbm>> -> memref<1x1x1x8x128xf32, #tpu.memory_space<hbm>>
      %dma_start3A_856 = tpu.memref_squeeze %dma_start3A_855 : memref<1x1x1x8x128xf32, #tpu.memory_space<hbm>> -> memref<8x128xf32, #tpu.memory_space<hbm>>
      %dma_start3A_857 = arith.constant 0 : i32
      %dma_start3A_858 = arith.constant 0 : i32
      %dma_start3A_859 = tpu.memref_slice %arg4[%select_n3A_692, %dma_start3A_849, %add3A_848, %dma_start3A_857, %dma_start3A_858] : memref<50x8x128x8x128xf32, #tpu.memory_space<hbm>> -> memref<1x1x1x8x128xf32, #tpu.memory_space<hbm>>
      %dma_start3A_860 = tpu.memref_squeeze %dma_start3A_859 : memref<1x1x1x8x128xf32, #tpu.memory_space<hbm>> -> memref<8x128xf32, #tpu.memory_space<hbm>>
      %dma_start3A_861 = arith.constant 64 : i32
      %dma_start3A_862 = arith.constant 0 : i32
      %dma_start3A_863 = tpu.memref_slice %arg9[%dma_start3A_861, %dma_start3A_862] : memref<128x129xf32, #tpu.memory_space<vmem>> -> memref<8x128xf32, #tpu.memory_space<vmem>>
      tpu.enqueue_dma source(%dma_start3A_863 : memref<8x128xf32, #tpu.memory_space<vmem>>) target(%dma_start3A_860 : memref<8x128xf32, #tpu.memory_space<hbm>>) target_semaphore(%arg13 : memref<!tpu.dma_semaphore, #tpu.memory_space<semaphore_mem>>)
      %add3A_864 = arith.constant 1 : i32
      %add3A_865 = arith.addi %mul3A_710, %add3A_864 : i32
      %dma_start3A_866 = arith.constant 1 : i32
      %dma_start3A_867 = arith.constant 72 : i32
      %dma_start3A_868 = arith.constant 0 : i32
      %dma_start3A_869 = tpu.memref_slice %arg9[%dma_start3A_867, %dma_start3A_868] : memref<128x129xf32, #tpu.memory_space<vmem>> -> memref<8x128xf32, #tpu.memory_space<vmem>>
      %dma_start3A_870 = arith.constant 0 : i32
      %dma_start3A_871 = arith.constant 0 : i32
      %dma_start3A_872 = tpu.memref_slice %arg4[%select_n3A_692, %dma_start3A_866, %add3A_865, %dma_start3A_870, %dma_start3A_871] : memref<50x8x128x8x128xf32, #tpu.memory_space<hbm>> -> memref<1x1x1x8x128xf32, #tpu.memory_space<hbm>>
      %dma_start3A_873 = tpu.memref_squeeze %dma_start3A_872 : memref<1x1x1x8x128xf32, #tpu.memory_space<hbm>> -> memref<8x128xf32, #tpu.memory_space<hbm>>
      %dma_start3A_874 = arith.constant 0 : i32
      %dma_start3A_875 = arith.constant 0 : i32
      %dma_start3A_876 = tpu.memref_slice %arg4[%select_n3A_692, %dma_start3A_866, %add3A_865, %dma_start3A_874, %dma_start3A_875] : memref<50x8x128x8x128xf32, #tpu.memory_space<hbm>> -> memref<1x1x1x8x128xf32, #tpu.memory_space<hbm>>
      %dma_start3A_877 = tpu.memref_squeeze %dma_start3A_876 : memref<1x1x1x8x128xf32, #tpu.memory_space<hbm>> -> memref<8x128xf32, #tpu.memory_space<hbm>>
      %dma_start3A_878 = arith.constant 72 : i32
      %dma_start3A_879 = arith.constant 0 : i32
      %dma_start3A_880 = tpu.memref_slice %arg9[%dma_start3A_878, %dma_start3A_879] : memref<128x129xf32, #tpu.memory_space<vmem>> -> memref<8x128xf32, #tpu.memory_space<vmem>>
      tpu.enqueue_dma source(%dma_start3A_880 : memref<8x128xf32, #tpu.memory_space<vmem>>) target(%dma_start3A_877 : memref<8x128xf32, #tpu.memory_space<hbm>>) target_semaphore(%arg13 : memref<!tpu.dma_semaphore, #tpu.memory_space<semaphore_mem>>)
      %add3A_881 = arith.constant 1 : i32
      %add3A_882 = arith.addi %mul3A_710, %add3A_881 : i32
      %dma_start3A_883 = arith.constant 2 : i32
      %dma_start3A_884 = arith.constant 80 : i32
      %dma_start3A_885 = arith.constant 0 : i32
      %dma_start3A_886 = tpu.memref_slice %arg9[%dma_start3A_884, %dma_start3A_885] : memref<128x129xf32, #tpu.memory_space<vmem>> -> memref<8x128xf32, #tpu.memory_space<vmem>>
      %dma_start3A_887 = arith.constant 0 : i32
      %dma_start3A_888 = arith.constant 0 : i32
      %dma_start3A_889 = tpu.memref_slice %arg4[%select_n3A_692, %dma_start3A_883, %add3A_882, %dma_start3A_887, %dma_start3A_888] : memref<50x8x128x8x128xf32, #tpu.memory_space<hbm>> -> memref<1x1x1x8x128xf32, #tpu.memory_space<hbm>>
      %dma_start3A_890 = tpu.memref_squeeze %dma_start3A_889 : memref<1x1x1x8x128xf32, #tpu.memory_space<hbm>> -> memref<8x128xf32, #tpu.memory_space<hbm>>
      %dma_start3A_891 = arith.constant 0 : i32
      %dma_start3A_892 = arith.constant 0 : i32
      %dma_start3A_893 = tpu.memref_slice %arg4[%select_n3A_692, %dma_start3A_883, %add3A_882, %dma_start3A_891, %dma_start3A_892] : memref<50x8x128x8x128xf32, #tpu.memory_space<hbm>> -> memref<1x1x1x8x128xf32, #tpu.memory_space<hbm>>
      %dma_start3A_894 = tpu.memref_squeeze %dma_start3A_893 : memref<1x1x1x8x128xf32, #tpu.memory_space<hbm>> -> memref<8x128xf32, #tpu.memory_space<hbm>>
      %dma_start3A_895 = arith.constant 80 : i32
      %dma_start3A_896 = arith.constant 0 : i32
      %dma_start3A_897 = tpu.memref_slice %arg9[%dma_start3A_895, %dma_start3A_896] : memref<128x129xf32, #tpu.memory_space<vmem>> -> memref<8x128xf32, #tpu.memory_space<vmem>>
      tpu.enqueue_dma source(%dma_start3A_897 : memref<8x128xf32, #tpu.memory_space<vmem>>) target(%dma_start3A_894 : memref<8x128xf32, #tpu.memory_space<hbm>>) target_semaphore(%arg13 : memref<!tpu.dma_semaphore, #tpu.memory_space<semaphore_mem>>)
      %add3A_898 = arith.constant 1 : i32
      %add3A_899 = arith.addi %mul3A_710, %add3A_898 : i32
      %dma_start3A_900 = arith.constant 3 : i32
      %dma_start3A_901 = arith.constant 88 : i32
      %dma_start3A_902 = arith.constant 0 : i32
      %dma_start3A_903 = tpu.memref_slice %arg9[%dma_start3A_901, %dma_start3A_902] : memref<128x129xf32, #tpu.memory_space<vmem>> -> memref<8x128xf32, #tpu.memory_space<vmem>>
      %dma_start3A_904 = arith.constant 0 : i32
      %dma_start3A_905 = arith.constant 0 : i32
      %dma_start3A_906 = tpu.memref_slice %arg4[%select_n3A_692, %dma_start3A_900, %add3A_899, %dma_start3A_904, %dma_start3A_905] : memref<50x8x128x8x128xf32, #tpu.memory_space<hbm>> -> memref<1x1x1x8x128xf32, #tpu.memory_space<hbm>>
      %dma_start3A_907 = tpu.memref_squeeze %dma_start3A_906 : memref<1x1x1x8x128xf32, #tpu.memory_space<hbm>> -> memref<8x128xf32, #tpu.memory_space<hbm>>
      %dma_start3A_908 = arith.constant 0 : i32
      %dma_start3A_909 = arith.constant 0 : i32
      %dma_start3A_910 = tpu.memref_slice %arg4[%select_n3A_692, %dma_start3A_900, %add3A_899, %dma_start3A_908, %dma_start3A_909] : memref<50x8x128x8x128xf32, #tpu.memory_space<hbm>> -> memref<1x1x1x8x128xf32, #tpu.memory_space<hbm>>
      %dma_start3A_911 = tpu.memref_squeeze %dma_start3A_910 : memref<1x1x1x8x128xf32, #tpu.memory_space<hbm>> -> memref<8x128xf32, #tpu.memory_space<hbm>>
      %dma_start3A_912 = arith.constant 88 : i32
      %dma_start3A_913 = arith.constant 0 : i32
      %dma_start3A_914 = tpu.memref_slice %arg9[%dma_start3A_912, %dma_start3A_913] : memref<128x129xf32, #tpu.memory_space<vmem>> -> memref<8x128xf32, #tpu.memory_space<vmem>>
      tpu.enqueue_dma source(%dma_start3A_914 : memref<8x128xf32, #tpu.memory_space<vmem>>) target(%dma_start3A_911 : memref<8x128xf32, #tpu.memory_space<hbm>>) target_semaphore(%arg13 : memref<!tpu.dma_semaphore, #tpu.memory_space<semaphore_mem>>)
      %add3A_915 = arith.constant 1 : i32
      %add3A_916 = arith.addi %mul3A_710, %add3A_915 : i32
      %dma_start3A_917 = arith.constant 4 : i32
      %dma_start3A_918 = arith.constant 96 : i32
      %dma_start3A_919 = arith.constant 0 : i32
      %dma_start3A_920 = tpu.memref_slice %arg9[%dma_start3A_918, %dma_start3A_919] : memref<128x129xf32, #tpu.memory_space<vmem>> -> memref<8x128xf32, #tpu.memory_space<vmem>>
      %dma_start3A_921 = arith.constant 0 : i32
      %dma_start3A_922 = arith.constant 0 : i32
      %dma_start3A_923 = tpu.memref_slice %arg4[%select_n3A_692, %dma_start3A_917, %add3A_916, %dma_start3A_921, %dma_start3A_922] : memref<50x8x128x8x128xf32, #tpu.memory_space<hbm>> -> memref<1x1x1x8x128xf32, #tpu.memory_space<hbm>>
      %dma_start3A_924 = tpu.memref_squeeze %dma_start3A_923 : memref<1x1x1x8x128xf32, #tpu.memory_space<hbm>> -> memref<8x128xf32, #tpu.memory_space<hbm>>
      %dma_start3A_925 = arith.constant 0 : i32
      %dma_start3A_926 = arith.constant 0 : i32
      %dma_start3A_927 = tpu.memref_slice %arg4[%select_n3A_692, %dma_start3A_917, %add3A_916, %dma_start3A_925, %dma_start3A_926] : memref<50x8x128x8x128xf32, #tpu.memory_space<hbm>> -> memref<1x1x1x8x128xf32, #tpu.memory_space<hbm>>
      %dma_start3A_928 = tpu.memref_squeeze %dma_start3A_927 : memref<1x1x1x8x128xf32, #tpu.memory_space<hbm>> -> memref<8x128xf32, #tpu.memory_space<hbm>>
      %dma_start3A_929 = arith.constant 96 : i32
      %dma_start3A_930 = arith.constant 0 : i32
      %dma_start3A_931 = tpu.memref_slice %arg9[%dma_start3A_929, %dma_start3A_930] : memref<128x129xf32, #tpu.memory_space<vmem>> -> memref<8x128xf32, #tpu.memory_space<vmem>>
      tpu.enqueue_dma source(%dma_start3A_931 : memref<8x128xf32, #tpu.memory_space<vmem>>) target(%dma_start3A_928 : memref<8x128xf32, #tpu.memory_space<hbm>>) target_semaphore(%arg13 : memref<!tpu.dma_semaphore, #tpu.memory_space<semaphore_mem>>)
      %add3A_932 = arith.constant 1 : i32
      %add3A_933 = arith.addi %mul3A_710, %add3A_932 : i32
      %dma_start3A_934 = arith.constant 5 : i32
      %dma_start3A_935 = arith.constant 104 : i32
      %dma_start3A_936 = arith.constant 0 : i32
      %dma_start3A_937 = tpu.memref_slice %arg9[%dma_start3A_935, %dma_start3A_936] : memref<128x129xf32, #tpu.memory_space<vmem>> -> memref<8x128xf32, #tpu.memory_space<vmem>>
      %dma_start3A_938 = arith.constant 0 : i32
      %dma_start3A_939 = arith.constant 0 : i32
      %dma_start3A_940 = tpu.memref_slice %arg4[%select_n3A_692, %dma_start3A_934, %add3A_933, %dma_start3A_938, %dma_start3A_939] : memref<50x8x128x8x128xf32, #tpu.memory_space<hbm>> -> memref<1x1x1x8x128xf32, #tpu.memory_space<hbm>>
      %dma_start3A_941 = tpu.memref_squeeze %dma_start3A_940 : memref<1x1x1x8x128xf32, #tpu.memory_space<hbm>> -> memref<8x128xf32, #tpu.memory_space<hbm>>
      %dma_start3A_942 = arith.constant 0 : i32
      %dma_start3A_943 = arith.constant 0 : i32
      %dma_start3A_944 = tpu.memref_slice %arg4[%select_n3A_692, %dma_start3A_934, %add3A_933, %dma_start3A_942, %dma_start3A_943] : memref<50x8x128x8x128xf32, #tpu.memory_space<hbm>> -> memref<1x1x1x8x128xf32, #tpu.memory_space<hbm>>
      %dma_start3A_945 = tpu.memref_squeeze %dma_start3A_944 : memref<1x1x1x8x128xf32, #tpu.memory_space<hbm>> -> memref<8x128xf32, #tpu.memory_space<hbm>>
      %dma_start3A_946 = arith.constant 104 : i32
      %dma_start3A_947 = arith.constant 0 : i32
      %dma_start3A_948 = tpu.memref_slice %arg9[%dma_start3A_946, %dma_start3A_947] : memref<128x129xf32, #tpu.memory_space<vmem>> -> memref<8x128xf32, #tpu.memory_space<vmem>>
      tpu.enqueue_dma source(%dma_start3A_948 : memref<8x128xf32, #tpu.memory_space<vmem>>) target(%dma_start3A_945 : memref<8x128xf32, #tpu.memory_space<hbm>>) target_semaphore(%arg13 : memref<!tpu.dma_semaphore, #tpu.memory_space<semaphore_mem>>)
      %add3A_949 = arith.constant 1 : i32
      %add3A_950 = arith.addi %mul3A_710, %add3A_949 : i32
      %dma_start3A_951 = arith.constant 6 : i32
      %dma_start3A_952 = arith.constant 112 : i32
      %dma_start3A_953 = arith.constant 0 : i32
      %dma_start3A_954 = tpu.memref_slice %arg9[%dma_start3A_952, %dma_start3A_953] : memref<128x129xf32, #tpu.memory_space<vmem>> -> memref<8x128xf32, #tpu.memory_space<vmem>>
      %dma_start3A_955 = arith.constant 0 : i32
      %dma_start3A_956 = arith.constant 0 : i32
      %dma_start3A_957 = tpu.memref_slice %arg4[%select_n3A_692, %dma_start3A_951, %add3A_950, %dma_start3A_955, %dma_start3A_956] : memref<50x8x128x8x128xf32, #tpu.memory_space<hbm>> -> memref<1x1x1x8x128xf32, #tpu.memory_space<hbm>>
      %dma_start3A_958 = tpu.memref_squeeze %dma_start3A_957 : memref<1x1x1x8x128xf32, #tpu.memory_space<hbm>> -> memref<8x128xf32, #tpu.memory_space<hbm>>
      %dma_start3A_959 = arith.constant 0 : i32
      %dma_start3A_960 = arith.constant 0 : i32
      %dma_start3A_961 = tpu.memref_slice %arg4[%select_n3A_692, %dma_start3A_951, %add3A_950, %dma_start3A_959, %dma_start3A_960] : memref<50x8x128x8x128xf32, #tpu.memory_space<hbm>> -> memref<1x1x1x8x128xf32, #tpu.memory_space<hbm>>
      %dma_start3A_962 = tpu.memref_squeeze %dma_start3A_961 : memref<1x1x1x8x128xf32, #tpu.memory_space<hbm>> -> memref<8x128xf32, #tpu.memory_space<hbm>>
      %dma_start3A_963 = arith.constant 112 : i32
      %dma_start3A_964 = arith.constant 0 : i32
      %dma_start3A_965 = tpu.memref_slice %arg9[%dma_start3A_963, %dma_start3A_964] : memref<128x129xf32, #tpu.memory_space<vmem>> -> memref<8x128xf32, #tpu.memory_space<vmem>>
      tpu.enqueue_dma source(%dma_start3A_965 : memref<8x128xf32, #tpu.memory_space<vmem>>) target(%dma_start3A_962 : memref<8x128xf32, #tpu.memory_space<hbm>>) target_semaphore(%arg13 : memref<!tpu.dma_semaphore, #tpu.memory_space<semaphore_mem>>)
      %add3A_966 = arith.constant 1 : i32
      %add3A_967 = arith.addi %mul3A_710, %add3A_966 : i32
      %dma_start3A_968 = arith.constant 7 : i32
      %dma_start3A_969 = arith.constant 120 : i32
      %dma_start3A_970 = arith.constant 0 : i32
      %dma_start3A_971 = tpu.memref_slice %arg9[%dma_start3A_969, %dma_start3A_970] : memref<128x129xf32, #tpu.memory_space<vmem>> -> memref<8x128xf32, #tpu.memory_space<vmem>>
      %dma_start3A_972 = arith.constant 0 : i32
      %dma_start3A_973 = arith.constant 0 : i32
      %dma_start3A_974 = tpu.memref_slice %arg4[%select_n3A_692, %dma_start3A_968, %add3A_967, %dma_start3A_972, %dma_start3A_973] : memref<50x8x128x8x128xf32, #tpu.memory_space<hbm>> -> memref<1x1x1x8x128xf32, #tpu.memory_space<hbm>>
      %dma_start3A_975 = tpu.memref_squeeze %dma_start3A_974 : memref<1x1x1x8x128xf32, #tpu.memory_space<hbm>> -> memref<8x128xf32, #tpu.memory_space<hbm>>
      %dma_start3A_976 = arith.constant 0 : i32
      %dma_start3A_977 = arith.constant 0 : i32
      %dma_start3A_978 = tpu.memref_slice %arg4[%select_n3A_692, %dma_start3A_968, %add3A_967, %dma_start3A_976, %dma_start3A_977] : memref<50x8x128x8x128xf32, #tpu.memory_space<hbm>> -> memref<1x1x1x8x128xf32, #tpu.memory_space<hbm>>
      %dma_start3A_979 = tpu.memref_squeeze %dma_start3A_978 : memref<1x1x1x8x128xf32, #tpu.memory_space<hbm>> -> memref<8x128xf32, #tpu.memory_space<hbm>>
      %dma_start3A_980 = arith.constant 120 : i32
      %dma_start3A_981 = arith.constant 0 : i32
      %dma_start3A_982 = tpu.memref_slice %arg9[%dma_start3A_980, %dma_start3A_981] : memref<128x129xf32, #tpu.memory_space<vmem>> -> memref<8x128xf32, #tpu.memory_space<vmem>>
      tpu.enqueue_dma source(%dma_start3A_982 : memref<8x128xf32, #tpu.memory_space<vmem>>) target(%dma_start3A_979 : memref<8x128xf32, #tpu.memory_space<hbm>>) target_semaphore(%arg13 : memref<!tpu.dma_semaphore, #tpu.memory_space<semaphore_mem>>)
      %add3A_983 = arith.addi %mul3A_2, %add3A_629 : i32
      %add3A_984 = arith.constant 1 : i32
      %add3A_985 = arith.addi %add3A_983, %add3A_984 : i32
      %add3A_986 = arith.constant 1 : i32
      %add3A_987 = arith.addi %add3A_629, %add3A_986 : i32
      %add3A_988 = arith.constant 1 : i32
      %add3A_989 = arith.addi %add3A_987, %add3A_988 : i32
      %lt3A_990 = arith.constant 100 : i32
      %lt3A_991 = arith.cmpi slt, %add3A_989, %lt3A_990 : i32
      %convert_element_type3A_992 = arith.extui %lt3A_991 : i1 to i32
      %cond3A_993 = arith.constant 0 : i32
      %cond3A_994 = arith.cmpi ne, %convert_element_type3A_992, %cond3A_993 : i32
      scf.if %cond3A_994 {
        %add3A_1339 = arith.constant 1 : i32
        %add3A_1340 = arith.addi %add3A_629, %add3A_1339 : i32
        %ge3A = arith.constant 1 : i32
        %ge3A_1341 = arith.cmpi sge, %add3A_1340, %ge3A : i32
        %convert_element_type3A_1342 = arith.extui %ge3A_1341 : i1 to i32
        %cond3A_1343 = arith.constant 0 : i32
        %cond3A_1344 = arith.cmpi ne, %convert_element_type3A_1342, %cond3A_1343 : i32
        scf.if %cond3A_1344 {
          %dma_wait3A_1409 = arith.constant 0 : i32
          %dma_wait3A_1410 = arith.constant 0 : i32
          %dma_wait3A_1411 = arith.constant 0 : i32
          %dma_wait3A_1412 = arith.constant 0 : i32
          %dma_wait3A_1413 = arith.constant 0 : i32
          %dma_wait3A_1414 = tpu.memref_slice %arg9[%dma_wait3A_1412, %dma_wait3A_1413] : memref<128x129xf32, #tpu.memory_space<vmem>> -> memref<8x128xf32, #tpu.memory_space<vmem>>
          %dma_wait3A_1415 = arith.constant 0 : i32
          %dma_wait3A_1416 = arith.constant 0 : i32
          %dma_wait3A_1417 = tpu.memref_slice %arg4[%dma_wait3A_1409, %dma_wait3A_1410, %dma_wait3A_1411, %dma_wait3A_1415, %dma_wait3A_1416] : memref<50x8x128x8x128xf32, #tpu.memory_space<hbm>> -> memref<1x1x1x8x128xf32, #tpu.memory_space<hbm>>
          %dma_wait3A_1418 = tpu.memref_squeeze %dma_wait3A_1417 : memref<1x1x1x8x128xf32, #tpu.memory_space<hbm>> -> memref<8x128xf32, #tpu.memory_space<hbm>>
          %dma_wait3A_1419 = arith.constant 0 : i32
          %dma_wait3A_1420 = arith.constant 0 : i32
          %dma_wait3A_1421 = tpu.memref_slice %arg4[%dma_wait3A_1409, %dma_wait3A_1410, %dma_wait3A_1411, %dma_wait3A_1419, %dma_wait3A_1420] : memref<50x8x128x8x128xf32, #tpu.memory_space<hbm>> -> memref<1x1x1x8x128xf32, #tpu.memory_space<hbm>>
          %dma_wait3A_1422 = tpu.memref_squeeze %dma_wait3A_1421 : memref<1x1x1x8x128xf32, #tpu.memory_space<hbm>> -> memref<8x128xf32, #tpu.memory_space<hbm>>
          %dma_wait3A_1423 = arith.constant 0 : i32
          %dma_wait3A_1424 = arith.constant 0 : i32
          %dma_wait3A_1425 = tpu.memref_slice %arg9[%dma_wait3A_1423, %dma_wait3A_1424] : memref<128x129xf32, #tpu.memory_space<vmem>> -> memref<8x128xf32, #tpu.memory_space<vmem>>
          tpu.wait_dma2 semaphore(%arg13 : memref<!tpu.dma_semaphore, #tpu.memory_space<semaphore_mem>>) src(%dma_wait3A_1425 : memref<8x128xf32, #tpu.memory_space<vmem>>) dst(%dma_wait3A_1422 : memref<8x128xf32, #tpu.memory_space<hbm>>)
          %dma_wait3A_1426 = arith.constant 0 : i32
          %dma_wait3A_1427 = arith.constant 0 : i32
          %dma_wait3A_1428 = arith.constant 0 : i32
          %dma_wait3A_1429 = arith.constant 0 : i32
          %dma_wait3A_1430 = arith.constant 0 : i32
          %dma_wait3A_1431 = tpu.memref_slice %arg9[%dma_wait3A_1429, %dma_wait3A_1430] : memref<128x129xf32, #tpu.memory_space<vmem>> -> memref<8x128xf32, #tpu.memory_space<vmem>>
          %dma_wait3A_1432 = arith.constant 0 : i32
          %dma_wait3A_1433 = arith.constant 0 : i32
          %dma_wait3A_1434 = tpu.memref_slice %arg4[%dma_wait3A_1426, %dma_wait3A_1427, %dma_wait3A_1428, %dma_wait3A_1432, %dma_wait3A_1433] : memref<50x8x128x8x128xf32, #tpu.memory_space<hbm>> -> memref<1x1x1x8x128xf32, #tpu.memory_space<hbm>>
          %dma_wait3A_1435 = tpu.memref_squeeze %dma_wait3A_1434 : memref<1x1x1x8x128xf32, #tpu.memory_space<hbm>> -> memref<8x128xf32, #tpu.memory_space<hbm>>
          %dma_wait3A_1436 = arith.constant 0 : i32
          %dma_wait3A_1437 = arith.constant 0 : i32
          %dma_wait3A_1438 = tpu.memref_slice %arg4[%dma_wait3A_1426, %dma_wait3A_1427, %dma_wait3A_1428, %dma_wait3A_1436, %dma_wait3A_1437] : memref<50x8x128x8x128xf32, #tpu.memory_space<hbm>> -> memref<1x1x1x8x128xf32, #tpu.memory_space<hbm>>
          %dma_wait3A_1439 = tpu.memref_squeeze %dma_wait3A_1438 : memref<1x1x1x8x128xf32, #tpu.memory_space<hbm>> -> memref<8x128xf32, #tpu.memory_space<hbm>>
          %dma_wait3A_1440 = arith.constant 0 : i32
          %dma_wait3A_1441 = arith.constant 0 : i32
          %dma_wait3A_1442 = tpu.memref_slice %arg9[%dma_wait3A_1440, %dma_wait3A_1441] : memref<128x129xf32, #tpu.memory_space<vmem>> -> memref<8x128xf32, #tpu.memory_space<vmem>>
          tpu.wait_dma2 semaphore(%arg13 : memref<!tpu.dma_semaphore, #tpu.memory_space<semaphore_mem>>) src(%dma_wait3A_1442 : memref<8x128xf32, #tpu.memory_space<vmem>>) dst(%dma_wait3A_1439 : memref<8x128xf32, #tpu.memory_space<hbm>>)
          %dma_wait3A_1443 = arith.constant 0 : i32
          %dma_wait3A_1444 = arith.constant 0 : i32
          %dma_wait3A_1445 = arith.constant 0 : i32
          %dma_wait3A_1446 = arith.constant 0 : i32
          %dma_wait3A_1447 = arith.constant 0 : i32
          %dma_wait3A_1448 = tpu.memref_slice %arg9[%dma_wait3A_1446, %dma_wait3A_1447] : memref<128x129xf32, #tpu.memory_space<vmem>> -> memref<8x128xf32, #tpu.memory_space<vmem>>
          %dma_wait3A_1449 = arith.constant 0 : i32
          %dma_wait3A_1450 = arith.constant 0 : i32
          %dma_wait3A_1451 = tpu.memref_slice %arg4[%dma_wait3A_1443, %dma_wait3A_1444, %dma_wait3A_1445, %dma_wait3A_1449, %dma_wait3A_1450] : memref<50x8x128x8x128xf32, #tpu.memory_space<hbm>> -> memref<1x1x1x8x128xf32, #tpu.memory_space<hbm>>
          %dma_wait3A_1452 = tpu.memref_squeeze %dma_wait3A_1451 : memref<1x1x1x8x128xf32, #tpu.memory_space<hbm>> -> memref<8x128xf32, #tpu.memory_space<hbm>>
          %dma_wait3A_1453 = arith.constant 0 : i32
          %dma_wait3A_1454 = arith.constant 0 : i32
          %dma_wait3A_1455 = tpu.memref_slice %arg4[%dma_wait3A_1443, %dma_wait3A_1444, %dma_wait3A_1445, %dma_wait3A_1453, %dma_wait3A_1454] : memref<50x8x128x8x128xf32, #tpu.memory_space<hbm>> -> memref<1x1x1x8x128xf32, #tpu.memory_space<hbm>>
          %dma_wait3A_1456 = tpu.memref_squeeze %dma_wait3A_1455 : memref<1x1x1x8x128xf32, #tpu.memory_space<hbm>> -> memref<8x128xf32, #tpu.memory_space<hbm>>
          %dma_wait3A_1457 = arith.constant 0 : i32
          %dma_wait3A_1458 = arith.constant 0 : i32
          %dma_wait3A_1459 = tpu.memref_slice %arg9[%dma_wait3A_1457, %dma_wait3A_1458] : memref<128x129xf32, #tpu.memory_space<vmem>> -> memref<8x128xf32, #tpu.memory_space<vmem>>
          tpu.wait_dma2 semaphore(%arg13 : memref<!tpu.dma_semaphore, #tpu.memory_space<semaphore_mem>>) src(%dma_wait3A_1459 : memref<8x128xf32, #tpu.memory_space<vmem>>) dst(%dma_wait3A_1456 : memref<8x128xf32, #tpu.memory_space<hbm>>)
          %dma_wait3A_1460 = arith.constant 0 : i32
          %dma_wait3A_1461 = arith.constant 0 : i32
          %dma_wait3A_1462 = arith.constant 0 : i32
          %dma_wait3A_1463 = arith.constant 0 : i32
          %dma_wait3A_1464 = arith.constant 0 : i32
          %dma_wait3A_1465 = tpu.memref_slice %arg9[%dma_wait3A_1463, %dma_wait3A_1464] : memref<128x129xf32, #tpu.memory_space<vmem>> -> memref<8x128xf32, #tpu.memory_space<vmem>>
          %dma_wait3A_1466 = arith.constant 0 : i32
          %dma_wait3A_1467 = arith.constant 0 : i32
          %dma_wait3A_1468 = tpu.memref_slice %arg4[%dma_wait3A_1460, %dma_wait3A_1461, %dma_wait3A_1462, %dma_wait3A_1466, %dma_wait3A_1467] : memref<50x8x128x8x128xf32, #tpu.memory_space<hbm>> -> memref<1x1x1x8x128xf32, #tpu.memory_space<hbm>>
          %dma_wait3A_1469 = tpu.memref_squeeze %dma_wait3A_1468 : memref<1x1x1x8x128xf32, #tpu.memory_space<hbm>> -> memref<8x128xf32, #tpu.memory_space<hbm>>
          %dma_wait3A_1470 = arith.constant 0 : i32
          %dma_wait3A_1471 = arith.constant 0 : i32
          %dma_wait3A_1472 = tpu.memref_slice %arg4[%dma_wait3A_1460, %dma_wait3A_1461, %dma_wait3A_1462, %dma_wait3A_1470, %dma_wait3A_1471] : memref<50x8x128x8x128xf32, #tpu.memory_space<hbm>> -> memref<1x1x1x8x128xf32, #tpu.memory_space<hbm>>
          %dma_wait3A_1473 = tpu.memref_squeeze %dma_wait3A_1472 : memref<1x1x1x8x128xf32, #tpu.memory_space<hbm>> -> memref<8x128xf32, #tpu.memory_space<hbm>>
          %dma_wait3A_1474 = arith.constant 0 : i32
          %dma_wait3A_1475 = arith.constant 0 : i32
          %dma_wait3A_1476 = tpu.memref_slice %arg9[%dma_wait3A_1474, %dma_wait3A_1475] : memref<128x129xf32, #tpu.memory_space<vmem>> -> memref<8x128xf32, #tpu.memory_space<vmem>>
          tpu.wait_dma2 semaphore(%arg13 : memref<!tpu.dma_semaphore, #tpu.memory_space<semaphore_mem>>) src(%dma_wait3A_1476 : memref<8x128xf32, #tpu.memory_space<vmem>>) dst(%dma_wait3A_1473 : memref<8x128xf32, #tpu.memory_space<hbm>>)
          %dma_wait3A_1477 = arith.constant 0 : i32
          %dma_wait3A_1478 = arith.constant 0 : i32
          %dma_wait3A_1479 = arith.constant 0 : i32
          %dma_wait3A_1480 = arith.constant 0 : i32
          %dma_wait3A_1481 = arith.constant 0 : i32
          %dma_wait3A_1482 = tpu.memref_slice %arg9[%dma_wait3A_1480, %dma_wait3A_1481] : memref<128x129xf32, #tpu.memory_space<vmem>> -> memref<8x128xf32, #tpu.memory_space<vmem>>
          %dma_wait3A_1483 = arith.constant 0 : i32
          %dma_wait3A_1484 = arith.constant 0 : i32
          %dma_wait3A_1485 = tpu.memref_slice %arg4[%dma_wait3A_1477, %dma_wait3A_1478, %dma_wait3A_1479, %dma_wait3A_1483, %dma_wait3A_1484] : memref<50x8x128x8x128xf32, #tpu.memory_space<hbm>> -> memref<1x1x1x8x128xf32, #tpu.memory_space<hbm>>
          %dma_wait3A_1486 = tpu.memref_squeeze %dma_wait3A_1485 : memref<1x1x1x8x128xf32, #tpu.memory_space<hbm>> -> memref<8x128xf32, #tpu.memory_space<hbm>>
          %dma_wait3A_1487 = arith.constant 0 : i32
          %dma_wait3A_1488 = arith.constant 0 : i32
          %dma_wait3A_1489 = tpu.memref_slice %arg4[%dma_wait3A_1477, %dma_wait3A_1478, %dma_wait3A_1479, %dma_wait3A_1487, %dma_wait3A_1488] : memref<50x8x128x8x128xf32, #tpu.memory_space<hbm>> -> memref<1x1x1x8x128xf32, #tpu.memory_space<hbm>>
          %dma_wait3A_1490 = tpu.memref_squeeze %dma_wait3A_1489 : memref<1x1x1x8x128xf32, #tpu.memory_space<hbm>> -> memref<8x128xf32, #tpu.memory_space<hbm>>
          %dma_wait3A_1491 = arith.constant 0 : i32
          %dma_wait3A_1492 = arith.constant 0 : i32
          %dma_wait3A_1493 = tpu.memref_slice %arg9[%dma_wait3A_1491, %dma_wait3A_1492] : memref<128x129xf32, #tpu.memory_space<vmem>> -> memref<8x128xf32, #tpu.memory_space<vmem>>
          tpu.wait_dma2 semaphore(%arg13 : memref<!tpu.dma_semaphore, #tpu.memory_space<semaphore_mem>>) src(%dma_wait3A_1493 : memref<8x128xf32, #tpu.memory_space<vmem>>) dst(%dma_wait3A_1490 : memref<8x128xf32, #tpu.memory_space<hbm>>)
          %dma_wait3A_1494 = arith.constant 0 : i32
          %dma_wait3A_1495 = arith.constant 0 : i32
          %dma_wait3A_1496 = arith.constant 0 : i32
          %dma_wait3A_1497 = arith.constant 0 : i32
          %dma_wait3A_1498 = arith.constant 0 : i32
          %dma_wait3A_1499 = tpu.memref_slice %arg9[%dma_wait3A_1497, %dma_wait3A_1498] : memref<128x129xf32, #tpu.memory_space<vmem>> -> memref<8x128xf32, #tpu.memory_space<vmem>>
          %dma_wait3A_1500 = arith.constant 0 : i32
          %dma_wait3A_1501 = arith.constant 0 : i32
          %dma_wait3A_1502 = tpu.memref_slice %arg4[%dma_wait3A_1494, %dma_wait3A_1495, %dma_wait3A_1496, %dma_wait3A_1500, %dma_wait3A_1501] : memref<50x8x128x8x128xf32, #tpu.memory_space<hbm>> -> memref<1x1x1x8x128xf32, #tpu.memory_space<hbm>>
          %dma_wait3A_1503 = tpu.memref_squeeze %dma_wait3A_1502 : memref<1x1x1x8x128xf32, #tpu.memory_space<hbm>> -> memref<8x128xf32, #tpu.memory_space<hbm>>
          %dma_wait3A_1504 = arith.constant 0 : i32
          %dma_wait3A_1505 = arith.constant 0 : i32
          %dma_wait3A_1506 = tpu.memref_slice %arg4[%dma_wait3A_1494, %dma_wait3A_1495, %dma_wait3A_1496, %dma_wait3A_1504, %dma_wait3A_1505] : memref<50x8x128x8x128xf32, #tpu.memory_space<hbm>> -> memref<1x1x1x8x128xf32, #tpu.memory_space<hbm>>
          %dma_wait3A_1507 = tpu.memref_squeeze %dma_wait3A_1506 : memref<1x1x1x8x128xf32, #tpu.memory_space<hbm>> -> memref<8x128xf32, #tpu.memory_space<hbm>>
          %dma_wait3A_1508 = arith.constant 0 : i32
          %dma_wait3A_1509 = arith.constant 0 : i32
          %dma_wait3A_1510 = tpu.memref_slice %arg9[%dma_wait3A_1508, %dma_wait3A_1509] : memref<128x129xf32, #tpu.memory_space<vmem>> -> memref<8x128xf32, #tpu.memory_space<vmem>>
          tpu.wait_dma2 semaphore(%arg13 : memref<!tpu.dma_semaphore, #tpu.memory_space<semaphore_mem>>) src(%dma_wait3A_1510 : memref<8x128xf32, #tpu.memory_space<vmem>>) dst(%dma_wait3A_1507 : memref<8x128xf32, #tpu.memory_space<hbm>>)
          %dma_wait3A_1511 = arith.constant 0 : i32
          %dma_wait3A_1512 = arith.constant 0 : i32
          %dma_wait3A_1513 = arith.constant 0 : i32
          %dma_wait3A_1514 = arith.constant 0 : i32
          %dma_wait3A_1515 = arith.constant 0 : i32
          %dma_wait3A_1516 = tpu.memref_slice %arg9[%dma_wait3A_1514, %dma_wait3A_1515] : memref<128x129xf32, #tpu.memory_space<vmem>> -> memref<8x128xf32, #tpu.memory_space<vmem>>
          %dma_wait3A_1517 = arith.constant 0 : i32
          %dma_wait3A_1518 = arith.constant 0 : i32
          %dma_wait3A_1519 = tpu.memref_slice %arg4[%dma_wait3A_1511, %dma_wait3A_1512, %dma_wait3A_1513, %dma_wait3A_1517, %dma_wait3A_1518] : memref<50x8x128x8x128xf32, #tpu.memory_space<hbm>> -> memref<1x1x1x8x128xf32, #tpu.memory_space<hbm>>
          %dma_wait3A_1520 = tpu.memref_squeeze %dma_wait3A_1519 : memref<1x1x1x8x128xf32, #tpu.memory_space<hbm>> -> memref<8x128xf32, #tpu.memory_space<hbm>>
          %dma_wait3A_1521 = arith.constant 0 : i32
          %dma_wait3A_1522 = arith.constant 0 : i32
          %dma_wait3A_1523 = tpu.memref_slice %arg4[%dma_wait3A_1511, %dma_wait3A_1512, %dma_wait3A_1513, %dma_wait3A_1521, %dma_wait3A_1522] : memref<50x8x128x8x128xf32, #tpu.memory_space<hbm>> -> memref<1x1x1x8x128xf32, #tpu.memory_space<hbm>>
          %dma_wait3A_1524 = tpu.memref_squeeze %dma_wait3A_1523 : memref<1x1x1x8x128xf32, #tpu.memory_space<hbm>> -> memref<8x128xf32, #tpu.memory_space<hbm>>
          %dma_wait3A_1525 = arith.constant 0 : i32
          %dma_wait3A_1526 = arith.constant 0 : i32
          %dma_wait3A_1527 = tpu.memref_slice %arg9[%dma_wait3A_1525, %dma_wait3A_1526] : memref<128x129xf32, #tpu.memory_space<vmem>> -> memref<8x128xf32, #tpu.memory_space<vmem>>
          tpu.wait_dma2 semaphore(%arg13 : memref<!tpu.dma_semaphore, #tpu.memory_space<semaphore_mem>>) src(%dma_wait3A_1527 : memref<8x128xf32, #tpu.memory_space<vmem>>) dst(%dma_wait3A_1524 : memref<8x128xf32, #tpu.memory_space<hbm>>)
          %dma_wait3A_1528 = arith.constant 0 : i32
          %dma_wait3A_1529 = arith.constant 0 : i32
          %dma_wait3A_1530 = arith.constant 0 : i32
          %dma_wait3A_1531 = arith.constant 0 : i32
          %dma_wait3A_1532 = arith.constant 0 : i32
          %dma_wait3A_1533 = tpu.memref_slice %arg9[%dma_wait3A_1531, %dma_wait3A_1532] : memref<128x129xf32, #tpu.memory_space<vmem>> -> memref<8x128xf32, #tpu.memory_space<vmem>>
          %dma_wait3A_1534 = arith.constant 0 : i32
          %dma_wait3A_1535 = arith.constant 0 : i32
          %dma_wait3A_1536 = tpu.memref_slice %arg4[%dma_wait3A_1528, %dma_wait3A_1529, %dma_wait3A_1530, %dma_wait3A_1534, %dma_wait3A_1535] : memref<50x8x128x8x128xf32, #tpu.memory_space<hbm>> -> memref<1x1x1x8x128xf32, #tpu.memory_space<hbm>>
          %dma_wait3A_1537 = tpu.memref_squeeze %dma_wait3A_1536 : memref<1x1x1x8x128xf32, #tpu.memory_space<hbm>> -> memref<8x128xf32, #tpu.memory_space<hbm>>
          %dma_wait3A_1538 = arith.constant 0 : i32
          %dma_wait3A_1539 = arith.constant 0 : i32
          %dma_wait3A_1540 = tpu.memref_slice %arg4[%dma_wait3A_1528, %dma_wait3A_1529, %dma_wait3A_1530, %dma_wait3A_1538, %dma_wait3A_1539] : memref<50x8x128x8x128xf32, #tpu.memory_space<hbm>> -> memref<1x1x1x8x128xf32, #tpu.memory_space<hbm>>
          %dma_wait3A_1541 = tpu.memref_squeeze %dma_wait3A_1540 : memref<1x1x1x8x128xf32, #tpu.memory_space<hbm>> -> memref<8x128xf32, #tpu.memory_space<hbm>>
          %dma_wait3A_1542 = arith.constant 0 : i32
          %dma_wait3A_1543 = arith.constant 0 : i32
          %dma_wait3A_1544 = tpu.memref_slice %arg9[%dma_wait3A_1542, %dma_wait3A_1543] : memref<128x129xf32, #tpu.memory_space<vmem>> -> memref<8x128xf32, #tpu.memory_space<vmem>>
          tpu.wait_dma2 semaphore(%arg13 : memref<!tpu.dma_semaphore, #tpu.memory_space<semaphore_mem>>) src(%dma_wait3A_1544 : memref<8x128xf32, #tpu.memory_space<vmem>>) dst(%dma_wait3A_1541 : memref<8x128xf32, #tpu.memory_space<hbm>>)
          %dma_wait3A_1545 = arith.constant 0 : i32
          %dma_wait3A_1546 = arith.constant 0 : i32
          %dma_wait3A_1547 = arith.constant 0 : i32
          %dma_wait3A_1548 = arith.constant 0 : i32
          %dma_wait3A_1549 = arith.constant 0 : i32
          %dma_wait3A_1550 = tpu.memref_slice %arg9[%dma_wait3A_1548, %dma_wait3A_1549] : memref<128x129xf32, #tpu.memory_space<vmem>> -> memref<8x128xf32, #tpu.memory_space<vmem>>
          %dma_wait3A_1551 = arith.constant 0 : i32
          %dma_wait3A_1552 = arith.constant 0 : i32
          %dma_wait3A_1553 = tpu.memref_slice %arg4[%dma_wait3A_1545, %dma_wait3A_1546, %dma_wait3A_1547, %dma_wait3A_1551, %dma_wait3A_1552] : memref<50x8x128x8x128xf32, #tpu.memory_space<hbm>> -> memref<1x1x1x8x128xf32, #tpu.memory_space<hbm>>
          %dma_wait3A_1554 = tpu.memref_squeeze %dma_wait3A_1553 : memref<1x1x1x8x128xf32, #tpu.memory_space<hbm>> -> memref<8x128xf32, #tpu.memory_space<hbm>>
          %dma_wait3A_1555 = arith.constant 0 : i32
          %dma_wait3A_1556 = arith.constant 0 : i32
          %dma_wait3A_1557 = tpu.memref_slice %arg4[%dma_wait3A_1545, %dma_wait3A_1546, %dma_wait3A_1547, %dma_wait3A_1555, %dma_wait3A_1556] : memref<50x8x128x8x128xf32, #tpu.memory_space<hbm>> -> memref<1x1x1x8x128xf32, #tpu.memory_space<hbm>>
          %dma_wait3A_1558 = tpu.memref_squeeze %dma_wait3A_1557 : memref<1x1x1x8x128xf32, #tpu.memory_space<hbm>> -> memref<8x128xf32, #tpu.memory_space<hbm>>
          %dma_wait3A_1559 = arith.constant 0 : i32
          %dma_wait3A_1560 = arith.constant 0 : i32
          %dma_wait3A_1561 = tpu.memref_slice %arg9[%dma_wait3A_1559, %dma_wait3A_1560] : memref<128x129xf32, #tpu.memory_space<vmem>> -> memref<8x128xf32, #tpu.memory_space<vmem>>
          tpu.wait_dma2 semaphore(%arg13 : memref<!tpu.dma_semaphore, #tpu.memory_space<semaphore_mem>>) src(%dma_wait3A_1561 : memref<8x128xf32, #tpu.memory_space<vmem>>) dst(%dma_wait3A_1558 : memref<8x128xf32, #tpu.memory_space<hbm>>)
          %dma_wait3A_1562 = arith.constant 0 : i32
          %dma_wait3A_1563 = arith.constant 0 : i32
          %dma_wait3A_1564 = arith.constant 0 : i32
          %dma_wait3A_1565 = arith.constant 0 : i32
          %dma_wait3A_1566 = arith.constant 0 : i32
          %dma_wait3A_1567 = tpu.memref_slice %arg9[%dma_wait3A_1565, %dma_wait3A_1566] : memref<128x129xf32, #tpu.memory_space<vmem>> -> memref<8x128xf32, #tpu.memory_space<vmem>>
          %dma_wait3A_1568 = arith.constant 0 : i32
          %dma_wait3A_1569 = arith.constant 0 : i32
          %dma_wait3A_1570 = tpu.memref_slice %arg4[%dma_wait3A_1562, %dma_wait3A_1563, %dma_wait3A_1564, %dma_wait3A_1568, %dma_wait3A_1569] : memref<50x8x128x8x128xf32, #tpu.memory_space<hbm>> -> memref<1x1x1x8x128xf32, #tpu.memory_space<hbm>>
          %dma_wait3A_1571 = tpu.memref_squeeze %dma_wait3A_1570 : memref<1x1x1x8x128xf32, #tpu.memory_space<hbm>> -> memref<8x128xf32, #tpu.memory_space<hbm>>
          %dma_wait3A_1572 = arith.constant 0 : i32
          %dma_wait3A_1573 = arith.constant 0 : i32
          %dma_wait3A_1574 = tpu.memref_slice %arg4[%dma_wait3A_1562, %dma_wait3A_1563, %dma_wait3A_1564, %dma_wait3A_1572, %dma_wait3A_1573] : memref<50x8x128x8x128xf32, #tpu.memory_space<hbm>> -> memref<1x1x1x8x128xf32, #tpu.memory_space<hbm>>
          %dma_wait3A_1575 = tpu.memref_squeeze %dma_wait3A_1574 : memref<1x1x1x8x128xf32, #tpu.memory_space<hbm>> -> memref<8x128xf32, #tpu.memory_space<hbm>>
          %dma_wait3A_1576 = arith.constant 0 : i32
          %dma_wait3A_1577 = arith.constant 0 : i32
          %dma_wait3A_1578 = tpu.memref_slice %arg9[%dma_wait3A_1576, %dma_wait3A_1577] : memref<128x129xf32, #tpu.memory_space<vmem>> -> memref<8x128xf32, #tpu.memory_space<vmem>>
          tpu.wait_dma2 semaphore(%arg13 : memref<!tpu.dma_semaphore, #tpu.memory_space<semaphore_mem>>) src(%dma_wait3A_1578 : memref<8x128xf32, #tpu.memory_space<vmem>>) dst(%dma_wait3A_1575 : memref<8x128xf32, #tpu.memory_space<hbm>>)
          %dma_wait3A_1579 = arith.constant 0 : i32
          %dma_wait3A_1580 = arith.constant 0 : i32
          %dma_wait3A_1581 = arith.constant 0 : i32
          %dma_wait3A_1582 = arith.constant 0 : i32
          %dma_wait3A_1583 = arith.constant 0 : i32
          %dma_wait3A_1584 = tpu.memref_slice %arg9[%dma_wait3A_1582, %dma_wait3A_1583] : memref<128x129xf32, #tpu.memory_space<vmem>> -> memref<8x128xf32, #tpu.memory_space<vmem>>
          %dma_wait3A_1585 = arith.constant 0 : i32
          %dma_wait3A_1586 = arith.constant 0 : i32
          %dma_wait3A_1587 = tpu.memref_slice %arg4[%dma_wait3A_1579, %dma_wait3A_1580, %dma_wait3A_1581, %dma_wait3A_1585, %dma_wait3A_1586] : memref<50x8x128x8x128xf32, #tpu.memory_space<hbm>> -> memref<1x1x1x8x128xf32, #tpu.memory_space<hbm>>
          %dma_wait3A_1588 = tpu.memref_squeeze %dma_wait3A_1587 : memref<1x1x1x8x128xf32, #tpu.memory_space<hbm>> -> memref<8x128xf32, #tpu.memory_space<hbm>>
          %dma_wait3A_1589 = arith.constant 0 : i32
          %dma_wait3A_1590 = arith.constant 0 : i32
          %dma_wait3A_1591 = tpu.memref_slice %arg4[%dma_wait3A_1579, %dma_wait3A_1580, %dma_wait3A_1581, %dma_wait3A_1589, %dma_wait3A_1590] : memref<50x8x128x8x128xf32, #tpu.memory_space<hbm>> -> memref<1x1x1x8x128xf32, #tpu.memory_space<hbm>>
          %dma_wait3A_1592 = tpu.memref_squeeze %dma_wait3A_1591 : memref<1x1x1x8x128xf32, #tpu.memory_space<hbm>> -> memref<8x128xf32, #tpu.memory_space<hbm>>
          %dma_wait3A_1593 = arith.constant 0 : i32
          %dma_wait3A_1594 = arith.constant 0 : i32
          %dma_wait3A_1595 = tpu.memref_slice %arg9[%dma_wait3A_1593, %dma_wait3A_1594] : memref<128x129xf32, #tpu.memory_space<vmem>> -> memref<8x128xf32, #tpu.memory_space<vmem>>
          tpu.wait_dma2 semaphore(%arg13 : memref<!tpu.dma_semaphore, #tpu.memory_space<semaphore_mem>>) src(%dma_wait3A_1595 : memref<8x128xf32, #tpu.memory_space<vmem>>) dst(%dma_wait3A_1592 : memref<8x128xf32, #tpu.memory_space<hbm>>)
          %dma_wait3A_1596 = arith.constant 0 : i32
          %dma_wait3A_1597 = arith.constant 0 : i32
          %dma_wait3A_1598 = arith.constant 0 : i32
          %dma_wait3A_1599 = arith.constant 0 : i32
          %dma_wait3A_1600 = arith.constant 0 : i32
          %dma_wait3A_1601 = tpu.memref_slice %arg9[%dma_wait3A_1599, %dma_wait3A_1600] : memref<128x129xf32, #tpu.memory_space<vmem>> -> memref<8x128xf32, #tpu.memory_space<vmem>>
          %dma_wait3A_1602 = arith.constant 0 : i32
          %dma_wait3A_1603 = arith.constant 0 : i32
          %dma_wait3A_1604 = tpu.memref_slice %arg4[%dma_wait3A_1596, %dma_wait3A_1597, %dma_wait3A_1598, %dma_wait3A_1602, %dma_wait3A_1603] : memref<50x8x128x8x128xf32, #tpu.memory_space<hbm>> -> memref<1x1x1x8x128xf32, #tpu.memory_space<hbm>>
          %dma_wait3A_1605 = tpu.memref_squeeze %dma_wait3A_1604 : memref<1x1x1x8x128xf32, #tpu.memory_space<hbm>> -> memref<8x128xf32, #tpu.memory_space<hbm>>
          %dma_wait3A_1606 = arith.constant 0 : i32
          %dma_wait3A_1607 = arith.constant 0 : i32
          %dma_wait3A_1608 = tpu.memref_slice %arg4[%dma_wait3A_1596, %dma_wait3A_1597, %dma_wait3A_1598, %dma_wait3A_1606, %dma_wait3A_1607] : memref<50x8x128x8x128xf32, #tpu.memory_space<hbm>> -> memref<1x1x1x8x128xf32, #tpu.memory_space<hbm>>
          %dma_wait3A_1609 = tpu.memref_squeeze %dma_wait3A_1608 : memref<1x1x1x8x128xf32, #tpu.memory_space<hbm>> -> memref<8x128xf32, #tpu.memory_space<hbm>>
          %dma_wait3A_1610 = arith.constant 0 : i32
          %dma_wait3A_1611 = arith.constant 0 : i32
          %dma_wait3A_1612 = tpu.memref_slice %arg9[%dma_wait3A_1610, %dma_wait3A_1611] : memref<128x129xf32, #tpu.memory_space<vmem>> -> memref<8x128xf32, #tpu.memory_space<vmem>>
          tpu.wait_dma2 semaphore(%arg13 : memref<!tpu.dma_semaphore, #tpu.memory_space<semaphore_mem>>) src(%dma_wait3A_1612 : memref<8x128xf32, #tpu.memory_space<vmem>>) dst(%dma_wait3A_1609 : memref<8x128xf32, #tpu.memory_space<hbm>>)
          %dma_wait3A_1613 = arith.constant 0 : i32
          %dma_wait3A_1614 = arith.constant 0 : i32
          %dma_wait3A_1615 = arith.constant 0 : i32
          %dma_wait3A_1616 = arith.constant 0 : i32
          %dma_wait3A_1617 = arith.constant 0 : i32
          %dma_wait3A_1618 = tpu.memref_slice %arg9[%dma_wait3A_1616, %dma_wait3A_1617] : memref<128x129xf32, #tpu.memory_space<vmem>> -> memref<8x128xf32, #tpu.memory_space<vmem>>
          %dma_wait3A_1619 = arith.constant 0 : i32
          %dma_wait3A_1620 = arith.constant 0 : i32
          %dma_wait3A_1621 = tpu.memref_slice %arg4[%dma_wait3A_1613, %dma_wait3A_1614, %dma_wait3A_1615, %dma_wait3A_1619, %dma_wait3A_1620] : memref<50x8x128x8x128xf32, #tpu.memory_space<hbm>> -> memref<1x1x1x8x128xf32, #tpu.memory_space<hbm>>
          %dma_wait3A_1622 = tpu.memref_squeeze %dma_wait3A_1621 : memref<1x1x1x8x128xf32, #tpu.memory_space<hbm>> -> memref<8x128xf32, #tpu.memory_space<hbm>>
          %dma_wait3A_1623 = arith.constant 0 : i32
          %dma_wait3A_1624 = arith.constant 0 : i32
          %dma_wait3A_1625 = tpu.memref_slice %arg4[%dma_wait3A_1613, %dma_wait3A_1614, %dma_wait3A_1615, %dma_wait3A_1623, %dma_wait3A_1624] : memref<50x8x128x8x128xf32, #tpu.memory_space<hbm>> -> memref<1x1x1x8x128xf32, #tpu.memory_space<hbm>>
          %dma_wait3A_1626 = tpu.memref_squeeze %dma_wait3A_1625 : memref<1x1x1x8x128xf32, #tpu.memory_space<hbm>> -> memref<8x128xf32, #tpu.memory_space<hbm>>
          %dma_wait3A_1627 = arith.constant 0 : i32
          %dma_wait3A_1628 = arith.constant 0 : i32
          %dma_wait3A_1629 = tpu.memref_slice %arg9[%dma_wait3A_1627, %dma_wait3A_1628] : memref<128x129xf32, #tpu.memory_space<vmem>> -> memref<8x128xf32, #tpu.memory_space<vmem>>
          tpu.wait_dma2 semaphore(%arg13 : memref<!tpu.dma_semaphore, #tpu.memory_space<semaphore_mem>>) src(%dma_wait3A_1629 : memref<8x128xf32, #tpu.memory_space<vmem>>) dst(%dma_wait3A_1626 : memref<8x128xf32, #tpu.memory_space<hbm>>)
          %dma_wait3A_1630 = arith.constant 0 : i32
          %dma_wait3A_1631 = arith.constant 0 : i32
          %dma_wait3A_1632 = arith.constant 0 : i32
          %dma_wait3A_1633 = arith.constant 0 : i32
          %dma_wait3A_1634 = arith.constant 0 : i32
          %dma_wait3A_1635 = tpu.memref_slice %arg9[%dma_wait3A_1633, %dma_wait3A_1634] : memref<128x129xf32, #tpu.memory_space<vmem>> -> memref<8x128xf32, #tpu.memory_space<vmem>>
          %dma_wait3A_1636 = arith.constant 0 : i32
          %dma_wait3A_1637 = arith.constant 0 : i32
          %dma_wait3A_1638 = tpu.memref_slice %arg4[%dma_wait3A_1630, %dma_wait3A_1631, %dma_wait3A_1632, %dma_wait3A_1636, %dma_wait3A_1637] : memref<50x8x128x8x128xf32, #tpu.memory_space<hbm>> -> memref<1x1x1x8x128xf32, #tpu.memory_space<hbm>>
          %dma_wait3A_1639 = tpu.memref_squeeze %dma_wait3A_1638 : memref<1x1x1x8x128xf32, #tpu.memory_space<hbm>> -> memref<8x128xf32, #tpu.memory_space<hbm>>
          %dma_wait3A_1640 = arith.constant 0 : i32
          %dma_wait3A_1641 = arith.constant 0 : i32
          %dma_wait3A_1642 = tpu.memref_slice %arg4[%dma_wait3A_1630, %dma_wait3A_1631, %dma_wait3A_1632, %dma_wait3A_1640, %dma_wait3A_1641] : memref<50x8x128x8x128xf32, #tpu.memory_space<hbm>> -> memref<1x1x1x8x128xf32, #tpu.memory_space<hbm>>
          %dma_wait3A_1643 = tpu.memref_squeeze %dma_wait3A_1642 : memref<1x1x1x8x128xf32, #tpu.memory_space<hbm>> -> memref<8x128xf32, #tpu.memory_space<hbm>>
          %dma_wait3A_1644 = arith.constant 0 : i32
          %dma_wait3A_1645 = arith.constant 0 : i32
          %dma_wait3A_1646 = tpu.memref_slice %arg9[%dma_wait3A_1644, %dma_wait3A_1645] : memref<128x129xf32, #tpu.memory_space<vmem>> -> memref<8x128xf32, #tpu.memory_space<vmem>>
          tpu.wait_dma2 semaphore(%arg13 : memref<!tpu.dma_semaphore, #tpu.memory_space<semaphore_mem>>) src(%dma_wait3A_1646 : memref<8x128xf32, #tpu.memory_space<vmem>>) dst(%dma_wait3A_1643 : memref<8x128xf32, #tpu.memory_space<hbm>>)
          %dma_wait3A_1647 = arith.constant 0 : i32
          %dma_wait3A_1648 = arith.constant 0 : i32
          %dma_wait3A_1649 = arith.constant 0 : i32
          %dma_wait3A_1650 = arith.constant 0 : i32
          %dma_wait3A_1651 = arith.constant 0 : i32
          %dma_wait3A_1652 = tpu.memref_slice %arg9[%dma_wait3A_1650, %dma_wait3A_1651] : memref<128x129xf32, #tpu.memory_space<vmem>> -> memref<8x128xf32, #tpu.memory_space<vmem>>
          %dma_wait3A_1653 = arith.constant 0 : i32
          %dma_wait3A_1654 = arith.constant 0 : i32
          %dma_wait3A_1655 = tpu.memref_slice %arg4[%dma_wait3A_1647, %dma_wait3A_1648, %dma_wait3A_1649, %dma_wait3A_1653, %dma_wait3A_1654] : memref<50x8x128x8x128xf32, #tpu.memory_space<hbm>> -> memref<1x1x1x8x128xf32, #tpu.memory_space<hbm>>
          %dma_wait3A_1656 = tpu.memref_squeeze %dma_wait3A_1655 : memref<1x1x1x8x128xf32, #tpu.memory_space<hbm>> -> memref<8x128xf32, #tpu.memory_space<hbm>>
          %dma_wait3A_1657 = arith.constant 0 : i32
          %dma_wait3A_1658 = arith.constant 0 : i32
          %dma_wait3A_1659 = tpu.memref_slice %arg4[%dma_wait3A_1647, %dma_wait3A_1648, %dma_wait3A_1649, %dma_wait3A_1657, %dma_wait3A_1658] : memref<50x8x128x8x128xf32, #tpu.memory_space<hbm>> -> memref<1x1x1x8x128xf32, #tpu.memory_space<hbm>>
          %dma_wait3A_1660 = tpu.memref_squeeze %dma_wait3A_1659 : memref<1x1x1x8x128xf32, #tpu.memory_space<hbm>> -> memref<8x128xf32, #tpu.memory_space<hbm>>
          %dma_wait3A_1661 = arith.constant 0 : i32
          %dma_wait3A_1662 = arith.constant 0 : i32
          %dma_wait3A_1663 = tpu.memref_slice %arg9[%dma_wait3A_1661, %dma_wait3A_1662] : memref<128x129xf32, #tpu.memory_space<vmem>> -> memref<8x128xf32, #tpu.memory_space<vmem>>
          tpu.wait_dma2 semaphore(%arg13 : memref<!tpu.dma_semaphore, #tpu.memory_space<semaphore_mem>>) src(%dma_wait3A_1663 : memref<8x128xf32, #tpu.memory_space<vmem>>) dst(%dma_wait3A_1660 : memref<8x128xf32, #tpu.memory_space<hbm>>)
          %dma_wait3A_1664 = arith.constant 0 : i32
          %dma_wait3A_1665 = arith.constant 0 : i32
          %dma_wait3A_1666 = arith.constant 0 : i32
          %dma_wait3A_1667 = arith.constant 0 : i32
          %dma_wait3A_1668 = arith.constant 0 : i32
          %dma_wait3A_1669 = tpu.memref_slice %arg9[%dma_wait3A_1667, %dma_wait3A_1668] : memref<128x129xf32, #tpu.memory_space<vmem>> -> memref<8x128xf32, #tpu.memory_space<vmem>>
          %dma_wait3A_1670 = arith.constant 0 : i32
          %dma_wait3A_1671 = arith.constant 0 : i32
          %dma_wait3A_1672 = tpu.memref_slice %arg4[%dma_wait3A_1664, %dma_wait3A_1665, %dma_wait3A_1666, %dma_wait3A_1670, %dma_wait3A_1671] : memref<50x8x128x8x128xf32, #tpu.memory_space<hbm>> -> memref<1x1x1x8x128xf32, #tpu.memory_space<hbm>>
          %dma_wait3A_1673 = tpu.memref_squeeze %dma_wait3A_1672 : memref<1x1x1x8x128xf32, #tpu.memory_space<hbm>> -> memref<8x128xf32, #tpu.memory_space<hbm>>
          %dma_wait3A_1674 = arith.constant 0 : i32
          %dma_wait3A_1675 = arith.constant 0 : i32
          %dma_wait3A_1676 = tpu.memref_slice %arg4[%dma_wait3A_1664, %dma_wait3A_1665, %dma_wait3A_1666, %dma_wait3A_1674, %dma_wait3A_1675] : memref<50x8x128x8x128xf32, #tpu.memory_space<hbm>> -> memref<1x1x1x8x128xf32, #tpu.memory_space<hbm>>
          %dma_wait3A_1677 = tpu.memref_squeeze %dma_wait3A_1676 : memref<1x1x1x8x128xf32, #tpu.memory_space<hbm>> -> memref<8x128xf32, #tpu.memory_space<hbm>>
          %dma_wait3A_1678 = arith.constant 0 : i32
          %dma_wait3A_1679 = arith.constant 0 : i32
          %dma_wait3A_1680 = tpu.memref_slice %arg9[%dma_wait3A_1678, %dma_wait3A_1679] : memref<128x129xf32, #tpu.memory_space<vmem>> -> memref<8x128xf32, #tpu.memory_space<vmem>>
          tpu.wait_dma2 semaphore(%arg13 : memref<!tpu.dma_semaphore, #tpu.memory_space<semaphore_mem>>) src(%dma_wait3A_1680 : memref<8x128xf32, #tpu.memory_space<vmem>>) dst(%dma_wait3A_1677 : memref<8x128xf32, #tpu.memory_space<hbm>>)
        } else {
        }
        %add3A_1345 = arith.constant 1 : i32
        %add3A_1346 = arith.addi %add3A_985, %add3A_1345 : i32
        %jit3A_1347 = arith.constant 64 : i32
        %div3A_1348 = arith.divsi %add3A_1346, %jit3A_1347 : i32
        %sign3A_1349 = arith.constant 0 : i32
        %sign3A_1350 = arith.cmpi sgt, %add3A_1346, %sign3A_1349 : i32
        %sign3A_1351 = arith.extui %sign3A_1350 : i1 to i32
        %sign3A_1352 = arith.constant 0 : i32
        %sign3A_1353 = arith.cmpi slt, %add3A_1346, %sign3A_1352 : i32
        %sign3A_1354 = arith.extui %sign3A_1353 : i1 to i32
        %sign3A_1355 = arith.subi %sign3A_1351, %sign3A_1354 : i32
        %sign3A_1356 = arith.constant 0 : i32
        %sign3A_1357 = arith.cmpi sgt, %jit3A_1347, %sign3A_1356 : i32
        %sign3A_1358 = arith.extui %sign3A_1357 : i1 to i32
        %sign3A_1359 = arith.constant 0 : i32
        %sign3A_1360 = arith.cmpi slt, %jit3A_1347, %sign3A_1359 : i32
        %sign3A_1361 = arith.extui %sign3A_1360 : i1 to i32
        %sign3A_1362 = arith.subi %sign3A_1358, %sign3A_1361 : i32
        %ne3A_1363 = arith.cmpi ne, %sign3A_1355, %sign3A_1362 : i32
        %rem3A_1364 = arith.remsi %add3A_1346, %jit3A_1347 : i32
        %ne3A_1365 = arith.constant 0 : i32
        %ne3A_1366 = arith.cmpi ne, %rem3A_1364, %ne3A_1365 : i32
        %and3A_1367 = arith.andi %ne3A_1363, %ne3A_1366 : i1
        %sub3A_1368 = arith.constant 1 : i32
        %sub3A_1369 = arith.subi %div3A_1348, %sub3A_1368 : i32
        %select_n3A_1370 = arith.select %and3A_1367, %sub3A_1369, %div3A_1348 : i32
        %jit3A_1371 = arith.constant 64 : i32
        %eq3A_1372 = arith.constant 0 : i32
        %eq3A_1373 = arith.cmpi eq, %jit3A_1371, %eq3A_1372 : i32
        %jit3A_1374 = arith.constant 1 : i32
        %select_n3A_1375 = arith.select %eq3A_1373, %jit3A_1374, %jit3A_1371 : i32
        %rem3A_1376 = arith.remsi %add3A_1346, %select_n3A_1375 : i32
        %ne3A_1377 = arith.constant 0 : i32
        %ne3A_1378 = arith.cmpi ne, %rem3A_1376, %ne3A_1377 : i32
        %lt3A_1379 = arith.constant 0 : i32
        %lt3A_1380 = arith.cmpi slt, %rem3A_1376, %lt3A_1379 : i32
        %lt3A_1381 = arith.constant 0 : i32
        %lt3A_1382 = arith.cmpi slt, %select_n3A_1375, %lt3A_1381 : i32
        %ne3A_1383 = arith.xori %lt3A_1380, %lt3A_1382 : i1
        %and3A_1384 = arith.andi %ne3A_1383, %ne3A_1378 : i1
        %add3A_1385 = arith.addi %rem3A_1376, %select_n3A_1375 : i32
        %select_n3A_1386 = arith.select %and3A_1384, %add3A_1385, %rem3A_1376 : i32
        %mul3A_1387 = arith.constant 2 : i32
        %mul3A_1388 = arith.muli %select_n3A_1386, %mul3A_1387 : i32
        "tpu.region"() ({
          %run_scoped3A = tpu.sem_alloc : memref<!tpu.dma_semaphore, #tpu.memory_space<semaphore_mem>>
          %dma_start3A_1409 = arith.constant 0 : i32
          %dma_start3A_1410 = tpu.memref_slice %arg2[%select_n3A_1370, %mul3A_1388, %dma_start3A_1409] : memref<50x128x128xi32, #tpu.memory_space<hbm>> -> memref<1x2x128xi32, #tpu.memory_space<hbm>>
          %dma_start3A_1411 = tpu.memref_squeeze %dma_start3A_1410 : memref<1x2x128xi32, #tpu.memory_space<hbm>> -> memref<2x128xi32, #tpu.memory_space<hbm>>
          %dma_start3A_1412 = arith.constant 0 : i32
          %dma_start3A_1413 = tpu.memref_slice %arg2[%select_n3A_1370, %mul3A_1388, %dma_start3A_1412] : memref<50x128x128xi32, #tpu.memory_space<hbm>> -> memref<1x2x128xi32, #tpu.memory_space<hbm>>
          %dma_start3A_1414 = tpu.memref_squeeze %dma_start3A_1413 : memref<1x2x128xi32, #tpu.memory_space<hbm>> -> memref<2x128xi32, #tpu.memory_space<hbm>>
          tpu.enqueue_dma source(%dma_start3A_1414 : memref<2x128xi32, #tpu.memory_space<hbm>>) target(%arg5 : memref<2x128xi32, #tpu.memory_space<vmem>>) target_semaphore(%run_scoped3A : memref<!tpu.dma_semaphore, #tpu.memory_space<semaphore_mem>>)
          %dma_wait3A_1415 = arith.constant 0 : i32
          %dma_wait3A_1416 = tpu.memref_slice %arg2[%select_n3A_1370, %mul3A_1388, %dma_wait3A_1415] : memref<50x128x128xi32, #tpu.memory_space<hbm>> -> memref<1x2x128xi32, #tpu.memory_space<hbm>>
          %dma_wait3A_1417 = tpu.memref_squeeze %dma_wait3A_1416 : memref<1x2x128xi32, #tpu.memory_space<hbm>> -> memref<2x128xi32, #tpu.memory_space<hbm>>
          %dma_wait3A_1418 = arith.constant 0 : i32
          %dma_wait3A_1419 = tpu.memref_slice %arg2[%select_n3A_1370, %mul3A_1388, %dma_wait3A_1418] : memref<50x128x128xi32, #tpu.memory_space<hbm>> -> memref<1x2x128xi32, #tpu.memory_space<hbm>>
          %dma_wait3A_1420 = tpu.memref_squeeze %dma_wait3A_1419 : memref<1x2x128xi32, #tpu.memory_space<hbm>> -> memref<2x128xi32, #tpu.memory_space<hbm>>
          tpu.wait_dma2 semaphore(%run_scoped3A : memref<!tpu.dma_semaphore, #tpu.memory_space<semaphore_mem>>) src(%dma_wait3A_1420 : memref<2x128xi32, #tpu.memory_space<hbm>>) dst(%arg5 : memref<2x128xi32, #tpu.memory_space<vmem>>)
          tpu.yield
        }) : () -> ()
        %dma_start3A_1389 = arith.constant 0 : i32
        %dma_start3A_1390 = arith.constant 0 : i32
        %dma_start3A_1391 = arith.constant 0 : i32
        %dma_start3A_1392 = tpu.memref_slice %arg7[%dma_start3A_1390, %dma_start3A_1391] : memref<256x64xf32, #tpu.memory_space<vmem>> -> memref<128x64xf32, #tpu.memory_space<vmem>>
        %dma_start3A_1393 = arith.constant 0 : i32
        %dma_start3A_1394 = tpu.memref_slice %arg5[%dma_start3A_1389, %dma_start3A_1393] : memref<2x128xi32, #tpu.memory_space<vmem>> -> memref<1x128xi32, #tpu.memory_space<vmem>>
        %dma_start3A_1395 = tpu.memref_squeeze %dma_start3A_1394 : memref<1x128xi32, #tpu.memory_space<vmem>> -> memref<128xi32, #tpu.memory_space<vmem>>
        %dma_start3A_1396 = arith.constant 0 : i32
        %dma_start3A_1397 = arith.constant 0 : i32
        %dma_start3A_1398 = tpu.memref_slice %arg3[%dma_start3A_1396, %dma_start3A_1397] : memref<1000000x64xf32, #tpu.memory_space<hbm>> -> memref<1000000x64xf32, #tpu.memory_space<hbm>>
        tpu.enqueue_indirect_dma source(%dma_start3A_1398 : memref<1000000x64xf32, #tpu.memory_space<hbm>>) target(%dma_start3A_1392 : memref<128x64xf32, #tpu.memory_space<vmem>>) offsets(%dma_start3A_1395 : memref<128xi32, #tpu.memory_space<vmem>>) semaphore(%arg11 : memref<!tpu.dma_semaphore, #tpu.memory_space<semaphore_mem>>)
        %dma_start3A_1399 = arith.constant 1 : i32
        %dma_start3A_1400 = arith.constant 128 : i32
        %dma_start3A_1401 = arith.constant 0 : i32
        %dma_start3A_1402 = tpu.memref_slice %arg7[%dma_start3A_1400, %dma_start3A_1401] : memref<256x64xf32, #tpu.memory_space<vmem>> -> memref<128x64xf32, #tpu.memory_space<vmem>>
        %dma_start3A_1403 = arith.constant 0 : i32
        %dma_start3A_1404 = tpu.memref_slice %arg5[%dma_start3A_1399, %dma_start3A_1403] : memref<2x128xi32, #tpu.memory_space<vmem>> -> memref<1x128xi32, #tpu.memory_space<vmem>>
        %dma_start3A_1405 = tpu.memref_squeeze %dma_start3A_1404 : memref<1x128xi32, #tpu.memory_space<vmem>> -> memref<128xi32, #tpu.memory_space<vmem>>
        %dma_start3A_1406 = arith.constant 0 : i32
        %dma_start3A_1407 = arith.constant 0 : i32
        %dma_start3A_1408 = tpu.memref_slice %arg3[%dma_start3A_1406, %dma_start3A_1407] : memref<1000000x64xf32, #tpu.memory_space<hbm>> -> memref<1000000x64xf32, #tpu.memory_space<hbm>>
        tpu.enqueue_indirect_dma source(%dma_start3A_1408 : memref<1000000x64xf32, #tpu.memory_space<hbm>>) target(%dma_start3A_1402 : memref<128x64xf32, #tpu.memory_space<vmem>>) offsets(%dma_start3A_1405 : memref<128xi32, #tpu.memory_space<vmem>>) semaphore(%arg11 : memref<!tpu.dma_semaphore, #tpu.memory_space<semaphore_mem>>)
      } else {
      }
      %dma_wait3A_995 = arith.constant 0 : i32
      %dma_wait3A_996 = arith.constant 0 : i32
      %dma_wait3A_997 = tpu.memref_slice %arg8[%dma_wait3A_995, %dma_wait3A_996] : memref<256x64xf32, #tpu.memory_space<vmem>> -> memref<128x64xf32, #tpu.memory_space<vmem>>
      %dma_wait3A_998 = arith.constant 0 : i32
      %dma_wait3A_999 = arith.constant 0 : i32
      %dma_wait3A_1000 = tpu.memref_slice %arg3[%dma_wait3A_998, %dma_wait3A_999] : memref<1000000x64xf32, #tpu.memory_space<hbm>> -> memref<128x64xf32, #tpu.memory_space<hbm>>
      %dma_wait3A_1001 = arith.constant 0 : i32
      %dma_wait3A_1002 = arith.constant 0 : i32
      %dma_wait3A_1003 = tpu.memref_slice %arg8[%dma_wait3A_1001, %dma_wait3A_1002] : memref<256x64xf32, #tpu.memory_space<vmem>> -> memref<128x64xf32, #tpu.memory_space<vmem>>
      %dma_wait3A_1004 = arith.constant 0 : i32
      %dma_wait3A_1005 = arith.constant 0 : i32
      %dma_wait3A_1006 = tpu.memref_slice %arg3[%dma_wait3A_1004, %dma_wait3A_1005] : memref<1000000x64xf32, #tpu.memory_space<hbm>> -> memref<128x64xf32, #tpu.memory_space<hbm>>
      tpu.wait_dma2 semaphore(%arg12 : memref<!tpu.dma_semaphore, #tpu.memory_space<semaphore_mem>>) src(%dma_wait3A_1006 : memref<128x64xf32, #tpu.memory_space<hbm>>) dst(%dma_wait3A_1003 : memref<128x64xf32, #tpu.memory_space<vmem>>)
      %dma_wait3A_1007 = arith.constant 0 : i32
      %dma_wait3A_1008 = arith.constant 0 : i32
      %dma_wait3A_1009 = tpu.memref_slice %arg8[%dma_wait3A_1007, %dma_wait3A_1008] : memref<256x64xf32, #tpu.memory_space<vmem>> -> memref<128x64xf32, #tpu.memory_space<vmem>>
      %dma_wait3A_1010 = arith.constant 0 : i32
      %dma_wait3A_1011 = arith.constant 0 : i32
      %dma_wait3A_1012 = tpu.memref_slice %arg3[%dma_wait3A_1010, %dma_wait3A_1011] : memref<1000000x64xf32, #tpu.memory_space<hbm>> -> memref<128x64xf32, #tpu.memory_space<hbm>>
      %dma_wait3A_1013 = arith.constant 0 : i32
      %dma_wait3A_1014 = arith.constant 0 : i32
      %dma_wait3A_1015 = tpu.memref_slice %arg8[%dma_wait3A_1013, %dma_wait3A_1014] : memref<256x64xf32, #tpu.memory_space<vmem>> -> memref<128x64xf32, #tpu.memory_space<vmem>>
      %dma_wait3A_1016 = arith.constant 0 : i32
      %dma_wait3A_1017 = arith.constant 0 : i32
      %dma_wait3A_1018 = tpu.memref_slice %arg3[%dma_wait3A_1016, %dma_wait3A_1017] : memref<1000000x64xf32, #tpu.memory_space<hbm>> -> memref<128x64xf32, #tpu.memory_space<hbm>>
      tpu.wait_dma2 semaphore(%arg12 : memref<!tpu.dma_semaphore, #tpu.memory_space<semaphore_mem>>) src(%dma_wait3A_1018 : memref<128x64xf32, #tpu.memory_space<hbm>>) dst(%dma_wait3A_1015 : memref<128x64xf32, #tpu.memory_space<vmem>>)
      %parallel_loop3A_1019 = arith.constant 0 : i32
      %parallel_loop3A_1020 = arith.constant 128 : i32
      %parallel_loop3A_1021 = arith.constant 1 : i32
      scf.for %parallel_loop3A_1339 = %parallel_loop3A_1019 to %parallel_loop3A_1020 step %parallel_loop3A_1021  : i32 {
        %parallel_loop3A_1340 = arith.constant 0 : i32
        %parallel_loop3A_1341 = arith.addi %parallel_loop3A_1340, %parallel_loop3A_1339 : i32
        %parallel_loop3A_1342 = vector.broadcast %parallel_loop3A_1339 : i32 to vector<16xi32>
        %parallel_loop3A_1343 = arith.index_cast %parallel_loop3A_1341 : i32 to index
        %parallel_loop3A_1344 = arith.constant 0 : index
        %parallel_loop3A_1345 = tpu.vector_load %arg8[%parallel_loop3A_1343, %parallel_loop3A_1344] {strides = array<i32>} : memref<256x64xf32, #tpu.memory_space<vmem>>, vector<16xf32>,
        %parallel_loop3A_1346 = arith.constant 8.000000e+00 : f32
        %parallel_loop3A_1347 = vector.broadcast %parallel_loop3A_1346 : f32 to vector<16xf32>
        %parallel_loop3A_1348 = arith.mulf %parallel_loop3A_1345, %parallel_loop3A_1347 : vector<16xf32>
        tpu.vector_store_idx %arg10[%add3A_5, %parallel_loop3A_1342], %parallel_loop3A_1348 : memref<128x129xf32, #tpu.memory_space<vmem>>[vector<16xi32>, vector<16xi32>], vector<16xf32>,
        %parallel_loop3A_1349 = arith.index_cast %parallel_loop3A_1341 : i32 to index
        %parallel_loop3A_1350 = arith.constant 16 : index
        %parallel_loop3A_1351 = tpu.vector_load %arg8[%parallel_loop3A_1349, %parallel_loop3A_1350] {strides = array<i32>} : memref<256x64xf32, #tpu.memory_space<vmem>>, vector<16xf32>,
        %parallel_loop3A_1352 = arith.constant 8.000000e+00 : f32
        %parallel_loop3A_1353 = vector.broadcast %parallel_loop3A_1352 : f32 to vector<16xf32>
        %parallel_loop3A_1354 = arith.mulf %parallel_loop3A_1351, %parallel_loop3A_1353 : vector<16xf32>
        tpu.vector_store_idx %arg10[%add3A_8, %parallel_loop3A_1342], %parallel_loop3A_1354 : memref<128x129xf32, #tpu.memory_space<vmem>>[vector<16xi32>, vector<16xi32>], vector<16xf32>,
        %parallel_loop3A_1355 = arith.index_cast %parallel_loop3A_1341 : i32 to index
        %parallel_loop3A_1356 = arith.constant 32 : index
        %parallel_loop3A_1357 = tpu.vector_load %arg8[%parallel_loop3A_1355, %parallel_loop3A_1356] {strides = array<i32>} : memref<256x64xf32, #tpu.memory_space<vmem>>, vector<16xf32>,
        %parallel_loop3A_1358 = arith.constant 8.000000e+00 : f32
        %parallel_loop3A_1359 = vector.broadcast %parallel_loop3A_1358 : f32 to vector<16xf32>
        %parallel_loop3A_1360 = arith.mulf %parallel_loop3A_1357, %parallel_loop3A_1359 : vector<16xf32>
        tpu.vector_store_idx %arg10[%add3A_11, %parallel_loop3A_1342], %parallel_loop3A_1360 : memref<128x129xf32, #tpu.memory_space<vmem>>[vector<16xi32>, vector<16xi32>], vector<16xf32>,
        %parallel_loop3A_1361 = arith.index_cast %parallel_loop3A_1341 : i32 to index
        %parallel_loop3A_1362 = arith.constant 48 : index
        %parallel_loop3A_1363 = tpu.vector_load %arg8[%parallel_loop3A_1361, %parallel_loop3A_1362] {strides = array<i32>} : memref<256x64xf32, #tpu.memory_space<vmem>>, vector<16xf32>,
        %parallel_loop3A_1364 = arith.constant 8.000000e+00 : f32
        %parallel_loop3A_1365 = vector.broadcast %parallel_loop3A_1364 : f32 to vector<16xf32>
        %parallel_loop3A_1366 = arith.mulf %parallel_loop3A_1363, %parallel_loop3A_1365 : vector<16xf32>
        tpu.vector_store_idx %arg10[%add3A_14, %parallel_loop3A_1342], %parallel_loop3A_1366 : memref<128x129xf32, #tpu.memory_space<vmem>>[vector<16xi32>, vector<16xi32>], vector<16xf32>,
      } {sc.loop_unroll_factor = 4 : i64, sc.parallel_access}
      %parallel_loop3A_1022 = arith.constant 0 : i32
      %parallel_loop3A_1023 = arith.constant 128 : i32
      %parallel_loop3A_1024 = arith.constant 1 : i32
      scf.for %parallel_loop3A_1339 = %parallel_loop3A_1022 to %parallel_loop3A_1023 step %parallel_loop3A_1024  : i32 {
        %parallel_loop3A_1340 = arith.constant 128 : i32
        %parallel_loop3A_1341 = arith.addi %parallel_loop3A_1340, %parallel_loop3A_1339 : i32
        %parallel_loop3A_1342 = vector.broadcast %parallel_loop3A_1339 : i32 to vector<16xi32>
        %parallel_loop3A_1343 = arith.index_cast %parallel_loop3A_1341 : i32 to index
        %parallel_loop3A_1344 = arith.constant 0 : index
        %parallel_loop3A_1345 = tpu.vector_load %arg8[%parallel_loop3A_1343, %parallel_loop3A_1344] {strides = array<i32>} : memref<256x64xf32, #tpu.memory_space<vmem>>, vector<16xf32>,
        %parallel_loop3A_1346 = arith.constant 8.000000e+00 : f32
        %parallel_loop3A_1347 = vector.broadcast %parallel_loop3A_1346 : f32 to vector<16xf32>
        %parallel_loop3A_1348 = arith.mulf %parallel_loop3A_1345, %parallel_loop3A_1347 : vector<16xf32>
        tpu.vector_store_idx %arg10[%add3A_17, %parallel_loop3A_1342], %parallel_loop3A_1348 : memref<128x129xf32, #tpu.memory_space<vmem>>[vector<16xi32>, vector<16xi32>], vector<16xf32>,
        %parallel_loop3A_1349 = arith.index_cast %parallel_loop3A_1341 : i32 to index
        %parallel_loop3A_1350 = arith.constant 16 : index
        %parallel_loop3A_1351 = tpu.vector_load %arg8[%parallel_loop3A_1349, %parallel_loop3A_1350] {strides = array<i32>} : memref<256x64xf32, #tpu.memory_space<vmem>>, vector<16xf32>,
        %parallel_loop3A_1352 = arith.constant 8.000000e+00 : f32
        %parallel_loop3A_1353 = vector.broadcast %parallel_loop3A_1352 : f32 to vector<16xf32>
        %parallel_loop3A_1354 = arith.mulf %parallel_loop3A_1351, %parallel_loop3A_1353 : vector<16xf32>
        tpu.vector_store_idx %arg10[%add3A_20, %parallel_loop3A_1342], %parallel_loop3A_1354 : memref<128x129xf32, #tpu.memory_space<vmem>>[vector<16xi32>, vector<16xi32>], vector<16xf32>,
        %parallel_loop3A_1355 = arith.index_cast %parallel_loop3A_1341 : i32 to index
        %parallel_loop3A_1356 = arith.constant 32 : index
        %parallel_loop3A_1357 = tpu.vector_load %arg8[%parallel_loop3A_1355, %parallel_loop3A_1356] {strides = array<i32>} : memref<256x64xf32, #tpu.memory_space<vmem>>, vector<16xf32>,
        %parallel_loop3A_1358 = arith.constant 8.000000e+00 : f32
        %parallel_loop3A_1359 = vector.broadcast %parallel_loop3A_1358 : f32 to vector<16xf32>
        %parallel_loop3A_1360 = arith.mulf %parallel_loop3A_1357, %parallel_loop3A_1359 : vector<16xf32>
        tpu.vector_store_idx %arg10[%add3A_23, %parallel_loop3A_1342], %parallel_loop3A_1360 : memref<128x129xf32, #tpu.memory_space<vmem>>[vector<16xi32>, vector<16xi32>], vector<16xf32>,
        %parallel_loop3A_1361 = arith.index_cast %parallel_loop3A_1341 : i32 to index
        %parallel_loop3A_1362 = arith.constant 48 : index
        %parallel_loop3A_1363 = tpu.vector_load %arg8[%parallel_loop3A_1361, %parallel_loop3A_1362] {strides = array<i32>} : memref<256x64xf32, #tpu.memory_space<vmem>>, vector<16xf32>,
        %parallel_loop3A_1364 = arith.constant 8.000000e+00 : f32
        %parallel_loop3A_1365 = vector.broadcast %parallel_loop3A_1364 : f32 to vector<16xf32>
        %parallel_loop3A_1366 = arith.mulf %parallel_loop3A_1363, %parallel_loop3A_1365 : vector<16xf32>
        tpu.vector_store_idx %arg10[%add3A_26, %parallel_loop3A_1342], %parallel_loop3A_1366 : memref<128x129xf32, #tpu.memory_space<vmem>>[vector<16xi32>, vector<16xi32>], vector<16xf32>,
      } {sc.loop_unroll_factor = 4 : i64, sc.parallel_access}
      %jit3A_1025 = arith.constant 64 : i32
      %div3A_1026 = arith.divsi %add3A_985, %jit3A_1025 : i32
      %sign3A_1027 = arith.constant 0 : i32
      %sign3A_1028 = arith.cmpi sgt, %add3A_985, %sign3A_1027 : i32
      %sign3A_1029 = arith.extui %sign3A_1028 : i1 to i32
      %sign3A_1030 = arith.constant 0 : i32
      %sign3A_1031 = arith.cmpi slt, %add3A_985, %sign3A_1030 : i32
      %sign3A_1032 = arith.extui %sign3A_1031 : i1 to i32
      %sign3A_1033 = arith.subi %sign3A_1029, %sign3A_1032 : i32
      %sign3A_1034 = arith.constant 0 : i32
      %sign3A_1035 = arith.cmpi sgt, %jit3A_1025, %sign3A_1034 : i32
      %sign3A_1036 = arith.extui %sign3A_1035 : i1 to i32
      %sign3A_1037 = arith.constant 0 : i32
      %sign3A_1038 = arith.cmpi slt, %jit3A_1025, %sign3A_1037 : i32
      %sign3A_1039 = arith.extui %sign3A_1038 : i1 to i32
      %sign3A_1040 = arith.subi %sign3A_1036, %sign3A_1039 : i32
      %ne3A_1041 = arith.cmpi ne, %sign3A_1033, %sign3A_1040 : i32
      %rem3A_1042 = arith.remsi %add3A_985, %jit3A_1025 : i32
      %ne3A_1043 = arith.constant 0 : i32
      %ne3A_1044 = arith.cmpi ne, %rem3A_1042, %ne3A_1043 : i32
      %and3A_1045 = arith.andi %ne3A_1041, %ne3A_1044 : i1
      %sub3A_1046 = arith.constant 1 : i32
      %sub3A_1047 = arith.subi %div3A_1026, %sub3A_1046 : i32
      %select_n3A_1048 = arith.select %and3A_1045, %sub3A_1047, %div3A_1026 : i32
      %jit3A_1049 = arith.constant 64 : i32
      %eq3A_1050 = arith.constant 0 : i32
      %eq3A_1051 = arith.cmpi eq, %jit3A_1049, %eq3A_1050 : i32
      %jit3A_1052 = arith.constant 1 : i32
      %select_n3A_1053 = arith.select %eq3A_1051, %jit3A_1052, %jit3A_1049 : i32
      %rem3A_1054 = arith.remsi %add3A_985, %select_n3A_1053 : i32
      %ne3A_1055 = arith.constant 0 : i32
      %ne3A_1056 = arith.cmpi ne, %rem3A_1054, %ne3A_1055 : i32
      %lt3A_1057 = arith.constant 0 : i32
      %lt3A_1058 = arith.cmpi slt, %rem3A_1054, %lt3A_1057 : i32
      %lt3A_1059 = arith.constant 0 : i32
      %lt3A_1060 = arith.cmpi slt, %select_n3A_1053, %lt3A_1059 : i32
      %ne3A_1061 = arith.xori %lt3A_1058, %lt3A_1060 : i1
      %and3A_1062 = arith.andi %ne3A_1061, %ne3A_1056 : i1
      %add3A_1063 = arith.addi %rem3A_1054, %select_n3A_1053 : i32
      %select_n3A_1064 = arith.select %and3A_1062, %add3A_1063, %rem3A_1054 : i32
      %mul3A_1065 = arith.constant 2 : i32
      %mul3A_1066 = arith.muli %select_n3A_1064, %mul3A_1065 : i32
      %add3A_1067 = arith.constant 0 : i32
      %add3A_1068 = arith.addi %mul3A_1066, %add3A_1067 : i32
      %dma_start3A_1069 = arith.constant 0 : i32
      %dma_start3A_1070 = arith.constant 0 : i32
      %dma_start3A_1071 = arith.constant 0 : i32
      %dma_start3A_1072 = tpu.memref_slice %arg10[%dma_start3A_1070, %dma_start3A_1071] : memref<128x129xf32, #tpu.memory_space<vmem>> -> memref<8x128xf32, #tpu.memory_space<vmem>>
      %dma_start3A_1073 = arith.constant 0 : i32
      %dma_start3A_1074 = arith.constant 0 : i32
      %dma_start3A_1075 = tpu.memref_slice %arg4[%select_n3A_1048, %dma_start3A_1069, %add3A_1068, %dma_start3A_1073, %dma_start3A_1074] : memref<50x8x128x8x128xf32, #tpu.memory_space<hbm>> -> memref<1x1x1x8x128xf32, #tpu.memory_space<hbm>>
      %dma_start3A_1076 = tpu.memref_squeeze %dma_start3A_1075 : memref<1x1x1x8x128xf32, #tpu.memory_space<hbm>> -> memref<8x128xf32, #tpu.memory_space<hbm>>
      %dma_start3A_1077 = arith.constant 0 : i32
      %dma_start3A_1078 = arith.constant 0 : i32
      %dma_start3A_1079 = tpu.memref_slice %arg4[%select_n3A_1048, %dma_start3A_1069, %add3A_1068, %dma_start3A_1077, %dma_start3A_1078] : memref<50x8x128x8x128xf32, #tpu.memory_space<hbm>> -> memref<1x1x1x8x128xf32, #tpu.memory_space<hbm>>
      %dma_start3A_1080 = tpu.memref_squeeze %dma_start3A_1079 : memref<1x1x1x8x128xf32, #tpu.memory_space<hbm>> -> memref<8x128xf32, #tpu.memory_space<hbm>>
      %dma_start3A_1081 = arith.constant 0 : i32
      %dma_start3A_1082 = arith.constant 0 : i32
      %dma_start3A_1083 = tpu.memref_slice %arg10[%dma_start3A_1081, %dma_start3A_1082] : memref<128x129xf32, #tpu.memory_space<vmem>> -> memref<8x128xf32, #tpu.memory_space<vmem>>
      tpu.enqueue_dma source(%dma_start3A_1083 : memref<8x128xf32, #tpu.memory_space<vmem>>) target(%dma_start3A_1080 : memref<8x128xf32, #tpu.memory_space<hbm>>) target_semaphore(%arg14 : memref<!tpu.dma_semaphore, #tpu.memory_space<semaphore_mem>>)
      %add3A_1084 = arith.constant 0 : i32
      %add3A_1085 = arith.addi %mul3A_1066, %add3A_1084 : i32
      %dma_start3A_1086 = arith.constant 1 : i32
      %dma_start3A_1087 = arith.constant 8 : i32
      %dma_start3A_1088 = arith.constant 0 : i32
      %dma_start3A_1089 = tpu.memref_slice %arg10[%dma_start3A_1087, %dma_start3A_1088] : memref<128x129xf32, #tpu.memory_space<vmem>> -> memref<8x128xf32, #tpu.memory_space<vmem>>
      %dma_start3A_1090 = arith.constant 0 : i32
      %dma_start3A_1091 = arith.constant 0 : i32
      %dma_start3A_1092 = tpu.memref_slice %arg4[%select_n3A_1048, %dma_start3A_1086, %add3A_1085, %dma_start3A_1090, %dma_start3A_1091] : memref<50x8x128x8x128xf32, #tpu.memory_space<hbm>> -> memref<1x1x1x8x128xf32, #tpu.memory_space<hbm>>
      %dma_start3A_1093 = tpu.memref_squeeze %dma_start3A_1092 : memref<1x1x1x8x128xf32, #tpu.memory_space<hbm>> -> memref<8x128xf32, #tpu.memory_space<hbm>>
      %dma_start3A_1094 = arith.constant 0 : i32
      %dma_start3A_1095 = arith.constant 0 : i32
      %dma_start3A_1096 = tpu.memref_slice %arg4[%select_n3A_1048, %dma_start3A_1086, %add3A_1085, %dma_start3A_1094, %dma_start3A_1095] : memref<50x8x128x8x128xf32, #tpu.memory_space<hbm>> -> memref<1x1x1x8x128xf32, #tpu.memory_space<hbm>>
      %dma_start3A_1097 = tpu.memref_squeeze %dma_start3A_1096 : memref<1x1x1x8x128xf32, #tpu.memory_space<hbm>> -> memref<8x128xf32, #tpu.memory_space<hbm>>
      %dma_start3A_1098 = arith.constant 8 : i32
      %dma_start3A_1099 = arith.constant 0 : i32
      %dma_start3A_1100 = tpu.memref_slice %arg10[%dma_start3A_1098, %dma_start3A_1099] : memref<128x129xf32, #tpu.memory_space<vmem>> -> memref<8x128xf32, #tpu.memory_space<vmem>>
      tpu.enqueue_dma source(%dma_start3A_1100 : memref<8x128xf32, #tpu.memory_space<vmem>>) target(%dma_start3A_1097 : memref<8x128xf32, #tpu.memory_space<hbm>>) target_semaphore(%arg14 : memref<!tpu.dma_semaphore, #tpu.memory_space<semaphore_mem>>)
      %add3A_1101 = arith.constant 0 : i32
      %add3A_1102 = arith.addi %mul3A_1066, %add3A_1101 : i32
      %dma_start3A_1103 = arith.constant 2 : i32
      %dma_start3A_1104 = arith.constant 16 : i32
      %dma_start3A_1105 = arith.constant 0 : i32
      %dma_start3A_1106 = tpu.memref_slice %arg10[%dma_start3A_1104, %dma_start3A_1105] : memref<128x129xf32, #tpu.memory_space<vmem>> -> memref<8x128xf32, #tpu.memory_space<vmem>>
      %dma_start3A_1107 = arith.constant 0 : i32
      %dma_start3A_1108 = arith.constant 0 : i32
      %dma_start3A_1109 = tpu.memref_slice %arg4[%select_n3A_1048, %dma_start3A_1103, %add3A_1102, %dma_start3A_1107, %dma_start3A_1108] : memref<50x8x128x8x128xf32, #tpu.memory_space<hbm>> -> memref<1x1x1x8x128xf32, #tpu.memory_space<hbm>>
      %dma_start3A_1110 = tpu.memref_squeeze %dma_start3A_1109 : memref<1x1x1x8x128xf32, #tpu.memory_space<hbm>> -> memref<8x128xf32, #tpu.memory_space<hbm>>
      %dma_start3A_1111 = arith.constant 0 : i32
      %dma_start3A_1112 = arith.constant 0 : i32
      %dma_start3A_1113 = tpu.memref_slice %arg4[%select_n3A_1048, %dma_start3A_1103, %add3A_1102, %dma_start3A_1111, %dma_start3A_1112] : memref<50x8x128x8x128xf32, #tpu.memory_space<hbm>> -> memref<1x1x1x8x128xf32, #tpu.memory_space<hbm>>
      %dma_start3A_1114 = tpu.memref_squeeze %dma_start3A_1113 : memref<1x1x1x8x128xf32, #tpu.memory_space<hbm>> -> memref<8x128xf32, #tpu.memory_space<hbm>>
      %dma_start3A_1115 = arith.constant 16 : i32
      %dma_start3A_1116 = arith.constant 0 : i32
      %dma_start3A_1117 = tpu.memref_slice %arg10[%dma_start3A_1115, %dma_start3A_1116] : memref<128x129xf32, #tpu.memory_space<vmem>> -> memref<8x128xf32, #tpu.memory_space<vmem>>
      tpu.enqueue_dma source(%dma_start3A_1117 : memref<8x128xf32, #tpu.memory_space<vmem>>) target(%dma_start3A_1114 : memref<8x128xf32, #tpu.memory_space<hbm>>) target_semaphore(%arg14 : memref<!tpu.dma_semaphore, #tpu.memory_space<semaphore_mem>>)
      %add3A_1118 = arith.constant 0 : i32
      %add3A_1119 = arith.addi %mul3A_1066, %add3A_1118 : i32
      %dma_start3A_1120 = arith.constant 3 : i32
      %dma_start3A_1121 = arith.constant 24 : i32
      %dma_start3A_1122 = arith.constant 0 : i32
      %dma_start3A_1123 = tpu.memref_slice %arg10[%dma_start3A_1121, %dma_start3A_1122] : memref<128x129xf32, #tpu.memory_space<vmem>> -> memref<8x128xf32, #tpu.memory_space<vmem>>
      %dma_start3A_1124 = arith.constant 0 : i32
      %dma_start3A_1125 = arith.constant 0 : i32
      %dma_start3A_1126 = tpu.memref_slice %arg4[%select_n3A_1048, %dma_start3A_1120, %add3A_1119, %dma_start3A_1124, %dma_start3A_1125] : memref<50x8x128x8x128xf32, #tpu.memory_space<hbm>> -> memref<1x1x1x8x128xf32, #tpu.memory_space<hbm>>
      %dma_start3A_1127 = tpu.memref_squeeze %dma_start3A_1126 : memref<1x1x1x8x128xf32, #tpu.memory_space<hbm>> -> memref<8x128xf32, #tpu.memory_space<hbm>>
      %dma_start3A_1128 = arith.constant 0 : i32
      %dma_start3A_1129 = arith.constant 0 : i32
      %dma_start3A_1130 = tpu.memref_slice %arg4[%select_n3A_1048, %dma_start3A_1120, %add3A_1119, %dma_start3A_1128, %dma_start3A_1129] : memref<50x8x128x8x128xf32, #tpu.memory_space<hbm>> -> memref<1x1x1x8x128xf32, #tpu.memory_space<hbm>>
      %dma_start3A_1131 = tpu.memref_squeeze %dma_start3A_1130 : memref<1x1x1x8x128xf32, #tpu.memory_space<hbm>> -> memref<8x128xf32, #tpu.memory_space<hbm>>
      %dma_start3A_1132 = arith.constant 24 : i32
      %dma_start3A_1133 = arith.constant 0 : i32
      %dma_start3A_1134 = tpu.memref_slice %arg10[%dma_start3A_1132, %dma_start3A_1133] : memref<128x129xf32, #tpu.memory_space<vmem>> -> memref<8x128xf32, #tpu.memory_space<vmem>>
      tpu.enqueue_dma source(%dma_start3A_1134 : memref<8x128xf32, #tpu.memory_space<vmem>>) target(%dma_start3A_1131 : memref<8x128xf32, #tpu.memory_space<hbm>>) target_semaphore(%arg14 : memref<!tpu.dma_semaphore, #tpu.memory_space<semaphore_mem>>)
      %add3A_1135 = arith.constant 0 : i32
      %add3A_1136 = arith.addi %mul3A_1066, %add3A_1135 : i32
      %dma_start3A_1137 = arith.constant 4 : i32
      %dma_start3A_1138 = arith.constant 32 : i32
      %dma_start3A_1139 = arith.constant 0 : i32
      %dma_start3A_1140 = tpu.memref_slice %arg10[%dma_start3A_1138, %dma_start3A_1139] : memref<128x129xf32, #tpu.memory_space<vmem>> -> memref<8x128xf32, #tpu.memory_space<vmem>>
      %dma_start3A_1141 = arith.constant 0 : i32
      %dma_start3A_1142 = arith.constant 0 : i32
      %dma_start3A_1143 = tpu.memref_slice %arg4[%select_n3A_1048, %dma_start3A_1137, %add3A_1136, %dma_start3A_1141, %dma_start3A_1142] : memref<50x8x128x8x128xf32, #tpu.memory_space<hbm>> -> memref<1x1x1x8x128xf32, #tpu.memory_space<hbm>>
      %dma_start3A_1144 = tpu.memref_squeeze %dma_start3A_1143 : memref<1x1x1x8x128xf32, #tpu.memory_space<hbm>> -> memref<8x128xf32, #tpu.memory_space<hbm>>
      %dma_start3A_1145 = arith.constant 0 : i32
      %dma_start3A_1146 = arith.constant 0 : i32
      %dma_start3A_1147 = tpu.memref_slice %arg4[%select_n3A_1048, %dma_start3A_1137, %add3A_1136, %dma_start3A_1145, %dma_start3A_1146] : memref<50x8x128x8x128xf32, #tpu.memory_space<hbm>> -> memref<1x1x1x8x128xf32, #tpu.memory_space<hbm>>
      %dma_start3A_1148 = tpu.memref_squeeze %dma_start3A_1147 : memref<1x1x1x8x128xf32, #tpu.memory_space<hbm>> -> memref<8x128xf32, #tpu.memory_space<hbm>>
      %dma_start3A_1149 = arith.constant 32 : i32
      %dma_start3A_1150 = arith.constant 0 : i32
      %dma_start3A_1151 = tpu.memref_slice %arg10[%dma_start3A_1149, %dma_start3A_1150] : memref<128x129xf32, #tpu.memory_space<vmem>> -> memref<8x128xf32, #tpu.memory_space<vmem>>
      tpu.enqueue_dma source(%dma_start3A_1151 : memref<8x128xf32, #tpu.memory_space<vmem>>) target(%dma_start3A_1148 : memref<8x128xf32, #tpu.memory_space<hbm>>) target_semaphore(%arg14 : memref<!tpu.dma_semaphore, #tpu.memory_space<semaphore_mem>>)
      %add3A_1152 = arith.constant 0 : i32
      %add3A_1153 = arith.addi %mul3A_1066, %add3A_1152 : i32
      %dma_start3A_1154 = arith.constant 5 : i32
      %dma_start3A_1155 = arith.constant 40 : i32
      %dma_start3A_1156 = arith.constant 0 : i32
      %dma_start3A_1157 = tpu.memref_slice %arg10[%dma_start3A_1155, %dma_start3A_1156] : memref<128x129xf32, #tpu.memory_space<vmem>> -> memref<8x128xf32, #tpu.memory_space<vmem>>
      %dma_start3A_1158 = arith.constant 0 : i32
      %dma_start3A_1159 = arith.constant 0 : i32
      %dma_start3A_1160 = tpu.memref_slice %arg4[%select_n3A_1048, %dma_start3A_1154, %add3A_1153, %dma_start3A_1158, %dma_start3A_1159] : memref<50x8x128x8x128xf32, #tpu.memory_space<hbm>> -> memref<1x1x1x8x128xf32, #tpu.memory_space<hbm>>
      %dma_start3A_1161 = tpu.memref_squeeze %dma_start3A_1160 : memref<1x1x1x8x128xf32, #tpu.memory_space<hbm>> -> memref<8x128xf32, #tpu.memory_space<hbm>>
      %dma_start3A_1162 = arith.constant 0 : i32
      %dma_start3A_1163 = arith.constant 0 : i32
      %dma_start3A_1164 = tpu.memref_slice %arg4[%select_n3A_1048, %dma_start3A_1154, %add3A_1153, %dma_start3A_1162, %dma_start3A_1163] : memref<50x8x128x8x128xf32, #tpu.memory_space<hbm>> -> memref<1x1x1x8x128xf32, #tpu.memory_space<hbm>>
      %dma_start3A_1165 = tpu.memref_squeeze %dma_start3A_1164 : memref<1x1x1x8x128xf32, #tpu.memory_space<hbm>> -> memref<8x128xf32, #tpu.memory_space<hbm>>
      %dma_start3A_1166 = arith.constant 40 : i32
      %dma_start3A_1167 = arith.constant 0 : i32
      %dma_start3A_1168 = tpu.memref_slice %arg10[%dma_start3A_1166, %dma_start3A_1167] : memref<128x129xf32, #tpu.memory_space<vmem>> -> memref<8x128xf32, #tpu.memory_space<vmem>>
      tpu.enqueue_dma source(%dma_start3A_1168 : memref<8x128xf32, #tpu.memory_space<vmem>>) target(%dma_start3A_1165 : memref<8x128xf32, #tpu.memory_space<hbm>>) target_semaphore(%arg14 : memref<!tpu.dma_semaphore, #tpu.memory_space<semaphore_mem>>)
      %add3A_1169 = arith.constant 0 : i32
      %add3A_1170 = arith.addi %mul3A_1066, %add3A_1169 : i32
      %dma_start3A_1171 = arith.constant 6 : i32
      %dma_start3A_1172 = arith.constant 48 : i32
      %dma_start3A_1173 = arith.constant 0 : i32
      %dma_start3A_1174 = tpu.memref_slice %arg10[%dma_start3A_1172, %dma_start3A_1173] : memref<128x129xf32, #tpu.memory_space<vmem>> -> memref<8x128xf32, #tpu.memory_space<vmem>>
      %dma_start3A_1175 = arith.constant 0 : i32
      %dma_start3A_1176 = arith.constant 0 : i32
      %dma_start3A_1177 = tpu.memref_slice %arg4[%select_n3A_1048, %dma_start3A_1171, %add3A_1170, %dma_start3A_1175, %dma_start3A_1176] : memref<50x8x128x8x128xf32, #tpu.memory_space<hbm>> -> memref<1x1x1x8x128xf32, #tpu.memory_space<hbm>>
      %dma_start3A_1178 = tpu.memref_squeeze %dma_start3A_1177 : memref<1x1x1x8x128xf32, #tpu.memory_space<hbm>> -> memref<8x128xf32, #tpu.memory_space<hbm>>
      %dma_start3A_1179 = arith.constant 0 : i32
      %dma_start3A_1180 = arith.constant 0 : i32
      %dma_start3A_1181 = tpu.memref_slice %arg4[%select_n3A_1048, %dma_start3A_1171, %add3A_1170, %dma_start3A_1179, %dma_start3A_1180] : memref<50x8x128x8x128xf32, #tpu.memory_space<hbm>> -> memref<1x1x1x8x128xf32, #tpu.memory_space<hbm>>
      %dma_start3A_1182 = tpu.memref_squeeze %dma_start3A_1181 : memref<1x1x1x8x128xf32, #tpu.memory_space<hbm>> -> memref<8x128xf32, #tpu.memory_space<hbm>>
      %dma_start3A_1183 = arith.constant 48 : i32
      %dma_start3A_1184 = arith.constant 0 : i32
      %dma_start3A_1185 = tpu.memref_slice %arg10[%dma_start3A_1183, %dma_start3A_1184] : memref<128x129xf32, #tpu.memory_space<vmem>> -> memref<8x128xf32, #tpu.memory_space<vmem>>
      tpu.enqueue_dma source(%dma_start3A_1185 : memref<8x128xf32, #tpu.memory_space<vmem>>) target(%dma_start3A_1182 : memref<8x128xf32, #tpu.memory_space<hbm>>) target_semaphore(%arg14 : memref<!tpu.dma_semaphore, #tpu.memory_space<semaphore_mem>>)
      %add3A_1186 = arith.constant 0 : i32
      %add3A_1187 = arith.addi %mul3A_1066, %add3A_1186 : i32
      %dma_start3A_1188 = arith.constant 7 : i32
      %dma_start3A_1189 = arith.constant 56 : i32
      %dma_start3A_1190 = arith.constant 0 : i32
      %dma_start3A_1191 = tpu.memref_slice %arg10[%dma_start3A_1189, %dma_start3A_1190] : memref<128x129xf32, #tpu.memory_space<vmem>> -> memref<8x128xf32, #tpu.memory_space<vmem>>
      %dma_start3A_1192 = arith.constant 0 : i32
      %dma_start3A_1193 = arith.constant 0 : i32
      %dma_start3A_1194 = tpu.memref_slice %arg4[%select_n3A_1048, %dma_start3A_1188, %add3A_1187, %dma_start3A_1192, %dma_start3A_1193] : memref<50x8x128x8x128xf32, #tpu.memory_space<hbm>> -> memref<1x1x1x8x128xf32, #tpu.memory_space<hbm>>
      %dma_start3A_1195 = tpu.memref_squeeze %dma_start3A_1194 : memref<1x1x1x8x128xf32, #tpu.memory_space<hbm>> -> memref<8x128xf32, #tpu.memory_space<hbm>>
      %dma_start3A_1196 = arith.constant 0 : i32
      %dma_start3A_1197 = arith.constant 0 : i32
      %dma_start3A_1198 = tpu.memref_slice %arg4[%select_n3A_1048, %dma_start3A_1188, %add3A_1187, %dma_start3A_1196, %dma_start3A_1197] : memref<50x8x128x8x128xf32, #tpu.memory_space<hbm>> -> memref<1x1x1x8x128xf32, #tpu.memory_space<hbm>>
      %dma_start3A_1199 = tpu.memref_squeeze %dma_start3A_1198 : memref<1x1x1x8x128xf32, #tpu.memory_space<hbm>> -> memref<8x128xf32, #tpu.memory_space<hbm>>
      %dma_start3A_1200 = arith.constant 56 : i32
      %dma_start3A_1201 = arith.constant 0 : i32
      %dma_start3A_1202 = tpu.memref_slice %arg10[%dma_start3A_1200, %dma_start3A_1201] : memref<128x129xf32, #tpu.memory_space<vmem>> -> memref<8x128xf32, #tpu.memory_space<vmem>>
      tpu.enqueue_dma source(%dma_start3A_1202 : memref<8x128xf32, #tpu.memory_space<vmem>>) target(%dma_start3A_1199 : memref<8x128xf32, #tpu.memory_space<hbm>>) target_semaphore(%arg14 : memref<!tpu.dma_semaphore, #tpu.memory_space<semaphore_mem>>)
      %add3A_1203 = arith.constant 1 : i32
      %add3A_1204 = arith.addi %mul3A_1066, %add3A_1203 : i32
      %dma_start3A_1205 = arith.constant 0 : i32
      %dma_start3A_1206 = arith.constant 64 : i32
      %dma_start3A_1207 = arith.constant 0 : i32
      %dma_start3A_1208 = tpu.memref_slice %arg10[%dma_start3A_1206, %dma_start3A_1207] : memref<128x129xf32, #tpu.memory_space<vmem>> -> memref<8x128xf32, #tpu.memory_space<vmem>>
      %dma_start3A_1209 = arith.constant 0 : i32
      %dma_start3A_1210 = arith.constant 0 : i32
      %dma_start3A_1211 = tpu.memref_slice %arg4[%select_n3A_1048, %dma_start3A_1205, %add3A_1204, %dma_start3A_1209, %dma_start3A_1210] : memref<50x8x128x8x128xf32, #tpu.memory_space<hbm>> -> memref<1x1x1x8x128xf32, #tpu.memory_space<hbm>>
      %dma_start3A_1212 = tpu.memref_squeeze %dma_start3A_1211 : memref<1x1x1x8x128xf32, #tpu.memory_space<hbm>> -> memref<8x128xf32, #tpu.memory_space<hbm>>
      %dma_start3A_1213 = arith.constant 0 : i32
      %dma_start3A_1214 = arith.constant 0 : i32
      %dma_start3A_1215 = tpu.memref_slice %arg4[%select_n3A_1048, %dma_start3A_1205, %add3A_1204, %dma_start3A_1213, %dma_start3A_1214] : memref<50x8x128x8x128xf32, #tpu.memory_space<hbm>> -> memref<1x1x1x8x128xf32, #tpu.memory_space<hbm>>
      %dma_start3A_1216 = tpu.memref_squeeze %dma_start3A_1215 : memref<1x1x1x8x128xf32, #tpu.memory_space<hbm>> -> memref<8x128xf32, #tpu.memory_space<hbm>>
      %dma_start3A_1217 = arith.constant 64 : i32
      %dma_start3A_1218 = arith.constant 0 : i32
      %dma_start3A_1219 = tpu.memref_slice %arg10[%dma_start3A_1217, %dma_start3A_1218] : memref<128x129xf32, #tpu.memory_space<vmem>> -> memref<8x128xf32, #tpu.memory_space<vmem>>
      tpu.enqueue_dma source(%dma_start3A_1219 : memref<8x128xf32, #tpu.memory_space<vmem>>) target(%dma_start3A_1216 : memref<8x128xf32, #tpu.memory_space<hbm>>) target_semaphore(%arg14 : memref<!tpu.dma_semaphore, #tpu.memory_space<semaphore_mem>>)
      %add3A_1220 = arith.constant 1 : i32
      %add3A_1221 = arith.addi %mul3A_1066, %add3A_1220 : i32
      %dma_start3A_1222 = arith.constant 1 : i32
      %dma_start3A_1223 = arith.constant 72 : i32
      %dma_start3A_1224 = arith.constant 0 : i32
      %dma_start3A_1225 = tpu.memref_slice %arg10[%dma_start3A_1223, %dma_start3A_1224] : memref<128x129xf32, #tpu.memory_space<vmem>> -> memref<8x128xf32, #tpu.memory_space<vmem>>
      %dma_start3A_1226 = arith.constant 0 : i32
      %dma_start3A_1227 = arith.constant 0 : i32
      %dma_start3A_1228 = tpu.memref_slice %arg4[%select_n3A_1048, %dma_start3A_1222, %add3A_1221, %dma_start3A_1226, %dma_start3A_1227] : memref<50x8x128x8x128xf32, #tpu.memory_space<hbm>> -> memref<1x1x1x8x128xf32, #tpu.memory_space<hbm>>
      %dma_start3A_1229 = tpu.memref_squeeze %dma_start3A_1228 : memref<1x1x1x8x128xf32, #tpu.memory_space<hbm>> -> memref<8x128xf32, #tpu.memory_space<hbm>>
      %dma_start3A_1230 = arith.constant 0 : i32
      %dma_start3A_1231 = arith.constant 0 : i32
      %dma_start3A_1232 = tpu.memref_slice %arg4[%select_n3A_1048, %dma_start3A_1222, %add3A_1221, %dma_start3A_1230, %dma_start3A_1231] : memref<50x8x128x8x128xf32, #tpu.memory_space<hbm>> -> memref<1x1x1x8x128xf32, #tpu.memory_space<hbm>>
      %dma_start3A_1233 = tpu.memref_squeeze %dma_start3A_1232 : memref<1x1x1x8x128xf32, #tpu.memory_space<hbm>> -> memref<8x128xf32, #tpu.memory_space<hbm>>
      %dma_start3A_1234 = arith.constant 72 : i32
      %dma_start3A_1235 = arith.constant 0 : i32
      %dma_start3A_1236 = tpu.memref_slice %arg10[%dma_start3A_1234, %dma_start3A_1235] : memref<128x129xf32, #tpu.memory_space<vmem>> -> memref<8x128xf32, #tpu.memory_space<vmem>>
      tpu.enqueue_dma source(%dma_start3A_1236 : memref<8x128xf32, #tpu.memory_space<vmem>>) target(%dma_start3A_1233 : memref<8x128xf32, #tpu.memory_space<hbm>>) target_semaphore(%arg14 : memref<!tpu.dma_semaphore, #tpu.memory_space<semaphore_mem>>)
      %add3A_1237 = arith.constant 1 : i32
      %add3A_1238 = arith.addi %mul3A_1066, %add3A_1237 : i32
      %dma_start3A_1239 = arith.constant 2 : i32
      %dma_start3A_1240 = arith.constant 80 : i32
      %dma_start3A_1241 = arith.constant 0 : i32
      %dma_start3A_1242 = tpu.memref_slice %arg10[%dma_start3A_1240, %dma_start3A_1241] : memref<128x129xf32, #tpu.memory_space<vmem>> -> memref<8x128xf32, #tpu.memory_space<vmem>>
      %dma_start3A_1243 = arith.constant 0 : i32
      %dma_start3A_1244 = arith.constant 0 : i32
      %dma_start3A_1245 = tpu.memref_slice %arg4[%select_n3A_1048, %dma_start3A_1239, %add3A_1238, %dma_start3A_1243, %dma_start3A_1244] : memref<50x8x128x8x128xf32, #tpu.memory_space<hbm>> -> memref<1x1x1x8x128xf32, #tpu.memory_space<hbm>>
      %dma_start3A_1246 = tpu.memref_squeeze %dma_start3A_1245 : memref<1x1x1x8x128xf32, #tpu.memory_space<hbm>> -> memref<8x128xf32, #tpu.memory_space<hbm>>
      %dma_start3A_1247 = arith.constant 0 : i32
      %dma_start3A_1248 = arith.constant 0 : i32
      %dma_start3A_1249 = tpu.memref_slice %arg4[%select_n3A_1048, %dma_start3A_1239, %add3A_1238, %dma_start3A_1247, %dma_start3A_1248] : memref<50x8x128x8x128xf32, #tpu.memory_space<hbm>> -> memref<1x1x1x8x128xf32, #tpu.memory_space<hbm>>
      %dma_start3A_1250 = tpu.memref_squeeze %dma_start3A_1249 : memref<1x1x1x8x128xf32, #tpu.memory_space<hbm>> -> memref<8x128xf32, #tpu.memory_space<hbm>>
      %dma_start3A_1251 = arith.constant 80 : i32
      %dma_start3A_1252 = arith.constant 0 : i32
      %dma_start3A_1253 = tpu.memref_slice %arg10[%dma_start3A_1251, %dma_start3A_1252] : memref<128x129xf32, #tpu.memory_space<vmem>> -> memref<8x128xf32, #tpu.memory_space<vmem>>
      tpu.enqueue_dma source(%dma_start3A_1253 : memref<8x128xf32, #tpu.memory_space<vmem>>) target(%dma_start3A_1250 : memref<8x128xf32, #tpu.memory_space<hbm>>) target_semaphore(%arg14 : memref<!tpu.dma_semaphore, #tpu.memory_space<semaphore_mem>>)
      %add3A_1254 = arith.constant 1 : i32
      %add3A_1255 = arith.addi %mul3A_1066, %add3A_1254 : i32
      %dma_start3A_1256 = arith.constant 3 : i32
      %dma_start3A_1257 = arith.constant 88 : i32
      %dma_start3A_1258 = arith.constant 0 : i32
      %dma_start3A_1259 = tpu.memref_slice %arg10[%dma_start3A_1257, %dma_start3A_1258] : memref<128x129xf32, #tpu.memory_space<vmem>> -> memref<8x128xf32, #tpu.memory_space<vmem>>
      %dma_start3A_1260 = arith.constant 0 : i32
      %dma_start3A_1261 = arith.constant 0 : i32
      %dma_start3A_1262 = tpu.memref_slice %arg4[%select_n3A_1048, %dma_start3A_1256, %add3A_1255, %dma_start3A_1260, %dma_start3A_1261] : memref<50x8x128x8x128xf32, #tpu.memory_space<hbm>> -> memref<1x1x1x8x128xf32, #tpu.memory_space<hbm>>
      %dma_start3A_1263 = tpu.memref_squeeze %dma_start3A_1262 : memref<1x1x1x8x128xf32, #tpu.memory_space<hbm>> -> memref<8x128xf32, #tpu.memory_space<hbm>>
      %dma_start3A_1264 = arith.constant 0 : i32
      %dma_start3A_1265 = arith.constant 0 : i32
      %dma_start3A_1266 = tpu.memref_slice %arg4[%select_n3A_1048, %dma_start3A_1256, %add3A_1255, %dma_start3A_1264, %dma_start3A_1265] : memref<50x8x128x8x128xf32, #tpu.memory_space<hbm>> -> memref<1x1x1x8x128xf32, #tpu.memory_space<hbm>>
      %dma_start3A_1267 = tpu.memref_squeeze %dma_start3A_1266 : memref<1x1x1x8x128xf32, #tpu.memory_space<hbm>> -> memref<8x128xf32, #tpu.memory_space<hbm>>
      %dma_start3A_1268 = arith.constant 88 : i32
      %dma_start3A_1269 = arith.constant 0 : i32
      %dma_start3A_1270 = tpu.memref_slice %arg10[%dma_start3A_1268, %dma_start3A_1269] : memref<128x129xf32, #tpu.memory_space<vmem>> -> memref<8x128xf32, #tpu.memory_space<vmem>>
      tpu.enqueue_dma source(%dma_start3A_1270 : memref<8x128xf32, #tpu.memory_space<vmem>>) target(%dma_start3A_1267 : memref<8x128xf32, #tpu.memory_space<hbm>>) target_semaphore(%arg14 : memref<!tpu.dma_semaphore, #tpu.memory_space<semaphore_mem>>)
      %add3A_1271 = arith.constant 1 : i32
      %add3A_1272 = arith.addi %mul3A_1066, %add3A_1271 : i32
      %dma_start3A_1273 = arith.constant 4 : i32
      %dma_start3A_1274 = arith.constant 96 : i32
      %dma_start3A_1275 = arith.constant 0 : i32
      %dma_start3A_1276 = tpu.memref_slice %arg10[%dma_start3A_1274, %dma_start3A_1275] : memref<128x129xf32, #tpu.memory_space<vmem>> -> memref<8x128xf32, #tpu.memory_space<vmem>>
      %dma_start3A_1277 = arith.constant 0 : i32
      %dma_start3A_1278 = arith.constant 0 : i32
      %dma_start3A_1279 = tpu.memref_slice %arg4[%select_n3A_1048, %dma_start3A_1273, %add3A_1272, %dma_start3A_1277, %dma_start3A_1278] : memref<50x8x128x8x128xf32, #tpu.memory_space<hbm>> -> memref<1x1x1x8x128xf32, #tpu.memory_space<hbm>>
      %dma_start3A_1280 = tpu.memref_squeeze %dma_start3A_1279 : memref<1x1x1x8x128xf32, #tpu.memory_space<hbm>> -> memref<8x128xf32, #tpu.memory_space<hbm>>
      %dma_start3A_1281 = arith.constant 0 : i32
      %dma_start3A_1282 = arith.constant 0 : i32
      %dma_start3A_1283 = tpu.memref_slice %arg4[%select_n3A_1048, %dma_start3A_1273, %add3A_1272, %dma_start3A_1281, %dma_start3A_1282] : memref<50x8x128x8x128xf32, #tpu.memory_space<hbm>> -> memref<1x1x1x8x128xf32, #tpu.memory_space<hbm>>
      %dma_start3A_1284 = tpu.memref_squeeze %dma_start3A_1283 : memref<1x1x1x8x128xf32, #tpu.memory_space<hbm>> -> memref<8x128xf32, #tpu.memory_space<hbm>>
      %dma_start3A_1285 = arith.constant 96 : i32
      %dma_start3A_1286 = arith.constant 0 : i32
      %dma_start3A_1287 = tpu.memref_slice %arg10[%dma_start3A_1285, %dma_start3A_1286] : memref<128x129xf32, #tpu.memory_space<vmem>> -> memref<8x128xf32, #tpu.memory_space<vmem>>
      tpu.enqueue_dma source(%dma_start3A_1287 : memref<8x128xf32, #tpu.memory_space<vmem>>) target(%dma_start3A_1284 : memref<8x128xf32, #tpu.memory_space<hbm>>) target_semaphore(%arg14 : memref<!tpu.dma_semaphore, #tpu.memory_space<semaphore_mem>>)
      %add3A_1288 = arith.constant 1 : i32
      %add3A_1289 = arith.addi %mul3A_1066, %add3A_1288 : i32
      %dma_start3A_1290 = arith.constant 5 : i32
      %dma_start3A_1291 = arith.constant 104 : i32
      %dma_start3A_1292 = arith.constant 0 : i32
      %dma_start3A_1293 = tpu.memref_slice %arg10[%dma_start3A_1291, %dma_start3A_1292] : memref<128x129xf32, #tpu.memory_space<vmem>> -> memref<8x128xf32, #tpu.memory_space<vmem>>
      %dma_start3A_1294 = arith.constant 0 : i32
      %dma_start3A_1295 = arith.constant 0 : i32
      %dma_start3A_1296 = tpu.memref_slice %arg4[%select_n3A_1048, %dma_start3A_1290, %add3A_1289, %dma_start3A_1294, %dma_start3A_1295] : memref<50x8x128x8x128xf32, #tpu.memory_space<hbm>> -> memref<1x1x1x8x128xf32, #tpu.memory_space<hbm>>
      %dma_start3A_1297 = tpu.memref_squeeze %dma_start3A_1296 : memref<1x1x1x8x128xf32, #tpu.memory_space<hbm>> -> memref<8x128xf32, #tpu.memory_space<hbm>>
      %dma_start3A_1298 = arith.constant 0 : i32
      %dma_start3A_1299 = arith.constant 0 : i32
      %dma_start3A_1300 = tpu.memref_slice %arg4[%select_n3A_1048, %dma_start3A_1290, %add3A_1289, %dma_start3A_1298, %dma_start3A_1299] : memref<50x8x128x8x128xf32, #tpu.memory_space<hbm>> -> memref<1x1x1x8x128xf32, #tpu.memory_space<hbm>>
      %dma_start3A_1301 = tpu.memref_squeeze %dma_start3A_1300 : memref<1x1x1x8x128xf32, #tpu.memory_space<hbm>> -> memref<8x128xf32, #tpu.memory_space<hbm>>
      %dma_start3A_1302 = arith.constant 104 : i32
      %dma_start3A_1303 = arith.constant 0 : i32
      %dma_start3A_1304 = tpu.memref_slice %arg10[%dma_start3A_1302, %dma_start3A_1303] : memref<128x129xf32, #tpu.memory_space<vmem>> -> memref<8x128xf32, #tpu.memory_space<vmem>>
      tpu.enqueue_dma source(%dma_start3A_1304 : memref<8x128xf32, #tpu.memory_space<vmem>>) target(%dma_start3A_1301 : memref<8x128xf32, #tpu.memory_space<hbm>>) target_semaphore(%arg14 : memref<!tpu.dma_semaphore, #tpu.memory_space<semaphore_mem>>)
      %add3A_1305 = arith.constant 1 : i32
      %add3A_1306 = arith.addi %mul3A_1066, %add3A_1305 : i32
      %dma_start3A_1307 = arith.constant 6 : i32
      %dma_start3A_1308 = arith.constant 112 : i32
      %dma_start3A_1309 = arith.constant 0 : i32
      %dma_start3A_1310 = tpu.memref_slice %arg10[%dma_start3A_1308, %dma_start3A_1309] : memref<128x129xf32, #tpu.memory_space<vmem>> -> memref<8x128xf32, #tpu.memory_space<vmem>>
      %dma_start3A_1311 = arith.constant 0 : i32
      %dma_start3A_1312 = arith.constant 0 : i32
      %dma_start3A_1313 = tpu.memref_slice %arg4[%select_n3A_1048, %dma_start3A_1307, %add3A_1306, %dma_start3A_1311, %dma_start3A_1312] : memref<50x8x128x8x128xf32, #tpu.memory_space<hbm>> -> memref<1x1x1x8x128xf32, #tpu.memory_space<hbm>>
      %dma_start3A_1314 = tpu.memref_squeeze %dma_start3A_1313 : memref<1x1x1x8x128xf32, #tpu.memory_space<hbm>> -> memref<8x128xf32, #tpu.memory_space<hbm>>
      %dma_start3A_1315 = arith.constant 0 : i32
      %dma_start3A_1316 = arith.constant 0 : i32
      %dma_start3A_1317 = tpu.memref_slice %arg4[%select_n3A_1048, %dma_start3A_1307, %add3A_1306, %dma_start3A_1315, %dma_start3A_1316] : memref<50x8x128x8x128xf32, #tpu.memory_space<hbm>> -> memref<1x1x1x8x128xf32, #tpu.memory_space<hbm>>
      %dma_start3A_1318 = tpu.memref_squeeze %dma_start3A_1317 : memref<1x1x1x8x128xf32, #tpu.memory_space<hbm>> -> memref<8x128xf32, #tpu.memory_space<hbm>>
      %dma_start3A_1319 = arith.constant 112 : i32
      %dma_start3A_1320 = arith.constant 0 : i32
      %dma_start3A_1321 = tpu.memref_slice %arg10[%dma_start3A_1319, %dma_start3A_1320] : memref<128x129xf32, #tpu.memory_space<vmem>> -> memref<8x128xf32, #tpu.memory_space<vmem>>
      tpu.enqueue_dma source(%dma_start3A_1321 : memref<8x128xf32, #tpu.memory_space<vmem>>) target(%dma_start3A_1318 : memref<8x128xf32, #tpu.memory_space<hbm>>) target_semaphore(%arg14 : memref<!tpu.dma_semaphore, #tpu.memory_space<semaphore_mem>>)
      %add3A_1322 = arith.constant 1 : i32
      %add3A_1323 = arith.addi %mul3A_1066, %add3A_1322 : i32
      %dma_start3A_1324 = arith.constant 7 : i32
      %dma_start3A_1325 = arith.constant 120 : i32
      %dma_start3A_1326 = arith.constant 0 : i32
      %dma_start3A_1327 = tpu.memref_slice %arg10[%dma_start3A_1325, %dma_start3A_1326] : memref<128x129xf32, #tpu.memory_space<vmem>> -> memref<8x128xf32, #tpu.memory_space<vmem>>
      %dma_start3A_1328 = arith.constant 0 : i32
      %dma_start3A_1329 = arith.constant 0 : i32
      %dma_start3A_1330 = tpu.memref_slice %arg4[%select_n3A_1048, %dma_start3A_1324, %add3A_1323, %dma_start3A_1328, %dma_start3A_1329] : memref<50x8x128x8x128xf32, #tpu.memory_space<hbm>> -> memref<1x1x1x8x128xf32, #tpu.memory_space<hbm>>
      %dma_start3A_1331 = tpu.memref_squeeze %dma_start3A_1330 : memref<1x1x1x8x128xf32, #tpu.memory_space<hbm>> -> memref<8x128xf32, #tpu.memory_space<hbm>>
      %dma_start3A_1332 = arith.constant 0 : i32
      %dma_start3A_1333 = arith.constant 0 : i32
      %dma_start3A_1334 = tpu.memref_slice %arg4[%select_n3A_1048, %dma_start3A_1324, %add3A_1323, %dma_start3A_1332, %dma_start3A_1333] : memref<50x8x128x8x128xf32, #tpu.memory_space<hbm>> -> memref<1x1x1x8x128xf32, #tpu.memory_space<hbm>>
      %dma_start3A_1335 = tpu.memref_squeeze %dma_start3A_1334 : memref<1x1x1x8x128xf32, #tpu.memory_space<hbm>> -> memref<8x128xf32, #tpu.memory_space<hbm>>
      %dma_start3A_1336 = arith.constant 120 : i32
      %dma_start3A_1337 = arith.constant 0 : i32
      %dma_start3A_1338 = tpu.memref_slice %arg10[%dma_start3A_1336, %dma_start3A_1337] : memref<128x129xf32, #tpu.memory_space<vmem>> -> memref<8x128xf32, #tpu.memory_space<vmem>>
      tpu.enqueue_dma source(%dma_start3A_1338 : memref<8x128xf32, #tpu.memory_space<vmem>>) target(%dma_start3A_1335 : memref<8x128xf32, #tpu.memory_space<hbm>>) target_semaphore(%arg14 : memref<!tpu.dma_semaphore, #tpu.memory_space<semaphore_mem>>)
    }
    %scan3A_81 = arith.constant 50 : i32
    %dma_wait3A = arith.constant 0 : i32
    %dma_wait3A_82 = arith.constant 0 : i32
    %dma_wait3A_83 = arith.constant 0 : i32
    %dma_wait3A_84 = arith.constant 0 : i32
    %dma_wait3A_85 = arith.constant 0 : i32
    %dma_wait3A_86 = tpu.memref_slice %arg9[%dma_wait3A_84, %dma_wait3A_85] : memref<128x129xf32, #tpu.memory_space<vmem>> -> memref<8x128xf32, #tpu.memory_space<vmem>>
    %dma_wait3A_87 = arith.constant 0 : i32
    %dma_wait3A_88 = arith.constant 0 : i32
    %dma_wait3A_89 = tpu.memref_slice %arg4[%dma_wait3A, %dma_wait3A_82, %dma_wait3A_83, %dma_wait3A_87, %dma_wait3A_88] : memref<50x8x128x8x128xf32, #tpu.memory_space<hbm>> -> memref<1x1x1x8x128xf32, #tpu.memory_space<hbm>>
    %dma_wait3A_90 = tpu.memref_squeeze %dma_wait3A_89 : memref<1x1x1x8x128xf32, #tpu.memory_space<hbm>> -> memref<8x128xf32, #tpu.memory_space<hbm>>
    %dma_wait3A_91 = arith.constant 0 : i32
    %dma_wait3A_92 = arith.constant 0 : i32
    %dma_wait3A_93 = tpu.memref_slice %arg4[%dma_wait3A, %dma_wait3A_82, %dma_wait3A_83, %dma_wait3A_91, %dma_wait3A_92] : memref<50x8x128x8x128xf32, #tpu.memory_space<hbm>> -> memref<1x1x1x8x128xf32, #tpu.memory_space<hbm>>
    %dma_wait3A_94 = tpu.memref_squeeze %dma_wait3A_93 : memref<1x1x1x8x128xf32, #tpu.memory_space<hbm>> -> memref<8x128xf32, #tpu.memory_space<hbm>>
    %dma_wait3A_95 = arith.constant 0 : i32
    %dma_wait3A_96 = arith.constant 0 : i32
    %dma_wait3A_97 = tpu.memref_slice %arg9[%dma_wait3A_95, %dma_wait3A_96] : memref<128x129xf32, #tpu.memory_space<vmem>> -> memref<8x128xf32, #tpu.memory_space<vmem>>
    tpu.wait_dma2 semaphore(%arg13 : memref<!tpu.dma_semaphore, #tpu.memory_space<semaphore_mem>>) src(%dma_wait3A_97 : memref<8x128xf32, #tpu.memory_space<vmem>>) dst(%dma_wait3A_94 : memref<8x128xf32, #tpu.memory_space<hbm>>)
    %dma_wait3A_98 = arith.constant 0 : i32
    %dma_wait3A_99 = arith.constant 0 : i32
    %dma_wait3A_100 = arith.constant 0 : i32
    %dma_wait3A_101 = arith.constant 0 : i32
    %dma_wait3A_102 = arith.constant 0 : i32
    %dma_wait3A_103 = tpu.memref_slice %arg9[%dma_wait3A_101, %dma_wait3A_102] : memref<128x129xf32, #tpu.memory_space<vmem>> -> memref<8x128xf32, #tpu.memory_space<vmem>>
    %dma_wait3A_104 = arith.constant 0 : i32
    %dma_wait3A_105 = arith.constant 0 : i32
    %dma_wait3A_106 = tpu.memref_slice %arg4[%dma_wait3A_98, %dma_wait3A_99, %dma_wait3A_100, %dma_wait3A_104, %dma_wait3A_105] : memref<50x8x128x8x128xf32, #tpu.memory_space<hbm>> -> memref<1x1x1x8x128xf32, #tpu.memory_space<hbm>>
    %dma_wait3A_107 = tpu.memref_squeeze %dma_wait3A_106 : memref<1x1x1x8x128xf32, #tpu.memory_space<hbm>> -> memref<8x128xf32, #tpu.memory_space<hbm>>
    %dma_wait3A_108 = arith.constant 0 : i32
    %dma_wait3A_109 = arith.constant 0 : i32
    %dma_wait3A_110 = tpu.memref_slice %arg4[%dma_wait3A_98, %dma_wait3A_99, %dma_wait3A_100, %dma_wait3A_108, %dma_wait3A_109] : memref<50x8x128x8x128xf32, #tpu.memory_space<hbm>> -> memref<1x1x1x8x128xf32, #tpu.memory_space<hbm>>
    %dma_wait3A_111 = tpu.memref_squeeze %dma_wait3A_110 : memref<1x1x1x8x128xf32, #tpu.memory_space<hbm>> -> memref<8x128xf32, #tpu.memory_space<hbm>>
    %dma_wait3A_112 = arith.constant 0 : i32
    %dma_wait3A_113 = arith.constant 0 : i32
    %dma_wait3A_114 = tpu.memref_slice %arg9[%dma_wait3A_112, %dma_wait3A_113] : memref<128x129xf32, #tpu.memory_space<vmem>> -> memref<8x128xf32, #tpu.memory_space<vmem>>
    tpu.wait_dma2 semaphore(%arg13 : memref<!tpu.dma_semaphore, #tpu.memory_space<semaphore_mem>>) src(%dma_wait3A_114 : memref<8x128xf32, #tpu.memory_space<vmem>>) dst(%dma_wait3A_111 : memref<8x128xf32, #tpu.memory_space<hbm>>)
    %dma_wait3A_115 = arith.constant 0 : i32
    %dma_wait3A_116 = arith.constant 0 : i32
    %dma_wait3A_117 = arith.constant 0 : i32
    %dma_wait3A_118 = arith.constant 0 : i32
    %dma_wait3A_119 = arith.constant 0 : i32
    %dma_wait3A_120 = tpu.memref_slice %arg9[%dma_wait3A_118, %dma_wait3A_119] : memref<128x129xf32, #tpu.memory_space<vmem>> -> memref<8x128xf32, #tpu.memory_space<vmem>>
    %dma_wait3A_121 = arith.constant 0 : i32
    %dma_wait3A_122 = arith.constant 0 : i32
    %dma_wait3A_123 = tpu.memref_slice %arg4[%dma_wait3A_115, %dma_wait3A_116, %dma_wait3A_117, %dma_wait3A_121, %dma_wait3A_122] : memref<50x8x128x8x128xf32, #tpu.memory_space<hbm>> -> memref<1x1x1x8x128xf32, #tpu.memory_space<hbm>>
    %dma_wait3A_124 = tpu.memref_squeeze %dma_wait3A_123 : memref<1x1x1x8x128xf32, #tpu.memory_space<hbm>> -> memref<8x128xf32, #tpu.memory_space<hbm>>
    %dma_wait3A_125 = arith.constant 0 : i32
    %dma_wait3A_126 = arith.constant 0 : i32
    %dma_wait3A_127 = tpu.memref_slice %arg4[%dma_wait3A_115, %dma_wait3A_116, %dma_wait3A_117, %dma_wait3A_125, %dma_wait3A_126] : memref<50x8x128x8x128xf32, #tpu.memory_space<hbm>> -> memref<1x1x1x8x128xf32, #tpu.memory_space<hbm>>
    %dma_wait3A_128 = tpu.memref_squeeze %dma_wait3A_127 : memref<1x1x1x8x128xf32, #tpu.memory_space<hbm>> -> memref<8x128xf32, #tpu.memory_space<hbm>>
    %dma_wait3A_129 = arith.constant 0 : i32
    %dma_wait3A_130 = arith.constant 0 : i32
    %dma_wait3A_131 = tpu.memref_slice %arg9[%dma_wait3A_129, %dma_wait3A_130] : memref<128x129xf32, #tpu.memory_space<vmem>> -> memref<8x128xf32, #tpu.memory_space<vmem>>
    tpu.wait_dma2 semaphore(%arg13 : memref<!tpu.dma_semaphore, #tpu.memory_space<semaphore_mem>>) src(%dma_wait3A_131 : memref<8x128xf32, #tpu.memory_space<vmem>>) dst(%dma_wait3A_128 : memref<8x128xf32, #tpu.memory_space<hbm>>)
    %dma_wait3A_132 = arith.constant 0 : i32
    %dma_wait3A_133 = arith.constant 0 : i32
    %dma_wait3A_134 = arith.constant 0 : i32
    %dma_wait3A_135 = arith.constant 0 : i32
    %dma_wait3A_136 = arith.constant 0 : i32
    %dma_wait3A_137 = tpu.memref_slice %arg9[%dma_wait3A_135, %dma_wait3A_136] : memref<128x129xf32, #tpu.memory_space<vmem>> -> memref<8x128xf32, #tpu.memory_space<vmem>>
    %dma_wait3A_138 = arith.constant 0 : i32
    %dma_wait3A_139 = arith.constant 0 : i32
    %dma_wait3A_140 = tpu.memref_slice %arg4[%dma_wait3A_132, %dma_wait3A_133, %dma_wait3A_134, %dma_wait3A_138, %dma_wait3A_139] : memref<50x8x128x8x128xf32, #tpu.memory_space<hbm>> -> memref<1x1x1x8x128xf32, #tpu.memory_space<hbm>>
    %dma_wait3A_141 = tpu.memref_squeeze %dma_wait3A_140 : memref<1x1x1x8x128xf32, #tpu.memory_space<hbm>> -> memref<8x128xf32, #tpu.memory_space<hbm>>
    %dma_wait3A_142 = arith.constant 0 : i32
    %dma_wait3A_143 = arith.constant 0 : i32
    %dma_wait3A_144 = tpu.memref_slice %arg4[%dma_wait3A_132, %dma_wait3A_133, %dma_wait3A_134, %dma_wait3A_142, %dma_wait3A_143] : memref<50x8x128x8x128xf32, #tpu.memory_space<hbm>> -> memref<1x1x1x8x128xf32, #tpu.memory_space<hbm>>
    %dma_wait3A_145 = tpu.memref_squeeze %dma_wait3A_144 : memref<1x1x1x8x128xf32, #tpu.memory_space<hbm>> -> memref<8x128xf32, #tpu.memory_space<hbm>>
    %dma_wait3A_146 = arith.constant 0 : i32
    %dma_wait3A_147 = arith.constant 0 : i32
    %dma_wait3A_148 = tpu.memref_slice %arg9[%dma_wait3A_146, %dma_wait3A_147] : memref<128x129xf32, #tpu.memory_space<vmem>> -> memref<8x128xf32, #tpu.memory_space<vmem>>
    tpu.wait_dma2 semaphore(%arg13 : memref<!tpu.dma_semaphore, #tpu.memory_space<semaphore_mem>>) src(%dma_wait3A_148 : memref<8x128xf32, #tpu.memory_space<vmem>>) dst(%dma_wait3A_145 : memref<8x128xf32, #tpu.memory_space<hbm>>)
    %dma_wait3A_149 = arith.constant 0 : i32
    %dma_wait3A_150 = arith.constant 0 : i32
    %dma_wait3A_151 = arith.constant 0 : i32
    %dma_wait3A_152 = arith.constant 0 : i32
    %dma_wait3A_153 = arith.constant 0 : i32
    %dma_wait3A_154 = tpu.memref_slice %arg9[%dma_wait3A_152, %dma_wait3A_153] : memref<128x129xf32, #tpu.memory_space<vmem>> -> memref<8x128xf32, #tpu.memory_space<vmem>>
    %dma_wait3A_155 = arith.constant 0 : i32
    %dma_wait3A_156 = arith.constant 0 : i32
    %dma_wait3A_157 = tpu.memref_slice %arg4[%dma_wait3A_149, %dma_wait3A_150, %dma_wait3A_151, %dma_wait3A_155, %dma_wait3A_156] : memref<50x8x128x8x128xf32, #tpu.memory_space<hbm>> -> memref<1x1x1x8x128xf32, #tpu.memory_space<hbm>>
    %dma_wait3A_158 = tpu.memref_squeeze %dma_wait3A_157 : memref<1x1x1x8x128xf32, #tpu.memory_space<hbm>> -> memref<8x128xf32, #tpu.memory_space<hbm>>
    %dma_wait3A_159 = arith.constant 0 : i32
    %dma_wait3A_160 = arith.constant 0 : i32
    %dma_wait3A_161 = tpu.memref_slice %arg4[%dma_wait3A_149, %dma_wait3A_150, %dma_wait3A_151, %dma_wait3A_159, %dma_wait3A_160] : memref<50x8x128x8x128xf32, #tpu.memory_space<hbm>> -> memref<1x1x1x8x128xf32, #tpu.memory_space<hbm>>
    %dma_wait3A_162 = tpu.memref_squeeze %dma_wait3A_161 : memref<1x1x1x8x128xf32, #tpu.memory_space<hbm>> -> memref<8x128xf32, #tpu.memory_space<hbm>>
    %dma_wait3A_163 = arith.constant 0 : i32
    %dma_wait3A_164 = arith.constant 0 : i32
    %dma_wait3A_165 = tpu.memref_slice %arg9[%dma_wait3A_163, %dma_wait3A_164] : memref<128x129xf32, #tpu.memory_space<vmem>> -> memref<8x128xf32, #tpu.memory_space<vmem>>
    tpu.wait_dma2 semaphore(%arg13 : memref<!tpu.dma_semaphore, #tpu.memory_space<semaphore_mem>>) src(%dma_wait3A_165 : memref<8x128xf32, #tpu.memory_space<vmem>>) dst(%dma_wait3A_162 : memref<8x128xf32, #tpu.memory_space<hbm>>)
    %dma_wait3A_166 = arith.constant 0 : i32
    %dma_wait3A_167 = arith.constant 0 : i32
    %dma_wait3A_168 = arith.constant 0 : i32
    %dma_wait3A_169 = arith.constant 0 : i32
    %dma_wait3A_170 = arith.constant 0 : i32
    %dma_wait3A_171 = tpu.memref_slice %arg9[%dma_wait3A_169, %dma_wait3A_170] : memref<128x129xf32, #tpu.memory_space<vmem>> -> memref<8x128xf32, #tpu.memory_space<vmem>>
    %dma_wait3A_172 = arith.constant 0 : i32
    %dma_wait3A_173 = arith.constant 0 : i32
    %dma_wait3A_174 = tpu.memref_slice %arg4[%dma_wait3A_166, %dma_wait3A_167, %dma_wait3A_168, %dma_wait3A_172, %dma_wait3A_173] : memref<50x8x128x8x128xf32, #tpu.memory_space<hbm>> -> memref<1x1x1x8x128xf32, #tpu.memory_space<hbm>>
    %dma_wait3A_175 = tpu.memref_squeeze %dma_wait3A_174 : memref<1x1x1x8x128xf32, #tpu.memory_space<hbm>> -> memref<8x128xf32, #tpu.memory_space<hbm>>
    %dma_wait3A_176 = arith.constant 0 : i32
    %dma_wait3A_177 = arith.constant 0 : i32
    %dma_wait3A_178 = tpu.memref_slice %arg4[%dma_wait3A_166, %dma_wait3A_167, %dma_wait3A_168, %dma_wait3A_176, %dma_wait3A_177] : memref<50x8x128x8x128xf32, #tpu.memory_space<hbm>> -> memref<1x1x1x8x128xf32, #tpu.memory_space<hbm>>
    %dma_wait3A_179 = tpu.memref_squeeze %dma_wait3A_178 : memref<1x1x1x8x128xf32, #tpu.memory_space<hbm>> -> memref<8x128xf32, #tpu.memory_space<hbm>>
    %dma_wait3A_180 = arith.constant 0 : i32
    %dma_wait3A_181 = arith.constant 0 : i32
    %dma_wait3A_182 = tpu.memref_slice %arg9[%dma_wait3A_180, %dma_wait3A_181] : memref<128x129xf32, #tpu.memory_space<vmem>> -> memref<8x128xf32, #tpu.memory_space<vmem>>
    tpu.wait_dma2 semaphore(%arg13 : memref<!tpu.dma_semaphore, #tpu.memory_space<semaphore_mem>>) src(%dma_wait3A_182 : memref<8x128xf32, #tpu.memory_space<vmem>>) dst(%dma_wait3A_179 : memref<8x128xf32, #tpu.memory_space<hbm>>)
    %dma_wait3A_183 = arith.constant 0 : i32
    %dma_wait3A_184 = arith.constant 0 : i32
    %dma_wait3A_185 = arith.constant 0 : i32
    %dma_wait3A_186 = arith.constant 0 : i32
    %dma_wait3A_187 = arith.constant 0 : i32
    %dma_wait3A_188 = tpu.memref_slice %arg9[%dma_wait3A_186, %dma_wait3A_187] : memref<128x129xf32, #tpu.memory_space<vmem>> -> memref<8x128xf32, #tpu.memory_space<vmem>>
    %dma_wait3A_189 = arith.constant 0 : i32
    %dma_wait3A_190 = arith.constant 0 : i32
    %dma_wait3A_191 = tpu.memref_slice %arg4[%dma_wait3A_183, %dma_wait3A_184, %dma_wait3A_185, %dma_wait3A_189, %dma_wait3A_190] : memref<50x8x128x8x128xf32, #tpu.memory_space<hbm>> -> memref<1x1x1x8x128xf32, #tpu.memory_space<hbm>>
    %dma_wait3A_192 = tpu.memref_squeeze %dma_wait3A_191 : memref<1x1x1x8x128xf32, #tpu.memory_space<hbm>> -> memref<8x128xf32, #tpu.memory_space<hbm>>
    %dma_wait3A_193 = arith.constant 0 : i32
    %dma_wait3A_194 = arith.constant 0 : i32
    %dma_wait3A_195 = tpu.memref_slice %arg4[%dma_wait3A_183, %dma_wait3A_184, %dma_wait3A_185, %dma_wait3A_193, %dma_wait3A_194] : memref<50x8x128x8x128xf32, #tpu.memory_space<hbm>> -> memref<1x1x1x8x128xf32, #tpu.memory_space<hbm>>
    %dma_wait3A_196 = tpu.memref_squeeze %dma_wait3A_195 : memref<1x1x1x8x128xf32, #tpu.memory_space<hbm>> -> memref<8x128xf32, #tpu.memory_space<hbm>>
    %dma_wait3A_197 = arith.constant 0 : i32
    %dma_wait3A_198 = arith.constant 0 : i32
    %dma_wait3A_199 = tpu.memref_slice %arg9[%dma_wait3A_197, %dma_wait3A_198] : memref<128x129xf32, #tpu.memory_space<vmem>> -> memref<8x128xf32, #tpu.memory_space<vmem>>
    tpu.wait_dma2 semaphore(%arg13 : memref<!tpu.dma_semaphore, #tpu.memory_space<semaphore_mem>>) src(%dma_wait3A_199 : memref<8x128xf32, #tpu.memory_space<vmem>>) dst(%dma_wait3A_196 : memref<8x128xf32, #tpu.memory_space<hbm>>)
    %dma_wait3A_200 = arith.constant 0 : i32
    %dma_wait3A_201 = arith.constant 0 : i32
    %dma_wait3A_202 = arith.constant 0 : i32
    %dma_wait3A_203 = arith.constant 0 : i32
    %dma_wait3A_204 = arith.constant 0 : i32
    %dma_wait3A_205 = tpu.memref_slice %arg9[%dma_wait3A_203, %dma_wait3A_204] : memref<128x129xf32, #tpu.memory_space<vmem>> -> memref<8x128xf32, #tpu.memory_space<vmem>>
    %dma_wait3A_206 = arith.constant 0 : i32
    %dma_wait3A_207 = arith.constant 0 : i32
    %dma_wait3A_208 = tpu.memref_slice %arg4[%dma_wait3A_200, %dma_wait3A_201, %dma_wait3A_202, %dma_wait3A_206, %dma_wait3A_207] : memref<50x8x128x8x128xf32, #tpu.memory_space<hbm>> -> memref<1x1x1x8x128xf32, #tpu.memory_space<hbm>>
    %dma_wait3A_209 = tpu.memref_squeeze %dma_wait3A_208 : memref<1x1x1x8x128xf32, #tpu.memory_space<hbm>> -> memref<8x128xf32, #tpu.memory_space<hbm>>
    %dma_wait3A_210 = arith.constant 0 : i32
    %dma_wait3A_211 = arith.constant 0 : i32
    %dma_wait3A_212 = tpu.memref_slice %arg4[%dma_wait3A_200, %dma_wait3A_201, %dma_wait3A_202, %dma_wait3A_210, %dma_wait3A_211] : memref<50x8x128x8x128xf32, #tpu.memory_space<hbm>> -> memref<1x1x1x8x128xf32, #tpu.memory_space<hbm>>
    %dma_wait3A_213 = tpu.memref_squeeze %dma_wait3A_212 : memref<1x1x1x8x128xf32, #tpu.memory_space<hbm>> -> memref<8x128xf32, #tpu.memory_space<hbm>>
    %dma_wait3A_214 = arith.constant 0 : i32
    %dma_wait3A_215 = arith.constant 0 : i32
    %dma_wait3A_216 = tpu.memref_slice %arg9[%dma_wait3A_214, %dma_wait3A_215] : memref<128x129xf32, #tpu.memory_space<vmem>> -> memref<8x128xf32, #tpu.memory_space<vmem>>
    tpu.wait_dma2 semaphore(%arg13 : memref<!tpu.dma_semaphore, #tpu.memory_space<semaphore_mem>>) src(%dma_wait3A_216 : memref<8x128xf32, #tpu.memory_space<vmem>>) dst(%dma_wait3A_213 : memref<8x128xf32, #tpu.memory_space<hbm>>)
    %dma_wait3A_217 = arith.constant 0 : i32
    %dma_wait3A_218 = arith.constant 0 : i32
    %dma_wait3A_219 = arith.constant 0 : i32
    %dma_wait3A_220 = arith.constant 0 : i32
    %dma_wait3A_221 = arith.constant 0 : i32
    %dma_wait3A_222 = tpu.memref_slice %arg9[%dma_wait3A_220, %dma_wait3A_221] : memref<128x129xf32, #tpu.memory_space<vmem>> -> memref<8x128xf32, #tpu.memory_space<vmem>>
    %dma_wait3A_223 = arith.constant 0 : i32
    %dma_wait3A_224 = arith.constant 0 : i32
    %dma_wait3A_225 = tpu.memref_slice %arg4[%dma_wait3A_217, %dma_wait3A_218, %dma_wait3A_219, %dma_wait3A_223, %dma_wait3A_224] : memref<50x8x128x8x128xf32, #tpu.memory_space<hbm>> -> memref<1x1x1x8x128xf32, #tpu.memory_space<hbm>>
    %dma_wait3A_226 = tpu.memref_squeeze %dma_wait3A_225 : memref<1x1x1x8x128xf32, #tpu.memory_space<hbm>> -> memref<8x128xf32, #tpu.memory_space<hbm>>
    %dma_wait3A_227 = arith.constant 0 : i32
    %dma_wait3A_228 = arith.constant 0 : i32
    %dma_wait3A_229 = tpu.memref_slice %arg4[%dma_wait3A_217, %dma_wait3A_218, %dma_wait3A_219, %dma_wait3A_227, %dma_wait3A_228] : memref<50x8x128x8x128xf32, #tpu.memory_space<hbm>> -> memref<1x1x1x8x128xf32, #tpu.memory_space<hbm>>
    %dma_wait3A_230 = tpu.memref_squeeze %dma_wait3A_229 : memref<1x1x1x8x128xf32, #tpu.memory_space<hbm>> -> memref<8x128xf32, #tpu.memory_space<hbm>>
    %dma_wait3A_231 = arith.constant 0 : i32
    %dma_wait3A_232 = arith.constant 0 : i32
    %dma_wait3A_233 = tpu.memref_slice %arg9[%dma_wait3A_231, %dma_wait3A_232] : memref<128x129xf32, #tpu.memory_space<vmem>> -> memref<8x128xf32, #tpu.memory_space<vmem>>
    tpu.wait_dma2 semaphore(%arg13 : memref<!tpu.dma_semaphore, #tpu.memory_space<semaphore_mem>>) src(%dma_wait3A_233 : memref<8x128xf32, #tpu.memory_space<vmem>>) dst(%dma_wait3A_230 : memref<8x128xf32, #tpu.memory_space<hbm>>)
    %dma_wait3A_234 = arith.constant 0 : i32
    %dma_wait3A_235 = arith.constant 0 : i32
    %dma_wait3A_236 = arith.constant 0 : i32
    %dma_wait3A_237 = arith.constant 0 : i32
    %dma_wait3A_238 = arith.constant 0 : i32
    %dma_wait3A_239 = tpu.memref_slice %arg9[%dma_wait3A_237, %dma_wait3A_238] : memref<128x129xf32, #tpu.memory_space<vmem>> -> memref<8x128xf32, #tpu.memory_space<vmem>>
    %dma_wait3A_240 = arith.constant 0 : i32
    %dma_wait3A_241 = arith.constant 0 : i32
    %dma_wait3A_242 = tpu.memref_slice %arg4[%dma_wait3A_234, %dma_wait3A_235, %dma_wait3A_236, %dma_wait3A_240, %dma_wait3A_241] : memref<50x8x128x8x128xf32, #tpu.memory_space<hbm>> -> memref<1x1x1x8x128xf32, #tpu.memory_space<hbm>>
    %dma_wait3A_243 = tpu.memref_squeeze %dma_wait3A_242 : memref<1x1x1x8x128xf32, #tpu.memory_space<hbm>> -> memref<8x128xf32, #tpu.memory_space<hbm>>
    %dma_wait3A_244 = arith.constant 0 : i32
    %dma_wait3A_245 = arith.constant 0 : i32
    %dma_wait3A_246 = tpu.memref_slice %arg4[%dma_wait3A_234, %dma_wait3A_235, %dma_wait3A_236, %dma_wait3A_244, %dma_wait3A_245] : memref<50x8x128x8x128xf32, #tpu.memory_space<hbm>> -> memref<1x1x1x8x128xf32, #tpu.memory_space<hbm>>
    %dma_wait3A_247 = tpu.memref_squeeze %dma_wait3A_246 : memref<1x1x1x8x128xf32, #tpu.memory_space<hbm>> -> memref<8x128xf32, #tpu.memory_space<hbm>>
    %dma_wait3A_248 = arith.constant 0 : i32
    %dma_wait3A_249 = arith.constant 0 : i32
    %dma_wait3A_250 = tpu.memref_slice %arg9[%dma_wait3A_248, %dma_wait3A_249] : memref<128x129xf32, #tpu.memory_space<vmem>> -> memref<8x128xf32, #tpu.memory_space<vmem>>
    tpu.wait_dma2 semaphore(%arg13 : memref<!tpu.dma_semaphore, #tpu.memory_space<semaphore_mem>>) src(%dma_wait3A_250 : memref<8x128xf32, #tpu.memory_space<vmem>>) dst(%dma_wait3A_247 : memref<8x128xf32, #tpu.memory_space<hbm>>)
    %dma_wait3A_251 = arith.constant 0 : i32
    %dma_wait3A_252 = arith.constant 0 : i32
    %dma_wait3A_253 = arith.constant 0 : i32
    %dma_wait3A_254 = arith.constant 0 : i32
    %dma_wait3A_255 = arith.constant 0 : i32
    %dma_wait3A_256 = tpu.memref_slice %arg9[%dma_wait3A_254, %dma_wait3A_255] : memref<128x129xf32, #tpu.memory_space<vmem>> -> memref<8x128xf32, #tpu.memory_space<vmem>>
    %dma_wait3A_257 = arith.constant 0 : i32
    %dma_wait3A_258 = arith.constant 0 : i32
    %dma_wait3A_259 = tpu.memref_slice %arg4[%dma_wait3A_251, %dma_wait3A_252, %dma_wait3A_253, %dma_wait3A_257, %dma_wait3A_258] : memref<50x8x128x8x128xf32, #tpu.memory_space<hbm>> -> memref<1x1x1x8x128xf32, #tpu.memory_space<hbm>>
    %dma_wait3A_260 = tpu.memref_squeeze %dma_wait3A_259 : memref<1x1x1x8x128xf32, #tpu.memory_space<hbm>> -> memref<8x128xf32, #tpu.memory_space<hbm>>
    %dma_wait3A_261 = arith.constant 0 : i32
    %dma_wait3A_262 = arith.constant 0 : i32
    %dma_wait3A_263 = tpu.memref_slice %arg4[%dma_wait3A_251, %dma_wait3A_252, %dma_wait3A_253, %dma_wait3A_261, %dma_wait3A_262] : memref<50x8x128x8x128xf32, #tpu.memory_space<hbm>> -> memref<1x1x1x8x128xf32, #tpu.memory_space<hbm>>
    %dma_wait3A_264 = tpu.memref_squeeze %dma_wait3A_263 : memref<1x1x1x8x128xf32, #tpu.memory_space<hbm>> -> memref<8x128xf32, #tpu.memory_space<hbm>>
    %dma_wait3A_265 = arith.constant 0 : i32
    %dma_wait3A_266 = arith.constant 0 : i32
    %dma_wait3A_267 = tpu.memref_slice %arg9[%dma_wait3A_265, %dma_wait3A_266] : memref<128x129xf32, #tpu.memory_space<vmem>> -> memref<8x128xf32, #tpu.memory_space<vmem>>
    tpu.wait_dma2 semaphore(%arg13 : memref<!tpu.dma_semaphore, #tpu.memory_space<semaphore_mem>>) src(%dma_wait3A_267 : memref<8x128xf32, #tpu.memory_space<vmem>>) dst(%dma_wait3A_264 : memref<8x128xf32, #tpu.memory_space<hbm>>)
    %dma_wait3A_268 = arith.constant 0 : i32
    %dma_wait3A_269 = arith.constant 0 : i32
    %dma_wait3A_270 = arith.constant 0 : i32
    %dma_wait3A_271 = arith.constant 0 : i32
    %dma_wait3A_272 = arith.constant 0 : i32
    %dma_wait3A_273 = tpu.memref_slice %arg9[%dma_wait3A_271, %dma_wait3A_272] : memref<128x129xf32, #tpu.memory_space<vmem>> -> memref<8x128xf32, #tpu.memory_space<vmem>>
    %dma_wait3A_274 = arith.constant 0 : i32
    %dma_wait3A_275 = arith.constant 0 : i32
    %dma_wait3A_276 = tpu.memref_slice %arg4[%dma_wait3A_268, %dma_wait3A_269, %dma_wait3A_270, %dma_wait3A_274, %dma_wait3A_275] : memref<50x8x128x8x128xf32, #tpu.memory_space<hbm>> -> memref<1x1x1x8x128xf32, #tpu.memory_space<hbm>>
    %dma_wait3A_277 = tpu.memref_squeeze %dma_wait3A_276 : memref<1x1x1x8x128xf32, #tpu.memory_space<hbm>> -> memref<8x128xf32, #tpu.memory_space<hbm>>
    %dma_wait3A_278 = arith.constant 0 : i32
    %dma_wait3A_279 = arith.constant 0 : i32
    %dma_wait3A_280 = tpu.memref_slice %arg4[%dma_wait3A_268, %dma_wait3A_269, %dma_wait3A_270, %dma_wait3A_278, %dma_wait3A_279] : memref<50x8x128x8x128xf32, #tpu.memory_space<hbm>> -> memref<1x1x1x8x128xf32, #tpu.memory_space<hbm>>
    %dma_wait3A_281 = tpu.memref_squeeze %dma_wait3A_280 : memref<1x1x1x8x128xf32, #tpu.memory_space<hbm>> -> memref<8x128xf32, #tpu.memory_space<hbm>>
    %dma_wait3A_282 = arith.constant 0 : i32
    %dma_wait3A_283 = arith.constant 0 : i32
    %dma_wait3A_284 = tpu.memref_slice %arg9[%dma_wait3A_282, %dma_wait3A_283] : memref<128x129xf32, #tpu.memory_space<vmem>> -> memref<8x128xf32, #tpu.memory_space<vmem>>
    tpu.wait_dma2 semaphore(%arg13 : memref<!tpu.dma_semaphore, #tpu.memory_space<semaphore_mem>>) src(%dma_wait3A_284 : memref<8x128xf32, #tpu.memory_space<vmem>>) dst(%dma_wait3A_281 : memref<8x128xf32, #tpu.memory_space<hbm>>)
    %dma_wait3A_285 = arith.constant 0 : i32
    %dma_wait3A_286 = arith.constant 0 : i32
    %dma_wait3A_287 = arith.constant 0 : i32
    %dma_wait3A_288 = arith.constant 0 : i32
    %dma_wait3A_289 = arith.constant 0 : i32
    %dma_wait3A_290 = tpu.memref_slice %arg9[%dma_wait3A_288, %dma_wait3A_289] : memref<128x129xf32, #tpu.memory_space<vmem>> -> memref<8x128xf32, #tpu.memory_space<vmem>>
    %dma_wait3A_291 = arith.constant 0 : i32
    %dma_wait3A_292 = arith.constant 0 : i32
    %dma_wait3A_293 = tpu.memref_slice %arg4[%dma_wait3A_285, %dma_wait3A_286, %dma_wait3A_287, %dma_wait3A_291, %dma_wait3A_292] : memref<50x8x128x8x128xf32, #tpu.memory_space<hbm>> -> memref<1x1x1x8x128xf32, #tpu.memory_space<hbm>>
    %dma_wait3A_294 = tpu.memref_squeeze %dma_wait3A_293 : memref<1x1x1x8x128xf32, #tpu.memory_space<hbm>> -> memref<8x128xf32, #tpu.memory_space<hbm>>
    %dma_wait3A_295 = arith.constant 0 : i32
    %dma_wait3A_296 = arith.constant 0 : i32
    %dma_wait3A_297 = tpu.memref_slice %arg4[%dma_wait3A_285, %dma_wait3A_286, %dma_wait3A_287, %dma_wait3A_295, %dma_wait3A_296] : memref<50x8x128x8x128xf32, #tpu.memory_space<hbm>> -> memref<1x1x1x8x128xf32, #tpu.memory_space<hbm>>
    %dma_wait3A_298 = tpu.memref_squeeze %dma_wait3A_297 : memref<1x1x1x8x128xf32, #tpu.memory_space<hbm>> -> memref<8x128xf32, #tpu.memory_space<hbm>>
    %dma_wait3A_299 = arith.constant 0 : i32
    %dma_wait3A_300 = arith.constant 0 : i32
    %dma_wait3A_301 = tpu.memref_slice %arg9[%dma_wait3A_299, %dma_wait3A_300] : memref<128x129xf32, #tpu.memory_space<vmem>> -> memref<8x128xf32, #tpu.memory_space<vmem>>
    tpu.wait_dma2 semaphore(%arg13 : memref<!tpu.dma_semaphore, #tpu.memory_space<semaphore_mem>>) src(%dma_wait3A_301 : memref<8x128xf32, #tpu.memory_space<vmem>>) dst(%dma_wait3A_298 : memref<8x128xf32, #tpu.memory_space<hbm>>)
    %dma_wait3A_302 = arith.constant 0 : i32
    %dma_wait3A_303 = arith.constant 0 : i32
    %dma_wait3A_304 = arith.constant 0 : i32
    %dma_wait3A_305 = arith.constant 0 : i32
    %dma_wait3A_306 = arith.constant 0 : i32
    %dma_wait3A_307 = tpu.memref_slice %arg9[%dma_wait3A_305, %dma_wait3A_306] : memref<128x129xf32, #tpu.memory_space<vmem>> -> memref<8x128xf32, #tpu.memory_space<vmem>>
    %dma_wait3A_308 = arith.constant 0 : i32
    %dma_wait3A_309 = arith.constant 0 : i32
    %dma_wait3A_310 = tpu.memref_slice %arg4[%dma_wait3A_302, %dma_wait3A_303, %dma_wait3A_304, %dma_wait3A_308, %dma_wait3A_309] : memref<50x8x128x8x128xf32, #tpu.memory_space<hbm>> -> memref<1x1x1x8x128xf32, #tpu.memory_space<hbm>>
    %dma_wait3A_311 = tpu.memref_squeeze %dma_wait3A_310 : memref<1x1x1x8x128xf32, #tpu.memory_space<hbm>> -> memref<8x128xf32, #tpu.memory_space<hbm>>
    %dma_wait3A_312 = arith.constant 0 : i32
    %dma_wait3A_313 = arith.constant 0 : i32
    %dma_wait3A_314 = tpu.memref_slice %arg4[%dma_wait3A_302, %dma_wait3A_303, %dma_wait3A_304, %dma_wait3A_312, %dma_wait3A_313] : memref<50x8x128x8x128xf32, #tpu.memory_space<hbm>> -> memref<1x1x1x8x128xf32, #tpu.memory_space<hbm>>
    %dma_wait3A_315 = tpu.memref_squeeze %dma_wait3A_314 : memref<1x1x1x8x128xf32, #tpu.memory_space<hbm>> -> memref<8x128xf32, #tpu.memory_space<hbm>>
    %dma_wait3A_316 = arith.constant 0 : i32
    %dma_wait3A_317 = arith.constant 0 : i32
    %dma_wait3A_318 = tpu.memref_slice %arg9[%dma_wait3A_316, %dma_wait3A_317] : memref<128x129xf32, #tpu.memory_space<vmem>> -> memref<8x128xf32, #tpu.memory_space<vmem>>
    tpu.wait_dma2 semaphore(%arg13 : memref<!tpu.dma_semaphore, #tpu.memory_space<semaphore_mem>>) src(%dma_wait3A_318 : memref<8x128xf32, #tpu.memory_space<vmem>>) dst(%dma_wait3A_315 : memref<8x128xf32, #tpu.memory_space<hbm>>)
    %dma_wait3A_319 = arith.constant 0 : i32
    %dma_wait3A_320 = arith.constant 0 : i32
    %dma_wait3A_321 = arith.constant 0 : i32
    %dma_wait3A_322 = arith.constant 0 : i32
    %dma_wait3A_323 = arith.constant 0 : i32
    %dma_wait3A_324 = tpu.memref_slice %arg9[%dma_wait3A_322, %dma_wait3A_323] : memref<128x129xf32, #tpu.memory_space<vmem>> -> memref<8x128xf32, #tpu.memory_space<vmem>>
    %dma_wait3A_325 = arith.constant 0 : i32
    %dma_wait3A_326 = arith.constant 0 : i32
    %dma_wait3A_327 = tpu.memref_slice %arg4[%dma_wait3A_319, %dma_wait3A_320, %dma_wait3A_321, %dma_wait3A_325, %dma_wait3A_326] : memref<50x8x128x8x128xf32, #tpu.memory_space<hbm>> -> memref<1x1x1x8x128xf32, #tpu.memory_space<hbm>>
    %dma_wait3A_328 = tpu.memref_squeeze %dma_wait3A_327 : memref<1x1x1x8x128xf32, #tpu.memory_space<hbm>> -> memref<8x128xf32, #tpu.memory_space<hbm>>
    %dma_wait3A_329 = arith.constant 0 : i32
    %dma_wait3A_330 = arith.constant 0 : i32
    %dma_wait3A_331 = tpu.memref_slice %arg4[%dma_wait3A_319, %dma_wait3A_320, %dma_wait3A_321, %dma_wait3A_329, %dma_wait3A_330] : memref<50x8x128x8x128xf32, #tpu.memory_space<hbm>> -> memref<1x1x1x8x128xf32, #tpu.memory_space<hbm>>
    %dma_wait3A_332 = tpu.memref_squeeze %dma_wait3A_331 : memref<1x1x1x8x128xf32, #tpu.memory_space<hbm>> -> memref<8x128xf32, #tpu.memory_space<hbm>>
    %dma_wait3A_333 = arith.constant 0 : i32
    %dma_wait3A_334 = arith.constant 0 : i32
    %dma_wait3A_335 = tpu.memref_slice %arg9[%dma_wait3A_333, %dma_wait3A_334] : memref<128x129xf32, #tpu.memory_space<vmem>> -> memref<8x128xf32, #tpu.memory_space<vmem>>
    tpu.wait_dma2 semaphore(%arg13 : memref<!tpu.dma_semaphore, #tpu.memory_space<semaphore_mem>>) src(%dma_wait3A_335 : memref<8x128xf32, #tpu.memory_space<vmem>>) dst(%dma_wait3A_332 : memref<8x128xf32, #tpu.memory_space<hbm>>)
    %dma_wait3A_336 = arith.constant 0 : i32
    %dma_wait3A_337 = arith.constant 0 : i32
    %dma_wait3A_338 = arith.constant 0 : i32
    %dma_wait3A_339 = arith.constant 0 : i32
    %dma_wait3A_340 = arith.constant 0 : i32
    %dma_wait3A_341 = tpu.memref_slice %arg9[%dma_wait3A_339, %dma_wait3A_340] : memref<128x129xf32, #tpu.memory_space<vmem>> -> memref<8x128xf32, #tpu.memory_space<vmem>>
    %dma_wait3A_342 = arith.constant 0 : i32
    %dma_wait3A_343 = arith.constant 0 : i32
    %dma_wait3A_344 = tpu.memref_slice %arg4[%dma_wait3A_336, %dma_wait3A_337, %dma_wait3A_338, %dma_wait3A_342, %dma_wait3A_343] : memref<50x8x128x8x128xf32, #tpu.memory_space<hbm>> -> memref<1x1x1x8x128xf32, #tpu.memory_space<hbm>>
    %dma_wait3A_345 = tpu.memref_squeeze %dma_wait3A_344 : memref<1x1x1x8x128xf32, #tpu.memory_space<hbm>> -> memref<8x128xf32, #tpu.memory_space<hbm>>
    %dma_wait3A_346 = arith.constant 0 : i32
    %dma_wait3A_347 = arith.constant 0 : i32
    %dma_wait3A_348 = tpu.memref_slice %arg4[%dma_wait3A_336, %dma_wait3A_337, %dma_wait3A_338, %dma_wait3A_346, %dma_wait3A_347] : memref<50x8x128x8x128xf32, #tpu.memory_space<hbm>> -> memref<1x1x1x8x128xf32, #tpu.memory_space<hbm>>
    %dma_wait3A_349 = tpu.memref_squeeze %dma_wait3A_348 : memref<1x1x1x8x128xf32, #tpu.memory_space<hbm>> -> memref<8x128xf32, #tpu.memory_space<hbm>>
    %dma_wait3A_350 = arith.constant 0 : i32
    %dma_wait3A_351 = arith.constant 0 : i32
    %dma_wait3A_352 = tpu.memref_slice %arg9[%dma_wait3A_350, %dma_wait3A_351] : memref<128x129xf32, #tpu.memory_space<vmem>> -> memref<8x128xf32, #tpu.memory_space<vmem>>
    tpu.wait_dma2 semaphore(%arg13 : memref<!tpu.dma_semaphore, #tpu.memory_space<semaphore_mem>>) src(%dma_wait3A_352 : memref<8x128xf32, #tpu.memory_space<vmem>>) dst(%dma_wait3A_349 : memref<8x128xf32, #tpu.memory_space<hbm>>)
    %dma_wait3A_353 = arith.constant 0 : i32
    %dma_wait3A_354 = arith.constant 0 : i32
    %dma_wait3A_355 = arith.constant 0 : i32
    %dma_wait3A_356 = arith.constant 0 : i32
    %dma_wait3A_357 = arith.constant 0 : i32
    %dma_wait3A_358 = tpu.memref_slice %arg10[%dma_wait3A_356, %dma_wait3A_357] : memref<128x129xf32, #tpu.memory_space<vmem>> -> memref<8x128xf32, #tpu.memory_space<vmem>>
    %dma_wait3A_359 = arith.constant 0 : i32
    %dma_wait3A_360 = arith.constant 0 : i32
    %dma_wait3A_361 = tpu.memref_slice %arg4[%dma_wait3A_353, %dma_wait3A_354, %dma_wait3A_355, %dma_wait3A_359, %dma_wait3A_360] : memref<50x8x128x8x128xf32, #tpu.memory_space<hbm>> -> memref<1x1x1x8x128xf32, #tpu.memory_space<hbm>>
    %dma_wait3A_362 = tpu.memref_squeeze %dma_wait3A_361 : memref<1x1x1x8x128xf32, #tpu.memory_space<hbm>> -> memref<8x128xf32, #tpu.memory_space<hbm>>
    %dma_wait3A_363 = arith.constant 0 : i32
    %dma_wait3A_364 = arith.constant 0 : i32
    %dma_wait3A_365 = tpu.memref_slice %arg4[%dma_wait3A_353, %dma_wait3A_354, %dma_wait3A_355, %dma_wait3A_363, %dma_wait3A_364] : memref<50x8x128x8x128xf32, #tpu.memory_space<hbm>> -> memref<1x1x1x8x128xf32, #tpu.memory_space<hbm>>
    %dma_wait3A_366 = tpu.memref_squeeze %dma_wait3A_365 : memref<1x1x1x8x128xf32, #tpu.memory_space<hbm>> -> memref<8x128xf32, #tpu.memory_space<hbm>>
    %dma_wait3A_367 = arith.constant 0 : i32
    %dma_wait3A_368 = arith.constant 0 : i32
    %dma_wait3A_369 = tpu.memref_slice %arg10[%dma_wait3A_367, %dma_wait3A_368] : memref<128x129xf32, #tpu.memory_space<vmem>> -> memref<8x128xf32, #tpu.memory_space<vmem>>
    tpu.wait_dma2 semaphore(%arg14 : memref<!tpu.dma_semaphore, #tpu.memory_space<semaphore_mem>>) src(%dma_wait3A_369 : memref<8x128xf32, #tpu.memory_space<vmem>>) dst(%dma_wait3A_366 : memref<8x128xf32, #tpu.memory_space<hbm>>)
    %dma_wait3A_370 = arith.constant 0 : i32
    %dma_wait3A_371 = arith.constant 0 : i32
    %dma_wait3A_372 = arith.constant 0 : i32
    %dma_wait3A_373 = arith.constant 0 : i32
    %dma_wait3A_374 = arith.constant 0 : i32
    %dma_wait3A_375 = tpu.memref_slice %arg10[%dma_wait3A_373, %dma_wait3A_374] : memref<128x129xf32, #tpu.memory_space<vmem>> -> memref<8x128xf32, #tpu.memory_space<vmem>>
    %dma_wait3A_376 = arith.constant 0 : i32
    %dma_wait3A_377 = arith.constant 0 : i32
    %dma_wait3A_378 = tpu.memref_slice %arg4[%dma_wait3A_370, %dma_wait3A_371, %dma_wait3A_372, %dma_wait3A_376, %dma_wait3A_377] : memref<50x8x128x8x128xf32, #tpu.memory_space<hbm>> -> memref<1x1x1x8x128xf32, #tpu.memory_space<hbm>>
    %dma_wait3A_379 = tpu.memref_squeeze %dma_wait3A_378 : memref<1x1x1x8x128xf32, #tpu.memory_space<hbm>> -> memref<8x128xf32, #tpu.memory_space<hbm>>
    %dma_wait3A_380 = arith.constant 0 : i32
    %dma_wait3A_381 = arith.constant 0 : i32
    %dma_wait3A_382 = tpu.memref_slice %arg4[%dma_wait3A_370, %dma_wait3A_371, %dma_wait3A_372, %dma_wait3A_380, %dma_wait3A_381] : memref<50x8x128x8x128xf32, #tpu.memory_space<hbm>> -> memref<1x1x1x8x128xf32, #tpu.memory_space<hbm>>
    %dma_wait3A_383 = tpu.memref_squeeze %dma_wait3A_382 : memref<1x1x1x8x128xf32, #tpu.memory_space<hbm>> -> memref<8x128xf32, #tpu.memory_space<hbm>>
    %dma_wait3A_384 = arith.constant 0 : i32
    %dma_wait3A_385 = arith.constant 0 : i32
    %dma_wait3A_386 = tpu.memref_slice %arg10[%dma_wait3A_384, %dma_wait3A_385] : memref<128x129xf32, #tpu.memory_space<vmem>> -> memref<8x128xf32, #tpu.memory_space<vmem>>
    tpu.wait_dma2 semaphore(%arg14 : memref<!tpu.dma_semaphore, #tpu.memory_space<semaphore_mem>>) src(%dma_wait3A_386 : memref<8x128xf32, #tpu.memory_space<vmem>>) dst(%dma_wait3A_383 : memref<8x128xf32, #tpu.memory_space<hbm>>)
    %dma_wait3A_387 = arith.constant 0 : i32
    %dma_wait3A_388 = arith.constant 0 : i32
    %dma_wait3A_389 = arith.constant 0 : i32
    %dma_wait3A_390 = arith.constant 0 : i32
    %dma_wait3A_391 = arith.constant 0 : i32
    %dma_wait3A_392 = tpu.memref_slice %arg10[%dma_wait3A_390, %dma_wait3A_391] : memref<128x129xf32, #tpu.memory_space<vmem>> -> memref<8x128xf32, #tpu.memory_space<vmem>>
    %dma_wait3A_393 = arith.constant 0 : i32
    %dma_wait3A_394 = arith.constant 0 : i32
    %dma_wait3A_395 = tpu.memref_slice %arg4[%dma_wait3A_387, %dma_wait3A_388, %dma_wait3A_389, %dma_wait3A_393, %dma_wait3A_394] : memref<50x8x128x8x128xf32, #tpu.memory_space<hbm>> -> memref<1x1x1x8x128xf32, #tpu.memory_space<hbm>>
    %dma_wait3A_396 = tpu.memref_squeeze %dma_wait3A_395 : memref<1x1x1x8x128xf32, #tpu.memory_space<hbm>> -> memref<8x128xf32, #tpu.memory_space<hbm>>
    %dma_wait3A_397 = arith.constant 0 : i32
    %dma_wait3A_398 = arith.constant 0 : i32
    %dma_wait3A_399 = tpu.memref_slice %arg4[%dma_wait3A_387, %dma_wait3A_388, %dma_wait3A_389, %dma_wait3A_397, %dma_wait3A_398] : memref<50x8x128x8x128xf32, #tpu.memory_space<hbm>> -> memref<1x1x1x8x128xf32, #tpu.memory_space<hbm>>
    %dma_wait3A_400 = tpu.memref_squeeze %dma_wait3A_399 : memref<1x1x1x8x128xf32, #tpu.memory_space<hbm>> -> memref<8x128xf32, #tpu.memory_space<hbm>>
    %dma_wait3A_401 = arith.constant 0 : i32
    %dma_wait3A_402 = arith.constant 0 : i32
    %dma_wait3A_403 = tpu.memref_slice %arg10[%dma_wait3A_401, %dma_wait3A_402] : memref<128x129xf32, #tpu.memory_space<vmem>> -> memref<8x128xf32, #tpu.memory_space<vmem>>
    tpu.wait_dma2 semaphore(%arg14 : memref<!tpu.dma_semaphore, #tpu.memory_space<semaphore_mem>>) src(%dma_wait3A_403 : memref<8x128xf32, #tpu.memory_space<vmem>>) dst(%dma_wait3A_400 : memref<8x128xf32, #tpu.memory_space<hbm>>)
    %dma_wait3A_404 = arith.constant 0 : i32
    %dma_wait3A_405 = arith.constant 0 : i32
    %dma_wait3A_406 = arith.constant 0 : i32
    %dma_wait3A_407 = arith.constant 0 : i32
    %dma_wait3A_408 = arith.constant 0 : i32
    %dma_wait3A_409 = tpu.memref_slice %arg10[%dma_wait3A_407, %dma_wait3A_408] : memref<128x129xf32, #tpu.memory_space<vmem>> -> memref<8x128xf32, #tpu.memory_space<vmem>>
    %dma_wait3A_410 = arith.constant 0 : i32
    %dma_wait3A_411 = arith.constant 0 : i32
    %dma_wait3A_412 = tpu.memref_slice %arg4[%dma_wait3A_404, %dma_wait3A_405, %dma_wait3A_406, %dma_wait3A_410, %dma_wait3A_411] : memref<50x8x128x8x128xf32, #tpu.memory_space<hbm>> -> memref<1x1x1x8x128xf32, #tpu.memory_space<hbm>>
    %dma_wait3A_413 = tpu.memref_squeeze %dma_wait3A_412 : memref<1x1x1x8x128xf32, #tpu.memory_space<hbm>> -> memref<8x128xf32, #tpu.memory_space<hbm>>
    %dma_wait3A_414 = arith.constant 0 : i32
    %dma_wait3A_415 = arith.constant 0 : i32
    %dma_wait3A_416 = tpu.memref_slice %arg4[%dma_wait3A_404, %dma_wait3A_405, %dma_wait3A_406, %dma_wait3A_414, %dma_wait3A_415] : memref<50x8x128x8x128xf32, #tpu.memory_space<hbm>> -> memref<1x1x1x8x128xf32, #tpu.memory_space<hbm>>
    %dma_wait3A_417 = tpu.memref_squeeze %dma_wait3A_416 : memref<1x1x1x8x128xf32, #tpu.memory_space<hbm>> -> memref<8x128xf32, #tpu.memory_space<hbm>>
    %dma_wait3A_418 = arith.constant 0 : i32
    %dma_wait3A_419 = arith.constant 0 : i32
    %dma_wait3A_420 = tpu.memref_slice %arg10[%dma_wait3A_418, %dma_wait3A_419] : memref<128x129xf32, #tpu.memory_space<vmem>> -> memref<8x128xf32, #tpu.memory_space<vmem>>
    tpu.wait_dma2 semaphore(%arg14 : memref<!tpu.dma_semaphore, #tpu.memory_space<semaphore_mem>>) src(%dma_wait3A_420 : memref<8x128xf32, #tpu.memory_space<vmem>>) dst(%dma_wait3A_417 : memref<8x128xf32, #tpu.memory_space<hbm>>)
    %dma_wait3A_421 = arith.constant 0 : i32
    %dma_wait3A_422 = arith.constant 0 : i32
    %dma_wait3A_423 = arith.constant 0 : i32
    %dma_wait3A_424 = arith.constant 0 : i32
    %dma_wait3A_425 = arith.constant 0 : i32
    %dma_wait3A_426 = tpu.memref_slice %arg10[%dma_wait3A_424, %dma_wait3A_425] : memref<128x129xf32, #tpu.memory_space<vmem>> -> memref<8x128xf32, #tpu.memory_space<vmem>>
    %dma_wait3A_427 = arith.constant 0 : i32
    %dma_wait3A_428 = arith.constant 0 : i32
    %dma_wait3A_429 = tpu.memref_slice %arg4[%dma_wait3A_421, %dma_wait3A_422, %dma_wait3A_423, %dma_wait3A_427, %dma_wait3A_428] : memref<50x8x128x8x128xf32, #tpu.memory_space<hbm>> -> memref<1x1x1x8x128xf32, #tpu.memory_space<hbm>>
    %dma_wait3A_430 = tpu.memref_squeeze %dma_wait3A_429 : memref<1x1x1x8x128xf32, #tpu.memory_space<hbm>> -> memref<8x128xf32, #tpu.memory_space<hbm>>
    %dma_wait3A_431 = arith.constant 0 : i32
    %dma_wait3A_432 = arith.constant 0 : i32
    %dma_wait3A_433 = tpu.memref_slice %arg4[%dma_wait3A_421, %dma_wait3A_422, %dma_wait3A_423, %dma_wait3A_431, %dma_wait3A_432] : memref<50x8x128x8x128xf32, #tpu.memory_space<hbm>> -> memref<1x1x1x8x128xf32, #tpu.memory_space<hbm>>
    %dma_wait3A_434 = tpu.memref_squeeze %dma_wait3A_433 : memref<1x1x1x8x128xf32, #tpu.memory_space<hbm>> -> memref<8x128xf32, #tpu.memory_space<hbm>>
    %dma_wait3A_435 = arith.constant 0 : i32
    %dma_wait3A_436 = arith.constant 0 : i32
    %dma_wait3A_437 = tpu.memref_slice %arg10[%dma_wait3A_435, %dma_wait3A_436] : memref<128x129xf32, #tpu.memory_space<vmem>> -> memref<8x128xf32, #tpu.memory_space<vmem>>
    tpu.wait_dma2 semaphore(%arg14 : memref<!tpu.dma_semaphore, #tpu.memory_space<semaphore_mem>>) src(%dma_wait3A_437 : memref<8x128xf32, #tpu.memory_space<vmem>>) dst(%dma_wait3A_434 : memref<8x128xf32, #tpu.memory_space<hbm>>)
    %dma_wait3A_438 = arith.constant 0 : i32
    %dma_wait3A_439 = arith.constant 0 : i32
    %dma_wait3A_440 = arith.constant 0 : i32
    %dma_wait3A_441 = arith.constant 0 : i32
    %dma_wait3A_442 = arith.constant 0 : i32
    %dma_wait3A_443 = tpu.memref_slice %arg10[%dma_wait3A_441, %dma_wait3A_442] : memref<128x129xf32, #tpu.memory_space<vmem>> -> memref<8x128xf32, #tpu.memory_space<vmem>>
    %dma_wait3A_444 = arith.constant 0 : i32
    %dma_wait3A_445 = arith.constant 0 : i32
    %dma_wait3A_446 = tpu.memref_slice %arg4[%dma_wait3A_438, %dma_wait3A_439, %dma_wait3A_440, %dma_wait3A_444, %dma_wait3A_445] : memref<50x8x128x8x128xf32, #tpu.memory_space<hbm>> -> memref<1x1x1x8x128xf32, #tpu.memory_space<hbm>>
    %dma_wait3A_447 = tpu.memref_squeeze %dma_wait3A_446 : memref<1x1x1x8x128xf32, #tpu.memory_space<hbm>> -> memref<8x128xf32, #tpu.memory_space<hbm>>
    %dma_wait3A_448 = arith.constant 0 : i32
    %dma_wait3A_449 = arith.constant 0 : i32
    %dma_wait3A_450 = tpu.memref_slice %arg4[%dma_wait3A_438, %dma_wait3A_439, %dma_wait3A_440, %dma_wait3A_448, %dma_wait3A_449] : memref<50x8x128x8x128xf32, #tpu.memory_space<hbm>> -> memref<1x1x1x8x128xf32, #tpu.memory_space<hbm>>
    %dma_wait3A_451 = tpu.memref_squeeze %dma_wait3A_450 : memref<1x1x1x8x128xf32, #tpu.memory_space<hbm>> -> memref<8x128xf32, #tpu.memory_space<hbm>>
    %dma_wait3A_452 = arith.constant 0 : i32
    %dma_wait3A_453 = arith.constant 0 : i32
    %dma_wait3A_454 = tpu.memref_slice %arg10[%dma_wait3A_452, %dma_wait3A_453] : memref<128x129xf32, #tpu.memory_space<vmem>> -> memref<8x128xf32, #tpu.memory_space<vmem>>
    tpu.wait_dma2 semaphore(%arg14 : memref<!tpu.dma_semaphore, #tpu.memory_space<semaphore_mem>>) src(%dma_wait3A_454 : memref<8x128xf32, #tpu.memory_space<vmem>>) dst(%dma_wait3A_451 : memref<8x128xf32, #tpu.memory_space<hbm>>)
    %dma_wait3A_455 = arith.constant 0 : i32
    %dma_wait3A_456 = arith.constant 0 : i32
    %dma_wait3A_457 = arith.constant 0 : i32
    %dma_wait3A_458 = arith.constant 0 : i32
    %dma_wait3A_459 = arith.constant 0 : i32
    %dma_wait3A_460 = tpu.memref_slice %arg10[%dma_wait3A_458, %dma_wait3A_459] : memref<128x129xf32, #tpu.memory_space<vmem>> -> memref<8x128xf32, #tpu.memory_space<vmem>>
    %dma_wait3A_461 = arith.constant 0 : i32
    %dma_wait3A_462 = arith.constant 0 : i32
    %dma_wait3A_463 = tpu.memref_slice %arg4[%dma_wait3A_455, %dma_wait3A_456, %dma_wait3A_457, %dma_wait3A_461, %dma_wait3A_462] : memref<50x8x128x8x128xf32, #tpu.memory_space<hbm>> -> memref<1x1x1x8x128xf32, #tpu.memory_space<hbm>>
    %dma_wait3A_464 = tpu.memref_squeeze %dma_wait3A_463 : memref<1x1x1x8x128xf32, #tpu.memory_space<hbm>> -> memref<8x128xf32, #tpu.memory_space<hbm>>
    %dma_wait3A_465 = arith.constant 0 : i32
    %dma_wait3A_466 = arith.constant 0 : i32
    %dma_wait3A_467 = tpu.memref_slice %arg4[%dma_wait3A_455, %dma_wait3A_456, %dma_wait3A_457, %dma_wait3A_465, %dma_wait3A_466] : memref<50x8x128x8x128xf32, #tpu.memory_space<hbm>> -> memref<1x1x1x8x128xf32, #tpu.memory_space<hbm>>
    %dma_wait3A_468 = tpu.memref_squeeze %dma_wait3A_467 : memref<1x1x1x8x128xf32, #tpu.memory_space<hbm>> -> memref<8x128xf32, #tpu.memory_space<hbm>>
    %dma_wait3A_469 = arith.constant 0 : i32
    %dma_wait3A_470 = arith.constant 0 : i32
    %dma_wait3A_471 = tpu.memref_slice %arg10[%dma_wait3A_469, %dma_wait3A_470] : memref<128x129xf32, #tpu.memory_space<vmem>> -> memref<8x128xf32, #tpu.memory_space<vmem>>
    tpu.wait_dma2 semaphore(%arg14 : memref<!tpu.dma_semaphore, #tpu.memory_space<semaphore_mem>>) src(%dma_wait3A_471 : memref<8x128xf32, #tpu.memory_space<vmem>>) dst(%dma_wait3A_468 : memref<8x128xf32, #tpu.memory_space<hbm>>)
    %dma_wait3A_472 = arith.constant 0 : i32
    %dma_wait3A_473 = arith.constant 0 : i32
    %dma_wait3A_474 = arith.constant 0 : i32
    %dma_wait3A_475 = arith.constant 0 : i32
    %dma_wait3A_476 = arith.constant 0 : i32
    %dma_wait3A_477 = tpu.memref_slice %arg10[%dma_wait3A_475, %dma_wait3A_476] : memref<128x129xf32, #tpu.memory_space<vmem>> -> memref<8x128xf32, #tpu.memory_space<vmem>>
    %dma_wait3A_478 = arith.constant 0 : i32
    %dma_wait3A_479 = arith.constant 0 : i32
    %dma_wait3A_480 = tpu.memref_slice %arg4[%dma_wait3A_472, %dma_wait3A_473, %dma_wait3A_474, %dma_wait3A_478, %dma_wait3A_479] : memref<50x8x128x8x128xf32, #tpu.memory_space<hbm>> -> memref<1x1x1x8x128xf32, #tpu.memory_space<hbm>>
    %dma_wait3A_481 = tpu.memref_squeeze %dma_wait3A_480 : memref<1x1x1x8x128xf32, #tpu.memory_space<hbm>> -> memref<8x128xf32, #tpu.memory_space<hbm>>
    %dma_wait3A_482 = arith.constant 0 : i32
    %dma_wait3A_483 = arith.constant 0 : i32
    %dma_wait3A_484 = tpu.memref_slice %arg4[%dma_wait3A_472, %dma_wait3A_473, %dma_wait3A_474, %dma_wait3A_482, %dma_wait3A_483] : memref<50x8x128x8x128xf32, #tpu.memory_space<hbm>> -> memref<1x1x1x8x128xf32, #tpu.memory_space<hbm>>
    %dma_wait3A_485 = tpu.memref_squeeze %dma_wait3A_484 : memref<1x1x1x8x128xf32, #tpu.memory_space<hbm>> -> memref<8x128xf32, #tpu.memory_space<hbm>>
    %dma_wait3A_486 = arith.constant 0 : i32
    %dma_wait3A_487 = arith.constant 0 : i32
    %dma_wait3A_488 = tpu.memref_slice %arg10[%dma_wait3A_486, %dma_wait3A_487] : memref<128x129xf32, #tpu.memory_space<vmem>> -> memref<8x128xf32, #tpu.memory_space<vmem>>
    tpu.wait_dma2 semaphore(%arg14 : memref<!tpu.dma_semaphore, #tpu.memory_space<semaphore_mem>>) src(%dma_wait3A_488 : memref<8x128xf32, #tpu.memory_space<vmem>>) dst(%dma_wait3A_485 : memref<8x128xf32, #tpu.memory_space<hbm>>)
    %dma_wait3A_489 = arith.constant 0 : i32
    %dma_wait3A_490 = arith.constant 0 : i32
    %dma_wait3A_491 = arith.constant 0 : i32
    %dma_wait3A_492 = arith.constant 0 : i32
    %dma_wait3A_493 = arith.constant 0 : i32
    %dma_wait3A_494 = tpu.memref_slice %arg10[%dma_wait3A_492, %dma_wait3A_493] : memref<128x129xf32, #tpu.memory_space<vmem>> -> memref<8x128xf32, #tpu.memory_space<vmem>>
    %dma_wait3A_495 = arith.constant 0 : i32
    %dma_wait3A_496 = arith.constant 0 : i32
    %dma_wait3A_497 = tpu.memref_slice %arg4[%dma_wait3A_489, %dma_wait3A_490, %dma_wait3A_491, %dma_wait3A_495, %dma_wait3A_496] : memref<50x8x128x8x128xf32, #tpu.memory_space<hbm>> -> memref<1x1x1x8x128xf32, #tpu.memory_space<hbm>>
    %dma_wait3A_498 = tpu.memref_squeeze %dma_wait3A_497 : memref<1x1x1x8x128xf32, #tpu.memory_space<hbm>> -> memref<8x128xf32, #tpu.memory_space<hbm>>
    %dma_wait3A_499 = arith.constant 0 : i32
    %dma_wait3A_500 = arith.constant 0 : i32
    %dma_wait3A_501 = tpu.memref_slice %arg4[%dma_wait3A_489, %dma_wait3A_490, %dma_wait3A_491, %dma_wait3A_499, %dma_wait3A_500] : memref<50x8x128x8x128xf32, #tpu.memory_space<hbm>> -> memref<1x1x1x8x128xf32, #tpu.memory_space<hbm>>
    %dma_wait3A_502 = tpu.memref_squeeze %dma_wait3A_501 : memref<1x1x1x8x128xf32, #tpu.memory_space<hbm>> -> memref<8x128xf32, #tpu.memory_space<hbm>>
    %dma_wait3A_503 = arith.constant 0 : i32
    %dma_wait3A_504 = arith.constant 0 : i32
    %dma_wait3A_505 = tpu.memref_slice %arg10[%dma_wait3A_503, %dma_wait3A_504] : memref<128x129xf32, #tpu.memory_space<vmem>> -> memref<8x128xf32, #tpu.memory_space<vmem>>
    tpu.wait_dma2 semaphore(%arg14 : memref<!tpu.dma_semaphore, #tpu.memory_space<semaphore_mem>>) src(%dma_wait3A_505 : memref<8x128xf32, #tpu.memory_space<vmem>>) dst(%dma_wait3A_502 : memref<8x128xf32, #tpu.memory_space<hbm>>)
    %dma_wait3A_506 = arith.constant 0 : i32
    %dma_wait3A_507 = arith.constant 0 : i32
    %dma_wait3A_508 = arith.constant 0 : i32
    %dma_wait3A_509 = arith.constant 0 : i32
    %dma_wait3A_510 = arith.constant 0 : i32
    %dma_wait3A_511 = tpu.memref_slice %arg10[%dma_wait3A_509, %dma_wait3A_510] : memref<128x129xf32, #tpu.memory_space<vmem>> -> memref<8x128xf32, #tpu.memory_space<vmem>>
    %dma_wait3A_512 = arith.constant 0 : i32
    %dma_wait3A_513 = arith.constant 0 : i32
    %dma_wait3A_514 = tpu.memref_slice %arg4[%dma_wait3A_506, %dma_wait3A_507, %dma_wait3A_508, %dma_wait3A_512, %dma_wait3A_513] : memref<50x8x128x8x128xf32, #tpu.memory_space<hbm>> -> memref<1x1x1x8x128xf32, #tpu.memory_space<hbm>>
    %dma_wait3A_515 = tpu.memref_squeeze %dma_wait3A_514 : memref<1x1x1x8x128xf32, #tpu.memory_space<hbm>> -> memref<8x128xf32, #tpu.memory_space<hbm>>
    %dma_wait3A_516 = arith.constant 0 : i32
    %dma_wait3A_517 = arith.constant 0 : i32
    %dma_wait3A_518 = tpu.memref_slice %arg4[%dma_wait3A_506, %dma_wait3A_507, %dma_wait3A_508, %dma_wait3A_516, %dma_wait3A_517] : memref<50x8x128x8x128xf32, #tpu.memory_space<hbm>> -> memref<1x1x1x8x128xf32, #tpu.memory_space<hbm>>
    %dma_wait3A_519 = tpu.memref_squeeze %dma_wait3A_518 : memref<1x1x1x8x128xf32, #tpu.memory_space<hbm>> -> memref<8x128xf32, #tpu.memory_space<hbm>>
    %dma_wait3A_520 = arith.constant 0 : i32
    %dma_wait3A_521 = arith.constant 0 : i32
    %dma_wait3A_522 = tpu.memref_slice %arg10[%dma_wait3A_520, %dma_wait3A_521] : memref<128x129xf32, #tpu.memory_space<vmem>> -> memref<8x128xf32, #tpu.memory_space<vmem>>
    tpu.wait_dma2 semaphore(%arg14 : memref<!tpu.dma_semaphore, #tpu.memory_space<semaphore_mem>>) src(%dma_wait3A_522 : memref<8x128xf32, #tpu.memory_space<vmem>>) dst(%dma_wait3A_519 : memref<8x128xf32, #tpu.memory_space<hbm>>)
    %dma_wait3A_523 = arith.constant 0 : i32
    %dma_wait3A_524 = arith.constant 0 : i32
    %dma_wait3A_525 = arith.constant 0 : i32
    %dma_wait3A_526 = arith.constant 0 : i32
    %dma_wait3A_527 = arith.constant 0 : i32
    %dma_wait3A_528 = tpu.memref_slice %arg10[%dma_wait3A_526, %dma_wait3A_527] : memref<128x129xf32, #tpu.memory_space<vmem>> -> memref<8x128xf32, #tpu.memory_space<vmem>>
    %dma_wait3A_529 = arith.constant 0 : i32
    %dma_wait3A_530 = arith.constant 0 : i32
    %dma_wait3A_531 = tpu.memref_slice %arg4[%dma_wait3A_523, %dma_wait3A_524, %dma_wait3A_525, %dma_wait3A_529, %dma_wait3A_530] : memref<50x8x128x8x128xf32, #tpu.memory_space<hbm>> -> memref<1x1x1x8x128xf32, #tpu.memory_space<hbm>>
    %dma_wait3A_532 = tpu.memref_squeeze %dma_wait3A_531 : memref<1x1x1x8x128xf32, #tpu.memory_space<hbm>> -> memref<8x128xf32, #tpu.memory_space<hbm>>
    %dma_wait3A_533 = arith.constant 0 : i32
    %dma_wait3A_534 = arith.constant 0 : i32
    %dma_wait3A_535 = tpu.memref_slice %arg4[%dma_wait3A_523, %dma_wait3A_524, %dma_wait3A_525, %dma_wait3A_533, %dma_wait3A_534] : memref<50x8x128x8x128xf32, #tpu.memory_space<hbm>> -> memref<1x1x1x8x128xf32, #tpu.memory_space<hbm>>
    %dma_wait3A_536 = tpu.memref_squeeze %dma_wait3A_535 : memref<1x1x1x8x128xf32, #tpu.memory_space<hbm>> -> memref<8x128xf32, #tpu.memory_space<hbm>>
    %dma_wait3A_537 = arith.constant 0 : i32
    %dma_wait3A_538 = arith.constant 0 : i32
    %dma_wait3A_539 = tpu.memref_slice %arg10[%dma_wait3A_537, %dma_wait3A_538] : memref<128x129xf32, #tpu.memory_space<vmem>> -> memref<8x128xf32, #tpu.memory_space<vmem>>
    tpu.wait_dma2 semaphore(%arg14 : memref<!tpu.dma_semaphore, #tpu.memory_space<semaphore_mem>>) src(%dma_wait3A_539 : memref<8x128xf32, #tpu.memory_space<vmem>>) dst(%dma_wait3A_536 : memref<8x128xf32, #tpu.memory_space<hbm>>)
    %dma_wait3A_540 = arith.constant 0 : i32
    %dma_wait3A_541 = arith.constant 0 : i32
    %dma_wait3A_542 = arith.constant 0 : i32
    %dma_wait3A_543 = arith.constant 0 : i32
    %dma_wait3A_544 = arith.constant 0 : i32
    %dma_wait3A_545 = tpu.memref_slice %arg10[%dma_wait3A_543, %dma_wait3A_544] : memref<128x129xf32, #tpu.memory_space<vmem>> -> memref<8x128xf32, #tpu.memory_space<vmem>>
    %dma_wait3A_546 = arith.constant 0 : i32
    %dma_wait3A_547 = arith.constant 0 : i32
    %dma_wait3A_548 = tpu.memref_slice %arg4[%dma_wait3A_540, %dma_wait3A_541, %dma_wait3A_542, %dma_wait3A_546, %dma_wait3A_547] : memref<50x8x128x8x128xf32, #tpu.memory_space<hbm>> -> memref<1x1x1x8x128xf32, #tpu.memory_space<hbm>>
    %dma_wait3A_549 = tpu.memref_squeeze %dma_wait3A_548 : memref<1x1x1x8x128xf32, #tpu.memory_space<hbm>> -> memref<8x128xf32, #tpu.memory_space<hbm>>
    %dma_wait3A_550 = arith.constant 0 : i32
    %dma_wait3A_551 = arith.constant 0 : i32
    %dma_wait3A_552 = tpu.memref_slice %arg4[%dma_wait3A_540, %dma_wait3A_541, %dma_wait3A_542, %dma_wait3A_550, %dma_wait3A_551] : memref<50x8x128x8x128xf32, #tpu.memory_space<hbm>> -> memref<1x1x1x8x128xf32, #tpu.memory_space<hbm>>
    %dma_wait3A_553 = tpu.memref_squeeze %dma_wait3A_552 : memref<1x1x1x8x128xf32, #tpu.memory_space<hbm>> -> memref<8x128xf32, #tpu.memory_space<hbm>>
    %dma_wait3A_554 = arith.constant 0 : i32
    %dma_wait3A_555 = arith.constant 0 : i32
    %dma_wait3A_556 = tpu.memref_slice %arg10[%dma_wait3A_554, %dma_wait3A_555] : memref<128x129xf32, #tpu.memory_space<vmem>> -> memref<8x128xf32, #tpu.memory_space<vmem>>
    tpu.wait_dma2 semaphore(%arg14 : memref<!tpu.dma_semaphore, #tpu.memory_space<semaphore_mem>>) src(%dma_wait3A_556 : memref<8x128xf32, #tpu.memory_space<vmem>>) dst(%dma_wait3A_553 : memref<8x128xf32, #tpu.memory_space<hbm>>)
    %dma_wait3A_557 = arith.constant 0 : i32
    %dma_wait3A_558 = arith.constant 0 : i32
    %dma_wait3A_559 = arith.constant 0 : i32
    %dma_wait3A_560 = arith.constant 0 : i32
    %dma_wait3A_561 = arith.constant 0 : i32
    %dma_wait3A_562 = tpu.memref_slice %arg10[%dma_wait3A_560, %dma_wait3A_561] : memref<128x129xf32, #tpu.memory_space<vmem>> -> memref<8x128xf32, #tpu.memory_space<vmem>>
    %dma_wait3A_563 = arith.constant 0 : i32
    %dma_wait3A_564 = arith.constant 0 : i32
    %dma_wait3A_565 = tpu.memref_slice %arg4[%dma_wait3A_557, %dma_wait3A_558, %dma_wait3A_559, %dma_wait3A_563, %dma_wait3A_564] : memref<50x8x128x8x128xf32, #tpu.memory_space<hbm>> -> memref<1x1x1x8x128xf32, #tpu.memory_space<hbm>>
    %dma_wait3A_566 = tpu.memref_squeeze %dma_wait3A_565 : memref<1x1x1x8x128xf32, #tpu.memory_space<hbm>> -> memref<8x128xf32, #tpu.memory_space<hbm>>
    %dma_wait3A_567 = arith.constant 0 : i32
    %dma_wait3A_568 = arith.constant 0 : i32
    %dma_wait3A_569 = tpu.memref_slice %arg4[%dma_wait3A_557, %dma_wait3A_558, %dma_wait3A_559, %dma_wait3A_567, %dma_wait3A_568] : memref<50x8x128x8x128xf32, #tpu.memory_space<hbm>> -> memref<1x1x1x8x128xf32, #tpu.memory_space<hbm>>
    %dma_wait3A_570 = tpu.memref_squeeze %dma_wait3A_569 : memref<1x1x1x8x128xf32, #tpu.memory_space<hbm>> -> memref<8x128xf32, #tpu.memory_space<hbm>>
    %dma_wait3A_571 = arith.constant 0 : i32
    %dma_wait3A_572 = arith.constant 0 : i32
    %dma_wait3A_573 = tpu.memref_slice %arg10[%dma_wait3A_571, %dma_wait3A_572] : memref<128x129xf32, #tpu.memory_space<vmem>> -> memref<8x128xf32, #tpu.memory_space<vmem>>
    tpu.wait_dma2 semaphore(%arg14 : memref<!tpu.dma_semaphore, #tpu.memory_space<semaphore_mem>>) src(%dma_wait3A_573 : memref<8x128xf32, #tpu.memory_space<vmem>>) dst(%dma_wait3A_570 : memref<8x128xf32, #tpu.memory_space<hbm>>)
    %dma_wait3A_574 = arith.constant 0 : i32
    %dma_wait3A_575 = arith.constant 0 : i32
    %dma_wait3A_576 = arith.constant 0 : i32
    %dma_wait3A_577 = arith.constant 0 : i32
    %dma_wait3A_578 = arith.constant 0 : i32
    %dma_wait3A_579 = tpu.memref_slice %arg10[%dma_wait3A_577, %dma_wait3A_578] : memref<128x129xf32, #tpu.memory_space<vmem>> -> memref<8x128xf32, #tpu.memory_space<vmem>>
    %dma_wait3A_580 = arith.constant 0 : i32
    %dma_wait3A_581 = arith.constant 0 : i32
    %dma_wait3A_582 = tpu.memref_slice %arg4[%dma_wait3A_574, %dma_wait3A_575, %dma_wait3A_576, %dma_wait3A_580, %dma_wait3A_581] : memref<50x8x128x8x128xf32, #tpu.memory_space<hbm>> -> memref<1x1x1x8x128xf32, #tpu.memory_space<hbm>>
    %dma_wait3A_583 = tpu.memref_squeeze %dma_wait3A_582 : memref<1x1x1x8x128xf32, #tpu.memory_space<hbm>> -> memref<8x128xf32, #tpu.memory_space<hbm>>
    %dma_wait3A_584 = arith.constant 0 : i32
    %dma_wait3A_585 = arith.constant 0 : i32
    %dma_wait3A_586 = tpu.memref_slice %arg4[%dma_wait3A_574, %dma_wait3A_575, %dma_wait3A_576, %dma_wait3A_584, %dma_wait3A_585] : memref<50x8x128x8x128xf32, #tpu.memory_space<hbm>> -> memref<1x1x1x8x128xf32, #tpu.memory_space<hbm>>
    %dma_wait3A_587 = tpu.memref_squeeze %dma_wait3A_586 : memref<1x1x1x8x128xf32, #tpu.memory_space<hbm>> -> memref<8x128xf32, #tpu.memory_space<hbm>>
    %dma_wait3A_588 = arith.constant 0 : i32
    %dma_wait3A_589 = arith.constant 0 : i32
    %dma_wait3A_590 = tpu.memref_slice %arg10[%dma_wait3A_588, %dma_wait3A_589] : memref<128x129xf32, #tpu.memory_space<vmem>> -> memref<8x128xf32, #tpu.memory_space<vmem>>
    tpu.wait_dma2 semaphore(%arg14 : memref<!tpu.dma_semaphore, #tpu.memory_space<semaphore_mem>>) src(%dma_wait3A_590 : memref<8x128xf32, #tpu.memory_space<vmem>>) dst(%dma_wait3A_587 : memref<8x128xf32, #tpu.memory_space<hbm>>)
    %dma_wait3A_591 = arith.constant 0 : i32
    %dma_wait3A_592 = arith.constant 0 : i32
    %dma_wait3A_593 = arith.constant 0 : i32
    %dma_wait3A_594 = arith.constant 0 : i32
    %dma_wait3A_595 = arith.constant 0 : i32
    %dma_wait3A_596 = tpu.memref_slice %arg10[%dma_wait3A_594, %dma_wait3A_595] : memref<128x129xf32, #tpu.memory_space<vmem>> -> memref<8x128xf32, #tpu.memory_space<vmem>>
    %dma_wait3A_597 = arith.constant 0 : i32
    %dma_wait3A_598 = arith.constant 0 : i32
    %dma_wait3A_599 = tpu.memref_slice %arg4[%dma_wait3A_591, %dma_wait3A_592, %dma_wait3A_593, %dma_wait3A_597, %dma_wait3A_598] : memref<50x8x128x8x128xf32, #tpu.memory_space<hbm>> -> memref<1x1x1x8x128xf32, #tpu.memory_space<hbm>>
    %dma_wait3A_600 = tpu.memref_squeeze %dma_wait3A_599 : memref<1x1x1x8x128xf32, #tpu.memory_space<hbm>> -> memref<8x128xf32, #tpu.memory_space<hbm>>
    %dma_wait3A_601 = arith.constant 0 : i32
    %dma_wait3A_602 = arith.constant 0 : i32
    %dma_wait3A_603 = tpu.memref_slice %arg4[%dma_wait3A_591, %dma_wait3A_592, %dma_wait3A_593, %dma_wait3A_601, %dma_wait3A_602] : memref<50x8x128x8x128xf32, #tpu.memory_space<hbm>> -> memref<1x1x1x8x128xf32, #tpu.memory_space<hbm>>
    %dma_wait3A_604 = tpu.memref_squeeze %dma_wait3A_603 : memref<1x1x1x8x128xf32, #tpu.memory_space<hbm>> -> memref<8x128xf32, #tpu.memory_space<hbm>>
    %dma_wait3A_605 = arith.constant 0 : i32
    %dma_wait3A_606 = arith.constant 0 : i32
    %dma_wait3A_607 = tpu.memref_slice %arg10[%dma_wait3A_605, %dma_wait3A_606] : memref<128x129xf32, #tpu.memory_space<vmem>> -> memref<8x128xf32, #tpu.memory_space<vmem>>
    tpu.wait_dma2 semaphore(%arg14 : memref<!tpu.dma_semaphore, #tpu.memory_space<semaphore_mem>>) src(%dma_wait3A_607 : memref<8x128xf32, #tpu.memory_space<vmem>>) dst(%dma_wait3A_604 : memref<8x128xf32, #tpu.memory_space<hbm>>)
    %dma_wait3A_608 = arith.constant 0 : i32
    %dma_wait3A_609 = arith.constant 0 : i32
    %dma_wait3A_610 = arith.constant 0 : i32
    %dma_wait3A_611 = arith.constant 0 : i32
    %dma_wait3A_612 = arith.constant 0 : i32
    %dma_wait3A_613 = tpu.memref_slice %arg10[%dma_wait3A_611, %dma_wait3A_612] : memref<128x129xf32, #tpu.memory_space<vmem>> -> memref<8x128xf32, #tpu.memory_space<vmem>>
    %dma_wait3A_614 = arith.constant 0 : i32
    %dma_wait3A_615 = arith.constant 0 : i32
    %dma_wait3A_616 = tpu.memref_slice %arg4[%dma_wait3A_608, %dma_wait3A_609, %dma_wait3A_610, %dma_wait3A_614, %dma_wait3A_615] : memref<50x8x128x8x128xf32, #tpu.memory_space<hbm>> -> memref<1x1x1x8x128xf32, #tpu.memory_space<hbm>>
    %dma_wait3A_617 = tpu.memref_squeeze %dma_wait3A_616 : memref<1x1x1x8x128xf32, #tpu.memory_space<hbm>> -> memref<8x128xf32, #tpu.memory_space<hbm>>
    %dma_wait3A_618 = arith.constant 0 : i32
    %dma_wait3A_619 = arith.constant 0 : i32
    %dma_wait3A_620 = tpu.memref_slice %arg4[%dma_wait3A_608, %dma_wait3A_609, %dma_wait3A_610, %dma_wait3A_618, %dma_wait3A_619] : memref<50x8x128x8x128xf32, #tpu.memory_space<hbm>> -> memref<1x1x1x8x128xf32, #tpu.memory_space<hbm>>
    %dma_wait3A_621 = tpu.memref_squeeze %dma_wait3A_620 : memref<1x1x1x8x128xf32, #tpu.memory_space<hbm>> -> memref<8x128xf32, #tpu.memory_space<hbm>>
    %dma_wait3A_622 = arith.constant 0 : i32
    %dma_wait3A_623 = arith.constant 0 : i32
    %dma_wait3A_624 = tpu.memref_slice %arg10[%dma_wait3A_622, %dma_wait3A_623] : memref<128x129xf32, #tpu.memory_space<vmem>> -> memref<8x128xf32, #tpu.memory_space<vmem>>
    tpu.wait_dma2 semaphore(%arg14 : memref<!tpu.dma_semaphore, #tpu.memory_space<semaphore_mem>>) src(%dma_wait3A_624 : memref<8x128xf32, #tpu.memory_space<vmem>>) dst(%dma_wait3A_621 : memref<8x128xf32, #tpu.memory_space<hbm>>)
    return
  }
}

</mosaic_0001>

<sc_bundles>
// kernel: _emb_lookup.3.cloned.1.call-start
scs
__scs_entry_jumppad:
0x0: {  	(pc) =	sbr.rel $0x88, $3  }
0x1: {  	(tag) =	ssettag $0x0;
	lr =	simm.s32 $0x1  }
0x2: {  	[smem:$0x3F9F] =	sst lr;
	_ =	strace $0xD0000000  }
0x3: {  	_ = 	snop  }
0x4: {  	_ = 	snop  }
0x5: {  	_ = 	snop  }
0x6: {  	_ = 	snop  }
0x7: {  	_ = 	snop  }
__scs_overlays_trampoline_lowered:
0x8: {  	[smem:$0x3FAE] =	sst s0  }
0x9: {  	[smem:$0x3FAF] =	sst s1  }
0xa: {  	[smem:$0x3FB0] =	sst s2  }
0xb: {  	[smem:$0x3FB1] =	sst s3  }
0xc: {  	[smem:$0x3FB2] =	sst s4  }
0xd: {  	[smem:$0x3FB3] =	sst s5  }
0xe: {  	[smem:$0x3FB4] =	sst s6  }
0xf: {  	[smem:$0x3FB5] =	sst s7  }
0x10: {  	[smem:$0x3FB6] =	sst s8  }
0x11: {  	[smem:$0x3FB7] =	sst s9;
	s0 =	simm.s32 @!p0 $0x0  }
0x12: {  	s1 =	sld [smem:$0x3F9D];
	s0 =	simm.s32 @p0 $0x1  }
0x13: {  	[smem:$0x3FB8] =	sst s0;
	s0 =	simm.s32 @!p1 $0x0  }
0x14: {  	s2 =	sld [smem:$0x3F9C];
	s0 =	simm.s32 @p1 $0x1  }
0x15: {  	[smem:$0x3FB9] =	sst s0;
	s0 =	simm.s32 @!p2 $0x0  }
0x16: {  	s3 =	sld [smem:$0x3FDB];
	s0 =	simm.s32 @p2 $0x1  }
0x17: {  	s4 =	simm.s32 $0x1BF5;
	[smem:$0x3FBB] =	sst s0  }
0x18: {  	s0 =	sld [smem:$0x3F9E];
	_ =	swait.ge [sflag:s4], $0x0  }
0x19: {  	s7 =	sld [smem:$0x3F9F]  }
0x1a: {  	s8 =	sadd.s32 $0xFFFFE003, lr  }
0x1b: {  	s9 =	sadd.s32 $0xFFFFFEF7, lr;
	s5 =	simm.s32 $0xFFFFFFFF;
	p2 =	slt.u32 s8, $0xFFFFF086  }
0x1c: {  	p1 =	slt.u32 s9, $0xF7A;
	s5 =	simm.s32 @!p2 $0x0  }
0x1d: {  	s5 =	simm.s32 @p1 $0x1;
	p0 =	seq.s32 s7, s2  }
0x1e: {  	s7 =	smul.u32 @!p0 $0xF7A, s2;
	p2 =	seq.s32 @!p0 s5, $0x0  }
0x1f: {  	s9 =	smul.u32 $0xF7A, s1;
	s8 =	simm.s32 @!p0 $0x1BF5;
	p2 =	por !p2, p0  }
0x20: {  	[sflag:s8] =	ssyncset.s32 @!p0 $0xFFFFF086;
	s6 =	sadd.s32 @!p0 s3, s7;
	s7 =	simm.s32 @!p0 $0x108  }
0x21: {  	s3 =	sadd.s32 s3, s9;
	s6 =	sadd.s32 @!p0 $0x88, s6;
	s7 =	simm.s32 @p2 $0x1082  }
0x22: {  	[simem:s7], [sflag:s8] =	dma.local @!p0 [hbm:s6], $0xF7A  }
0x23: {  	s9 =	sor.u32 $0xD0000000, s2;
	s6 =	simm.s32 $0x108;
	_ =	swait.ge @!p0 [sflag:s8], $0x0  }
0x24: {  	s3 =	sadd.s32 $0x88, s3;
	s6 =	simm.s32 @!p1 $0x1082;
	[sflag:s4] =	ssyncset.s32 $0xFFFFF086  }
0x25: {  	[simem:s6], [sflag:s4] =	dma.local [hbm:s3], $0xF7A  }
0x26: {  	[smem:$0x3F9F] =	sst s1;
	(tag) =	ssettag s2;
	_ =	strace s9  }
0x27: {  	s1 =	sld [smem:$0x3FAF]  }
0x28: {  	s2 =	sld [smem:$0x3FB0]  }
0x29: {  	s4 =	sld [smem:$0x3FB2]  }
0x2a: {  	p0 =	seq.s32 s5, $0x0;
	s5 =	sld [smem:$0x3FB3]  }
0x2b: {  	s6 =	sld [smem:$0x3FB4]  }
0x2c: {  	s7 =	sld [smem:$0x3FB5]  }
0x2d: {  	s3 =	simm.s32 $0x108;
	s8 =	sld [smem:$0x3FB6]  }
0x2e: {  	s3 =	simm.s32 @!p0 $0x1082;
	s9 =	sld [smem:$0x3FB7]  }
0x2f: {  	lr =	sadd.s32 s0, s3;
	s0 =	sld [smem:$0x3FAE]  }
0x30: {  	s3 =	sld [smem:$0x3FB1]  }
0x31: {  	[smem:$0x3FBA] =	sst s10  }
0x32: {  	s10 =	sld [smem:$0x3FB8];
	_ =	sdelay $0x3  }
0x33: {  	p0 =	seq.s32 s10, $0x1;
	s10 =	sld [smem:$0x3FBA];
	_ =	sdelay $0x3  }
0x34: {  	[smem:$0x3FBA] =	sst s10  }
0x35: {  	s10 =	sld [smem:$0x3FB9];
	_ =	sdelay $0x3  }
0x36: {  	p1 =	seq.s32 s10, $0x1;
	s10 =	sld [smem:$0x3FBA];
	_ =	sdelay $0x3  }
0x37: {  	[smem:$0x3FBA] =	sst s10  }
0x38: {  	s10 =	sld [smem:$0x3FBB]  }
0x39: {  	_ = 	snop;
	(pc) =	sbr.ind lr, $3  }
0x3a: {  	_ = 	snop  }
0x3b: {  	_ = 	snop  }
0x3c: {  	p2 =	seq.s32 s10, $0x1;
	s10 =	sld [smem:$0x3FBA]  }
0x3d: {  	_ =	shalt  }
0x3e: {  	_ =	shalt  }
0x3f: {  	_ =	shalt  }
0x40: {  	_ =	shalt  }
0x41: {  	_ =	shalt  }
0x42: {  	_ =	shalt  }
0x43: {  	_ =	shalt  }
0x44: {  	_ =	shalt  }
0x45: {  	_ =	shalt  }
0x46: {  	_ =	shalt  }
0x47: {  	_ =	shalt  }
0x48: {  	_ =	shalt  }
0x49: {  	_ =	shalt  }
0x4a: {  	_ =	shalt  }
0x4b: {  	_ =	shalt  }
0x4c: {  	_ =	shalt  }
0x4d: {  	_ =	shalt  }
0x4e: {  	_ =	shalt  }
0x4f: {  	_ =	shalt  }
0x50: {  	_ =	shalt  }
0x51: {  	_ =	shalt  }
0x52: {  	_ =	shalt  }
0x53: {  	_ =	shalt  }
0x54: {  	_ =	shalt  }
0x55: {  	_ =	shalt  }
0x56: {  	_ =	shalt  }
0x57: {  	_ =	shalt  }
0x58: {  	_ =	shalt  }
0x59: {  	_ =	shalt  }
0x5a: {  	_ =	shalt  }
0x5b: {  	_ =	shalt  }
0x5c: {  	_ =	shalt  }
0x5d: {  	_ =	shalt  }
0x5e: {  	_ =	shalt  }
0x5f: {  	_ =	shalt  }
0x60: {  	_ =	shalt  }
0x61: {  	_ =	shalt  }
0x62: {  	_ =	shalt  }
0x63: {  	_ =	shalt  }
0x64: {  	_ =	shalt  }
0x65: {  	_ =	shalt  }
0x66: {  	_ =	shalt  }
0x67: {  	_ =	shalt  }
0x68: {  	_ =	shalt  }
0x69: {  	_ =	shalt  }
0x6a: {  	_ =	shalt  }
0x6b: {  	_ =	shalt  }
0x6c: {  	_ =	shalt  }
0x6d: {  	_ =	shalt  }
0x6e: {  	_ =	shalt  }
0x6f: {  	_ =	shalt  }
0x70: {  	_ =	shalt  }
0x71: {  	_ =	shalt  }
0x72: {  	_ =	shalt  }
0x73: {  	_ =	shalt  }
0x74: {  	_ =	shalt  }
0x75: {  	_ =	shalt  }
0x76: {  	_ =	shalt  }
0x77: {  	_ =	shalt  }
0x78: {  	_ =	shalt  }
0x79: {  	_ =	shalt  }
0x7a: {  	_ =	shalt  }
0x7b: {  	_ =	shalt  }
0x7c: {  	_ =	shalt  }
0x7d: {  	_ =	shalt  }
0x7e: {  	_ =	shalt  }
0x7f: {  	_ =	shalt  }
0x80: {  	_ =	shalt  }
0x81: {  	_ =	shalt  }
0x82: {  	_ =	shalt  }
0x83: {  	_ =	shalt  }
0x84: {  	_ =	shalt  }
0x85: {  	_ =	shalt  }
0x86: {  	_ =	shalt  }
0x87: {  	_ =	shalt  }
.Lfunc_end0:
.L_simem_size_0:
called_computation_lowered:
.L_overlay_start_0:
0x88: {  	s2 =	sld [smem:$0x3FD9]  }
0x89: {  	s3 =	sld [smem:$0x3FFE];
	_ =	sdelay $0x1  }
0x8a: {  	s1 =	srdreg.scid  }
0x8b: {  	s0 =	sand.u32 $0x1, s1  }
0x8c: {  	s17 =	sshll.u32 s0, $0xA;
	s2 =	sadd.s32 s3, s2  }
0x8d: {  	s2 =	sadd.s32 s2, s17  }
0x8e: {  	[smem:$0x3FC6] =	sst s2  }
0x8f: {  	_ = 	snop  }
0x90: {  	s2 =	sld [smem:$0x3FC9]  }
0x91: {  	s18 =	sld [smem:$0x3FD0];
	(tm) =	ssettm $0x1  }
0x92: {  	s4 =	sld [smem:$0x3FFB];
	_ =	sdelay $0x3  }
0x93: {  	_ =	strace s4  }
0x94: {  	s4 =	sld [smem:$0x3FFC];
	_ =	sdelay $0x3  }
0x95: {  	_ =	strace s4  }
0x96: {  	s4 =	sld [smem:$0x3FFD];
	_ =	sdelay $0x3  }
0x97: {  	_ =	strace s4  }
0x98: {  	_ =	strace $0x8FFFFFFF  }
0x99: {  	s19 =	sld [smem:$0x3FDB];
	_ =	sdelay $0x1  }
0x9a: {  	s5 =	simm.s32 $_scs_section_size  }
0x9b: {  	s6 =	simm.s32 $_size__tile_overlayer_lowered;
	s7 =	simm.s32 $_tile_overlayer_lowered  }
0x9c: {  	s22 =	simm.s32 $0x1BFF;
	s21 =	sshll.u32 s7, $0x1;
	s4 =	sadd.s32 s5, s19  }
0x9d: {  	s8 =	simm.s32 $0x0;
	s20 =	sshll.u32 s6, $0x1;
	s6 =	sadd.s32 s21, s4  }
0x9e: {  	[timem:s8], [sflag:s22] =	dma.local [hbm:s6], s20  }
0x9f: {  	_ =	swait.ge [sflag:s22], s20  }
0xa0: {  	s5 =	ssub.s32 $0x0, s20;
	[sflag:s22] =	ssyncset.done $0x0  }
0xa1: {  	[sflag:s22] =	ssyncadd.s32 s5;
	_ =	sdelay $0x1  }
0xa2: {  	s23 =	simm.s32 $0x1B8B  }
0xa3: {  	_ =	swait.ge [sflag:s23], $0x1  }
0xa4: {  	[sflag:s23] =	ssyncset.done $0x0  }
0xa5: {  	s25 =	simm.s32 $0x1B8E;
	s24 =	sld [smem:$0x3FFE];
	[sflag:s23] =	ssyncadd.s32 $0xFFFFFFFF  }
0xa6: {  	s26 =	simm.s32 $execute0_lowered;
	[smem:$0x3FD2] =	sst s25  }
0xa7: {  	s6 =	sshll.u32 s26, $0x1;
	_ =	strace $0x80000046;
	[dreg:$0x1] =	wrdreg $0xFFFFFFFF  }
0xa8: {  	s28 =	simm.s32 $_size_execute0_lowered;
	s4 =	sadd.s32 s4, s6;
	[dreg:$0x0] =	wrdreg $0x0  }
0xa9: {  	s6 =	sshll.u32 s28, $0x1;
	[dreg:$0x2] =	wrdreg s4  }
0xaa: {  	[dreg:$0x3] =	wrdreg s6  }
0xab: {  	[dreg:$0x4] =	wrdreg $0xC0  }
0xac: {  	_ =	task [dreg:s8], $0x5FFFF  }
0xad: {  	[dreg:$0x1] =	wrdreg $0xFFFFFFFF  }
0xae: {  	[dreg:$0x0] =	wrdreg $0x60  }
0xaf: {  	[dreg:$0x2] =	wrdreg s2  }
0xb0: {  	[dreg:$0x3] =	wrdreg s24  }
0xb1: {  	[dreg:$0x4] =	wrdreg s18  }
0xb2: {  	[dreg:$0x5] =	wrdreg $0x9  }
0xb3: {  	_ =	task.clear_ibuf [dreg:s8], $0x6FFFF;
	_ =	strace $0x90000046  }
0xb4: {  	s29 =	simm.s32 $0x9;
	_ =	strace $0x80000048  }
0xb5: {  	_ =	swait.ge [sflag:s29], $0x1  }
0xb6: {  	[sflag:s29] =	ssyncadd.s32 $0xFFFFFFFF  }
0xb7: {  	_ =	strace $0x90000048  }
0xb8: {  	_ =	sfence  }
0xb9: {  	s30 =	sld [smem:$0x0];
	_ =	sdelay $0x2  }
0xba: {  	s31 =	sshll.u32 s1, $0xD;
	s1 =	sshrl.u32 s1, $0x2  }
0xbb: {  	s3 =	sand.u32 $0x4000, s31;
	s1 =	sadd.s32 s1, s30  }
0xbc: {  	s0 =	sor.u32 s3, s0;
	s1 =	sshll.u32 s1, $0x11  }
0xbd: {  	s0 =	sor.u32 s1, s0  }
0xbe: {  	s0 =	sadd.s32 $0x8F2B, s0  }
0xbf: {  	[sflag:s0] =	ssyncadd.remote.s32 $0x1  }
0xc0: {  	_ =	sfence.sel $0xFFFF  }
0xc1: {  	[dreg:$0x0] =	wrdreg $0xFFFFFFFF;
	(pc) =	sbr.abs _section_cstart, $3  }
0xc2: {  	[dreg:$0x1] =	wrdreg $0xFFFFFFFF  }
0xc3: {  	_ =	task.clear_ibuf [dreg:s8], $0x2FFFF;
	_ =	strace $0x9FFFFFFF  }
0xc4: {  	(tm) =	ssettm $0x7FFFFFFF  }
0xc5: {  	_ =	shalt  }
tec
execute0_lowered:
.L_overlay_start_1:
0x0: {  	(tag) =	ssettag $0x1  }
0x1: {  	s6 =	rddreg [dreg:$0x0]  }
0x2: {  	s0 =	srdreg.scid;
	s4 =	rddreg [dreg:$0x1]  }
0x3: {  	s1 =	stileid.u32;
	s2 =	rddreg [dreg:$0x2]  }
0x4: {  	s3 =	simm.s32 $0x0;
	s17 =	simm.s32 $0x5;
	s18 =	simm.s32 $0x80  }
0x5: {  	s21 =	simm.s32 $0x100;
	s25 =	simm.s32 $0x1;
	s26 =	simm.s32 $0x8200  }
0x6: {  	s22 =	simm.s32 $0x2;
	s23 =	simm.s32 $0xC600;
	s19 =	simm.s32 $0x4  }
0x7: {  	s0 =	sand.u32 $0x1, s0;
	s1 =	sshll.u32 s1, $0x1;
	[smem:$0x7FF] =	sst s3  }
0x8: {  	s4 =	sadd.s32 $0xF42800, s4;
	s9 =	sadd.s32 $0x8000, s2;
	s1 =	sor.u32 s0, s1  }
0x9: {  	s10 =	sadd.s32 $0xC000, s2;
	s11 =	sadd.s32 $0x10000, s2;
	s5 =	smul.u32 $0x6400, s1  }
0xa: {  	s12 =	sadd.s32 $0x14000, s2;
	s13 =	sadd.s32 $0x18000, s2;
	s7 =	smul.u32 $0x2400, s1  }
0xb: {  	v0 =	vlaneseq.u32;
	s14 =	sadd.s32 $0x1C000, s2;
	s16 =	sadd.s32 $0x40, s6;
	s0 =	ssub.s32 $0x2, s0  }
0xc: {  	v0 =	vmul.u32 $0x88, v0;
	s30 =	sshrl.u32 s0, $0x1;
	s5 =	sand.u32 $0xFC000, s5;
	s7 =	sand.u32 $0x3C00, s7  }
0xd: {  	_ =	strace $0x80000047;
	s0 =	ssub.s32 s0, s30;
	s5 =	sor.u32 s7, s5  }
0xe: {  	v1 =	vadd.s32 $0x880, v0;
	s0 =	smax.u32 s0, $0x1;
	s7 =	sadd.s32 $0x20, s6;
	s8 =	sshrl.u32 s5, $0x3  }
0xf: {  	v2 =	vadd.s32 $0x1100, v0;
	v3 =	vadd.s32 $0x1980, v0;
	v4 =	vadd.s32 $0x2200, v0;
	[dreg:$0x5] =	wrdreg s0;
	s5 =	smul.u32 $0x64, s1;
	s31 =	sadd.s32 s6, s8  }
0x10: {  	v5 =	vadd.s32 $0x2A80, v0;
	v6 =	vadd.s32 $0x3300, v0;
	v7 =	vadd.s32 $0x3B80, v0;
	s1 =	simm.s32 $0x0;
	s8 =	sadd.s32 $0x4000, s2;
	[dreg:$0x4] =	wrdreg s31  }
.LBB2_1:
0x11: {  	[dreg:$0x6] =	wrdreg s1  }
0x12: {  	s0 =	rddreg [dreg:$0x4]  }
0x13: {  	[tilespmem:s3], [sflag:$0x5] =	stream.linear.gather [hbm4b:s0+s3], $0x100, $0x38;
	[tilespmem:$0x10A00] =	vst v63  }
0x14: {  	_ =	swait.ge [sflag:s17], $0x100  }
0x15: {  	[sflag:s17] =	ssyncset.done $0x0  }
0x16: {  	s30 =	simm.s32 $0x200;
	[sflag:s17] =	ssyncadd.s32 $0xFFFFFF00  }
0x17: {  	[tilespmem:s30], [sflag:$0x1] =	stream.indirect.gather [hbm4b:s4+s18], $0x40, s3, s18, $0xb8;
	[tilespmem:$0x10A00] =	vst v63  }
0x18: {  	s31 =	simm.s32 $0x2200;
	s20 =	simm.s32 $0x0  }
0x19: {  	[tilespmem:s31], [sflag:$0x1] =	stream.indirect.gather [hbm4b:s4+s18], $0x40, s18, s18, $0xb8;
	[tilespmem:$0x10A00] =	vst v63  }
.LBB2_2:
0x1a: {  	p0 =	seq.s32 s20, $0x0  }
0x1b: {  	s1 =	simm.s32 @!p0 $0x4  }
0x1c: {  	_ =	swait.ge @!p0 [sflag:s1], $0x400  }
0x1d: {  	[sflag:s1] =	ssyncset.done @!p0 $0x0  }
0x1e: {  	[sflag:s1] =	ssyncadd.s32 @!p0 $0xFFFFFC00  }
0x1f: {  	_ =	swait.ge @!p0 [sflag:s1], $0x400  }
0x20: {  	[sflag:s1] =	ssyncset.done @!p0 $0x0  }
0x21: {  	[sflag:s1] =	ssyncadd.s32 @!p0 $0xFFFFFC00  }
0x22: {  	_ =	swait.ge @!p0 [sflag:s1], $0x400  }
0x23: {  	[sflag:s1] =	ssyncset.done @!p0 $0x0  }
0x24: {  	[sflag:s1] =	ssyncadd.s32 @!p0 $0xFFFFFC00  }
0x25: {  	_ =	swait.ge @!p0 [sflag:s1], $0x400  }
0x26: {  	[sflag:s1] =	ssyncset.done @!p0 $0x0  }
0x27: {  	[sflag:s1] =	ssyncadd.s32 @!p0 $0xFFFFFC00  }
0x28: {  	_ =	swait.ge @!p0 [sflag:s1], $0x400  }
0x29: {  	[sflag:s1] =	ssyncset.done @!p0 $0x0  }
0x2a: {  	[sflag:s1] =	ssyncadd.s32 @!p0 $0xFFFFFC00  }
0x2b: {  	_ =	swait.ge @!p0 [sflag:s1], $0x400  }
0x2c: {  	[sflag:s1] =	ssyncset.done @!p0 $0x0  }
0x2d: {  	[sflag:s1] =	ssyncadd.s32 @!p0 $0xFFFFFC00  }
0x2e: {  	_ =	swait.ge @!p0 [sflag:s1], $0x400  }
0x2f: {  	[sflag:s1] =	ssyncset.done @!p0 $0x0  }
0x30: {  	[sflag:s1] =	ssyncadd.s32 @!p0 $0xFFFFFC00  }
0x31: {  	_ =	swait.ge @!p0 [sflag:s1], $0x400  }
0x32: {  	[sflag:s1] =	ssyncset.done @!p0 $0x0  }
0x33: {  	[sflag:s1] =	ssyncadd.s32 @!p0 $0xFFFFFC00  }
0x34: {  	_ =	swait.ge @!p0 [sflag:s1], $0x400  }
0x35: {  	[sflag:s1] =	ssyncset.done @!p0 $0x0  }
0x36: {  	[sflag:s1] =	ssyncadd.s32 @!p0 $0xFFFFFC00  }
0x37: {  	_ =	swait.ge @!p0 [sflag:s1], $0x400  }
0x38: {  	[sflag:s1] =	ssyncset.done @!p0 $0x0  }
0x39: {  	[sflag:s1] =	ssyncadd.s32 @!p0 $0xFFFFFC00  }
0x3a: {  	_ =	swait.ge @!p0 [sflag:s1], $0x400  }
0x3b: {  	[sflag:s1] =	ssyncset.done @!p0 $0x0  }
0x3c: {  	[sflag:s1] =	ssyncadd.s32 @!p0 $0xFFFFFC00  }
0x3d: {  	_ =	swait.ge @!p0 [sflag:s1], $0x400  }
0x3e: {  	[sflag:s1] =	ssyncset.done @!p0 $0x0  }
0x3f: {  	[sflag:s1] =	ssyncadd.s32 @!p0 $0xFFFFFC00  }
0x40: {  	_ =	swait.ge @!p0 [sflag:s1], $0x400  }
0x41: {  	[sflag:s1] =	ssyncset.done @!p0 $0x0  }
0x42: {  	[sflag:s1] =	ssyncadd.s32 @!p0 $0xFFFFFC00  }
0x43: {  	_ =	swait.ge @!p0 [sflag:s1], $0x400  }
0x44: {  	[sflag:s1] =	ssyncset.done @!p0 $0x0  }
0x45: {  	[sflag:s1] =	ssyncadd.s32 @!p0 $0xFFFFFC00  }
0x46: {  	_ =	swait.ge @!p0 [sflag:s1], $0x400  }
0x47: {  	[sflag:s1] =	ssyncset.done @!p0 $0x0  }
0x48: {  	s6 =	sshll.u32 s20, $0x1;
	[sflag:s1] =	ssyncadd.s32 @!p0 $0xFFFFFC00  }
0x49: {  	s6 =	sadd.s32 s5, s6;
	_ =	swait.ge @!p0 [sflag:s1], $0x400  }
0x4a: {  	s15 =	sshll.u32 s6, $0x5;
	[sflag:s1] =	ssyncset.done @!p0 $0x0  }
0x4b: {  	s24 =	simm.s32 $0x0;
	s0 =	sadd.s32 s15, s7;
	[sflag:s1] =	ssyncadd.s32 @!p0 $0xFFFFFC00  }
0x4c: {  	[tilespmem:s21], [sflag:$0x5] =	stream.linear.gather [hbm4b:s0+s24], $0x100, $0x38;
	[tilespmem:$0x10A00] =	vst v63  }
0x4d: {  	_ =	swait.ge [sflag:s17], $0x100  }
0x4e: {  	[sflag:s17] =	ssyncset.done $0x0  }
0x4f: {  	s0 =	simm.s32 $0x4200;
	[sflag:s17] =	ssyncadd.s32 $0xFFFFFF00  }
0x50: {  	[tilespmem:s0], [sflag:$0x2] =	stream.indirect.gather [hbm4b:s4+s18], $0x40, s21, s18, $0xb8;
	[tilespmem:$0x10A00] =	vst v63  }
0x51: {  	s1 =	simm.s32 $0x6200;
	s0 =	simm.s32 $0x180  }
0x52: {  	[tilespmem:s1], [sflag:$0x2] =	stream.indirect.gather [hbm4b:s4+s18], $0x40, s0, s18, $0xb8;
	[tilespmem:$0x10A00] =	vst v63  }
0x53: {  	_ =	swait.ge [sflag:s25], $0x2000  }
0x54: {  	[sflag:s25] =	ssyncset.done $0x0  }
0x55: {  	[sflag:s25] =	ssyncadd.s32 $0xFFFFE000  }
0x56: {  	_ =	swait.ge [sflag:s25], $0x2000  }
0x57: {  	[sflag:s25] =	ssyncset.done $0x0  }
0x58: {  	s31 =	simm.s32 $0x280;
	s0 =	simm.s32 $0x3;
	[sflag:s25] =	ssyncadd.s32 $0xFFFFE000  }
0x59: {  	v8 =	vmov s0;
	v9 =	vld [tilespmem:s31+$0x40]  }
0x5a: {  	v15 =	vand.u32 $0x7F, v8  }
0x5b: {  	v10 =	vmov s24;
	v8 =	vadd.s32 v0, v15  }
0x5c: {  	v12 =	vand.u32 $0x7C, v10;
	s24 =	simm.s32 $0x1;
	v11 =	vld [tilespmem:s31+$0xFFFFFF80]  }
0x5d: {  	v17 =	vadd.s32 v0, v12;
	v10 =	vmov s24;
	s0 =	simm.s32 $0x2;
	v16 =	vld [tilespmem:s31+$0xFFFFFFC0]  }
0x5e: {  	v14 =	vand.u32 $0x7D, v10;
	v13 =	vmov s0;
	v10 =	vld [tilespmem:s31+$0x0];
	v9 =	vmul.f32 $8.000000000e+00, v9  }
0x5f: {  	v18 =	vadd.s32 v0, v14;
	v13 =	vand.u32 $0x7E, v13  }
0x60: {  	v19 =	vadd.s32 v0, v13;
	[tilespmem:v8+s26+$0x0] =	vst.idx.msk $0xffff, v9  }
0x61: {  	v8 =	vmul.f32 $8.000000000e+00, v11;
	v9 =	vld [tilespmem:s31+$0x50]  }
0x62: {  	v11 =	vmul.f32 $8.000000000e+00, v16  }
0x63: {  	[tilespmem:v17+s26+$0x0] =	vst.idx.msk $0xffff, v8;
	v8 =	vmul.f32 $8.000000000e+00, v10;
	v10 =	vadd.s32 v1, v15  }
0x64: {  	[tilespmem:v18+s26+$0x0] =	vst.idx.msk $0xffff, v11;
	v16 =	vld [tilespmem:s31+$0xFFFFFF90]  }
0x65: {  	v11 =	vld [tilespmem:s31+$0xFFFFFFD0];
	[tilespmem:v19+s26+$0x0] =	vst.idx.msk $0xffff, v8  }
0x66: {  	v17 =	vld [tilespmem:s31+$0x10];
	v8 =	vmul.f32 $8.000000000e+00, v9  }
0x67: {  	s29 =	simm.s32 $0x380;
	s24 =	simm.s32 $0x4;
	s0 =	simm.s32 $0x7;
	v18 =	vadd.s32 v1, v14  }
0x68: {  	v20 =	vld [tilespmem:s29+$0x40];
	v19 =	vadd.s32 v1, v13;
	v9 =	vmov s24;
	[tilespmem:v10+s26+$0x0] =	vst.idx.msk $0xffff, v8;
	v10 =	vmov s0  }
0x69: {  	v21 =	vadd.s32 v1, v12;
	v8 =	vand.u32 $0x7C, v9;
	v9 =	vand.u32 $0x7F, v10;
	v22 =	vld [tilespmem:s31+$0x60]  }
0x6a: {  	v26 =	vadd.s32 v2, v15;
	v23 =	vld [tilespmem:s29+$0xFFFFFF80];
	s0 =	simm.s32 $0x5;
	v10 =	vmul.f32 $8.000000000e+00, v11;
	v24 =	vadd.s32 v0, v9  }
0x6b: {  	v25 =	vld [tilespmem:s29+$0xFFFFFFC0];
	s24 =	simm.s32 $0x6;
	v16 =	vmul.f32 $8.000000000e+00, v16;
	v11 =	vmul.f32 $8.000000000e+00, v17;
	v17 =	vmov s0  }
0x6c: {  	v27 =	vadd.s32 v0, v8;
	[tilespmem:v18+s26+$0x0] =	vst.idx.msk $0xffff, v10;
	v18 =	vmov s24;
	v10 =	vand.u32 $0x7D, v17;
	v17 =	vld [tilespmem:s29+$0x0]  }
0x6d: {  	[tilespmem:v19+s26+$0x0] =	vst.idx.msk $0xffff, v11;
	v11 =	vand.u32 $0x7E, v18;
	v18 =	vmul.f32 $8.000000000e+00, v20;
	v20 =	vld [tilespmem:s31+$0xFFFFFFE0]  }
0x6e: {  	[tilespmem:v21+s26+$0x0] =	vst.idx.msk $0xffff, v16;
	v19 =	vadd.s32 v0, v10;
	v21 =	vld [tilespmem:s31+$0x20];
	v22 =	vmul.f32 $8.000000000e+00, v22  }
0x6f: {  	v23 =	vmul.f32 $8.000000000e+00, v23;
	v16 =	vadd.s32 v0, v11;
	[tilespmem:v24+s26+$0x0] =	vst.idx.msk $0xffff, v18;
	v18 =	vld [tilespmem:s31+$0xFFFFFFA0]  }
0x70: {  	v24 =	vadd.s32 v2, v14;
	v28 =	vld [tilespmem:s29+$0x50];
	[tilespmem:v26+s26+$0x0] =	vst.idx.msk $0xffff, v22  }
0x71: {  	v25 =	vmul.f32 $8.000000000e+00, v25;
	[tilespmem:v27+s26+$0x0] =	vst.idx.msk $0xffff, v23;
	v22 =	vadd.s32 v2, v12;
	v27 =	vld [tilespmem:s31+$0x70]  }
0x72: {  	v30 =	vadd.s32 v2, v13;
	v17 =	vmul.f32 $8.000000000e+00, v17  }
0x73: {  	[tilespmem:v19+s26+$0x0] =	vst.idx.msk $0xffff, v25;
	v20 =	vmul.f32 $8.000000000e+00, v20  }
0x74: {  	v32 =	vld [tilespmem:s29+$0xFFFFFF90];
	v19 =	vadd.s32 v1, v9;
	[tilespmem:v16+s26+$0x0] =	vst.idx.msk $0xffff, v17;
	v18 =	vmul.f32 $8.000000000e+00, v18  }
0x75: {  	v34 =	vld [tilespmem:s29+$0xFFFFFFD0];
	v16 =	vmul.f32 $8.000000000e+00, v21;
	v17 =	vadd.s32 v3, v15;
	[tilespmem:v24+s26+$0x0] =	vst.idx.msk $0xffff, v20  }
0x76: {  	s28 =	simm.s32 $0xB;
	v31 =	vadd.s32 v1, v8;
	v26 =	vld [tilespmem:s29+$0x10];
	v20 =	vmul.f32 $8.000000000e+00, v28;
	[tilespmem:v22+s26+$0x0] =	vst.idx.msk $0xffff, v18;
	v18 =	vmul.f32 $8.000000000e+00, v27  }
0x77: {  	v35 =	vmov s28;
	s24 =	simm.s32 $0x8;
	v29 =	vadd.s32 v1, v10;
	[tilespmem:v30+s26+$0x0] =	vst.idx.msk $0xffff, v16;
	v25 =	vld [tilespmem:s31+$0xFFFFFFF0]  }
0x78: {  	v23 =	vadd.s32 v1, v11;
	v16 =	vmov s24;
	v30 =	vadd.s32 v3, v13;
	v24 =	vld [tilespmem:s31+$0x30]  }
0x79: {  	s30 =	simm.s32 $0x480;
	v33 =	vmul.f32 $8.000000000e+00, v32;
	v21 =	vand.u32 $0x7C, v16;
	v28 =	vadd.s32 v3, v14;
	v22 =	vmovc v12;
	[tilespmem:v19+s26+$0x0] =	vst.idx.msk $0xffff, v20;
	v27 =	vld [tilespmem:s31+$0xFFFFFFB0]  }
0x7a: {  	s1 =	simm.s32 $0x8;
	v32 =	vld [tilespmem:s30+$0x40];
	s31 =	simm.s32 $0xC;
	v34 =	vmul.f32 $8.000000000e+00, v34;
	v19 =	vmovc v10;
	[tilespmem:v17+s26+$0x0] =	vst.idx.msk $0xffff, v18;
	v17 =	vmovc v8;
	v20 =	vmov v9;
	v18 =	vmov v11  }
.LBB2_3:
0x7b: {  	p0 =	slt.u32 s31, $0x7C;
	s0 =	sadd.s32 $0x1, s1;
	v35 =	vand.u32 $0x7F, v35;
	[tilespmem:v31+s26+$0x0] =	vst.idx.msk $0xffff, v33;
	v26 =	vmul.f32 $8.000000000e+00, v26;
	v31 =	vld [tilespmem:s29+$0x60];
	v33 =	vadd.s32 v3, v22;
	v22 =	vmovc v17  }
0x7c: {  	v17 =	vmovc v21;
	v36 =	vld [tilespmem:s30+$0xFFFFFF80];
	v37 =	vmov s0;
	s0 =	sadd.s32 $0x2, s1;
	v38 =	vadd.s32 v0, v35;
	[tilespmem:v29+s26+$0x0] =	vst.idx.msk $0xffff, v34;
	v25 =	vmul.f32 $8.000000000e+00, v25;
	s1 =	smov.u32 s31  }
0x7d: {  	v21 =	vld [tilespmem:s30+$0xFFFFFFC0];
	v29 =	vmov s0;
	[tilespmem:v23+s26+$0x0] =	vst.idx.msk $0xffff, v26;
	v23 =	vadd.s32 v2, v20;
	v24 =	vmul.f32 $8.000000000e+00, v24  }
0x7e: {  	v26 =	vadd.s32 v0, v17;
	v34 =	vand.u32 $0x7D, v37;
	v37 =	vld [tilespmem:s30+$0x0];
	v27 =	vmul.f32 $8.000000000e+00, v27;
	[tilespmem:v28+s26+$0x0] =	vst.idx.msk $0xffff, v25  }
0x7f: {  	v25 =	vadd.s32 v0, v34;
	v39 =	vand.u32 $0x7E, v29;
	v28 =	vmul.f32 $8.000000000e+00, v32;
	v29 =	vld [tilespmem:s29+$0xFFFFFFE0];
	[tilespmem:v30+s26+$0x0] =	vst.idx.msk $0xffff, v24  }
0x80: {  	v24 =	vadd.s32 v0, v39;
	v30 =	vld [tilespmem:s29+$0x20];
	v31 =	vmul.f32 $8.000000000e+00, v31;
	[tilespmem:v33+s26+$0x0] =	vst.idx.msk $0xffff, v27  }
0x81: {  	v32 =	vadd.s32 v2, v19;
	v27 =	vmul.f32 $8.000000000e+00, v36;
	[tilespmem:v38+s26+$0x0] =	vst.idx.msk $0xffff, v28;
	v28 =	vld [tilespmem:s29+$0xFFFFFFA0]  }
0x82: {  	v36 =	vadd.s32 v2, v18;
	v21 =	vmul.f32 $8.000000000e+00, v21;
	v33 =	vld [tilespmem:s30+$0x50];
	[tilespmem:v23+s26+$0x0] =	vst.idx.msk $0xffff, v31  }
0x83: {  	[tilespmem:v26+s26+$0x0] =	vst.idx.msk $0xffff, v27;
	v23 =	vmul.f32 $8.000000000e+00, v37;
	v27 =	vadd.s32 v2, v22;
	v37 =	vld [tilespmem:s29+$0x70]  }
0x84: {  	v40 =	vadd.s32 v1, v35;
	v38 =	vld [tilespmem:s30+$0xFFFFFF90];
	[tilespmem:v25+s26+$0x0] =	vst.idx.msk $0xffff, v21;
	v21 =	vmul.f32 $8.000000000e+00, v29  }
0x85: {  	v42 =	vadd.s32 v3, v20;
	v20 =	vmov v35;
	v41 =	vld [tilespmem:s30+$0xFFFFFFD0];
	[tilespmem:v24+s26+$0x0] =	vst.idx.msk $0xffff, v23;
	v23 =	vmul.f32 $8.000000000e+00, v30  }
.Ltmp0:
0x86: {  	v31 =	vadd.s32 v1, v17;
	v26 =	vld [tilespmem:s30+$0x10];
	v24 =	vmul.f32 $8.000000000e+00, v28;
	[tilespmem:v32+s26+$0x0] =	vst.idx.msk $0xffff, v21;
	(pc) =	sbr.rel @p0 .LBB2_3-.Ltmp0, $4  }
0x87: {  	v29 =	vadd.s32 v1, v34;
	v28 =	vmul.f32 $8.000000000e+00, v33;
	v25 =	vld [tilespmem:s29+$0xFFFFFFF0];
	[tilespmem:v36+s26+$0x0] =	vst.idx.msk $0xffff, v23  }
0x88: {  	v21 =	vmov s31;
	v23 =	vadd.s32 v1, v39;
	[tilespmem:v27+s26+$0x0] =	vst.idx.msk $0xffff, v24;
	v24 =	vld [tilespmem:s29+$0x30];
	v36 =	vmul.f32 $8.000000000e+00, v37  }
0x89: {  	s0 =	sadd.s32 $0x3, s31;
	v21 =	vand.u32 $0x7C, v21;
	v33 =	vmul.f32 $8.000000000e+00, v38;
	[tilespmem:v40+s26+$0x0] =	vst.idx.msk $0xffff, v28;
	v27 =	vld [tilespmem:s29+$0xFFFFFFB0];
	v28 =	vadd.s32 v3, v19;
	v19 =	vmovc v34;
	s29 =	smov.u32 s30;
	s30 =	sadd.s32 $0x100, s30  }
0x8a: {  	v35 =	vmov s0;
	v30 =	vadd.s32 v3, v18;
	v18 =	vmovc v39;
	s31 =	sadd.s32 $0x4, s31;
	v32 =	vld [tilespmem:s30+$0x40];
	v34 =	vmul.f32 $8.000000000e+00, v41;
	[tilespmem:v42+s26+$0x0] =	vst.idx.msk $0xffff, v36  }
0x8b: {  	s0 =	sadd.s32 $0x1, s1  }
0x8c: {  	v35 =	vand.u32 $0x7F, v35;
	s1 =	sadd.s32 $0x2, s1;
	v37 =	vld [tilespmem:s30+$0xFFFFFFC0];
	v36 =	vmov s0  }
0x8d: {  	v40 =	vld [tilespmem:s30+$0x0];
	v38 =	vadd.s32 v0, v35;
	v39 =	vmov s1;
	v36 =	vand.u32 $0x7D, v36  }
0x8e: {  	v41 =	vld [tilespmem:s30+$0xFFFFFF80];
	v39 =	vand.u32 $0x7E, v39;
	v42 =	vadd.s32 v0, v36  }
0x8f: {  	v43 =	vadd.s32 v0, v39  }
0x90: {  	[tilespmem:v31+s26+$0x0] =	vst.idx.msk $0xffff, v33;
	v62 =	vadd.s32 v0, v21;
	v32 =	vmul.f32 $8.000000000e+00, v32  }
0x91: {  	[tilespmem:v29+s26+$0x0] =	vst.idx.msk $0xffff, v34;
	v63 =	vmul.f32 $8.000000000e+00, v37  }
0x92: {  	v37 =	vmul.f32 $8.000000000e+00, v40;
	[tilespmem:v38+s26+$0x0] =	vst.idx.msk $0xffff, v32  }
0x93: {  	v38 =	vmul.f32 $8.000000000e+00, v41;
	v40 =	vld [tilespmem:s30+$0x50];
	[tilespmem:v42+s26+$0x0] =	vst.idx.msk $0xffff, v63  }
0x94: {  	v26 =	vmul.f32 $8.000000000e+00, v26;
	v22 =	vadd.s32 v3, v22;
	[tilespmem:v43+s26+$0x0] =	vst.idx.msk $0xffff, v37;
	v41 =	vld [tilespmem:s30+$0xFFFFFFD0]  }
0x95: {  	v25 =	vmul.f32 $8.000000000e+00, v25;
	[tilespmem:v62+s26+$0x0] =	vst.idx.msk $0xffff, v38;
	v42 =	vadd.s32 v1, v35;
	v32 =	vld [tilespmem:s30+$0x10]  }
0x96: {  	[tilespmem:v23+s26+$0x0] =	vst.idx.msk $0xffff, v26;
	v23 =	vmul.f32 $8.000000000e+00, v24;
	v26 =	vadd.s32 v1, v36;
	v24 =	vld [tilespmem:s30+$0xFFFFFF90]  }
0x97: {  	v27 =	vmul.f32 $8.000000000e+00, v27;
	[tilespmem:v28+s26+$0x0] =	vst.idx.msk $0xffff, v25;
	v25 =	vadd.s32 v1, v39;
	v43 =	vld [tilespmem:s29+$0x60]  }
0x98: {  	v44 =	vld [tilespmem:s29+$0xFFFFFFE0];
	[tilespmem:v30+s26+$0x0] =	vst.idx.msk $0xffff, v23;
	v23 =	vadd.s32 v1, v21;
	v29 =	vmul.f32 $8.000000000e+00, v40  }
0x99: {  	v45 =	vadd.s32 v2, v20;
	v46 =	vld [tilespmem:s29+$0x20];
	[tilespmem:v22+s26+$0x0] =	vst.idx.msk $0xffff, v27;
	v22 =	vmul.f32 $8.000000000e+00, v41  }
0x9a: {  	v47 =	vadd.s32 v2, v19;
	v27 =	vld [tilespmem:s29+$0xFFFFFFA0];
	[tilespmem:v42+s26+$0x0] =	vst.idx.msk $0xffff, v29;
	v48 =	vmul.f32 $8.000000000e+00, v32  }
0x9b: {  	v49 =	vadd.s32 v2, v18;
	v24 =	vmul.f32 $8.000000000e+00, v24;
	v50 =	vld [tilespmem:s30+$0x60];
	[tilespmem:v26+s26+$0x0] =	vst.idx.msk $0xffff, v22  }
0x9c: {  	v22 =	vmul.f32 $8.000000000e+00, v43;
	v26 =	vadd.s32 v2, v17;
	[tilespmem:v25+s26+$0x0] =	vst.idx.msk $0xffff, v48;
	v25 =	vld [tilespmem:s30+$0xFFFFFFE0]  }
0x9d: {  	v28 =	vmul.f32 $8.000000000e+00, v44;
	[tilespmem:v23+s26+$0x0] =	vst.idx.msk $0xffff, v24;
	v23 =	vadd.s32 v2, v35;
	v24 =	vld [tilespmem:s30+$0x20]  }
0x9e: {  	v52 =	vadd.s32 v2, v36;
	v51 =	vld [tilespmem:s30+$0xFFFFFFA0];
	[tilespmem:v45+s26+$0x0] =	vst.idx.msk $0xffff, v22;
	v22 =	vmul.f32 $8.000000000e+00, v46  }
0x9f: {  	v54 =	vadd.s32 v2, v39;
	[tilespmem:v47+s26+$0x0] =	vst.idx.msk $0xffff, v28;
	v27 =	vmul.f32 $8.000000000e+00, v27;
	v53 =	vld [tilespmem:s29+$0x70]  }
0xa0: {  	v55 =	vadd.s32 v2, v21;
	v34 =	vld [tilespmem:s29+$0xFFFFFFF0];
	[tilespmem:v49+s26+$0x0] =	vst.idx.msk $0xffff, v22;
	v22 =	vmul.f32 $8.000000000e+00, v50  }
0xa1: {  	v20 =	vadd.s32 v3, v20;
	[tilespmem:v26+s26+$0x0] =	vst.idx.msk $0xffff, v27;
	v26 =	vld [tilespmem:s29+$0x30];
	v25 =	vmul.f32 $8.000000000e+00, v25  }
0xa2: {  	v19 =	vadd.s32 v3, v19;
	v27 =	vld [tilespmem:s29+$0xFFFFFFB0];
	[tilespmem:v23+s26+$0x0] =	vst.idx.msk $0xffff, v22;
	v22 =	vmul.f32 $8.000000000e+00, v24  }
0xa3: {  	v18 =	vadd.s32 v3, v18;
	v24 =	vmul.f32 $8.000000000e+00, v51;
	v23 =	vld [tilespmem:s30+$0x70];
	[tilespmem:v52+s26+$0x0] =	vst.idx.msk $0xffff, v25  }
0xa4: {  	v17 =	vadd.s32 v3, v17;
	v25 =	vmul.f32 $8.000000000e+00, v53;
	[tilespmem:v54+s26+$0x0] =	vst.idx.msk $0xffff, v22;
	v56 =	vld [tilespmem:s30+$0xFFFFFFF0]  }
0xa5: {  	v57 =	vadd.s32 v3, v35;
	v22 =	vmul.f32 $8.000000000e+00, v34;
	[tilespmem:v55+s26+$0x0] =	vst.idx.msk $0xffff, v24;
	v24 =	vld [tilespmem:s30+$0x30]  }
0xa6: {  	[tilespmem:v20+s26+$0x0] =	vst.idx.msk $0xffff, v25;
	v20 =	vmul.f32 $8.000000000e+00, v26;
	v25 =	vld [tilespmem:s30+$0xFFFFFFB0];
	v26 =	vadd.s32 v3, v36  }
0xa7: {  	[tilespmem:v19+s26+$0x0] =	vst.idx.msk $0xffff, v22;
	v19 =	vadd.s32 v3, v39;
	v27 =	vmul.f32 $8.000000000e+00, v27  }
0xa8: {  	[tilespmem:v18+s26+$0x0] =	vst.idx.msk $0xffff, v20;
	v18 =	vmul.f32 $8.000000000e+00, v23;
	v20 =	vadd.s32 v3, v21  }
0xa9: {  	[tilespmem:v17+s26+$0x0] =	vst.idx.msk $0xffff, v27;
	v17 =	vmul.f32 $8.000000000e+00, v56  }
0xaa: {  	[tilespmem:v57+s26+$0x0] =	vst.idx.msk $0xffff, v18;
	v18 =	vmul.f32 $8.000000000e+00, v24  }
0xab: {  	v21 =	vmul.f32 $8.000000000e+00, v25;
	[tilespmem:v26+s26+$0x0] =	vst.idx.msk $0xffff, v17  }
0xac: {  	[tilespmem:v19+s26+$0x0] =	vst.idx.msk $0xffff, v18  }
0xad: {  	s31 =	simm.s32 $0x22F0;
	[tilespmem:v20+s26+$0x0] =	vst.idx.msk $0xffff, v21  }
0xae: {  	v17 =	vld [tilespmem:s31+$0xFFFFFFD0];
	_ =	sdelay $0x1  }
0xaf: {  	v18 =	vadd.s32 v4, v15;
	_ =	sdelay $0x1  }
0xb0: {  	v19 =	vld [tilespmem:s31+$0xFFFFFF50]  }
0xb1: {  	v20 =	vld [tilespmem:s31+$0xFFFFFF90];
	v17 =	vmul.f32 $8.000000000e+00, v17  }
0xb2: {  	v22 =	vadd.s32 v4, v14;
	v21 =	vld [tilespmem:s31+$0xFFFFFF10]  }
0xb3: {  	v23 =	vadd.s32 v4, v13;
	[tilespmem:v18+s26+$0x0] =	vst.idx.msk $0xffff, v17  }
0xb4: {  	v17 =	vadd.s32 v4, v12;
	v18 =	vld [tilespmem:s31+$0xFFFFFFE0]  }
0xb5: {  	v19 =	vmul.f32 $8.000000000e+00, v19  }
0xb6: {  	v24 =	vadd.s32 v5, v15;
	v20 =	vmul.f32 $8.000000000e+00, v20  }
0xb7: {  	v21 =	vmul.f32 $8.000000000e+00, v21;
	[tilespmem:v22+s26+$0x0] =	vst.idx.msk $0xffff, v19  }
0xb8: {  	[tilespmem:v23+s26+$0x0] =	vst.idx.msk $0xffff, v20;
	v19 =	vld [tilespmem:s31+$0xFFFFFF60]  }
0xb9: {  	[tilespmem:v17+s26+$0x0] =	vst.idx.msk $0xffff, v21;
	v17 =	vld [tilespmem:s31+$0xFFFFFFA0];
	v18 =	vmul.f32 $8.000000000e+00, v18  }
0xba: {  	s29 =	simm.s32 $0x23F0;
	v21 =	vadd.s32 v5, v14;
	v20 =	vld [tilespmem:s31+$0xFFFFFF20]  }
0xbb: {  	v22 =	vadd.s32 v5, v13;
	[tilespmem:v24+s26+$0x0] =	vst.idx.msk $0xffff, v18;
	v18 =	vld [tilespmem:s29+$0xFFFFFFD0]  }
0xbc: {  	v23 =	vadd.s32 v5, v12;
	v24 =	vld [tilespmem:s31+$0xFFFFFFF0]  }
0xbd: {  	v26 =	vadd.s32 v4, v9;
	v25 =	vld [tilespmem:s29+$0xFFFFFF10];
	v19 =	vmul.f32 $8.000000000e+00, v19  }
0xbe: {  	v58 =	vadd.s32 v6, v15;
	v27 =	vld [tilespmem:s29+$0xFFFFFF50];
	v17 =	vmul.f32 $8.000000000e+00, v17  }
0xbf: {  	[tilespmem:v21+s26+$0x0] =	vst.idx.msk $0xffff, v19;
	v19 =	vadd.s32 v4, v8;
	v21 =	vld [tilespmem:s29+$0xFFFFFF90];
	v20 =	vmul.f32 $8.000000000e+00, v20  }
0xc0: {  	[tilespmem:v22+s26+$0x0] =	vst.idx.msk $0xffff, v17;
	v17 =	vadd.s32 v4, v10;
	v22 =	vld [tilespmem:s31+$0xFFFFFF70];
	v18 =	vmul.f32 $8.000000000e+00, v18  }
0xc1: {  	[tilespmem:v23+s26+$0x0] =	vst.idx.msk $0xffff, v20;
	v20 =	vadd.s32 v4, v11;
	v23 =	vld [tilespmem:s31+$0xFFFFFFB0];
	v24 =	vmul.f32 $8.000000000e+00, v24  }
0xc2: {  	v25 =	vmul.f32 $8.000000000e+00, v25;
	[tilespmem:v26+s26+$0x0] =	vst.idx.msk $0xffff, v18;
	v18 =	vld [tilespmem:s31+$0xFFFFFF30];
	v26 =	vadd.s32 v6, v14  }
0xc3: {  	v60 =	vadd.s32 v6, v13;
	v27 =	vmul.f32 $8.000000000e+00, v27;
	v59 =	vld [tilespmem:s29+$0xFFFFFFE0];
	[tilespmem:v58+s26+$0x0] =	vst.idx.msk $0xffff, v24  }
0xc4: {  	[tilespmem:v19+s26+$0x0] =	vst.idx.msk $0xffff, v25;
	v19 =	vmul.f32 $8.000000000e+00, v21;
	v24 =	vadd.s32 v6, v12;
	v25 =	vld [tilespmem:s31+$0x0]  }
0xc5: {  	v61 =	vld [tilespmem:s29+$0xFFFFFF20];
	[tilespmem:v17+s26+$0x0] =	vst.idx.msk $0xffff, v27;
	v27 =	vadd.s32 v5, v9;
	v17 =	vmul.f32 $8.000000000e+00, v22  }
0xc6: {  	v62 =	vadd.s32 v7, v15;
	v31 =	vld [tilespmem:s29+$0xFFFFFF60];
	[tilespmem:v20+s26+$0x0] =	vst.idx.msk $0xffff, v19;
	v21 =	vmul.f32 $8.000000000e+00, v23  }
0xc7: {  	v22 =	vadd.s32 v5, v8;
	v20 =	vld [tilespmem:s29+$0xFFFFFFA0];
	v15 =	vmul.f32 $8.000000000e+00, v18;
	[tilespmem:v26+s26+$0x0] =	vst.idx.msk $0xffff, v17  }
0xc8: {  	[tilespmem:v60+s26+$0x0] =	vst.idx.msk $0xffff, v21;
	v21 =	vadd.s32 v5, v10;
	v23 =	vmul.f32 $8.000000000e+00, v59;
	v19 =	vld [tilespmem:s31+$0xFFFFFF80]  }
0xc9: {  	v17 =	vadd.s32 v5, v11;
	v18 =	vld [tilespmem:s31+$0xFFFFFFC0];
	[tilespmem:v24+s26+$0x0] =	vst.idx.msk $0xffff, v15;
	v63 =	vmul.f32 $8.000000000e+00, v25  }
0xca: {  	s30 =	simm.s32 $0x24F0;
	v14 =	vadd.s32 v7, v14;
	v15 =	vand.u32 $0x7C, v16;
	v24 =	vmul.f32 $8.000000000e+00, v61;
	[tilespmem:v27+s26+$0x0] =	vst.idx.msk $0xffff, v23;
	v16 =	vld [tilespmem:s31+$0xFFFFFF40]  }
0xcb: {  	s1 =	simm.s32 $0xC;
	v13 =	vadd.s32 v7, v13;
	v26 =	vmov s28;
	v23 =	vld [tilespmem:s30+$0xFFFFFFD0];
	v25 =	vmul.f32 $8.000000000e+00, v31;
	[tilespmem:v62+s26+$0x0] =	vst.idx.msk $0xffff, v63  }
.LBB2_5:
0xcc: {  	p0 =	slt.u32 s1, $0x7C;
	s0 =	sadd.s32 $0x1, s24;
	v26 =	vand.u32 $0x7F, v26;
	[tilespmem:v22+s26+$0x0] =	vst.idx.msk $0xffff, v24;
	v20 =	vmul.f32 $8.000000000e+00, v20;
	v22 =	vld [tilespmem:s29+$0xFFFFFFF0];
	v24 =	vadd.s32 v7, v12;
	v12 =	vmovc v8  }
0xcd: {  	v8 =	vmovc v15;
	v27 =	vld [tilespmem:s30+$0xFFFFFF10];
	v28 =	vmov s0;
	s0 =	sadd.s32 $0x2, s24;
	v29 =	vadd.s32 v4, v26;
	[tilespmem:v21+s26+$0x0] =	vst.idx.msk $0xffff, v25;
	v19 =	vmul.f32 $8.000000000e+00, v19;
	s24 =	smov.u32 s1  }
0xce: {  	v15 =	vld [tilespmem:s30+$0xFFFFFF50];
	v21 =	vmov s0;
	[tilespmem:v17+s26+$0x0] =	vst.idx.msk $0xffff, v20;
	v17 =	vadd.s32 v6, v9;
	v18 =	vmul.f32 $8.000000000e+00, v18  }
0xcf: {  	v20 =	vadd.s32 v4, v8;
	v25 =	vand.u32 $0x7D, v28;
	v28 =	vld [tilespmem:s30+$0xFFFFFF90];
	v16 =	vmul.f32 $8.000000000e+00, v16;
	[tilespmem:v14+s26+$0x0] =	vst.idx.msk $0xffff, v19  }
0xd0: {  	v14 =	vadd.s32 v4, v25;
	v30 =	vand.u32 $0x7E, v21;
	v19 =	vmul.f32 $8.000000000e+00, v23;
	v21 =	vld [tilespmem:s29+$0xFFFFFF70];
	[tilespmem:v13+s26+$0x0] =	vst.idx.msk $0xffff, v18  }
0xd1: {  	v13 =	vadd.s32 v4, v30;
	v18 =	vld [tilespmem:s29+$0xFFFFFFB0];
	v22 =	vmul.f32 $8.000000000e+00, v22;
	[tilespmem:v24+s26+$0x0] =	vst.idx.msk $0xffff, v16  }
0xd2: {  	v23 =	vadd.s32 v6, v10;
	v16 =	vmul.f32 $8.000000000e+00, v27;
	[tilespmem:v29+s26+$0x0] =	vst.idx.msk $0xffff, v19;
	v19 =	vld [tilespmem:s29+$0xFFFFFF30]  }
0xd3: {  	v27 =	vadd.s32 v6, v11;
	v15 =	vmul.f32 $8.000000000e+00, v15;
	v24 =	vld [tilespmem:s30+$0xFFFFFFE0];
	[tilespmem:v17+s26+$0x0] =	vst.idx.msk $0xffff, v22  }
0xd4: {  	[tilespmem:v20+s26+$0x0] =	vst.idx.msk $0xffff, v16;
	v16 =	vmul.f32 $8.000000000e+00, v28;
	v28 =	vadd.s32 v6, v12;
	v29 =	vld [tilespmem:s29+$0x0]  }
0xd5: {  	v31 =	vld [tilespmem:s30+$0xFFFFFF20];
	[tilespmem:v14+s26+$0x0] =	vst.idx.msk $0xffff, v15;
	v14 =	vadd.s32 v5, v26;
	v15 =	vmul.f32 $8.000000000e+00, v21  }
0xd6: {  	v33 =	vadd.s32 v7, v9;
	v9 =	vmov v26;
	v32 =	vld [tilespmem:s30+$0xFFFFFF60];
	[tilespmem:v13+s26+$0x0] =	vst.idx.msk $0xffff, v16;
	v13 =	vmul.f32 $8.000000000e+00, v18  }
.Ltmp1:
0xd7: {  	v22 =	vadd.s32 v5, v8;
	v20 =	vld [tilespmem:s30+$0xFFFFFFA0];
	v16 =	vmul.f32 $8.000000000e+00, v19;
	[tilespmem:v23+s26+$0x0] =	vst.idx.msk $0xffff, v15;
	(pc) =	sbr.rel @p0 .LBB2_5-.Ltmp1, $4  }
0xd8: {  	v21 =	vadd.s32 v5, v25;
	v23 =	vmul.f32 $8.000000000e+00, v24;
	v19 =	vld [tilespmem:s29+$0xFFFFFF80];
	[tilespmem:v27+s26+$0x0] =	vst.idx.msk $0xffff, v13  }
0xd9: {  	v17 =	vadd.s32 v5, v30;
	v13 =	vmov s1;
	[tilespmem:v28+s26+$0x0] =	vst.idx.msk $0xffff, v16;
	v18 =	vld [tilespmem:s29+$0xFFFFFFC0];
	v27 =	vmul.f32 $8.000000000e+00, v29  }
0xda: {  	s0 =	sadd.s32 $0x3, s1;
	v15 =	vand.u32 $0x7C, v13;
	v24 =	vmul.f32 $8.000000000e+00, v31;
	[tilespmem:v14+s26+$0x0] =	vst.idx.msk $0xffff, v23;
	v16 =	vld [tilespmem:s29+$0xFFFFFF40];
	v14 =	vadd.s32 v7, v10;
	v10 =	vmovc v25;
	s29 =	smov.u32 s30;
	s30 =	sadd.s32 $0x100, s30  }
0xdb: {  	v26 =	vmov s0;
	s1 =	sadd.s32 $0x4, s1;
	v13 =	vadd.s32 v7, v11;
	v11 =	vmovc v30;
	v23 =	vld [tilespmem:s30+$0xFFFFFFD0];
	v25 =	vmul.f32 $8.000000000e+00, v32;
	[tilespmem:v33+s26+$0x0] =	vst.idx.msk $0xffff, v27  }
0xdc: {  	s0 =	sadd.s32 $0x1, s24  }
0xdd: {  	v26 =	vand.u32 $0x7F, v26;
	s24 =	sadd.s32 $0x2, s24;
	v28 =	vld [tilespmem:s30+$0xFFFFFF50];
	v27 =	vmov s0  }
0xde: {  	v31 =	vld [tilespmem:s30+$0xFFFFFF90];
	v29 =	vadd.s32 v4, v26;
	v30 =	vmov s24;
	v27 =	vand.u32 $0x7D, v27  }
0xdf: {  	v32 =	vld [tilespmem:s30+$0xFFFFFF10];
	v30 =	vand.u32 $0x7E, v30;
	v33 =	vadd.s32 v4, v27  }
0xe0: {  	v34 =	vadd.s32 v4, v30  }
0xe1: {  	[tilespmem:v22+s26+$0x0] =	vst.idx.msk $0xffff, v24;
	v22 =	vadd.s32 v4, v15;
	v23 =	vmul.f32 $8.000000000e+00, v23  }
0xe2: {  	[tilespmem:v21+s26+$0x0] =	vst.idx.msk $0xffff, v25;
	v21 =	vmul.f32 $8.000000000e+00, v28  }
0xe3: {  	[tilespmem:v29+s26+$0x0] =	vst.idx.msk $0xffff, v23;
	v23 =	vmul.f32 $8.000000000e+00, v31  }
0xe4: {  	v24 =	vmul.f32 $8.000000000e+00, v32;
	v25 =	vld [tilespmem:s30+$0xFFFFFFE0];
	[tilespmem:v33+s26+$0x0] =	vst.idx.msk $0xffff, v21  }
0xe5: {  	v20 =	vmul.f32 $8.000000000e+00, v20;
	v12 =	vadd.s32 v7, v12;
	[tilespmem:v34+s26+$0x0] =	vst.idx.msk $0xffff, v23;
	v21 =	vld [tilespmem:s30+$0xFFFFFF60]  }
0xe6: {  	v19 =	vmul.f32 $8.000000000e+00, v19;
	[tilespmem:v22+s26+$0x0] =	vst.idx.msk $0xffff, v24;
	v22 =	vadd.s32 v5, v26;
	v23 =	vld [tilespmem:s30+$0xFFFFFFA0]  }
0xe7: {  	[tilespmem:v17+s26+$0x0] =	vst.idx.msk $0xffff, v20;
	v17 =	vmul.f32 $8.000000000e+00, v18;
	v20 =	vadd.s32 v5, v27;
	v18 =	vld [tilespmem:s30+$0xFFFFFF20]  }
0xe8: {  	v16 =	vmul.f32 $8.000000000e+00, v16;
	[tilespmem:v14+s26+$0x0] =	vst.idx.msk $0xffff, v19;
	v14 =	vadd.s32 v5, v30;
	v24 =	vld [tilespmem:s29+$0xFFFFFFF0]  }
0xe9: {  	v19 =	vld [tilespmem:s29+$0xFFFFFF70];
	[tilespmem:v13+s26+$0x0] =	vst.idx.msk $0xffff, v17;
	v13 =	vadd.s32 v5, v15;
	v17 =	vmul.f32 $8.000000000e+00, v25  }
0xea: {  	v28 =	vld [tilespmem:s29+$0xFFFFFFB0];
	[tilespmem:v12+s26+$0x0] =	vst.idx.msk $0xffff, v16;
	v25 =	vadd.s32 v6, v9;
	v12 =	vmul.f32 $8.000000000e+00, v21  }
0xeb: {  	v16 =	vld [tilespmem:s29+$0xFFFFFF30];
	v21 =	vadd.s32 v6, v10;
	[tilespmem:v22+s26+$0x0] =	vst.idx.msk $0xffff, v17;
	v17 =	vmul.f32 $8.000000000e+00, v23  }
0xec: {  	v18 =	vmul.f32 $8.000000000e+00, v18;
	v22 =	vadd.s32 v6, v11;
	v23 =	vld [tilespmem:s30+$0xFFFFFFF0];
	[tilespmem:v20+s26+$0x0] =	vst.idx.msk $0xffff, v12  }
0xed: {  	v12 =	vmul.f32 $8.000000000e+00, v24;
	v20 =	vadd.s32 v6, v8;
	[tilespmem:v14+s26+$0x0] =	vst.idx.msk $0xffff, v17;
	v14 =	vld [tilespmem:s30+$0xFFFFFF70]  }
0xee: {  	[tilespmem:v13+s26+$0x0] =	vst.idx.msk $0xffff, v18;
	v13 =	vadd.s32 v6, v26;
	v17 =	vmul.f32 $8.000000000e+00, v19;
	v18 =	vld [tilespmem:s30+$0xFFFFFFB0]  }
0xef: {  	v19 =	vld [tilespmem:s30+$0xFFFFFF30];
	v24 =	vadd.s32 v6, v27;
	[tilespmem:v25+s26+$0x0] =	vst.idx.msk $0xffff, v12;
	v12 =	vmul.f32 $8.000000000e+00, v28  }
0xf0: {  	v16 =	vmul.f32 $8.000000000e+00, v16;
	v25 =	vld [tilespmem:s29+$0x0];
	[tilespmem:v21+s26+$0x0] =	vst.idx.msk $0xffff, v17;
	v17 =	vadd.s32 v6, v30  }
0xf1: {  	v21 =	vld [tilespmem:s29+$0xFFFFFF80];
	[tilespmem:v22+s26+$0x0] =	vst.idx.msk $0xffff, v12;
	v12 =	vmul.f32 $8.000000000e+00, v23;
	v22 =	vadd.s32 v6, v15  }
0xf2: {  	v9 =	vadd.s32 v7, v9;
	[tilespmem:v20+s26+$0x0] =	vst.idx.msk $0xffff, v16;
	v16 =	vld [tilespmem:s29+$0xFFFFFFC0];
	v14 =	vmul.f32 $8.000000000e+00, v14  }
0xf3: {  	v10 =	vadd.s32 v7, v10;
	v20 =	vld [tilespmem:s29+$0xFFFFFF40];
	[tilespmem:v13+s26+$0x0] =	vst.idx.msk $0xffff, v12;
	v12 =	vmul.f32 $8.000000000e+00, v18  }
0xf4: {  	v11 =	vadd.s32 v7, v11;
	v18 =	vmul.f32 $8.000000000e+00, v19;
	v13 =	vld [tilespmem:s30+$0x0];
	[tilespmem:v24+s26+$0x0] =	vst.idx.msk $0xffff, v14  }
0xf5: {  	v8 =	vadd.s32 v7, v8;
	v14 =	vmul.f32 $8.000000000e+00, v25;
	[tilespmem:v17+s26+$0x0] =	vst.idx.msk $0xffff, v12;
	v19 =	vld [tilespmem:s30+$0xFFFFFF80]  }
0xf6: {  	v17 =	vadd.s32 v7, v26;
	v12 =	vmul.f32 $8.000000000e+00, v21;
	[tilespmem:v22+s26+$0x0] =	vst.idx.msk $0xffff, v18;
	v18 =	vld [tilespmem:s30+$0xFFFFFFC0]  }
0xf7: {  	[tilespmem:v9+s26+$0x0] =	vst.idx.msk $0xffff, v14;
	v9 =	vmul.f32 $8.000000000e+00, v16;
	v14 =	vld [tilespmem:s30+$0xFFFFFF40];
	v16 =	vadd.s32 v7, v27  }
0xf8: {  	v20 =	vmul.f32 $8.000000000e+00, v20;
	[tilespmem:v10+s26+$0x0] =	vst.idx.msk $0xffff, v12;
	v10 =	vadd.s32 v7, v30  }
0xf9: {  	[tilespmem:v11+s26+$0x0] =	vst.idx.msk $0xffff, v9;
	v9 =	vmul.f32 $8.000000000e+00, v13;
	v11 =	vadd.s32 v7, v15  }
0xfa: {  	s31 =	sshll.u32 s6, $0xB;
	s1 =	sshll.u32 s6, $0xE;
	[tilespmem:v8+s26+$0x0] =	vst.idx.msk $0xffff, v20;
	v8 =	vmul.f32 $8.000000000e+00, v19  }
0xfb: {  	s0 =	sand.u32 $0x1F000, s31;
	s1 =	sand.u32 $0x7FF00000, s1;
	[tilespmem:v17+s26+$0x0] =	vst.idx.msk $0xffff, v9;
	v9 =	vmul.f32 $8.000000000e+00, v18  }
0xfc: {  	s0 =	sor.u32 s1, s0;
	v12 =	vmul.f32 $8.000000000e+00, v14;
	[tilespmem:v16+s26+$0x0] =	vst.idx.msk $0xffff, v8  }
0xfd: {  	s6 =	sshrl.u32 s0, $0x3;
	[tilespmem:v10+s26+$0x0] =	vst.idx.msk $0xffff, v9  }
0xfe: {  	s0 =	sadd.s32 s2, s6;
	[tilespmem:v11+s26+$0x0] =	vst.idx.msk $0xffff, v12  }
0xff: {  	[hbm4b:s0+s3] =	stream.linear.scatter [tilespmem:s26], [sflag:$0x3], $0x80, $0x38;
	[tilespmem:$0x10A00] =	vst v63  }
0x100: {  	s31 =	simm.s32 $0x8288;
	s24 =	sadd.s32 $0x10, s0  }
0x101: {  	[hbm4b:s24+s3] =	stream.linear.scatter [tilespmem:s31], [sflag:$0x3], $0x80, $0x38;
	[tilespmem:$0x10A00] =	vst v63  }
0x102: {  	s24 =	sadd.s32 $0x20, s0;
	s31 =	simm.s32 $0x8310  }
0x103: {  	[hbm4b:s24+s3] =	stream.linear.scatter [tilespmem:s31], [sflag:$0x3], $0x80, $0x38;
	[tilespmem:$0x10A00] =	vst v63  }
0x104: {  	s24 =	sadd.s32 $0x30, s0;
	s31 =	simm.s32 $0x8398  }
0x105: {  	[hbm4b:s24+s3] =	stream.linear.scatter [tilespmem:s31], [sflag:$0x3], $0x80, $0x38;
	[tilespmem:$0x10A00] =	vst v63  }
0x106: {  	s24 =	sadd.s32 $0x40, s0;
	s31 =	simm.s32 $0x8420  }
0x107: {  	[hbm4b:s24+s3] =	stream.linear.scatter [tilespmem:s31], [sflag:$0x3], $0x80, $0x38;
	[tilespmem:$0x10A00] =	vst v63  }
0x108: {  	s24 =	sadd.s32 $0x50, s0;
	s31 =	simm.s32 $0x84A8  }
0x109: {  	[hbm4b:s24+s3] =	stream.linear.scatter [tilespmem:s31], [sflag:$0x3], $0x80, $0x38;
	[tilespmem:$0x10A00] =	vst v63  }
0x10a: {  	s24 =	sadd.s32 $0x60, s0;
	s31 =	simm.s32 $0x8530  }
0x10b: {  	[hbm4b:s24+s3] =	stream.linear.scatter [tilespmem:s31], [sflag:$0x3], $0x80, $0x38;
	[tilespmem:$0x10A00] =	vst v63  }
0x10c: {  	s0 =	sadd.s32 $0x70, s0;
	s24 =	simm.s32 $0x85B8  }
0x10d: {  	[hbm4b:s0+s3] =	stream.linear.scatter [tilespmem:s24], [sflag:$0x3], $0x80, $0x38;
	[tilespmem:$0x10A00] =	vst v63  }
0x10e: {  	s31 =	simm.s32 $0x8640;
	s0 =	sadd.s32 s6, s8  }
0x10f: {  	[hbm4b:s0+s3] =	stream.linear.scatter [tilespmem:s31], [sflag:$0x3], $0x80, $0x38;
	[tilespmem:$0x10A00] =	vst v63  }
0x110: {  	s24 =	sadd.s32 $0x10, s0;
	s31 =	simm.s32 $0x86C8  }
0x111: {  	[hbm4b:s24+s3] =	stream.linear.scatter [tilespmem:s31], [sflag:$0x3], $0x80, $0x38;
	[tilespmem:$0x10A00] =	vst v63  }
0x112: {  	s24 =	sadd.s32 $0x20, s0;
	s31 =	simm.s32 $0x8750  }
0x113: {  	[hbm4b:s24+s3] =	stream.linear.scatter [tilespmem:s31], [sflag:$0x3], $0x80, $0x38;
	[tilespmem:$0x10A00] =	vst v63  }
0x114: {  	s24 =	sadd.s32 $0x30, s0;
	s31 =	simm.s32 $0x87D8  }
0x115: {  	[hbm4b:s24+s3] =	stream.linear.scatter [tilespmem:s31], [sflag:$0x3], $0x80, $0x38;
	[tilespmem:$0x10A00] =	vst v63  }
0x116: {  	s24 =	sadd.s32 $0x40, s0;
	s31 =	simm.s32 $0x8860  }
0x117: {  	[hbm4b:s24+s3] =	stream.linear.scatter [tilespmem:s31], [sflag:$0x3], $0x80, $0x38;
	[tilespmem:$0x10A00] =	vst v63  }
0x118: {  	s24 =	sadd.s32 $0x50, s0;
	s31 =	simm.s32 $0x88E8  }
0x119: {  	[hbm4b:s24+s3] =	stream.linear.scatter [tilespmem:s31], [sflag:$0x3], $0x80, $0x38;
	[tilespmem:$0x10A00] =	vst v63  }
0x11a: {  	s24 =	sadd.s32 $0x60, s0;
	s31 =	simm.s32 $0x8970  }
0x11b: {  	[hbm4b:s24+s3] =	stream.linear.scatter [tilespmem:s31], [sflag:$0x3], $0x80, $0x38;
	[tilespmem:$0x10A00] =	vst v63  }
0x11c: {  	s0 =	sadd.s32 $0x70, s0;
	s24 =	simm.s32 $0x89F8  }
0x11d: {  	[hbm4b:s0+s3] =	stream.linear.scatter [tilespmem:s24], [sflag:$0x3], $0x80, $0x38;
	[tilespmem:$0x10A00] =	vst v63  }
0x11e: {  	s31 =	simm.s32 $0x8A80;
	s0 =	sadd.s32 s6, s9  }
0x11f: {  	[hbm4b:s0+s3] =	stream.linear.scatter [tilespmem:s31], [sflag:$0x3], $0x80, $0x38;
	[tilespmem:$0x10A00] =	vst v63  }
0x120: {  	s24 =	sadd.s32 $0x10, s0;
	s31 =	simm.s32 $0x8B08  }
0x121: {  	[hbm4b:s24+s3] =	stream.linear.scatter [tilespmem:s31], [sflag:$0x3], $0x80, $0x38;
	[tilespmem:$0x10A00] =	vst v63  }
0x122: {  	s24 =	sadd.s32 $0x20, s0;
	s31 =	simm.s32 $0x8B90  }
0x123: {  	[hbm4b:s24+s3] =	stream.linear.scatter [tilespmem:s31], [sflag:$0x3], $0x80, $0x38;
	[tilespmem:$0x10A00] =	vst v63  }
0x124: {  	s24 =	sadd.s32 $0x30, s0;
	s31 =	simm.s32 $0x8C18  }
0x125: {  	[hbm4b:s24+s3] =	stream.linear.scatter [tilespmem:s31], [sflag:$0x3], $0x80, $0x38;
	[tilespmem:$0x10A00] =	vst v63  }
0x126: {  	s24 =	sadd.s32 $0x40, s0;
	s31 =	simm.s32 $0x8CA0  }
0x127: {  	[hbm4b:s24+s3] =	stream.linear.scatter [tilespmem:s31], [sflag:$0x3], $0x80, $0x38;
	[tilespmem:$0x10A00] =	vst v63  }
0x128: {  	s24 =	sadd.s32 $0x50, s0;
	s31 =	simm.s32 $0x8D28  }
0x129: {  	[hbm4b:s24+s3] =	stream.linear.scatter [tilespmem:s31], [sflag:$0x3], $0x80, $0x38;
	[tilespmem:$0x10A00] =	vst v63  }
0x12a: {  	s24 =	sadd.s32 $0x60, s0;
	s31 =	simm.s32 $0x8DB0  }
0x12b: {  	[hbm4b:s24+s3] =	stream.linear.scatter [tilespmem:s31], [sflag:$0x3], $0x80, $0x38;
	[tilespmem:$0x10A00] =	vst v63  }
0x12c: {  	s0 =	sadd.s32 $0x70, s0;
	s24 =	simm.s32 $0x8E38  }
0x12d: {  	[hbm4b:s0+s3] =	stream.linear.scatter [tilespmem:s24], [sflag:$0x3], $0x80, $0x38;
	[tilespmem:$0x10A00] =	vst v63  }
0x12e: {  	s31 =	simm.s32 $0x8EC0;
	s0 =	sadd.s32 s6, s10  }
0x12f: {  	[hbm4b:s0+s3] =	stream.linear.scatter [tilespmem:s31], [sflag:$0x3], $0x80, $0x38;
	[tilespmem:$0x10A00] =	vst v63  }
0x130: {  	s24 =	sadd.s32 $0x10, s0;
	s31 =	simm.s32 $0x8F48  }
0x131: {  	[hbm4b:s24+s3] =	stream.linear.scatter [tilespmem:s31], [sflag:$0x3], $0x80, $0x38;
	[tilespmem:$0x10A00] =	vst v63  }
0x132: {  	s24 =	sadd.s32 $0x20, s0;
	s31 =	simm.s32 $0x8FD0  }
0x133: {  	[hbm4b:s24+s3] =	stream.linear.scatter [tilespmem:s31], [sflag:$0x3], $0x80, $0x38;
	[tilespmem:$0x10A00] =	vst v63  }
0x134: {  	s24 =	sadd.s32 $0x30, s0;
	s31 =	simm.s32 $0x9058  }
0x135: {  	[hbm4b:s24+s3] =	stream.linear.scatter [tilespmem:s31], [sflag:$0x3], $0x80, $0x38;
	[tilespmem:$0x10A00] =	vst v63  }
0x136: {  	s24 =	sadd.s32 $0x40, s0;
	s31 =	simm.s32 $0x90E0  }
0x137: {  	[hbm4b:s24+s3] =	stream.linear.scatter [tilespmem:s31], [sflag:$0x3], $0x80, $0x38;
	[tilespmem:$0x10A00] =	vst v63  }
0x138: {  	s24 =	sadd.s32 $0x50, s0;
	s31 =	simm.s32 $0x9168  }
0x139: {  	[hbm4b:s24+s3] =	stream.linear.scatter [tilespmem:s31], [sflag:$0x3], $0x80, $0x38;
	[tilespmem:$0x10A00] =	vst v63  }
0x13a: {  	s24 =	sadd.s32 $0x60, s0;
	s31 =	simm.s32 $0x91F0  }
0x13b: {  	[hbm4b:s24+s3] =	stream.linear.scatter [tilespmem:s31], [sflag:$0x3], $0x80, $0x38;
	[tilespmem:$0x10A00] =	vst v63  }
0x13c: {  	s0 =	sadd.s32 $0x70, s0;
	s24 =	simm.s32 $0x9278  }
0x13d: {  	[hbm4b:s0+s3] =	stream.linear.scatter [tilespmem:s24], [sflag:$0x3], $0x80, $0x38;
	[tilespmem:$0x10A00] =	vst v63  }
0x13e: {  	s31 =	simm.s32 $0x9300;
	s0 =	sadd.s32 s6, s11  }
0x13f: {  	[hbm4b:s0+s3] =	stream.linear.scatter [tilespmem:s31], [sflag:$0x3], $0x80, $0x38;
	[tilespmem:$0x10A00] =	vst v63  }
0x140: {  	s24 =	sadd.s32 $0x10, s0;
	s31 =	simm.s32 $0x9388  }
0x141: {  	[hbm4b:s24+s3] =	stream.linear.scatter [tilespmem:s31], [sflag:$0x3], $0x80, $0x38;
	[tilespmem:$0x10A00] =	vst v63  }
0x142: {  	s24 =	sadd.s32 $0x20, s0;
	s31 =	simm.s32 $0x9410  }
0x143: {  	[hbm4b:s24+s3] =	stream.linear.scatter [tilespmem:s31], [sflag:$0x3], $0x80, $0x38;
	[tilespmem:$0x10A00] =	vst v63  }
0x144: {  	s24 =	sadd.s32 $0x30, s0;
	s31 =	simm.s32 $0x9498  }
0x145: {  	[hbm4b:s24+s3] =	stream.linear.scatter [tilespmem:s31], [sflag:$0x3], $0x80, $0x38;
	[tilespmem:$0x10A00] =	vst v63  }
0x146: {  	s24 =	sadd.s32 $0x40, s0;
	s31 =	simm.s32 $0x9520  }
0x147: {  	[hbm4b:s24+s3] =	stream.linear.scatter [tilespmem:s31], [sflag:$0x3], $0x80, $0x38;
	[tilespmem:$0x10A00] =	vst v63  }
0x148: {  	s24 =	sadd.s32 $0x50, s0;
	s31 =	simm.s32 $0x95A8  }
0x149: {  	[hbm4b:s24+s3] =	stream.linear.scatter [tilespmem:s31], [sflag:$0x3], $0x80, $0x38;
	[tilespmem:$0x10A00] =	vst v63  }
0x14a: {  	s24 =	sadd.s32 $0x60, s0;
	s31 =	simm.s32 $0x9630  }
0x14b: {  	[hbm4b:s24+s3] =	stream.linear.scatter [tilespmem:s31], [sflag:$0x3], $0x80, $0x38;
	[tilespmem:$0x10A00] =	vst v63  }
0x14c: {  	s0 =	sadd.s32 $0x70, s0;
	s24 =	simm.s32 $0x96B8  }
0x14d: {  	[hbm4b:s0+s3] =	stream.linear.scatter [tilespmem:s24], [sflag:$0x3], $0x80, $0x38;
	[tilespmem:$0x10A00] =	vst v63  }
0x14e: {  	s31 =	simm.s32 $0x9740;
	s0 =	sadd.s32 s6, s12  }
0x14f: {  	[hbm4b:s0+s3] =	stream.linear.scatter [tilespmem:s31], [sflag:$0x3], $0x80, $0x38;
	[tilespmem:$0x10A00] =	vst v63  }
0x150: {  	s24 =	sadd.s32 $0x10, s0;
	s31 =	simm.s32 $0x97C8  }
0x151: {  	[hbm4b:s24+s3] =	stream.linear.scatter [tilespmem:s31], [sflag:$0x3], $0x80, $0x38;
	[tilespmem:$0x10A00] =	vst v63  }
0x152: {  	s24 =	sadd.s32 $0x20, s0;
	s31 =	simm.s32 $0x9850  }
0x153: {  	[hbm4b:s24+s3] =	stream.linear.scatter [tilespmem:s31], [sflag:$0x3], $0x80, $0x38;
	[tilespmem:$0x10A00] =	vst v63  }
0x154: {  	s24 =	sadd.s32 $0x30, s0;
	s31 =	simm.s32 $0x98D8  }
0x155: {  	[hbm4b:s24+s3] =	stream.linear.scatter [tilespmem:s31], [sflag:$0x3], $0x80, $0x38;
	[tilespmem:$0x10A00] =	vst v63  }
0x156: {  	s24 =	sadd.s32 $0x40, s0;
	s31 =	simm.s32 $0x9960  }
0x157: {  	[hbm4b:s24+s3] =	stream.linear.scatter [tilespmem:s31], [sflag:$0x3], $0x80, $0x38;
	[tilespmem:$0x10A00] =	vst v63  }
0x158: {  	s24 =	sadd.s32 $0x50, s0;
	s31 =	simm.s32 $0x99E8  }
0x159: {  	[hbm4b:s24+s3] =	stream.linear.scatter [tilespmem:s31], [sflag:$0x3], $0x80, $0x38;
	[tilespmem:$0x10A00] =	vst v63  }
0x15a: {  	s24 =	sadd.s32 $0x60, s0;
	s31 =	simm.s32 $0x9A70  }
0x15b: {  	[hbm4b:s24+s3] =	stream.linear.scatter [tilespmem:s31], [sflag:$0x3], $0x80, $0x38;
	[tilespmem:$0x10A00] =	vst v63  }
0x15c: {  	s0 =	sadd.s32 $0x70, s0;
	s24 =	simm.s32 $0x9AF8  }
0x15d: {  	[hbm4b:s0+s3] =	stream.linear.scatter [tilespmem:s24], [sflag:$0x3], $0x80, $0x38;
	[tilespmem:$0x10A00] =	vst v63  }
0x15e: {  	s31 =	simm.s32 $0x9B80;
	s0 =	sadd.s32 s6, s13  }
0x15f: {  	[hbm4b:s0+s3] =	stream.linear.scatter [tilespmem:s31], [sflag:$0x3], $0x80, $0x38;
	[tilespmem:$0x10A00] =	vst v63  }
0x160: {  	s24 =	sadd.s32 $0x10, s0;
	s31 =	simm.s32 $0x9C08  }
0x161: {  	[hbm4b:s24+s3] =	stream.linear.scatter [tilespmem:s31], [sflag:$0x3], $0x80, $0x38;
	[tilespmem:$0x10A00] =	vst v63  }
0x162: {  	s24 =	sadd.s32 $0x20, s0;
	s31 =	simm.s32 $0x9C90  }
0x163: {  	[hbm4b:s24+s3] =	stream.linear.scatter [tilespmem:s31], [sflag:$0x3], $0x80, $0x38;
	[tilespmem:$0x10A00] =	vst v63  }
0x164: {  	s24 =	sadd.s32 $0x30, s0;
	s31 =	simm.s32 $0x9D18  }
0x165: {  	[hbm4b:s24+s3] =	stream.linear.scatter [tilespmem:s31], [sflag:$0x3], $0x80, $0x38;
	[tilespmem:$0x10A00] =	vst v63  }
0x166: {  	s24 =	sadd.s32 $0x40, s0;
	s31 =	simm.s32 $0x9DA0  }
0x167: {  	[hbm4b:s24+s3] =	stream.linear.scatter [tilespmem:s31], [sflag:$0x3], $0x80, $0x38;
	[tilespmem:$0x10A00] =	vst v63  }
0x168: {  	s24 =	sadd.s32 $0x50, s0;
	s31 =	simm.s32 $0x9E28  }
0x169: {  	[hbm4b:s24+s3] =	stream.linear.scatter [tilespmem:s31], [sflag:$0x3], $0x80, $0x38;
	[tilespmem:$0x10A00] =	vst v63  }
0x16a: {  	s24 =	sadd.s32 $0x60, s0;
	s31 =	simm.s32 $0x9EB0  }
0x16b: {  	[hbm4b:s24+s3] =	stream.linear.scatter [tilespmem:s31], [sflag:$0x3], $0x80, $0x38;
	[tilespmem:$0x10A00] =	vst v63  }
0x16c: {  	s0 =	sadd.s32 $0x70, s0;
	s24 =	simm.s32 $0x9F38  }
0x16d: {  	[hbm4b:s0+s3] =	stream.linear.scatter [tilespmem:s24], [sflag:$0x3], $0x80, $0x38;
	[tilespmem:$0x10A00] =	vst v63  }
0x16e: {  	s31 =	simm.s32 $0x9FC0;
	s0 =	sadd.s32 s6, s14  }
0x16f: {  	[hbm4b:s0+s3] =	stream.linear.scatter [tilespmem:s31], [sflag:$0x3], $0x80, $0x38;
	[tilespmem:$0x10A00] =	vst v63  }
0x170: {  	s24 =	sadd.s32 $0x10, s0;
	s31 =	simm.s32 $0xA048  }
0x171: {  	[hbm4b:s24+s3] =	stream.linear.scatter [tilespmem:s31], [sflag:$0x3], $0x80, $0x38;
	[tilespmem:$0x10A00] =	vst v63  }
0x172: {  	s24 =	sadd.s32 $0x20, s0;
	s31 =	simm.s32 $0xA0D0  }
0x173: {  	[hbm4b:s24+s3] =	stream.linear.scatter [tilespmem:s31], [sflag:$0x3], $0x80, $0x38;
	[tilespmem:$0x10A00] =	vst v63  }
0x174: {  	s24 =	sadd.s32 $0x30, s0;
	s31 =	simm.s32 $0xA158  }
0x175: {  	[hbm4b:s24+s3] =	stream.linear.scatter [tilespmem:s31], [sflag:$0x3], $0x80, $0x38;
	[tilespmem:$0x10A00] =	vst v63  }
0x176: {  	s24 =	sadd.s32 $0x40, s0;
	s31 =	simm.s32 $0xA1E0  }
0x177: {  	[hbm4b:s24+s3] =	stream.linear.scatter [tilespmem:s31], [sflag:$0x3], $0x80, $0x38;
	[tilespmem:$0x10A00] =	vst v63  }
0x178: {  	s24 =	sadd.s32 $0x50, s0;
	s31 =	simm.s32 $0xA268  }
0x179: {  	[hbm4b:s24+s3] =	stream.linear.scatter [tilespmem:s31], [sflag:$0x3], $0x80, $0x38;
	[tilespmem:$0x10A00] =	vst v63  }
0x17a: {  	s24 =	sadd.s32 $0x60, s0;
	s31 =	simm.s32 $0xA2F0  }
0x17b: {  	[hbm4b:s24+s3] =	stream.linear.scatter [tilespmem:s31], [sflag:$0x3], $0x80, $0x38;
	[tilespmem:$0x10A00] =	vst v63  }
0x17c: {  	s0 =	sadd.s32 $0x70, s0;
	s24 =	simm.s32 $0xA378  }
0x17d: {  	[hbm4b:s0+s3] =	stream.linear.scatter [tilespmem:s24], [sflag:$0x3], $0x80, $0x38;
	[tilespmem:$0x10A00] =	vst v63  }
0x17e: {  	s24 =	sor.u32 $0x80, s6  }
0x17f: {  	s31 =	simm.s32 $0xA400;
	s0 =	sadd.s32 s2, s24  }
0x180: {  	[hbm4b:s0+s3] =	stream.linear.scatter [tilespmem:s31], [sflag:$0x3], $0x80, $0x38;
	[tilespmem:$0x10A00] =	vst v63  }
0x181: {  	s28 =	simm.s32 $0xA488;
	s31 =	sadd.s32 $0x10, s0  }
0x182: {  	[hbm4b:s31+s3] =	stream.linear.scatter [tilespmem:s28], [sflag:$0x3], $0x80, $0x38;
	[tilespmem:$0x10A00] =	vst v63  }
0x183: {  	s31 =	sadd.s32 $0x20, s0;
	s28 =	simm.s32 $0xA510  }
0x184: {  	[hbm4b:s31+s3] =	stream.linear.scatter [tilespmem:s28], [sflag:$0x3], $0x80, $0x38;
	[tilespmem:$0x10A00] =	vst v63  }
0x185: {  	s31 =	sadd.s32 $0x30, s0;
	s28 =	simm.s32 $0xA598  }
0x186: {  	[hbm4b:s31+s3] =	stream.linear.scatter [tilespmem:s28], [sflag:$0x3], $0x80, $0x38;
	[tilespmem:$0x10A00] =	vst v63  }
0x187: {  	s31 =	sadd.s32 $0x40, s0;
	s28 =	simm.s32 $0xA620  }
0x188: {  	[hbm4b:s31+s3] =	stream.linear.scatter [tilespmem:s28], [sflag:$0x3], $0x80, $0x38;
	[tilespmem:$0x10A00] =	vst v63  }
0x189: {  	s31 =	sadd.s32 $0x50, s0;
	s28 =	simm.s32 $0xA6A8  }
0x18a: {  	[hbm4b:s31+s3] =	stream.linear.scatter [tilespmem:s28], [sflag:$0x3], $0x80, $0x38;
	[tilespmem:$0x10A00] =	vst v63  }
0x18b: {  	s31 =	sadd.s32 $0x60, s0;
	s28 =	simm.s32 $0xA730  }
0x18c: {  	[hbm4b:s31+s3] =	stream.linear.scatter [tilespmem:s28], [sflag:$0x3], $0x80, $0x38;
	[tilespmem:$0x10A00] =	vst v63  }
0x18d: {  	s0 =	sadd.s32 $0x70, s0;
	s31 =	simm.s32 $0xA7B8  }
0x18e: {  	[hbm4b:s0+s3] =	stream.linear.scatter [tilespmem:s31], [sflag:$0x3], $0x80, $0x38;
	[tilespmem:$0x10A00] =	vst v63  }
0x18f: {  	s0 =	sadd.s32 s24, s8;
	s31 =	simm.s32 $0xA840  }
0x190: {  	[hbm4b:s0+s3] =	stream.linear.scatter [tilespmem:s31], [sflag:$0x3], $0x80, $0x38;
	[tilespmem:$0x10A00] =	vst v63  }
0x191: {  	s28 =	simm.s32 $0xA8C8;
	s31 =	sadd.s32 $0x10, s0  }
0x192: {  	[hbm4b:s31+s3] =	stream.linear.scatter [tilespmem:s28], [sflag:$0x3], $0x80, $0x38;
	[tilespmem:$0x10A00] =	vst v63  }
0x193: {  	s31 =	sadd.s32 $0x20, s0;
	s28 =	simm.s32 $0xA950  }
0x194: {  	[hbm4b:s31+s3] =	stream.linear.scatter [tilespmem:s28], [sflag:$0x3], $0x80, $0x38;
	[tilespmem:$0x10A00] =	vst v63  }
0x195: {  	s31 =	sadd.s32 $0x30, s0;
	s28 =	simm.s32 $0xA9D8  }
0x196: {  	[hbm4b:s31+s3] =	stream.linear.scatter [tilespmem:s28], [sflag:$0x3], $0x80, $0x38;
	[tilespmem:$0x10A00] =	vst v63  }
0x197: {  	s31 =	sadd.s32 $0x40, s0;
	s28 =	simm.s32 $0xAA60  }
0x198: {  	[hbm4b:s31+s3] =	stream.linear.scatter [tilespmem:s28], [sflag:$0x3], $0x80, $0x38;
	[tilespmem:$0x10A00] =	vst v63  }
0x199: {  	s31 =	sadd.s32 $0x50, s0;
	s28 =	simm.s32 $0xAAE8  }
0x19a: {  	[hbm4b:s31+s3] =	stream.linear.scatter [tilespmem:s28], [sflag:$0x3], $0x80, $0x38;
	[tilespmem:$0x10A00] =	vst v63  }
0x19b: {  	s31 =	sadd.s32 $0x60, s0;
	s28 =	simm.s32 $0xAB70  }
0x19c: {  	[hbm4b:s31+s3] =	stream.linear.scatter [tilespmem:s28], [sflag:$0x3], $0x80, $0x38;
	[tilespmem:$0x10A00] =	vst v63  }
0x19d: {  	s0 =	sadd.s32 $0x70, s0;
	s31 =	simm.s32 $0xABF8  }
0x19e: {  	[hbm4b:s0+s3] =	stream.linear.scatter [tilespmem:s31], [sflag:$0x3], $0x80, $0x38;
	[tilespmem:$0x10A00] =	vst v63  }
0x19f: {  	s0 =	sadd.s32 s24, s9;
	s31 =	simm.s32 $0xAC80  }
0x1a0: {  	[hbm4b:s0+s3] =	stream.linear.scatter [tilespmem:s31], [sflag:$0x3], $0x80, $0x38;
	[tilespmem:$0x10A00] =	vst v63  }
0x1a1: {  	s28 =	simm.s32 $0xAD08;
	s31 =	sadd.s32 $0x10, s0  }
0x1a2: {  	[hbm4b:s31+s3] =	stream.linear.scatter [tilespmem:s28], [sflag:$0x3], $0x80, $0x38;
	[tilespmem:$0x10A00] =	vst v63  }
0x1a3: {  	s31 =	sadd.s32 $0x20, s0;
	s28 =	simm.s32 $0xAD90  }
0x1a4: {  	[hbm4b:s31+s3] =	stream.linear.scatter [tilespmem:s28], [sflag:$0x3], $0x80, $0x38;
	[tilespmem:$0x10A00] =	vst v63  }
0x1a5: {  	s31 =	sadd.s32 $0x30, s0;
	s28 =	simm.s32 $0xAE18  }
0x1a6: {  	[hbm4b:s31+s3] =	stream.linear.scatter [tilespmem:s28], [sflag:$0x3], $0x80, $0x38;
	[tilespmem:$0x10A00] =	vst v63  }
0x1a7: {  	s31 =	sadd.s32 $0x40, s0;
	s28 =	simm.s32 $0xAEA0  }
0x1a8: {  	[hbm4b:s31+s3] =	stream.linear.scatter [tilespmem:s28], [sflag:$0x3], $0x80, $0x38;
	[tilespmem:$0x10A00] =	vst v63  }
0x1a9: {  	s31 =	sadd.s32 $0x50, s0;
	s28 =	simm.s32 $0xAF28  }
0x1aa: {  	[hbm4b:s31+s3] =	stream.linear.scatter [tilespmem:s28], [sflag:$0x3], $0x80, $0x38;
	[tilespmem:$0x10A00] =	vst v63  }
0x1ab: {  	s31 =	sadd.s32 $0x60, s0;
	s28 =	simm.s32 $0xAFB0  }
0x1ac: {  	[hbm4b:s31+s3] =	stream.linear.scatter [tilespmem:s28], [sflag:$0x3], $0x80, $0x38;
	[tilespmem:$0x10A00] =	vst v63  }
0x1ad: {  	s0 =	sadd.s32 $0x70, s0;
	s31 =	simm.s32 $0xB038  }
0x1ae: {  	[hbm4b:s0+s3] =	stream.linear.scatter [tilespmem:s31], [sflag:$0x3], $0x80, $0x38;
	[tilespmem:$0x10A00] =	vst v63  }
0x1af: {  	s0 =	sadd.s32 s24, s10;
	s31 =	simm.s32 $0xB0C0  }
0x1b0: {  	[hbm4b:s0+s3] =	stream.linear.scatter [tilespmem:s31], [sflag:$0x3], $0x80, $0x38;
	[tilespmem:$0x10A00] =	vst v63  }
0x1b1: {  	s28 =	simm.s32 $0xB148;
	s31 =	sadd.s32 $0x10, s0  }
0x1b2: {  	[hbm4b:s31+s3] =	stream.linear.scatter [tilespmem:s28], [sflag:$0x3], $0x80, $0x38;
	[tilespmem:$0x10A00] =	vst v63  }
0x1b3: {  	s31 =	sadd.s32 $0x20, s0;
	s28 =	simm.s32 $0xB1D0  }
0x1b4: {  	[hbm4b:s31+s3] =	stream.linear.scatter [tilespmem:s28], [sflag:$0x3], $0x80, $0x38;
	[tilespmem:$0x10A00] =	vst v63  }
0x1b5: {  	s31 =	sadd.s32 $0x30, s0;
	s28 =	simm.s32 $0xB258  }
0x1b6: {  	[hbm4b:s31+s3] =	stream.linear.scatter [tilespmem:s28], [sflag:$0x3], $0x80, $0x38;
	[tilespmem:$0x10A00] =	vst v63  }
0x1b7: {  	s31 =	sadd.s32 $0x40, s0;
	s28 =	simm.s32 $0xB2E0  }
0x1b8: {  	[hbm4b:s31+s3] =	stream.linear.scatter [tilespmem:s28], [sflag:$0x3], $0x80, $0x38;
	[tilespmem:$0x10A00] =	vst v63  }
0x1b9: {  	s31 =	sadd.s32 $0x50, s0;
	s28 =	simm.s32 $0xB368  }
0x1ba: {  	[hbm4b:s31+s3] =	stream.linear.scatter [tilespmem:s28], [sflag:$0x3], $0x80, $0x38;
	[tilespmem:$0x10A00] =	vst v63  }
0x1bb: {  	s31 =	sadd.s32 $0x60, s0;
	s28 =	simm.s32 $0xB3F0  }
0x1bc: {  	[hbm4b:s31+s3] =	stream.linear.scatter [tilespmem:s28], [sflag:$0x3], $0x80, $0x38;
	[tilespmem:$0x10A00] =	vst v63  }
0x1bd: {  	s0 =	sadd.s32 $0x70, s0;
	s31 =	simm.s32 $0xB478  }
0x1be: {  	[hbm4b:s0+s3] =	stream.linear.scatter [tilespmem:s31], [sflag:$0x3], $0x80, $0x38;
	[tilespmem:$0x10A00] =	vst v63  }
0x1bf: {  	s0 =	sadd.s32 s24, s11;
	s31 =	simm.s32 $0xB500  }
0x1c0: {  	[hbm4b:s0+s3] =	stream.linear.scatter [tilespmem:s31], [sflag:$0x3], $0x80, $0x38;
	[tilespmem:$0x10A00] =	vst v63  }
0x1c1: {  	s28 =	simm.s32 $0xB588;
	s31 =	sadd.s32 $0x10, s0  }
0x1c2: {  	[hbm4b:s31+s3] =	stream.linear.scatter [tilespmem:s28], [sflag:$0x3], $0x80, $0x38;
	[tilespmem:$0x10A00] =	vst v63  }
0x1c3: {  	s31 =	sadd.s32 $0x20, s0;
	s28 =	simm.s32 $0xB610  }
0x1c4: {  	[hbm4b:s31+s3] =	stream.linear.scatter [tilespmem:s28], [sflag:$0x3], $0x80, $0x38;
	[tilespmem:$0x10A00] =	vst v63  }
0x1c5: {  	s31 =	sadd.s32 $0x30, s0;
	s28 =	simm.s32 $0xB698  }
0x1c6: {  	[hbm4b:s31+s3] =	stream.linear.scatter [tilespmem:s28], [sflag:$0x3], $0x80, $0x38;
	[tilespmem:$0x10A00] =	vst v63  }
0x1c7: {  	s31 =	sadd.s32 $0x40, s0;
	s28 =	simm.s32 $0xB720  }
0x1c8: {  	[hbm4b:s31+s3] =	stream.linear.scatter [tilespmem:s28], [sflag:$0x3], $0x80, $0x38;
	[tilespmem:$0x10A00] =	vst v63  }
0x1c9: {  	s31 =	sadd.s32 $0x50, s0;
	s28 =	simm.s32 $0xB7A8  }
0x1ca: {  	[hbm4b:s31+s3] =	stream.linear.scatter [tilespmem:s28], [sflag:$0x3], $0x80, $0x38;
	[tilespmem:$0x10A00] =	vst v63  }
0x1cb: {  	s31 =	sadd.s32 $0x60, s0;
	s28 =	simm.s32 $0xB830  }
0x1cc: {  	[hbm4b:s31+s3] =	stream.linear.scatter [tilespmem:s28], [sflag:$0x3], $0x80, $0x38;
	[tilespmem:$0x10A00] =	vst v63  }
0x1cd: {  	s0 =	sadd.s32 $0x70, s0;
	s31 =	simm.s32 $0xB8B8  }
0x1ce: {  	[hbm4b:s0+s3] =	stream.linear.scatter [tilespmem:s31], [sflag:$0x3], $0x80, $0x38;
	[tilespmem:$0x10A00] =	vst v63  }
0x1cf: {  	s0 =	sadd.s32 s24, s12;
	s31 =	simm.s32 $0xB940  }
0x1d0: {  	[hbm4b:s0+s3] =	stream.linear.scatter [tilespmem:s31], [sflag:$0x3], $0x80, $0x38;
	[tilespmem:$0x10A00] =	vst v63  }
0x1d1: {  	s28 =	simm.s32 $0xB9C8;
	s31 =	sadd.s32 $0x10, s0  }
0x1d2: {  	[hbm4b:s31+s3] =	stream.linear.scatter [tilespmem:s28], [sflag:$0x3], $0x80, $0x38;
	[tilespmem:$0x10A00] =	vst v63  }
0x1d3: {  	s31 =	sadd.s32 $0x20, s0;
	s28 =	simm.s32 $0xBA50  }
0x1d4: {  	[hbm4b:s31+s3] =	stream.linear.scatter [tilespmem:s28], [sflag:$0x3], $0x80, $0x38;
	[tilespmem:$0x10A00] =	vst v63  }
0x1d5: {  	s31 =	sadd.s32 $0x30, s0;
	s28 =	simm.s32 $0xBAD8  }
0x1d6: {  	[hbm4b:s31+s3] =	stream.linear.scatter [tilespmem:s28], [sflag:$0x3], $0x80, $0x38;
	[tilespmem:$0x10A00] =	vst v63  }
0x1d7: {  	s31 =	sadd.s32 $0x40, s0;
	s28 =	simm.s32 $0xBB60  }
0x1d8: {  	[hbm4b:s31+s3] =	stream.linear.scatter [tilespmem:s28], [sflag:$0x3], $0x80, $0x38;
	[tilespmem:$0x10A00] =	vst v63  }
0x1d9: {  	s31 =	sadd.s32 $0x50, s0;
	s28 =	simm.s32 $0xBBE8  }
0x1da: {  	[hbm4b:s31+s3] =	stream.linear.scatter [tilespmem:s28], [sflag:$0x3], $0x80, $0x38;
	[tilespmem:$0x10A00] =	vst v63  }
0x1db: {  	s31 =	sadd.s32 $0x60, s0;
	s28 =	simm.s32 $0xBC70  }
0x1dc: {  	[hbm4b:s31+s3] =	stream.linear.scatter [tilespmem:s28], [sflag:$0x3], $0x80, $0x38;
	[tilespmem:$0x10A00] =	vst v63  }
0x1dd: {  	s0 =	sadd.s32 $0x70, s0;
	s31 =	simm.s32 $0xBCF8  }
0x1de: {  	[hbm4b:s0+s3] =	stream.linear.scatter [tilespmem:s31], [sflag:$0x3], $0x80, $0x38;
	[tilespmem:$0x10A00] =	vst v63  }
0x1df: {  	s0 =	sadd.s32 s24, s13;
	s31 =	simm.s32 $0xBD80  }
0x1e0: {  	[hbm4b:s0+s3] =	stream.linear.scatter [tilespmem:s31], [sflag:$0x3], $0x80, $0x38;
	[tilespmem:$0x10A00] =	vst v63  }
0x1e1: {  	s28 =	simm.s32 $0xBE08;
	s31 =	sadd.s32 $0x10, s0  }
0x1e2: {  	[hbm4b:s31+s3] =	stream.linear.scatter [tilespmem:s28], [sflag:$0x3], $0x80, $0x38;
	[tilespmem:$0x10A00] =	vst v63  }
0x1e3: {  	s31 =	sadd.s32 $0x20, s0;
	s28 =	simm.s32 $0xBE90  }
0x1e4: {  	[hbm4b:s31+s3] =	stream.linear.scatter [tilespmem:s28], [sflag:$0x3], $0x80, $0x38;
	[tilespmem:$0x10A00] =	vst v63  }
0x1e5: {  	s31 =	sadd.s32 $0x30, s0;
	s28 =	simm.s32 $0xBF18  }
0x1e6: {  	[hbm4b:s31+s3] =	stream.linear.scatter [tilespmem:s28], [sflag:$0x3], $0x80, $0x38;
	[tilespmem:$0x10A00] =	vst v63  }
0x1e7: {  	s31 =	sadd.s32 $0x40, s0;
	s28 =	simm.s32 $0xBFA0  }
0x1e8: {  	[hbm4b:s31+s3] =	stream.linear.scatter [tilespmem:s28], [sflag:$0x3], $0x80, $0x38;
	[tilespmem:$0x10A00] =	vst v63  }
0x1e9: {  	s31 =	sadd.s32 $0x50, s0;
	s28 =	simm.s32 $0xC028  }
0x1ea: {  	[hbm4b:s31+s3] =	stream.linear.scatter [tilespmem:s28], [sflag:$0x3], $0x80, $0x38;
	[tilespmem:$0x10A00] =	vst v63  }
0x1eb: {  	s31 =	sadd.s32 $0x60, s0;
	s28 =	simm.s32 $0xC0B0  }
0x1ec: {  	[hbm4b:s31+s3] =	stream.linear.scatter [tilespmem:s28], [sflag:$0x3], $0x80, $0x38;
	[tilespmem:$0x10A00] =	vst v63  }
0x1ed: {  	s0 =	sadd.s32 $0x70, s0;
	s31 =	simm.s32 $0xC138  }
0x1ee: {  	[hbm4b:s0+s3] =	stream.linear.scatter [tilespmem:s31], [sflag:$0x3], $0x80, $0x38;
	[tilespmem:$0x10A00] =	vst v63  }
0x1ef: {  	s0 =	sadd.s32 s24, s14;
	s31 =	simm.s32 $0xC1C0  }
0x1f0: {  	[hbm4b:s0+s3] =	stream.linear.scatter [tilespmem:s31], [sflag:$0x3], $0x80, $0x38;
	[tilespmem:$0x10A00] =	vst v63  }
0x1f1: {  	s24 =	sadd.s32 $0x10, s0;
	s31 =	simm.s32 $0xC248  }
0x1f2: {  	[hbm4b:s24+s3] =	stream.linear.scatter [tilespmem:s31], [sflag:$0x3], $0x80, $0x38;
	[tilespmem:$0x10A00] =	vst v63  }
0x1f3: {  	s24 =	sadd.s32 $0x20, s0;
	s31 =	simm.s32 $0xC2D0  }
0x1f4: {  	[hbm4b:s24+s3] =	stream.linear.scatter [tilespmem:s31], [sflag:$0x3], $0x80, $0x38;
	[tilespmem:$0x10A00] =	vst v63  }
0x1f5: {  	s24 =	sadd.s32 $0x30, s0;
	s31 =	simm.s32 $0xC358  }
0x1f6: {  	[hbm4b:s24+s3] =	stream.linear.scatter [tilespmem:s31], [sflag:$0x3], $0x80, $0x38;
	[tilespmem:$0x10A00] =	vst v63  }
0x1f7: {  	s24 =	sadd.s32 $0x40, s0;
	s31 =	simm.s32 $0xC3E0  }
0x1f8: {  	[hbm4b:s24+s3] =	stream.linear.scatter [tilespmem:s31], [sflag:$0x3], $0x80, $0x38;
	[tilespmem:$0x10A00] =	vst v63  }
0x1f9: {  	s24 =	sadd.s32 $0x50, s0;
	s31 =	simm.s32 $0xC468  }
0x1fa: {  	[hbm4b:s24+s3] =	stream.linear.scatter [tilespmem:s31], [sflag:$0x3], $0x80, $0x38;
	[tilespmem:$0x10A00] =	vst v63  }
0x1fb: {  	s24 =	sadd.s32 $0x60, s0;
	s31 =	simm.s32 $0xC4F0  }
0x1fc: {  	[hbm4b:s24+s3] =	stream.linear.scatter [tilespmem:s31], [sflag:$0x3], $0x80, $0x38;
	[tilespmem:$0x10A00] =	vst v63  }
0x1fd: {  	p0 =	seq.s32 s20, $0x31;
	s0 =	sadd.s32 $0x70, s0;
	s31 =	simm.s32 $0xC578  }
0x1fe: {  	[hbm4b:s0+s3] =	stream.linear.scatter [tilespmem:s31], [sflag:$0x3], $0x80, $0x38;
	[tilespmem:$0x10A00] =	vst v63  }
0x1ff: {  	s0 =	simm.s32 @!p0 $0x3  }
0x200: {  	_ =	swait.ge @!p0 [sflag:s0], $0x400  }
0x201: {  	[sflag:s0] =	ssyncset.done @!p0 $0x0  }
0x202: {  	[sflag:s0] =	ssyncadd.s32 @!p0 $0xFFFFFC00  }
0x203: {  	_ =	swait.ge @!p0 [sflag:s0], $0x400  }
0x204: {  	[sflag:s0] =	ssyncset.done @!p0 $0x0  }
0x205: {  	[sflag:s0] =	ssyncadd.s32 @!p0 $0xFFFFFC00  }
0x206: {  	_ =	swait.ge @!p0 [sflag:s0], $0x400  }
0x207: {  	[sflag:s0] =	ssyncset.done @!p0 $0x0  }
0x208: {  	[sflag:s0] =	ssyncadd.s32 @!p0 $0xFFFFFC00  }
0x209: {  	_ =	swait.ge @!p0 [sflag:s0], $0x400  }
0x20a: {  	[sflag:s0] =	ssyncset.done @!p0 $0x0  }
0x20b: {  	[sflag:s0] =	ssyncadd.s32 @!p0 $0xFFFFFC00  }
0x20c: {  	_ =	swait.ge @!p0 [sflag:s0], $0x400  }
0x20d: {  	[sflag:s0] =	ssyncset.done @!p0 $0x0  }
0x20e: {  	[sflag:s0] =	ssyncadd.s32 @!p0 $0xFFFFFC00  }
0x20f: {  	_ =	swait.ge @!p0 [sflag:s0], $0x400  }
0x210: {  	[sflag:s0] =	ssyncset.done @!p0 $0x0  }
0x211: {  	[sflag:s0] =	ssyncadd.s32 @!p0 $0xFFFFFC00  }
0x212: {  	_ =	swait.ge @!p0 [sflag:s0], $0x400  }
0x213: {  	[sflag:s0] =	ssyncset.done @!p0 $0x0  }
0x214: {  	[sflag:s0] =	ssyncadd.s32 @!p0 $0xFFFFFC00  }
0x215: {  	_ =	swait.ge @!p0 [sflag:s0], $0x400  }
0x216: {  	[sflag:s0] =	ssyncset.done @!p0 $0x0  }
0x217: {  	[sflag:s0] =	ssyncadd.s32 @!p0 $0xFFFFFC00  }
0x218: {  	_ =	swait.ge @!p0 [sflag:s0], $0x400  }
0x219: {  	[sflag:s0] =	ssyncset.done @!p0 $0x0  }
0x21a: {  	[sflag:s0] =	ssyncadd.s32 @!p0 $0xFFFFFC00  }
0x21b: {  	_ =	swait.ge @!p0 [sflag:s0], $0x400  }
0x21c: {  	[sflag:s0] =	ssyncset.done @!p0 $0x0  }
0x21d: {  	[sflag:s0] =	ssyncadd.s32 @!p0 $0xFFFFFC00  }
0x21e: {  	_ =	swait.ge @!p0 [sflag:s0], $0x400  }
0x21f: {  	[sflag:s0] =	ssyncset.done @!p0 $0x0  }
0x220: {  	[sflag:s0] =	ssyncadd.s32 @!p0 $0xFFFFFC00  }
0x221: {  	_ =	swait.ge @!p0 [sflag:s0], $0x400  }
0x222: {  	[sflag:s0] =	ssyncset.done @!p0 $0x0  }
0x223: {  	[sflag:s0] =	ssyncadd.s32 @!p0 $0xFFFFFC00  }
0x224: {  	_ =	swait.ge @!p0 [sflag:s0], $0x400  }
0x225: {  	[sflag:s0] =	ssyncset.done @!p0 $0x0  }
0x226: {  	[sflag:s0] =	ssyncadd.s32 @!p0 $0xFFFFFC00  }
0x227: {  	_ =	swait.ge @!p0 [sflag:s0], $0x400  }
0x228: {  	[sflag:s0] =	ssyncset.done @!p0 $0x0  }
0x229: {  	[sflag:s0] =	ssyncadd.s32 @!p0 $0xFFFFFC00  }
0x22a: {  	_ =	swait.ge @!p0 [sflag:s0], $0x400  }
0x22b: {  	[sflag:s0] =	ssyncset.done @!p0 $0x0  }
0x22c: {  	[sflag:s0] =	ssyncadd.s32 @!p0 $0xFFFFFC00  }
0x22d: {  	_ =	swait.ge @!p0 [sflag:s0], $0x400  }
0x22e: {  	[sflag:s0] =	ssyncset.done @!p0 $0x0  }
0x22f: {  	s1 =	simm.s32 @!p0 $0x0;
	[sflag:s0] =	ssyncadd.s32 @!p0 $0xFFFFFC00;
	s0 =	sadd.s32 @!p0 s16, s15  }
0x230: {  	[tilespmem:s1], [sflag:$0x5] =	stream.linear.gather @!p0 [hbm4b:s0+s1], $0x100, $0x38;
	[tilespmem:$0x10A00] =	vst v63  }
0x231: {  	s0 =	simm.s32 @!p0 $0x5  }
0x232: {  	_ =	swait.ge @!p0 [sflag:s0], $0x100  }
0x233: {  	[sflag:s0] =	ssyncset.done @!p0 $0x0  }
0x234: {  	s15 =	simm.s32 @!p0 $0x200;
	[sflag:s0] =	ssyncadd.s32 @!p0 $0xFFFFFF00;
	s0 =	simm.s32 @!p0 $0x80  }
0x235: {  	[tilespmem:s15], [sflag:$0x1] =	stream.indirect.gather @!p0 [hbm4b:s4+s0], $0x40, s1, s0, $0xb8;
	[tilespmem:$0x10A00] =	vst v63  }
0x236: {  	s1 =	simm.s32 @!p0 $0x2200  }
0x237: {  	[tilespmem:s1], [sflag:$0x1] =	stream.indirect.gather @!p0 [hbm4b:s4+s0], $0x40, s0, s0, $0xb8;
	[tilespmem:$0x10A00] =	vst v63  }
0x238: {  	_ =	swait.ge [sflag:s22], $0x2000  }
0x239: {  	[sflag:s22] =	ssyncset.done $0x0  }
0x23a: {  	[sflag:s22] =	ssyncadd.s32 $0xFFFFE000  }
0x23b: {  	_ =	swait.ge [sflag:s22], $0x2000  }
0x23c: {  	[sflag:s22] =	ssyncset.done $0x0  }
0x23d: {  	s30 =	simm.s32 $0x4280;
	s1 =	simm.s32 $0x3;
	[sflag:s22] =	ssyncadd.s32 $0xFFFFE000  }
0x23e: {  	v8 =	vmov s1;
	v9 =	vld [tilespmem:s30+$0x40]  }
0x23f: {  	v15 =	vand.u32 $0x7F, v8  }
0x240: {  	s15 =	simm.s32 $0x0;
	v8 =	vadd.s32 v0, v15  }
0x241: {  	s24 =	simm.s32 $0x1;
	s31 =	simm.s32 $0x2;
	v10 =	vmov s15;
	v11 =	vld [tilespmem:s30+$0xFFFFFF80]  }
0x242: {  	v13 =	vmov s31;
	v12 =	vand.u32 $0x7C, v10;
	v10 =	vmov s24;
	v16 =	vld [tilespmem:s30+$0xFFFFFFC0]  }
0x243: {  	v17 =	vadd.s32 v0, v12;
	v14 =	vand.u32 $0x7D, v10;
	v10 =	vld [tilespmem:s30+$0x0];
	v9 =	vmul.f32 $8.000000000e+00, v9  }
0x244: {  	v13 =	vand.u32 $0x7E, v13;
	v18 =	vadd.s32 v0, v14  }
0x245: {  	v19 =	vadd.s32 v0, v13;
	[tilespmem:v8+s23+$0x0] =	vst.idx.msk $0xffff, v9  }
0x246: {  	v8 =	vmul.f32 $8.000000000e+00, v11;
	v9 =	vld [tilespmem:s30+$0x50]  }
0x247: {  	v11 =	vmul.f32 $8.000000000e+00, v16  }
0x248: {  	[tilespmem:v17+s23+$0x0] =	vst.idx.msk $0xffff, v8;
	v8 =	vmul.f32 $8.000000000e+00, v10;
	v10 =	vadd.s32 v1, v15  }
0x249: {  	[tilespmem:v18+s23+$0x0] =	vst.idx.msk $0xffff, v11;
	v16 =	vld [tilespmem:s30+$0xFFFFFF90]  }
0x24a: {  	v11 =	vld [tilespmem:s30+$0xFFFFFFD0];
	[tilespmem:v19+s23+$0x0] =	vst.idx.msk $0xffff, v8  }
0x24b: {  	v17 =	vld [tilespmem:s30+$0x10];
	v8 =	vmul.f32 $8.000000000e+00, v9  }
0x24c: {  	s28 =	simm.s32 $0x4380;
	s15 =	simm.s32 $0x7;
	s1 =	simm.s32 $0x4;
	v18 =	vadd.s32 v1, v14  }
0x24d: {  	v20 =	vld [tilespmem:s28+$0x40];
	v19 =	vadd.s32 v1, v13;
	v9 =	vmov s1;
	[tilespmem:v10+s23+$0x0] =	vst.idx.msk $0xffff, v8;
	v10 =	vmov s15  }
0x24e: {  	v21 =	vadd.s32 v1, v12;
	v8 =	vand.u32 $0x7C, v9;
	v9 =	vand.u32 $0x7F, v10;
	v22 =	vld [tilespmem:s30+$0x60]  }
0x24f: {  	s24 =	simm.s32 $0x5;
	v26 =	vadd.s32 v2, v15;
	v23 =	vld [tilespmem:s28+$0xFFFFFF80];
	v10 =	vmul.f32 $8.000000000e+00, v11;
	v24 =	vadd.s32 v0, v9  }
0x250: {  	s31 =	simm.s32 $0x6;
	v25 =	vld [tilespmem:s28+$0xFFFFFFC0];
	v16 =	vmul.f32 $8.000000000e+00, v16;
	v11 =	vmul.f32 $8.000000000e+00, v17;
	v17 =	vmov s24  }
0x251: {  	v27 =	vadd.s32 v0, v8;
	[tilespmem:v18+s23+$0x0] =	vst.idx.msk $0xffff, v10;
	v18 =	vmov s31;
	v10 =	vand.u32 $0x7D, v17;
	v17 =	vld [tilespmem:s28+$0x0]  }
0x252: {  	[tilespmem:v19+s23+$0x0] =	vst.idx.msk $0xffff, v11;
	v11 =	vand.u32 $0x7E, v18;
	v18 =	vmul.f32 $8.000000000e+00, v20;
	v20 =	vld [tilespmem:s30+$0xFFFFFFE0]  }
0x253: {  	[tilespmem:v21+s23+$0x0] =	vst.idx.msk $0xffff, v16;
	v19 =	vadd.s32 v0, v10;
	v21 =	vld [tilespmem:s30+$0x20];
	v22 =	vmul.f32 $8.000000000e+00, v22  }
0x254: {  	v23 =	vmul.f32 $8.000000000e+00, v23;
	v16 =	vadd.s32 v0, v11;
	[tilespmem:v24+s23+$0x0] =	vst.idx.msk $0xffff, v18;
	v18 =	vld [tilespmem:s30+$0xFFFFFFA0]  }
0x255: {  	v24 =	vadd.s32 v2, v14;
	v28 =	vld [tilespmem:s28+$0x50];
	[tilespmem:v26+s23+$0x0] =	vst.idx.msk $0xffff, v22  }
0x256: {  	v25 =	vmul.f32 $8.000000000e+00, v25;
	[tilespmem:v27+s23+$0x0] =	vst.idx.msk $0xffff, v23;
	v22 =	vadd.s32 v2, v12;
	v27 =	vld [tilespmem:s30+$0x70]  }
0x257: {  	v30 =	vadd.s32 v2, v13;
	v17 =	vmul.f32 $8.000000000e+00, v17  }
0x258: {  	[tilespmem:v19+s23+$0x0] =	vst.idx.msk $0xffff, v25;
	v20 =	vmul.f32 $8.000000000e+00, v20  }
0x259: {  	v62 =	vld [tilespmem:s28+$0xFFFFFF90];
	v19 =	vadd.s32 v1, v9;
	[tilespmem:v16+s23+$0x0] =	vst.idx.msk $0xffff, v17;
	v18 =	vmul.f32 $8.000000000e+00, v18  }
0x25a: {  	v63 =	vld [tilespmem:s28+$0xFFFFFFD0];
	v16 =	vmul.f32 $8.000000000e+00, v21;
	v17 =	vadd.s32 v3, v15;
	[tilespmem:v24+s23+$0x0] =	vst.idx.msk $0xffff, v20  }
0x25b: {  	v31 =	vadd.s32 v1, v8;
	s24 =	simm.s32 $0xB;
	v26 =	vld [tilespmem:s28+$0x10];
	v20 =	vmul.f32 $8.000000000e+00, v28;
	[tilespmem:v22+s23+$0x0] =	vst.idx.msk $0xffff, v18;
	v18 =	vmul.f32 $8.000000000e+00, v27  }
0x25c: {  	s15 =	simm.s32 $0x8;
	v35 =	vmov s24;
	v29 =	vadd.s32 v1, v10;
	[tilespmem:v30+s23+$0x0] =	vst.idx.msk $0xffff, v16;
	v25 =	vld [tilespmem:s30+$0xFFFFFFF0]  }
0x25d: {  	v23 =	vadd.s32 v1, v11;
	v16 =	vmov s15;
	v30 =	vadd.s32 v3, v13;
	v24 =	vld [tilespmem:s30+$0x30]  }
0x25e: {  	s29 =	simm.s32 $0x4480;
	v33 =	vmul.f32 $8.000000000e+00, v62;
	v21 =	vand.u32 $0x7C, v16;
	v28 =	vadd.s32 v3, v14;
	v22 =	vmovc v12;
	[tilespmem:v19+s23+$0x0] =	vst.idx.msk $0xffff, v20;
	v27 =	vld [tilespmem:s30+$0xFFFFFFB0]  }
0x25f: {  	v32 =	vld [tilespmem:s29+$0x40];
	s1 =	simm.s32 $0x8;
	s30 =	simm.s32 $0xC;
	v34 =	vmul.f32 $8.000000000e+00, v63;
	v19 =	vmovc v10;
	[tilespmem:v17+s23+$0x0] =	vst.idx.msk $0xffff, v18;
	v17 =	vmovc v8;
	v20 =	vmov v9;
	v18 =	vmov v11  }
.LBB2_7:
0x260: {  	p0 =	slt.u32 s30, $0x7C;
	s0 =	sadd.s32 $0x1, s1;
	v35 =	vand.u32 $0x7F, v35;
	[tilespmem:v31+s23+$0x0] =	vst.idx.msk $0xffff, v33;
	v26 =	vmul.f32 $8.000000000e+00, v26;
	v31 =	vld [tilespmem:s28+$0x60];
	v33 =	vadd.s32 v3, v22;
	v22 =	vmovc v17  }
0x261: {  	v17 =	vmovc v21;
	v36 =	vld [tilespmem:s29+$0xFFFFFF80];
	v37 =	vmov s0;
	s0 =	sadd.s32 $0x2, s1;
	v38 =	vadd.s32 v0, v35;
	[tilespmem:v29+s23+$0x0] =	vst.idx.msk $0xffff, v34;
	v25 =	vmul.f32 $8.000000000e+00, v25;
	s1 =	smov.u32 s30  }
0x262: {  	v21 =	vld [tilespmem:s29+$0xFFFFFFC0];
	v29 =	vmov s0;
	[tilespmem:v23+s23+$0x0] =	vst.idx.msk $0xffff, v26;
	v23 =	vadd.s32 v2, v20;
	v24 =	vmul.f32 $8.000000000e+00, v24  }
0x263: {  	v26 =	vadd.s32 v0, v17;
	v34 =	vand.u32 $0x7D, v37;
	v37 =	vld [tilespmem:s29+$0x0];
	v27 =	vmul.f32 $8.000000000e+00, v27;
	[tilespmem:v28+s23+$0x0] =	vst.idx.msk $0xffff, v25  }
0x264: {  	v25 =	vadd.s32 v0, v34;
	v39 =	vand.u32 $0x7E, v29;
	v28 =	vmul.f32 $8.000000000e+00, v32;
	v29 =	vld [tilespmem:s28+$0xFFFFFFE0];
	[tilespmem:v30+s23+$0x0] =	vst.idx.msk $0xffff, v24  }
0x265: {  	v24 =	vadd.s32 v0, v39;
	v30 =	vld [tilespmem:s28+$0x20];
	v31 =	vmul.f32 $8.000000000e+00, v31;
	[tilespmem:v33+s23+$0x0] =	vst.idx.msk $0xffff, v27  }
0x266: {  	v32 =	vadd.s32 v2, v19;
	v27 =	vmul.f32 $8.000000000e+00, v36;
	[tilespmem:v38+s23+$0x0] =	vst.idx.msk $0xffff, v28;
	v28 =	vld [tilespmem:s28+$0xFFFFFFA0]  }
0x267: {  	v36 =	vadd.s32 v2, v18;
	v21 =	vmul.f32 $8.000000000e+00, v21;
	v33 =	vld [tilespmem:s29+$0x50];
	[tilespmem:v23+s23+$0x0] =	vst.idx.msk $0xffff, v31  }
0x268: {  	[tilespmem:v26+s23+$0x0] =	vst.idx.msk $0xffff, v27;
	v23 =	vmul.f32 $8.000000000e+00, v37;
	v27 =	vadd.s32 v2, v22;
	v37 =	vld [tilespmem:s28+$0x70]  }
0x269: {  	v40 =	vadd.s32 v1, v35;
	v38 =	vld [tilespmem:s29+$0xFFFFFF90];
	[tilespmem:v25+s23+$0x0] =	vst.idx.msk $0xffff, v21;
	v21 =	vmul.f32 $8.000000000e+00, v29  }
0x26a: {  	v42 =	vadd.s32 v3, v20;
	v20 =	vmov v35;
	v41 =	vld [tilespmem:s29+$0xFFFFFFD0];
	[tilespmem:v24+s23+$0x0] =	vst.idx.msk $0xffff, v23;
	v23 =	vmul.f32 $8.000000000e+00, v30  }
.Ltmp2:
0x26b: {  	v31 =	vadd.s32 v1, v17;
	v26 =	vld [tilespmem:s29+$0x10];
	v24 =	vmul.f32 $8.000000000e+00, v28;
	[tilespmem:v32+s23+$0x0] =	vst.idx.msk $0xffff, v21;
	(pc) =	sbr.rel @p0 .LBB2_7-.Ltmp2, $4  }
0x26c: {  	v29 =	vadd.s32 v1, v34;
	v28 =	vmul.f32 $8.000000000e+00, v33;
	v25 =	vld [tilespmem:s28+$0xFFFFFFF0];
	[tilespmem:v36+s23+$0x0] =	vst.idx.msk $0xffff, v23  }
0x26d: {  	v21 =	vmov s30;
	v23 =	vadd.s32 v1, v39;
	[tilespmem:v27+s23+$0x0] =	vst.idx.msk $0xffff, v24;
	v24 =	vld [tilespmem:s28+$0x30];
	v36 =	vmul.f32 $8.000000000e+00, v37  }
0x26e: {  	s0 =	sadd.s32 $0x3, s30;
	v21 =	vand.u32 $0x7C, v21;
	v33 =	vmul.f32 $8.000000000e+00, v38;
	[tilespmem:v40+s23+$0x0] =	vst.idx.msk $0xffff, v28;
	v27 =	vld [tilespmem:s28+$0xFFFFFFB0];
	v28 =	vadd.s32 v3, v19;
	v19 =	vmovc v34;
	s28 =	smov.u32 s29;
	s29 =	sadd.s32 $0x100, s29  }
0x26f: {  	v35 =	vmov s0;
	v30 =	vadd.s32 v3, v18;
	v18 =	vmovc v39;
	s30 =	sadd.s32 $0x4, s30;
	v32 =	vld [tilespmem:s29+$0x40];
	v34 =	vmul.f32 $8.000000000e+00, v41;
	[tilespmem:v42+s23+$0x0] =	vst.idx.msk $0xffff, v36  }
0x270: {  	s0 =	sadd.s32 $0x1, s1  }
0x271: {  	v35 =	vand.u32 $0x7F, v35;
	s30 =	sadd.s32 $0x2, s1;
	v37 =	vld [tilespmem:s29+$0xFFFFFFC0];
	v36 =	vmov s0  }
0x272: {  	v40 =	vld [tilespmem:s29+$0x0];
	v38 =	vadd.s32 v0, v35;
	v39 =	vmov s30;
	v36 =	vand.u32 $0x7D, v36  }
0x273: {  	v41 =	vld [tilespmem:s29+$0xFFFFFF80];
	v39 =	vand.u32 $0x7E, v39;
	v42 =	vadd.s32 v0, v36  }
0x274: {  	v43 =	vadd.s32 v0, v39  }
0x275: {  	[tilespmem:v31+s23+$0x0] =	vst.idx.msk $0xffff, v33;
	v62 =	vadd.s32 v0, v21;
	v32 =	vmul.f32 $8.000000000e+00, v32  }
0x276: {  	[tilespmem:v29+s23+$0x0] =	vst.idx.msk $0xffff, v34;
	v63 =	vmul.f32 $8.000000000e+00, v37  }
0x277: {  	v37 =	vmul.f32 $8.000000000e+00, v40;
	[tilespmem:v38+s23+$0x0] =	vst.idx.msk $0xffff, v32  }
0x278: {  	v38 =	vmul.f32 $8.000000000e+00, v41;
	v40 =	vld [tilespmem:s29+$0x50];
	[tilespmem:v42+s23+$0x0] =	vst.idx.msk $0xffff, v63  }
0x279: {  	v26 =	vmul.f32 $8.000000000e+00, v26;
	v22 =	vadd.s32 v3, v22;
	[tilespmem:v43+s23+$0x0] =	vst.idx.msk $0xffff, v37;
	v41 =	vld [tilespmem:s29+$0xFFFFFFD0]  }
0x27a: {  	v25 =	vmul.f32 $8.000000000e+00, v25;
	[tilespmem:v62+s23+$0x0] =	vst.idx.msk $0xffff, v38;
	v42 =	vadd.s32 v1, v35;
	v32 =	vld [tilespmem:s29+$0x10]  }
0x27b: {  	[tilespmem:v23+s23+$0x0] =	vst.idx.msk $0xffff, v26;
	v23 =	vmul.f32 $8.000000000e+00, v24;
	v26 =	vadd.s32 v1, v36;
	v24 =	vld [tilespmem:s29+$0xFFFFFF90]  }
0x27c: {  	v27 =	vmul.f32 $8.000000000e+00, v27;
	[tilespmem:v28+s23+$0x0] =	vst.idx.msk $0xffff, v25;
	v25 =	vadd.s32 v1, v39;
	v43 =	vld [tilespmem:s28+$0x60]  }
0x27d: {  	v44 =	vld [tilespmem:s28+$0xFFFFFFE0];
	[tilespmem:v30+s23+$0x0] =	vst.idx.msk $0xffff, v23;
	v23 =	vadd.s32 v1, v21;
	v29 =	vmul.f32 $8.000000000e+00, v40  }
0x27e: {  	v45 =	vadd.s32 v2, v20;
	v46 =	vld [tilespmem:s28+$0x20];
	[tilespmem:v22+s23+$0x0] =	vst.idx.msk $0xffff, v27;
	v22 =	vmul.f32 $8.000000000e+00, v41  }
0x27f: {  	v47 =	vadd.s32 v2, v19;
	v27 =	vld [tilespmem:s28+$0xFFFFFFA0];
	[tilespmem:v42+s23+$0x0] =	vst.idx.msk $0xffff, v29;
	v48 =	vmul.f32 $8.000000000e+00, v32  }
0x280: {  	v49 =	vadd.s32 v2, v18;
	v24 =	vmul.f32 $8.000000000e+00, v24;
	v50 =	vld [tilespmem:s29+$0x60];
	[tilespmem:v26+s23+$0x0] =	vst.idx.msk $0xffff, v22  }
0x281: {  	v22 =	vmul.f32 $8.000000000e+00, v43;
	v26 =	vadd.s32 v2, v17;
	[tilespmem:v25+s23+$0x0] =	vst.idx.msk $0xffff, v48;
	v25 =	vld [tilespmem:s29+$0xFFFFFFE0]  }
0x282: {  	v28 =	vmul.f32 $8.000000000e+00, v44;
	[tilespmem:v23+s23+$0x0] =	vst.idx.msk $0xffff, v24;
	v23 =	vadd.s32 v2, v35;
	v24 =	vld [tilespmem:s29+$0x20]  }
0x283: {  	v52 =	vadd.s32 v2, v36;
	v51 =	vld [tilespmem:s29+$0xFFFFFFA0];
	[tilespmem:v45+s23+$0x0] =	vst.idx.msk $0xffff, v22;
	v22 =	vmul.f32 $8.000000000e+00, v46  }
0x284: {  	v54 =	vadd.s32 v2, v39;
	[tilespmem:v47+s23+$0x0] =	vst.idx.msk $0xffff, v28;
	v27 =	vmul.f32 $8.000000000e+00, v27;
	v53 =	vld [tilespmem:s28+$0x70]  }
0x285: {  	v55 =	vadd.s32 v2, v21;
	v34 =	vld [tilespmem:s28+$0xFFFFFFF0];
	[tilespmem:v49+s23+$0x0] =	vst.idx.msk $0xffff, v22;
	v22 =	vmul.f32 $8.000000000e+00, v50  }
0x286: {  	v20 =	vadd.s32 v3, v20;
	[tilespmem:v26+s23+$0x0] =	vst.idx.msk $0xffff, v27;
	v26 =	vld [tilespmem:s28+$0x30];
	v25 =	vmul.f32 $8.000000000e+00, v25  }
0x287: {  	v19 =	vadd.s32 v3, v19;
	v27 =	vld [tilespmem:s28+$0xFFFFFFB0];
	[tilespmem:v23+s23+$0x0] =	vst.idx.msk $0xffff, v22;
	v22 =	vmul.f32 $8.000000000e+00, v24  }
0x288: {  	v18 =	vadd.s32 v3, v18;
	v24 =	vmul.f32 $8.000000000e+00, v51;
	v23 =	vld [tilespmem:s29+$0x70];
	[tilespmem:v52+s23+$0x0] =	vst.idx.msk $0xffff, v25  }
0x289: {  	v17 =	vadd.s32 v3, v17;
	v25 =	vmul.f32 $8.000000000e+00, v53;
	[tilespmem:v54+s23+$0x0] =	vst.idx.msk $0xffff, v22;
	v56 =	vld [tilespmem:s29+$0xFFFFFFF0]  }
0x28a: {  	v57 =	vadd.s32 v3, v35;
	v22 =	vmul.f32 $8.000000000e+00, v34;
	[tilespmem:v55+s23+$0x0] =	vst.idx.msk $0xffff, v24;
	v24 =	vld [tilespmem:s29+$0x30]  }
0x28b: {  	[tilespmem:v20+s23+$0x0] =	vst.idx.msk $0xffff, v25;
	v20 =	vmul.f32 $8.000000000e+00, v26;
	v25 =	vld [tilespmem:s29+$0xFFFFFFB0];
	v26 =	vadd.s32 v3, v36  }
0x28c: {  	[tilespmem:v19+s23+$0x0] =	vst.idx.msk $0xffff, v22;
	v19 =	vadd.s32 v3, v39;
	v27 =	vmul.f32 $8.000000000e+00, v27  }
0x28d: {  	[tilespmem:v18+s23+$0x0] =	vst.idx.msk $0xffff, v20;
	v18 =	vmul.f32 $8.000000000e+00, v23;
	v20 =	vadd.s32 v3, v21  }
0x28e: {  	[tilespmem:v17+s23+$0x0] =	vst.idx.msk $0xffff, v27;
	v17 =	vmul.f32 $8.000000000e+00, v56  }
0x28f: {  	[tilespmem:v57+s23+$0x0] =	vst.idx.msk $0xffff, v18;
	v18 =	vmul.f32 $8.000000000e+00, v24  }
0x290: {  	v21 =	vmul.f32 $8.000000000e+00, v25;
	[tilespmem:v26+s23+$0x0] =	vst.idx.msk $0xffff, v17  }
0x291: {  	[tilespmem:v19+s23+$0x0] =	vst.idx.msk $0xffff, v18  }
0x292: {  	s31 =	simm.s32 $0x62F0;
	[tilespmem:v20+s23+$0x0] =	vst.idx.msk $0xffff, v21  }
0x293: {  	v17 =	vld [tilespmem:s31+$0xFFFFFFD0];
	_ =	sdelay $0x1  }
0x294: {  	v18 =	vadd.s32 v4, v15;
	_ =	sdelay $0x1  }
0x295: {  	v19 =	vld [tilespmem:s31+$0xFFFFFF50]  }
0x296: {  	v20 =	vld [tilespmem:s31+$0xFFFFFF90];
	v17 =	vmul.f32 $8.000000000e+00, v17  }
0x297: {  	v22 =	vadd.s32 v4, v14;
	v21 =	vld [tilespmem:s31+$0xFFFFFF10]  }
0x298: {  	v23 =	vadd.s32 v4, v13;
	[tilespmem:v18+s23+$0x0] =	vst.idx.msk $0xffff, v17  }
0x299: {  	v17 =	vadd.s32 v4, v12;
	v18 =	vld [tilespmem:s31+$0xFFFFFFE0]  }
0x29a: {  	v19 =	vmul.f32 $8.000000000e+00, v19  }
0x29b: {  	v24 =	vadd.s32 v5, v15;
	v20 =	vmul.f32 $8.000000000e+00, v20  }
0x29c: {  	v21 =	vmul.f32 $8.000000000e+00, v21;
	[tilespmem:v22+s23+$0x0] =	vst.idx.msk $0xffff, v19  }
0x29d: {  	[tilespmem:v23+s23+$0x0] =	vst.idx.msk $0xffff, v20;
	v19 =	vld [tilespmem:s31+$0xFFFFFF60]  }
0x29e: {  	[tilespmem:v17+s23+$0x0] =	vst.idx.msk $0xffff, v21;
	v17 =	vld [tilespmem:s31+$0xFFFFFFA0];
	v18 =	vmul.f32 $8.000000000e+00, v18  }
0x29f: {  	s28 =	simm.s32 $0x63F0;
	v21 =	vadd.s32 v5, v14;
	v20 =	vld [tilespmem:s31+$0xFFFFFF20]  }
0x2a0: {  	v22 =	vadd.s32 v5, v13;
	[tilespmem:v24+s23+$0x0] =	vst.idx.msk $0xffff, v18;
	v18 =	vld [tilespmem:s28+$0xFFFFFFD0]  }
0x2a1: {  	v23 =	vadd.s32 v5, v12;
	v24 =	vld [tilespmem:s31+$0xFFFFFFF0]  }
0x2a2: {  	v26 =	vadd.s32 v4, v9;
	v25 =	vld [tilespmem:s28+$0xFFFFFF10];
	v19 =	vmul.f32 $8.000000000e+00, v19  }
0x2a3: {  	v58 =	vadd.s32 v6, v15;
	v27 =	vld [tilespmem:s28+$0xFFFFFF50];
	v17 =	vmul.f32 $8.000000000e+00, v17  }
0x2a4: {  	[tilespmem:v21+s23+$0x0] =	vst.idx.msk $0xffff, v19;
	v19 =	vadd.s32 v4, v8;
	v21 =	vld [tilespmem:s28+$0xFFFFFF90];
	v20 =	vmul.f32 $8.000000000e+00, v20  }
0x2a5: {  	[tilespmem:v22+s23+$0x0] =	vst.idx.msk $0xffff, v17;
	v17 =	vadd.s32 v4, v10;
	v22 =	vld [tilespmem:s31+$0xFFFFFF70];
	v18 =	vmul.f32 $8.000000000e+00, v18  }
0x2a6: {  	[tilespmem:v23+s23+$0x0] =	vst.idx.msk $0xffff, v20;
	v20 =	vadd.s32 v4, v11;
	v23 =	vld [tilespmem:s31+$0xFFFFFFB0];
	v24 =	vmul.f32 $8.000000000e+00, v24  }
0x2a7: {  	v25 =	vmul.f32 $8.000000000e+00, v25;
	[tilespmem:v26+s23+$0x0] =	vst.idx.msk $0xffff, v18;
	v18 =	vld [tilespmem:s31+$0xFFFFFF30];
	v26 =	vadd.s32 v6, v14  }
0x2a8: {  	v60 =	vadd.s32 v6, v13;
	v27 =	vmul.f32 $8.000000000e+00, v27;
	v59 =	vld [tilespmem:s28+$0xFFFFFFE0];
	[tilespmem:v58+s23+$0x0] =	vst.idx.msk $0xffff, v24  }
0x2a9: {  	[tilespmem:v19+s23+$0x0] =	vst.idx.msk $0xffff, v25;
	v19 =	vmul.f32 $8.000000000e+00, v21;
	v24 =	vadd.s32 v6, v12;
	v25 =	vld [tilespmem:s31+$0x0]  }
0x2aa: {  	v61 =	vld [tilespmem:s28+$0xFFFFFF20];
	[tilespmem:v17+s23+$0x0] =	vst.idx.msk $0xffff, v27;
	v27 =	vadd.s32 v5, v9;
	v17 =	vmul.f32 $8.000000000e+00, v22  }
0x2ab: {  	v62 =	vadd.s32 v7, v15;
	v31 =	vld [tilespmem:s28+$0xFFFFFF60];
	[tilespmem:v20+s23+$0x0] =	vst.idx.msk $0xffff, v19;
	v21 =	vmul.f32 $8.000000000e+00, v23  }
0x2ac: {  	v22 =	vadd.s32 v5, v8;
	v20 =	vld [tilespmem:s28+$0xFFFFFFA0];
	v15 =	vmul.f32 $8.000000000e+00, v18;
	[tilespmem:v26+s23+$0x0] =	vst.idx.msk $0xffff, v17  }
0x2ad: {  	[tilespmem:v60+s23+$0x0] =	vst.idx.msk $0xffff, v21;
	v21 =	vadd.s32 v5, v10;
	v23 =	vmul.f32 $8.000000000e+00, v59;
	v19 =	vld [tilespmem:s31+$0xFFFFFF80]  }
0x2ae: {  	v17 =	vadd.s32 v5, v11;
	v18 =	vld [tilespmem:s31+$0xFFFFFFC0];
	[tilespmem:v24+s23+$0x0] =	vst.idx.msk $0xffff, v15;
	v63 =	vmul.f32 $8.000000000e+00, v25  }
0x2af: {  	s29 =	simm.s32 $0x64F0;
	v14 =	vadd.s32 v7, v14;
	v15 =	vand.u32 $0x7C, v16;
	v24 =	vmul.f32 $8.000000000e+00, v61;
	[tilespmem:v27+s23+$0x0] =	vst.idx.msk $0xffff, v23;
	v16 =	vld [tilespmem:s31+$0xFFFFFF40]  }
0x2b0: {  	s1 =	simm.s32 $0xC;
	v13 =	vadd.s32 v7, v13;
	v26 =	vmov s24;
	v23 =	vld [tilespmem:s29+$0xFFFFFFD0];
	v25 =	vmul.f32 $8.000000000e+00, v31;
	[tilespmem:v62+s23+$0x0] =	vst.idx.msk $0xffff, v63  }
.LBB2_9:
0x2b1: {  	p0 =	slt.u32 s1, $0x7C;
	s0 =	sadd.s32 $0x1, s15;
	v26 =	vand.u32 $0x7F, v26;
	[tilespmem:v22+s23+$0x0] =	vst.idx.msk $0xffff, v24;
	v20 =	vmul.f32 $8.000000000e+00, v20;
	v22 =	vld [tilespmem:s28+$0xFFFFFFF0];
	v24 =	vadd.s32 v7, v12;
	v12 =	vmovc v8  }
0x2b2: {  	v8 =	vmovc v15;
	v27 =	vld [tilespmem:s29+$0xFFFFFF10];
	v28 =	vmov s0;
	s0 =	sadd.s32 $0x2, s15;
	v29 =	vadd.s32 v4, v26;
	[tilespmem:v21+s23+$0x0] =	vst.idx.msk $0xffff, v25;
	v19 =	vmul.f32 $8.000000000e+00, v19;
	s15 =	smov.u32 s1  }
0x2b3: {  	v15 =	vld [tilespmem:s29+$0xFFFFFF50];
	v21 =	vmov s0;
	[tilespmem:v17+s23+$0x0] =	vst.idx.msk $0xffff, v20;
	v17 =	vadd.s32 v6, v9;
	v18 =	vmul.f32 $8.000000000e+00, v18  }
0x2b4: {  	v20 =	vadd.s32 v4, v8;
	v25 =	vand.u32 $0x7D, v28;
	v28 =	vld [tilespmem:s29+$0xFFFFFF90];
	v16 =	vmul.f32 $8.000000000e+00, v16;
	[tilespmem:v14+s23+$0x0] =	vst.idx.msk $0xffff, v19  }
0x2b5: {  	v14 =	vadd.s32 v4, v25;
	v30 =	vand.u32 $0x7E, v21;
	v19 =	vmul.f32 $8.000000000e+00, v23;
	v21 =	vld [tilespmem:s28+$0xFFFFFF70];
	[tilespmem:v13+s23+$0x0] =	vst.idx.msk $0xffff, v18  }
0x2b6: {  	v13 =	vadd.s32 v4, v30;
	v18 =	vld [tilespmem:s28+$0xFFFFFFB0];
	v22 =	vmul.f32 $8.000000000e+00, v22;
	[tilespmem:v24+s23+$0x0] =	vst.idx.msk $0xffff, v16  }
0x2b7: {  	v23 =	vadd.s32 v6, v10;
	v16 =	vmul.f32 $8.000000000e+00, v27;
	[tilespmem:v29+s23+$0x0] =	vst.idx.msk $0xffff, v19;
	v19 =	vld [tilespmem:s28+$0xFFFFFF30]  }
0x2b8: {  	v27 =	vadd.s32 v6, v11;
	v15 =	vmul.f32 $8.000000000e+00, v15;
	v24 =	vld [tilespmem:s29+$0xFFFFFFE0];
	[tilespmem:v17+s23+$0x0] =	vst.idx.msk $0xffff, v22  }
0x2b9: {  	[tilespmem:v20+s23+$0x0] =	vst.idx.msk $0xffff, v16;
	v16 =	vmul.f32 $8.000000000e+00, v28;
	v28 =	vadd.s32 v6, v12;
	v29 =	vld [tilespmem:s28+$0x0]  }
0x2ba: {  	v31 =	vld [tilespmem:s29+$0xFFFFFF20];
	[tilespmem:v14+s23+$0x0] =	vst.idx.msk $0xffff, v15;
	v14 =	vadd.s32 v5, v26;
	v15 =	vmul.f32 $8.000000000e+00, v21  }
0x2bb: {  	v33 =	vadd.s32 v7, v9;
	v9 =	vmov v26;
	v32 =	vld [tilespmem:s29+$0xFFFFFF60];
	[tilespmem:v13+s23+$0x0] =	vst.idx.msk $0xffff, v16;
	v13 =	vmul.f32 $8.000000000e+00, v18  }
.Ltmp3:
0x2bc: {  	v22 =	vadd.s32 v5, v8;
	v20 =	vld [tilespmem:s29+$0xFFFFFFA0];
	v16 =	vmul.f32 $8.000000000e+00, v19;
	[tilespmem:v23+s23+$0x0] =	vst.idx.msk $0xffff, v15;
	(pc) =	sbr.rel @p0 .LBB2_9-.Ltmp3, $4  }
0x2bd: {  	v21 =	vadd.s32 v5, v25;
	v23 =	vmul.f32 $8.000000000e+00, v24;
	v19 =	vld [tilespmem:s28+$0xFFFFFF80];
	[tilespmem:v27+s23+$0x0] =	vst.idx.msk $0xffff, v13  }
0x2be: {  	v17 =	vadd.s32 v5, v30;
	v13 =	vmov s1;
	[tilespmem:v28+s23+$0x0] =	vst.idx.msk $0xffff, v16;
	v18 =	vld [tilespmem:s28+$0xFFFFFFC0];
	v27 =	vmul.f32 $8.000000000e+00, v29  }
0x2bf: {  	s0 =	sadd.s32 $0x3, s1;
	v15 =	vand.u32 $0x7C, v13;
	v24 =	vmul.f32 $8.000000000e+00, v31;
	[tilespmem:v14+s23+$0x0] =	vst.idx.msk $0xffff, v23;
	v16 =	vld [tilespmem:s28+$0xFFFFFF40];
	v14 =	vadd.s32 v7, v10;
	v10 =	vmovc v25;
	s28 =	smov.u32 s29;
	s29 =	sadd.s32 $0x100, s29  }
0x2c0: {  	v26 =	vmov s0;
	s1 =	sadd.s32 $0x4, s1;
	v13 =	vadd.s32 v7, v11;
	v11 =	vmovc v30;
	v23 =	vld [tilespmem:s29+$0xFFFFFFD0];
	v25 =	vmul.f32 $8.000000000e+00, v32;
	[tilespmem:v33+s23+$0x0] =	vst.idx.msk $0xffff, v27  }
0x2c1: {  	s0 =	sadd.s32 $0x1, s15;
	v26 =	vand.u32 $0x7F, v26;
	v32 =	vld [tilespmem:s29+$0xFFFFFF10]  }
0x2c2: {  	s24 =	sadd.s32 $0x2, s15;
	v28 =	vld [tilespmem:s29+$0xFFFFFF50];
	v27 =	vmov s0;
	v29 =	vadd.s32 v4, v26  }
0x2c3: {  	v31 =	vld [tilespmem:s29+$0xFFFFFF90];
	v43 =	vadd.s32 v4, v15;
	v30 =	vmov s24;
	v27 =	vand.u32 $0x7D, v27  }
0x2c4: {  	v30 =	vand.u32 $0x7E, v30;
	v33 =	vadd.s32 v4, v27  }
0x2c5: {  	[tilespmem:v22+s23+$0x0] =	vst.idx.msk $0xffff, v24;
	v34 =	vadd.s32 v4, v30;
	v23 =	vmul.f32 $8.000000000e+00, v23  }
0x2c6: {  	[tilespmem:v21+s23+$0x0] =	vst.idx.msk $0xffff, v25;
	v46 =	vmul.f32 $8.000000000e+00, v32  }
0x2c7: {  	v44 =	vmul.f32 $8.000000000e+00, v28;
	[tilespmem:v29+s23+$0x0] =	vst.idx.msk $0xffff, v23  }
0x2c8: {  	v45 =	vmul.f32 $8.000000000e+00, v31;
	v47 =	vld [tilespmem:s29+$0xFFFFFFE0];
	[tilespmem:v43+s23+$0x0] =	vst.idx.msk $0xffff, v46  }
0x2c9: {  	v20 =	vmul.f32 $8.000000000e+00, v20;
	v12 =	vadd.s32 v7, v12;
	[tilespmem:v33+s23+$0x0] =	vst.idx.msk $0xffff, v44;
	v51 =	vld [tilespmem:s29+$0xFFFFFF20]  }
0x2ca: {  	v19 =	vmul.f32 $8.000000000e+00, v19;
	v49 =	vadd.s32 v5, v26;
	[tilespmem:v34+s23+$0x0] =	vst.idx.msk $0xffff, v45;
	v48 =	vld [tilespmem:s29+$0xFFFFFF60]  }
0x2cb: {  	v56 =	vadd.s32 v5, v15;
	[tilespmem:v17+s23+$0x0] =	vst.idx.msk $0xffff, v20;
	v50 =	vmul.f32 $8.000000000e+00, v18;
	v23 =	vld [tilespmem:s29+$0xFFFFFFA0]  }
0x2cc: {  	v53 =	vld [tilespmem:s28+$0xFFFFFFF0];
	v52 =	vadd.s32 v5, v27;
	v16 =	vmul.f32 $8.000000000e+00, v16;
	[tilespmem:v14+s23+$0x0] =	vst.idx.msk $0xffff, v19  }
0x2cd: {  	v55 =	vld [tilespmem:s28+$0xFFFFFF70];
	v54 =	vadd.s32 v5, v30;
	[tilespmem:v13+s23+$0x0] =	vst.idx.msk $0xffff, v50;
	v57 =	vmul.f32 $8.000000000e+00, v47  }
0x2ce: {  	v58 =	vadd.s32 v6, v9;
	v59 =	vld [tilespmem:s28+$0xFFFFFFB0];
	[tilespmem:v12+s23+$0x0] =	vst.idx.msk $0xffff, v16;
	v18 =	vmul.f32 $8.000000000e+00, v51  }
0x2cf: {  	v62 =	vadd.s32 v6, v10;
	v61 =	vld [tilespmem:s28+$0xFFFFFF30];
	v60 =	vmul.f32 $8.000000000e+00, v48;
	[tilespmem:v49+s23+$0x0] =	vst.idx.msk $0xffff, v57  }
0x2d0: {  	v29 =	vadd.s32 v6, v11;
	v63 =	vmul.f32 $8.000000000e+00, v23;
	v31 =	vld [tilespmem:s29+$0xFFFFFFF0];
	[tilespmem:v56+s23+$0x0] =	vst.idx.msk $0xffff, v18  }
0x2d1: {  	v32 =	vmul.f32 $8.000000000e+00, v53;
	v33 =	vadd.s32 v6, v8;
	[tilespmem:v52+s23+$0x0] =	vst.idx.msk $0xffff, v60;
	v39 =	vld [tilespmem:s29+$0xFFFFFF30]  }
0x2d2: {  	v36 =	vadd.s32 v6, v26;
	v35 =	vmul.f32 $8.000000000e+00, v55;
	[tilespmem:v54+s23+$0x0] =	vst.idx.msk $0xffff, v63;
	v34 =	vld [tilespmem:s29+$0xFFFFFF70]  }
0x2d3: {  	[tilespmem:v58+s23+$0x0] =	vst.idx.msk $0xffff, v32;
	v38 =	vmul.f32 $8.000000000e+00, v59;
	v44 =	vadd.s32 v6, v15;
	v37 =	vld [tilespmem:s29+$0xFFFFFFB0]  }
0x2d4: {  	v40 =	vadd.s32 v6, v27;
	v16 =	vmul.f32 $8.000000000e+00, v61;
	v41 =	vld [tilespmem:s28+$0x0];
	[tilespmem:v62+s23+$0x0] =	vst.idx.msk $0xffff, v35  }
0x2d5: {  	v42 =	vadd.s32 v6, v30;
	v25 =	vld [tilespmem:s28+$0xFFFFFF80];
	[tilespmem:v29+s23+$0x0] =	vst.idx.msk $0xffff, v38;
	v43 =	vmul.f32 $8.000000000e+00, v31  }
0x2d6: {  	v45 =	vadd.s32 v7, v9;
	v46 =	vld [tilespmem:s28+$0xFFFFFFC0];
	[tilespmem:v33+s23+$0x0] =	vst.idx.msk $0xffff, v16;
	v50 =	vmul.f32 $8.000000000e+00, v39  }
0x2d7: {  	v47 =	vadd.s32 v7, v10;
	v20 =	vld [tilespmem:s28+$0xFFFFFF40];
	v14 =	vmul.f32 $8.000000000e+00, v34;
	[tilespmem:v36+s23+$0x0] =	vst.idx.msk $0xffff, v43  }
0x2d8: {  	v49 =	vadd.s32 v7, v11;
	v48 =	vmul.f32 $8.000000000e+00, v37;
	v13 =	vld [tilespmem:s29+$0x0];
	[tilespmem:v44+s23+$0x0] =	vst.idx.msk $0xffff, v50  }
0x2d9: {  	v8 =	vadd.s32 v7, v8;
	v51 =	vmul.f32 $8.000000000e+00, v41;
	[tilespmem:v40+s23+$0x0] =	vst.idx.msk $0xffff, v14;
	v57 =	vld [tilespmem:s29+$0xFFFFFF40]  }
0x2da: {  	v53 =	vmul.f32 $8.000000000e+00, v25;
	v54 =	vadd.s32 v7, v26;
	[tilespmem:v42+s23+$0x0] =	vst.idx.msk $0xffff, v48;
	v52 =	vld [tilespmem:s29+$0xFFFFFF80]  }
0x2db: {  	v61 =	vadd.s32 v7, v15;
	[tilespmem:v45+s23+$0x0] =	vst.idx.msk $0xffff, v51;
	v56 =	vmul.f32 $8.000000000e+00, v46;
	v55 =	vld [tilespmem:s29+$0xFFFFFFC0]  }
0x2dc: {  	v58 =	vadd.s32 v7, v27;
	[tilespmem:v47+s23+$0x0] =	vst.idx.msk $0xffff, v53;
	v20 =	vmul.f32 $8.000000000e+00, v20  }
0x2dd: {  	v59 =	vadd.s32 v7, v30;
	[tilespmem:v49+s23+$0x0] =	vst.idx.msk $0xffff, v56;
	v60 =	vmul.f32 $8.000000000e+00, v13  }
0x2de: {  	[tilespmem:v8+s23+$0x0] =	vst.idx.msk $0xffff, v20;
	v63 =	vmul.f32 $8.000000000e+00, v57  }
0x2df: {  	v8 =	vmul.f32 $8.000000000e+00, v52;
	[tilespmem:v54+s23+$0x0] =	vst.idx.msk $0xffff, v60  }
0x2e0: {  	v62 =	vmul.f32 $8.000000000e+00, v55;
	[tilespmem:v61+s23+$0x0] =	vst.idx.msk $0xffff, v63  }
0x2e1: {  	s15 =	sor.u32 $0x100, s6;
	[tilespmem:v58+s23+$0x0] =	vst.idx.msk $0xffff, v8  }
0x2e2: {  	s0 =	sadd.s32 s2, s15;
	[tilespmem:v59+s23+$0x0] =	vst.idx.msk $0xffff, v62  }
0x2e3: {  	[hbm4b:s0+s3] =	stream.linear.scatter [tilespmem:s23], [sflag:$0x4], $0x80, $0x38;
	[tilespmem:$0x10A00] =	vst v63  }
0x2e4: {  	s24 =	simm.s32 $0xC688;
	s1 =	sadd.s32 $0x10, s0  }
0x2e5: {  	[hbm4b:s1+s3] =	stream.linear.scatter [tilespmem:s24], [sflag:$0x4], $0x80, $0x38;
	[tilespmem:$0x10A00] =	vst v63  }
0x2e6: {  	s31 =	simm.s32 $0xC710;
	s30 =	sadd.s32 $0x20, s0  }
0x2e7: {  	[hbm4b:s30+s3] =	stream.linear.scatter [tilespmem:s31], [sflag:$0x4], $0x80, $0x38;
	[tilespmem:$0x10A00] =	vst v63  }
0x2e8: {  	s28 =	sadd.s32 $0x30, s0;
	s29 =	simm.s32 $0xC798  }
0x2e9: {  	[hbm4b:s28+s3] =	stream.linear.scatter [tilespmem:s29], [sflag:$0x4], $0x80, $0x38;
	[tilespmem:$0x10A00] =	vst v63  }
0x2ea: {  	s30 =	sadd.s32 $0x40, s0;
	s31 =	simm.s32 $0xC820  }
0x2eb: {  	[hbm4b:s30+s3] =	stream.linear.scatter [tilespmem:s31], [sflag:$0x4], $0x80, $0x38;
	[tilespmem:$0x10A00] =	vst v63  }
0x2ec: {  	s24 =	sadd.s32 $0x50, s0;
	s28 =	simm.s32 $0xC8A8  }
0x2ed: {  	[hbm4b:s24+s3] =	stream.linear.scatter [tilespmem:s28], [sflag:$0x4], $0x80, $0x38;
	[tilespmem:$0x10A00] =	vst v63  }
0x2ee: {  	s29 =	sadd.s32 $0x60, s0;
	s30 =	simm.s32 $0xC930  }
0x2ef: {  	[hbm4b:s29+s3] =	stream.linear.scatter [tilespmem:s30], [sflag:$0x4], $0x80, $0x38;
	[tilespmem:$0x10A00] =	vst v63  }
0x2f0: {  	s0 =	sadd.s32 $0x70, s0;
	s31 =	simm.s32 $0xC9B8  }
0x2f1: {  	[hbm4b:s0+s3] =	stream.linear.scatter [tilespmem:s31], [sflag:$0x4], $0x80, $0x38;
	[tilespmem:$0x10A00] =	vst v63  }
0x2f2: {  	s24 =	simm.s32 $0xCA40;
	s0 =	sadd.s32 s15, s8  }
0x2f3: {  	[hbm4b:s0+s3] =	stream.linear.scatter [tilespmem:s24], [sflag:$0x4], $0x80, $0x38;
	[tilespmem:$0x10A00] =	vst v63  }
0x2f4: {  	s29 =	simm.s32 $0xCAC8;
	s28 =	sadd.s32 $0x10, s0  }
0x2f5: {  	[hbm4b:s28+s3] =	stream.linear.scatter [tilespmem:s29], [sflag:$0x4], $0x80, $0x38;
	[tilespmem:$0x10A00] =	vst v63  }
0x2f6: {  	s31 =	simm.s32 $0xCB50;
	s30 =	sadd.s32 $0x20, s0  }
0x2f7: {  	[hbm4b:s30+s3] =	stream.linear.scatter [tilespmem:s31], [sflag:$0x4], $0x80, $0x38;
	[tilespmem:$0x10A00] =	vst v63  }
0x2f8: {  	s28 =	sadd.s32 $0x30, s0;
	s29 =	simm.s32 $0xCBD8  }
0x2f9: {  	[hbm4b:s28+s3] =	stream.linear.scatter [tilespmem:s29], [sflag:$0x4], $0x80, $0x38;
	[tilespmem:$0x10A00] =	vst v63  }
0x2fa: {  	s30 =	sadd.s32 $0x40, s0;
	s31 =	simm.s32 $0xCC60  }
0x2fb: {  	[hbm4b:s30+s3] =	stream.linear.scatter [tilespmem:s31], [sflag:$0x4], $0x80, $0x38;
	[tilespmem:$0x10A00] =	vst v63  }
0x2fc: {  	s24 =	sadd.s32 $0x50, s0;
	s28 =	simm.s32 $0xCCE8  }
0x2fd: {  	[hbm4b:s24+s3] =	stream.linear.scatter [tilespmem:s28], [sflag:$0x4], $0x80, $0x38;
	[tilespmem:$0x10A00] =	vst v63  }
0x2fe: {  	s29 =	sadd.s32 $0x60, s0;
	s30 =	simm.s32 $0xCD70  }
0x2ff: {  	[hbm4b:s29+s3] =	stream.linear.scatter [tilespmem:s30], [sflag:$0x4], $0x80, $0x38;
	[tilespmem:$0x10A00] =	vst v63  }
0x300: {  	s0 =	sadd.s32 $0x70, s0;
	s31 =	simm.s32 $0xCDF8  }
0x301: {  	[hbm4b:s0+s3] =	stream.linear.scatter [tilespmem:s31], [sflag:$0x4], $0x80, $0x38;
	[tilespmem:$0x10A00] =	vst v63  }
0x302: {  	s24 =	simm.s32 $0xCE80;
	s0 =	sadd.s32 s15, s9  }
0x303: {  	[hbm4b:s0+s3] =	stream.linear.scatter [tilespmem:s24], [sflag:$0x4], $0x80, $0x38;
	[tilespmem:$0x10A00] =	vst v63  }
0x304: {  	s29 =	simm.s32 $0xCF08;
	s28 =	sadd.s32 $0x10, s0  }
0x305: {  	[hbm4b:s28+s3] =	stream.linear.scatter [tilespmem:s29], [sflag:$0x4], $0x80, $0x38;
	[tilespmem:$0x10A00] =	vst v63  }
0x306: {  	s31 =	simm.s32 $0xCF90;
	s30 =	sadd.s32 $0x20, s0  }
0x307: {  	[hbm4b:s30+s3] =	stream.linear.scatter [tilespmem:s31], [sflag:$0x4], $0x80, $0x38;
	[tilespmem:$0x10A00] =	vst v63  }
0x308: {  	s28 =	sadd.s32 $0x30, s0;
	s29 =	simm.s32 $0xD018  }
0x309: {  	[hbm4b:s28+s3] =	stream.linear.scatter [tilespmem:s29], [sflag:$0x4], $0x80, $0x38;
	[tilespmem:$0x10A00] =	vst v63  }
0x30a: {  	s30 =	sadd.s32 $0x40, s0;
	s31 =	simm.s32 $0xD0A0  }
0x30b: {  	[hbm4b:s30+s3] =	stream.linear.scatter [tilespmem:s31], [sflag:$0x4], $0x80, $0x38;
	[tilespmem:$0x10A00] =	vst v63  }
0x30c: {  	s24 =	sadd.s32 $0x50, s0;
	s28 =	simm.s32 $0xD128  }
0x30d: {  	[hbm4b:s24+s3] =	stream.linear.scatter [tilespmem:s28], [sflag:$0x4], $0x80, $0x38;
	[tilespmem:$0x10A00] =	vst v63  }
0x30e: {  	s29 =	sadd.s32 $0x60, s0;
	s30 =	simm.s32 $0xD1B0  }
0x30f: {  	[hbm4b:s29+s3] =	stream.linear.scatter [tilespmem:s30], [sflag:$0x4], $0x80, $0x38;
	[tilespmem:$0x10A00] =	vst v63  }
0x310: {  	s0 =	sadd.s32 $0x70, s0;
	s31 =	simm.s32 $0xD238  }
0x311: {  	[hbm4b:s0+s3] =	stream.linear.scatter [tilespmem:s31], [sflag:$0x4], $0x80, $0x38;
	[tilespmem:$0x10A00] =	vst v63  }
0x312: {  	s24 =	simm.s32 $0xD2C0;
	s0 =	sadd.s32 s15, s10  }
0x313: {  	[hbm4b:s0+s3] =	stream.linear.scatter [tilespmem:s24], [sflag:$0x4], $0x80, $0x38;
	[tilespmem:$0x10A00] =	vst v63  }
0x314: {  	s29 =	simm.s32 $0xD348;
	s28 =	sadd.s32 $0x10, s0  }
0x315: {  	[hbm4b:s28+s3] =	stream.linear.scatter [tilespmem:s29], [sflag:$0x4], $0x80, $0x38;
	[tilespmem:$0x10A00] =	vst v63  }
0x316: {  	s31 =	simm.s32 $0xD3D0;
	s30 =	sadd.s32 $0x20, s0  }
0x317: {  	[hbm4b:s30+s3] =	stream.linear.scatter [tilespmem:s31], [sflag:$0x4], $0x80, $0x38;
	[tilespmem:$0x10A00] =	vst v63  }
0x318: {  	s28 =	sadd.s32 $0x30, s0;
	s29 =	simm.s32 $0xD458  }
0x319: {  	[hbm4b:s28+s3] =	stream.linear.scatter [tilespmem:s29], [sflag:$0x4], $0x80, $0x38;
	[tilespmem:$0x10A00] =	vst v63  }
0x31a: {  	s30 =	sadd.s32 $0x40, s0;
	s31 =	simm.s32 $0xD4E0  }
0x31b: {  	[hbm4b:s30+s3] =	stream.linear.scatter [tilespmem:s31], [sflag:$0x4], $0x80, $0x38;
	[tilespmem:$0x10A00] =	vst v63  }
0x31c: {  	s24 =	sadd.s32 $0x50, s0;
	s28 =	simm.s32 $0xD568  }
0x31d: {  	[hbm4b:s24+s3] =	stream.linear.scatter [tilespmem:s28], [sflag:$0x4], $0x80, $0x38;
	[tilespmem:$0x10A00] =	vst v63  }
0x31e: {  	s29 =	sadd.s32 $0x60, s0;
	s30 =	simm.s32 $0xD5F0  }
0x31f: {  	[hbm4b:s29+s3] =	stream.linear.scatter [tilespmem:s30], [sflag:$0x4], $0x80, $0x38;
	[tilespmem:$0x10A00] =	vst v63  }
0x320: {  	s0 =	sadd.s32 $0x70, s0;
	s31 =	simm.s32 $0xD678  }
0x321: {  	[hbm4b:s0+s3] =	stream.linear.scatter [tilespmem:s31], [sflag:$0x4], $0x80, $0x38;
	[tilespmem:$0x10A00] =	vst v63  }
0x322: {  	s24 =	simm.s32 $0xD700;
	s0 =	sadd.s32 s15, s11  }
0x323: {  	[hbm4b:s0+s3] =	stream.linear.scatter [tilespmem:s24], [sflag:$0x4], $0x80, $0x38;
	[tilespmem:$0x10A00] =	vst v63  }
0x324: {  	s29 =	simm.s32 $0xD788;
	s28 =	sadd.s32 $0x10, s0  }
0x325: {  	[hbm4b:s28+s3] =	stream.linear.scatter [tilespmem:s29], [sflag:$0x4], $0x80, $0x38;
	[tilespmem:$0x10A00] =	vst v63  }
0x326: {  	s31 =	simm.s32 $0xD810;
	s30 =	sadd.s32 $0x20, s0  }
0x327: {  	[hbm4b:s30+s3] =	stream.linear.scatter [tilespmem:s31], [sflag:$0x4], $0x80, $0x38;
	[tilespmem:$0x10A00] =	vst v63  }
0x328: {  	s28 =	sadd.s32 $0x30, s0;
	s29 =	simm.s32 $0xD898  }
0x329: {  	[hbm4b:s28+s3] =	stream.linear.scatter [tilespmem:s29], [sflag:$0x4], $0x80, $0x38;
	[tilespmem:$0x10A00] =	vst v63  }
0x32a: {  	s30 =	sadd.s32 $0x40, s0;
	s31 =	simm.s32 $0xD920  }
0x32b: {  	[hbm4b:s30+s3] =	stream.linear.scatter [tilespmem:s31], [sflag:$0x4], $0x80, $0x38;
	[tilespmem:$0x10A00] =	vst v63  }
0x32c: {  	s24 =	sadd.s32 $0x50, s0;
	s28 =	simm.s32 $0xD9A8  }
0x32d: {  	[hbm4b:s24+s3] =	stream.linear.scatter [tilespmem:s28], [sflag:$0x4], $0x80, $0x38;
	[tilespmem:$0x10A00] =	vst v63  }
0x32e: {  	s29 =	sadd.s32 $0x60, s0;
	s30 =	simm.s32 $0xDA30  }
0x32f: {  	[hbm4b:s29+s3] =	stream.linear.scatter [tilespmem:s30], [sflag:$0x4], $0x80, $0x38;
	[tilespmem:$0x10A00] =	vst v63  }
0x330: {  	s0 =	sadd.s32 $0x70, s0;
	s31 =	simm.s32 $0xDAB8  }
0x331: {  	[hbm4b:s0+s3] =	stream.linear.scatter [tilespmem:s31], [sflag:$0x4], $0x80, $0x38;
	[tilespmem:$0x10A00] =	vst v63  }
0x332: {  	s24 =	simm.s32 $0xDB40;
	s0 =	sadd.s32 s15, s12  }
0x333: {  	[hbm4b:s0+s3] =	stream.linear.scatter [tilespmem:s24], [sflag:$0x4], $0x80, $0x38;
	[tilespmem:$0x10A00] =	vst v63  }
0x334: {  	s29 =	simm.s32 $0xDBC8;
	s28 =	sadd.s32 $0x10, s0  }
0x335: {  	[hbm4b:s28+s3] =	stream.linear.scatter [tilespmem:s29], [sflag:$0x4], $0x80, $0x38;
	[tilespmem:$0x10A00] =	vst v63  }
0x336: {  	s31 =	simm.s32 $0xDC50;
	s30 =	sadd.s32 $0x20, s0  }
0x337: {  	[hbm4b:s30+s3] =	stream.linear.scatter [tilespmem:s31], [sflag:$0x4], $0x80, $0x38;
	[tilespmem:$0x10A00] =	vst v63  }
0x338: {  	s28 =	sadd.s32 $0x30, s0;
	s29 =	simm.s32 $0xDCD8  }
0x339: {  	[hbm4b:s28+s3] =	stream.linear.scatter [tilespmem:s29], [sflag:$0x4], $0x80, $0x38;
	[tilespmem:$0x10A00] =	vst v63  }
0x33a: {  	s30 =	sadd.s32 $0x40, s0;
	s31 =	simm.s32 $0xDD60  }
0x33b: {  	[hbm4b:s30+s3] =	stream.linear.scatter [tilespmem:s31], [sflag:$0x4], $0x80, $0x38;
	[tilespmem:$0x10A00] =	vst v63  }
0x33c: {  	s24 =	sadd.s32 $0x50, s0;
	s28 =	simm.s32 $0xDDE8  }
0x33d: {  	[hbm4b:s24+s3] =	stream.linear.scatter [tilespmem:s28], [sflag:$0x4], $0x80, $0x38;
	[tilespmem:$0x10A00] =	vst v63  }
0x33e: {  	s29 =	sadd.s32 $0x60, s0;
	s30 =	simm.s32 $0xDE70  }
0x33f: {  	[hbm4b:s29+s3] =	stream.linear.scatter [tilespmem:s30], [sflag:$0x4], $0x80, $0x38;
	[tilespmem:$0x10A00] =	vst v63  }
0x340: {  	s0 =	sadd.s32 $0x70, s0;
	s31 =	simm.s32 $0xDEF8  }
0x341: {  	[hbm4b:s0+s3] =	stream.linear.scatter [tilespmem:s31], [sflag:$0x4], $0x80, $0x38;
	[tilespmem:$0x10A00] =	vst v63  }
0x342: {  	s24 =	simm.s32 $0xDF80;
	s0 =	sadd.s32 s15, s13  }
0x343: {  	[hbm4b:s0+s3] =	stream.linear.scatter [tilespmem:s24], [sflag:$0x4], $0x80, $0x38;
	[tilespmem:$0x10A00] =	vst v63  }
0x344: {  	s29 =	simm.s32 $0xE008;
	s28 =	sadd.s32 $0x10, s0  }
0x345: {  	[hbm4b:s28+s3] =	stream.linear.scatter [tilespmem:s29], [sflag:$0x4], $0x80, $0x38;
	[tilespmem:$0x10A00] =	vst v63  }
0x346: {  	s31 =	simm.s32 $0xE090;
	s30 =	sadd.s32 $0x20, s0  }
0x347: {  	[hbm4b:s30+s3] =	stream.linear.scatter [tilespmem:s31], [sflag:$0x4], $0x80, $0x38;
	[tilespmem:$0x10A00] =	vst v63  }
0x348: {  	s28 =	sadd.s32 $0x30, s0;
	s29 =	simm.s32 $0xE118  }
0x349: {  	[hbm4b:s28+s3] =	stream.linear.scatter [tilespmem:s29], [sflag:$0x4], $0x80, $0x38;
	[tilespmem:$0x10A00] =	vst v63  }
0x34a: {  	s30 =	sadd.s32 $0x40, s0;
	s31 =	simm.s32 $0xE1A0  }
0x34b: {  	[hbm4b:s30+s3] =	stream.linear.scatter [tilespmem:s31], [sflag:$0x4], $0x80, $0x38;
	[tilespmem:$0x10A00] =	vst v63  }
0x34c: {  	s24 =	sadd.s32 $0x50, s0;
	s28 =	simm.s32 $0xE228  }
0x34d: {  	[hbm4b:s24+s3] =	stream.linear.scatter [tilespmem:s28], [sflag:$0x4], $0x80, $0x38;
	[tilespmem:$0x10A00] =	vst v63  }
0x34e: {  	s29 =	sadd.s32 $0x60, s0;
	s30 =	simm.s32 $0xE2B0  }
0x34f: {  	[hbm4b:s29+s3] =	stream.linear.scatter [tilespmem:s30], [sflag:$0x4], $0x80, $0x38;
	[tilespmem:$0x10A00] =	vst v63  }
0x350: {  	s0 =	sadd.s32 $0x70, s0;
	s31 =	simm.s32 $0xE338  }
0x351: {  	[hbm4b:s0+s3] =	stream.linear.scatter [tilespmem:s31], [sflag:$0x4], $0x80, $0x38;
	[tilespmem:$0x10A00] =	vst v63  }
0x352: {  	s24 =	simm.s32 $0xE3C0;
	s0 =	sadd.s32 s15, s14  }
0x353: {  	[hbm4b:s0+s3] =	stream.linear.scatter [tilespmem:s24], [sflag:$0x4], $0x80, $0x38;
	[tilespmem:$0x10A00] =	vst v63  }
0x354: {  	s29 =	simm.s32 $0xE448;
	s28 =	sadd.s32 $0x10, s0  }
0x355: {  	[hbm4b:s28+s3] =	stream.linear.scatter [tilespmem:s29], [sflag:$0x4], $0x80, $0x38;
	[tilespmem:$0x10A00] =	vst v63  }
0x356: {  	s31 =	simm.s32 $0xE4D0;
	s30 =	sadd.s32 $0x20, s0  }
0x357: {  	[hbm4b:s30+s3] =	stream.linear.scatter [tilespmem:s31], [sflag:$0x4], $0x80, $0x38;
	[tilespmem:$0x10A00] =	vst v63  }
0x358: {  	s15 =	sadd.s32 $0x30, s0;
	s24 =	simm.s32 $0xE558  }
0x359: {  	[hbm4b:s15+s3] =	stream.linear.scatter [tilespmem:s24], [sflag:$0x4], $0x80, $0x38;
	[tilespmem:$0x10A00] =	vst v63  }
0x35a: {  	s28 =	sadd.s32 $0x40, s0;
	s29 =	simm.s32 $0xE5E0  }
0x35b: {  	[hbm4b:s28+s3] =	stream.linear.scatter [tilespmem:s29], [sflag:$0x4], $0x80, $0x38;
	[tilespmem:$0x10A00] =	vst v63  }
0x35c: {  	s30 =	sadd.s32 $0x50, s0;
	s31 =	simm.s32 $0xE668  }
0x35d: {  	[hbm4b:s30+s3] =	stream.linear.scatter [tilespmem:s31], [sflag:$0x4], $0x80, $0x38;
	[tilespmem:$0x10A00] =	vst v63  }
0x35e: {  	s15 =	sadd.s32 $0x60, s0;
	s24 =	simm.s32 $0xE6F0  }
0x35f: {  	[hbm4b:s15+s3] =	stream.linear.scatter [tilespmem:s24], [sflag:$0x4], $0x80, $0x38;
	[tilespmem:$0x10A00] =	vst v63  }
0x360: {  	s6 =	sor.u32 $0x180, s6;
	s0 =	sadd.s32 $0x70, s0;
	s28 =	simm.s32 $0xE778  }
0x361: {  	[hbm4b:s0+s3] =	stream.linear.scatter [tilespmem:s28], [sflag:$0x4], $0x80, $0x38;
	[tilespmem:$0x10A00] =	vst v63  }
0x362: {  	s29 =	simm.s32 $0xE800;
	s0 =	sadd.s32 s2, s6  }
0x363: {  	[hbm4b:s0+s3] =	stream.linear.scatter [tilespmem:s29], [sflag:$0x4], $0x80, $0x38;
	[tilespmem:$0x10A00] =	vst v63  }
0x364: {  	s31 =	simm.s32 $0xE888;
	s30 =	sadd.s32 $0x10, s0  }
0x365: {  	[hbm4b:s30+s3] =	stream.linear.scatter [tilespmem:s31], [sflag:$0x4], $0x80, $0x38;
	[tilespmem:$0x10A00] =	vst v63  }
0x366: {  	s24 =	simm.s32 $0xE910;
	s15 =	sadd.s32 $0x20, s0  }
0x367: {  	[hbm4b:s15+s3] =	stream.linear.scatter [tilespmem:s24], [sflag:$0x4], $0x80, $0x38;
	[tilespmem:$0x10A00] =	vst v63  }
0x368: {  	s28 =	sadd.s32 $0x30, s0;
	s29 =	simm.s32 $0xE998  }
0x369: {  	[hbm4b:s28+s3] =	stream.linear.scatter [tilespmem:s29], [sflag:$0x4], $0x80, $0x38;
	[tilespmem:$0x10A00] =	vst v63  }
0x36a: {  	s30 =	sadd.s32 $0x40, s0;
	s31 =	simm.s32 $0xEA20  }
0x36b: {  	[hbm4b:s30+s3] =	stream.linear.scatter [tilespmem:s31], [sflag:$0x4], $0x80, $0x38;
	[tilespmem:$0x10A00] =	vst v63  }
0x36c: {  	s15 =	sadd.s32 $0x50, s0;
	s24 =	simm.s32 $0xEAA8  }
0x36d: {  	[hbm4b:s15+s3] =	stream.linear.scatter [tilespmem:s24], [sflag:$0x4], $0x80, $0x38;
	[tilespmem:$0x10A00] =	vst v63  }
0x36e: {  	s28 =	sadd.s32 $0x60, s0;
	s29 =	simm.s32 $0xEB30  }
0x36f: {  	[hbm4b:s28+s3] =	stream.linear.scatter [tilespmem:s29], [sflag:$0x4], $0x80, $0x38;
	[tilespmem:$0x10A00] =	vst v63  }
0x370: {  	s0 =	sadd.s32 $0x70, s0;
	s30 =	simm.s32 $0xEBB8  }
0x371: {  	[hbm4b:s0+s3] =	stream.linear.scatter [tilespmem:s30], [sflag:$0x4], $0x80, $0x38;
	[tilespmem:$0x10A00] =	vst v63  }
0x372: {  	s31 =	simm.s32 $0xEC40;
	s0 =	sadd.s32 s6, s8  }
0x373: {  	[hbm4b:s0+s3] =	stream.linear.scatter [tilespmem:s31], [sflag:$0x4], $0x80, $0x38;
	[tilespmem:$0x10A00] =	vst v63  }
0x374: {  	s24 =	simm.s32 $0xECC8;
	s15 =	sadd.s32 $0x10, s0  }
0x375: {  	[hbm4b:s15+s3] =	stream.linear.scatter [tilespmem:s24], [sflag:$0x4], $0x80, $0x38;
	[tilespmem:$0x10A00] =	vst v63  }
0x376: {  	s29 =	simm.s32 $0xED50;
	s28 =	sadd.s32 $0x20, s0  }
0x377: {  	[hbm4b:s28+s3] =	stream.linear.scatter [tilespmem:s29], [sflag:$0x4], $0x80, $0x38;
	[tilespmem:$0x10A00] =	vst v63  }
0x378: {  	s30 =	sadd.s32 $0x30, s0;
	s31 =	simm.s32 $0xEDD8  }
0x379: {  	[hbm4b:s30+s3] =	stream.linear.scatter [tilespmem:s31], [sflag:$0x4], $0x80, $0x38;
	[tilespmem:$0x10A00] =	vst v63  }
0x37a: {  	s15 =	sadd.s32 $0x40, s0;
	s24 =	simm.s32 $0xEE60  }
0x37b: {  	[hbm4b:s15+s3] =	stream.linear.scatter [tilespmem:s24], [sflag:$0x4], $0x80, $0x38;
	[tilespmem:$0x10A00] =	vst v63  }
0x37c: {  	s28 =	sadd.s32 $0x50, s0;
	s29 =	simm.s32 $0xEEE8  }
0x37d: {  	[hbm4b:s28+s3] =	stream.linear.scatter [tilespmem:s29], [sflag:$0x4], $0x80, $0x38;
	[tilespmem:$0x10A00] =	vst v63  }
0x37e: {  	s30 =	sadd.s32 $0x60, s0;
	s31 =	simm.s32 $0xEF70  }
0x37f: {  	[hbm4b:s30+s3] =	stream.linear.scatter [tilespmem:s31], [sflag:$0x4], $0x80, $0x38;
	[tilespmem:$0x10A00] =	vst v63  }
0x380: {  	s0 =	sadd.s32 $0x70, s0;
	s15 =	simm.s32 $0xEFF8  }
0x381: {  	[hbm4b:s0+s3] =	stream.linear.scatter [tilespmem:s15], [sflag:$0x4], $0x80, $0x38;
	[tilespmem:$0x10A00] =	vst v63  }
0x382: {  	s24 =	simm.s32 $0xF080;
	s0 =	sadd.s32 s6, s9  }
0x383: {  	[hbm4b:s0+s3] =	stream.linear.scatter [tilespmem:s24], [sflag:$0x4], $0x80, $0x38;
	[tilespmem:$0x10A00] =	vst v63  }
0x384: {  	s29 =	simm.s32 $0xF108;
	s28 =	sadd.s32 $0x10, s0  }
0x385: {  	[hbm4b:s28+s3] =	stream.linear.scatter [tilespmem:s29], [sflag:$0x4], $0x80, $0x38;
	[tilespmem:$0x10A00] =	vst v63  }
0x386: {  	s31 =	simm.s32 $0xF190;
	s30 =	sadd.s32 $0x20, s0  }
0x387: {  	[hbm4b:s30+s3] =	stream.linear.scatter [tilespmem:s31], [sflag:$0x4], $0x80, $0x38;
	[tilespmem:$0x10A00] =	vst v63  }
0x388: {  	s15 =	sadd.s32 $0x30, s0;
	s24 =	simm.s32 $0xF218  }
0x389: {  	[hbm4b:s15+s3] =	stream.linear.scatter [tilespmem:s24], [sflag:$0x4], $0x80, $0x38;
	[tilespmem:$0x10A00] =	vst v63  }
0x38a: {  	s28 =	sadd.s32 $0x40, s0;
	s29 =	simm.s32 $0xF2A0  }
0x38b: {  	[hbm4b:s28+s3] =	stream.linear.scatter [tilespmem:s29], [sflag:$0x4], $0x80, $0x38;
	[tilespmem:$0x10A00] =	vst v63  }
0x38c: {  	s30 =	sadd.s32 $0x50, s0;
	s31 =	simm.s32 $0xF328  }
0x38d: {  	[hbm4b:s30+s3] =	stream.linear.scatter [tilespmem:s31], [sflag:$0x4], $0x80, $0x38;
	[tilespmem:$0x10A00] =	vst v63  }
0x38e: {  	s15 =	sadd.s32 $0x60, s0;
	s24 =	simm.s32 $0xF3B0  }
0x38f: {  	[hbm4b:s15+s3] =	stream.linear.scatter [tilespmem:s24], [sflag:$0x4], $0x80, $0x38;
	[tilespmem:$0x10A00] =	vst v63  }
0x390: {  	s0 =	sadd.s32 $0x70, s0;
	s28 =	simm.s32 $0xF438  }
0x391: {  	[hbm4b:s0+s3] =	stream.linear.scatter [tilespmem:s28], [sflag:$0x4], $0x80, $0x38;
	[tilespmem:$0x10A00] =	vst v63  }
0x392: {  	s29 =	simm.s32 $0xF4C0;
	s0 =	sadd.s32 s6, s10  }
0x393: {  	[hbm4b:s0+s3] =	stream.linear.scatter [tilespmem:s29], [sflag:$0x4], $0x80, $0x38;
	[tilespmem:$0x10A00] =	vst v63  }
0x394: {  	s31 =	simm.s32 $0xF548;
	s30 =	sadd.s32 $0x10, s0  }
0x395: {  	[hbm4b:s30+s3] =	stream.linear.scatter [tilespmem:s31], [sflag:$0x4], $0x80, $0x38;
	[tilespmem:$0x10A00] =	vst v63  }
0x396: {  	s24 =	simm.s32 $0xF5D0;
	s15 =	sadd.s32 $0x20, s0  }
0x397: {  	[hbm4b:s15+s3] =	stream.linear.scatter [tilespmem:s24], [sflag:$0x4], $0x80, $0x38;
	[tilespmem:$0x10A00] =	vst v63  }
0x398: {  	s28 =	sadd.s32 $0x30, s0;
	s29 =	simm.s32 $0xF658  }
0x399: {  	[hbm4b:s28+s3] =	stream.linear.scatter [tilespmem:s29], [sflag:$0x4], $0x80, $0x38;
	[tilespmem:$0x10A00] =	vst v63  }
0x39a: {  	s30 =	sadd.s32 $0x40, s0;
	s31 =	simm.s32 $0xF6E0  }
0x39b: {  	[hbm4b:s30+s3] =	stream.linear.scatter [tilespmem:s31], [sflag:$0x4], $0x80, $0x38;
	[tilespmem:$0x10A00] =	vst v63  }
0x39c: {  	s15 =	sadd.s32 $0x50, s0;
	s24 =	simm.s32 $0xF768  }
0x39d: {  	[hbm4b:s15+s3] =	stream.linear.scatter [tilespmem:s24], [sflag:$0x4], $0x80, $0x38;
	[tilespmem:$0x10A00] =	vst v63  }
0x39e: {  	s28 =	sadd.s32 $0x60, s0;
	s29 =	simm.s32 $0xF7F0  }
0x39f: {  	[hbm4b:s28+s3] =	stream.linear.scatter [tilespmem:s29], [sflag:$0x4], $0x80, $0x38;
	[tilespmem:$0x10A00] =	vst v63  }
0x3a0: {  	s0 =	sadd.s32 $0x70, s0;
	s30 =	simm.s32 $0xF878  }
0x3a1: {  	[hbm4b:s0+s3] =	stream.linear.scatter [tilespmem:s30], [sflag:$0x4], $0x80, $0x38;
	[tilespmem:$0x10A00] =	vst v63  }
0x3a2: {  	s31 =	simm.s32 $0xF900;
	s0 =	sadd.s32 s6, s11  }
0x3a3: {  	[hbm4b:s0+s3] =	stream.linear.scatter [tilespmem:s31], [sflag:$0x4], $0x80, $0x38;
	[tilespmem:$0x10A00] =	vst v63  }
0x3a4: {  	s24 =	simm.s32 $0xF988;
	s15 =	sadd.s32 $0x10, s0  }
0x3a5: {  	[hbm4b:s15+s3] =	stream.linear.scatter [tilespmem:s24], [sflag:$0x4], $0x80, $0x38;
	[tilespmem:$0x10A00] =	vst v63  }
0x3a6: {  	s29 =	simm.s32 $0xFA10;
	s28 =	sadd.s32 $0x20, s0  }
0x3a7: {  	[hbm4b:s28+s3] =	stream.linear.scatter [tilespmem:s29], [sflag:$0x4], $0x80, $0x38;
	[tilespmem:$0x10A00] =	vst v63  }
0x3a8: {  	s30 =	sadd.s32 $0x30, s0;
	s31 =	simm.s32 $0xFA98  }
0x3a9: {  	[hbm4b:s30+s3] =	stream.linear.scatter [tilespmem:s31], [sflag:$0x4], $0x80, $0x38;
	[tilespmem:$0x10A00] =	vst v63  }
0x3aa: {  	s15 =	sadd.s32 $0x40, s0;
	s24 =	simm.s32 $0xFB20  }
0x3ab: {  	[hbm4b:s15+s3] =	stream.linear.scatter [tilespmem:s24], [sflag:$0x4], $0x80, $0x38;
	[tilespmem:$0x10A00] =	vst v63  }
0x3ac: {  	s28 =	sadd.s32 $0x50, s0;
	s29 =	simm.s32 $0xFBA8  }
0x3ad: {  	[hbm4b:s28+s3] =	stream.linear.scatter [tilespmem:s29], [sflag:$0x4], $0x80, $0x38;
	[tilespmem:$0x10A00] =	vst v63  }
0x3ae: {  	s30 =	sadd.s32 $0x60, s0;
	s31 =	simm.s32 $0xFC30  }
0x3af: {  	[hbm4b:s30+s3] =	stream.linear.scatter [tilespmem:s31], [sflag:$0x4], $0x80, $0x38;
	[tilespmem:$0x10A00] =	vst v63  }
0x3b0: {  	s0 =	sadd.s32 $0x70, s0;
	s15 =	simm.s32 $0xFCB8  }
0x3b1: {  	[hbm4b:s0+s3] =	stream.linear.scatter [tilespmem:s15], [sflag:$0x4], $0x80, $0x38;
	[tilespmem:$0x10A00] =	vst v63  }
0x3b2: {  	s24 =	simm.s32 $0xFD40;
	s0 =	sadd.s32 s6, s12  }
0x3b3: {  	[hbm4b:s0+s3] =	stream.linear.scatter [tilespmem:s24], [sflag:$0x4], $0x80, $0x38;
	[tilespmem:$0x10A00] =	vst v63  }
0x3b4: {  	s29 =	simm.s32 $0xFDC8;
	s28 =	sadd.s32 $0x10, s0  }
0x3b5: {  	[hbm4b:s28+s3] =	stream.linear.scatter [tilespmem:s29], [sflag:$0x4], $0x80, $0x38;
	[tilespmem:$0x10A00] =	vst v63  }
0x3b6: {  	s31 =	simm.s32 $0xFE50;
	s30 =	sadd.s32 $0x20, s0  }
0x3b7: {  	[hbm4b:s30+s3] =	stream.linear.scatter [tilespmem:s31], [sflag:$0x4], $0x80, $0x38;
	[tilespmem:$0x10A00] =	vst v63  }
0x3b8: {  	s15 =	sadd.s32 $0x30, s0;
	s24 =	simm.s32 $0xFED8  }
0x3b9: {  	[hbm4b:s15+s3] =	stream.linear.scatter [tilespmem:s24], [sflag:$0x4], $0x80, $0x38;
	[tilespmem:$0x10A00] =	vst v63  }
0x3ba: {  	s28 =	sadd.s32 $0x40, s0;
	s29 =	simm.s32 $0xFF60  }
0x3bb: {  	[hbm4b:s28+s3] =	stream.linear.scatter [tilespmem:s29], [sflag:$0x4], $0x80, $0x38;
	[tilespmem:$0x10A00] =	vst v63  }
0x3bc: {  	s30 =	sadd.s32 $0x50, s0;
	s31 =	simm.s32 $0xFFE8  }
0x3bd: {  	[hbm4b:s30+s3] =	stream.linear.scatter [tilespmem:s31], [sflag:$0x4], $0x80, $0x38;
	[tilespmem:$0x10A00] =	vst v63  }
0x3be: {  	s15 =	sadd.s32 $0x60, s0;
	s24 =	simm.s32 $0x10070  }
0x3bf: {  	[hbm4b:s15+s3] =	stream.linear.scatter [tilespmem:s24], [sflag:$0x4], $0x80, $0x38;
	[tilespmem:$0x10A00] =	vst v63  }
0x3c0: {  	s0 =	sadd.s32 $0x70, s0;
	s28 =	simm.s32 $0x100F8  }
0x3c1: {  	[hbm4b:s0+s3] =	stream.linear.scatter [tilespmem:s28], [sflag:$0x4], $0x80, $0x38;
	[tilespmem:$0x10A00] =	vst v63  }
0x3c2: {  	s29 =	simm.s32 $0x10180;
	s0 =	sadd.s32 s6, s13  }
0x3c3: {  	[hbm4b:s0+s3] =	stream.linear.scatter [tilespmem:s29], [sflag:$0x4], $0x80, $0x38;
	[tilespmem:$0x10A00] =	vst v63  }
0x3c4: {  	s31 =	simm.s32 $0x10208;
	s30 =	sadd.s32 $0x10, s0  }
0x3c5: {  	[hbm4b:s30+s3] =	stream.linear.scatter [tilespmem:s31], [sflag:$0x4], $0x80, $0x38;
	[tilespmem:$0x10A00] =	vst v63  }
0x3c6: {  	s24 =	simm.s32 $0x10290;
	s15 =	sadd.s32 $0x20, s0  }
0x3c7: {  	[hbm4b:s15+s3] =	stream.linear.scatter [tilespmem:s24], [sflag:$0x4], $0x80, $0x38;
	[tilespmem:$0x10A00] =	vst v63  }
0x3c8: {  	s28 =	sadd.s32 $0x30, s0;
	s29 =	simm.s32 $0x10318  }
0x3c9: {  	[hbm4b:s28+s3] =	stream.linear.scatter [tilespmem:s29], [sflag:$0x4], $0x80, $0x38;
	[tilespmem:$0x10A00] =	vst v63  }
0x3ca: {  	s30 =	sadd.s32 $0x40, s0;
	s31 =	simm.s32 $0x103A0  }
0x3cb: {  	[hbm4b:s30+s3] =	stream.linear.scatter [tilespmem:s31], [sflag:$0x4], $0x80, $0x38;
	[tilespmem:$0x10A00] =	vst v63  }
0x3cc: {  	s24 =	sadd.s32 $0x50, s0;
	s28 =	simm.s32 $0x10428  }
0x3cd: {  	[hbm4b:s24+s3] =	stream.linear.scatter [tilespmem:s28], [sflag:$0x4], $0x80, $0x38;
	[tilespmem:$0x10A00] =	vst v63  }
0x3ce: {  	s29 =	sadd.s32 $0x60, s0;
	s30 =	simm.s32 $0x104B0  }
0x3cf: {  	[hbm4b:s29+s3] =	stream.linear.scatter [tilespmem:s30], [sflag:$0x4], $0x80, $0x38;
	[tilespmem:$0x10A00] =	vst v63  }
0x3d0: {  	s0 =	sadd.s32 $0x70, s0;
	s31 =	simm.s32 $0x10538  }
0x3d1: {  	[hbm4b:s0+s3] =	stream.linear.scatter [tilespmem:s31], [sflag:$0x4], $0x80, $0x38;
	[tilespmem:$0x10A00] =	vst v63  }
0x3d2: {  	s0 =	sadd.s32 s6, s14;
	s6 =	simm.s32 $0x105C0  }
0x3d3: {  	[hbm4b:s0+s3] =	stream.linear.scatter [tilespmem:s6], [sflag:$0x4], $0x80, $0x38;
	[tilespmem:$0x10A00] =	vst v63  }
0x3d4: {  	s24 =	simm.s32 $0x10648;
	s15 =	sadd.s32 $0x10, s0  }
0x3d5: {  	[hbm4b:s15+s3] =	stream.linear.scatter [tilespmem:s24], [sflag:$0x4], $0x80, $0x38;
	[tilespmem:$0x10A00] =	vst v63  }
0x3d6: {  	s29 =	simm.s32 $0x106D0;
	s28 =	sadd.s32 $0x20, s0  }
0x3d7: {  	[hbm4b:s28+s3] =	stream.linear.scatter [tilespmem:s29], [sflag:$0x4], $0x80, $0x38;
	[tilespmem:$0x10A00] =	vst v63  }
0x3d8: {  	s31 =	simm.s32 $0x10758;
	s30 =	sadd.s32 $0x30, s0  }
0x3d9: {  	[hbm4b:s30+s3] =	stream.linear.scatter [tilespmem:s31], [sflag:$0x4], $0x80, $0x38;
	[tilespmem:$0x10A00] =	vst v63  }
0x3da: {  	s20 =	sadd.s32 $0x1, s20;
	s6 =	sadd.s32 $0x40, s0;
	s15 =	simm.s32 $0x107E0  }
0x3db: {  	[hbm4b:s6+s3] =	stream.linear.scatter [tilespmem:s15], [sflag:$0x4], $0x80, $0x38;
	[tilespmem:$0x10A00] =	vst v63  }
0x3dc: {  	p0 =	sne.s32 s20, $0x32;
	s24 =	sadd.s32 $0x50, s0;
	s28 =	simm.s32 $0x10868  }
0x3dd: {  	[hbm4b:s24+s3] =	stream.linear.scatter [tilespmem:s28], [sflag:$0x4], $0x80, $0x38;
	[tilespmem:$0x10A00] =	vst v63  }
.Ltmp4:
0x3de: {  	_ = 	snop;
	(pc) =	sbr.rel @p0 .LBB2_2-.Ltmp4, $4  }
0x3df: {  	s29 =	sadd.s32 $0x60, s0;
	s30 =	simm.s32 $0x108F0  }
0x3e0: {  	[hbm4b:s29+s3] =	stream.linear.scatter [tilespmem:s30], [sflag:$0x4], $0x80, $0x38;
	[tilespmem:$0x10A00] =	vst v63  }
0x3e1: {  	s0 =	sadd.s32 $0x70, s0;
	s31 =	simm.s32 $0x10978  }
0x3e2: {  	[hbm4b:s0+s3] =	stream.linear.scatter [tilespmem:s31], [sflag:$0x4], $0x80, $0x38;
	[tilespmem:$0x10A00] =	vst v63  }
0x3e3: {  	s0 =	simm.s32 $0x3  }
0x3e4: {  	_ =	swait.ge [sflag:s0], $0x400  }
0x3e5: {  	[sflag:s0] =	ssyncset.done $0x0  }
0x3e6: {  	[sflag:s0] =	ssyncadd.s32 $0xFFFFFC00  }
0x3e7: {  	_ =	swait.ge [sflag:s0], $0x400  }
0x3e8: {  	[sflag:s0] =	ssyncset.done $0x0  }
0x3e9: {  	[sflag:s0] =	ssyncadd.s32 $0xFFFFFC00  }
0x3ea: {  	_ =	swait.ge [sflag:s0], $0x400  }
0x3eb: {  	[sflag:s0] =	ssyncset.done $0x0  }
0x3ec: {  	[sflag:s0] =	ssyncadd.s32 $0xFFFFFC00  }
0x3ed: {  	_ =	swait.ge [sflag:s0], $0x400  }
0x3ee: {  	[sflag:s0] =	ssyncset.done $0x0  }
0x3ef: {  	[sflag:s0] =	ssyncadd.s32 $0xFFFFFC00  }
0x3f0: {  	_ =	swait.ge [sflag:s0], $0x400  }
0x3f1: {  	[sflag:s0] =	ssyncset.done $0x0  }
0x3f2: {  	[sflag:s0] =	ssyncadd.s32 $0xFFFFFC00  }
0x3f3: {  	_ =	swait.ge [sflag:s0], $0x400  }
0x3f4: {  	[sflag:s0] =	ssyncset.done $0x0  }
0x3f5: {  	[sflag:s0] =	ssyncadd.s32 $0xFFFFFC00  }
0x3f6: {  	_ =	swait.ge [sflag:s0], $0x400  }
0x3f7: {  	[sflag:s0] =	ssyncset.done $0x0  }
0x3f8: {  	[sflag:s0] =	ssyncadd.s32 $0xFFFFFC00  }
0x3f9: {  	_ =	swait.ge [sflag:s0], $0x400  }
0x3fa: {  	[sflag:s0] =	ssyncset.done $0x0  }
0x3fb: {  	[sflag:s0] =	ssyncadd.s32 $0xFFFFFC00  }
0x3fc: {  	_ =	swait.ge [sflag:s0], $0x400  }
0x3fd: {  	[sflag:s0] =	ssyncset.done $0x0  }
0x3fe: {  	[sflag:s0] =	ssyncadd.s32 $0xFFFFFC00  }
0x3ff: {  	_ =	swait.ge [sflag:s0], $0x400  }
0x400: {  	[sflag:s0] =	ssyncset.done $0x0  }
0x401: {  	[sflag:s0] =	ssyncadd.s32 $0xFFFFFC00  }
0x402: {  	_ =	swait.ge [sflag:s0], $0x400  }
0x403: {  	[sflag:s0] =	ssyncset.done $0x0  }
0x404: {  	[sflag:s0] =	ssyncadd.s32 $0xFFFFFC00  }
0x405: {  	_ =	swait.ge [sflag:s0], $0x400  }
0x406: {  	[sflag:s0] =	ssyncset.done $0x0  }
0x407: {  	[sflag:s0] =	ssyncadd.s32 $0xFFFFFC00  }
0x408: {  	_ =	swait.ge [sflag:s0], $0x400  }
0x409: {  	[sflag:s0] =	ssyncset.done $0x0  }
0x40a: {  	[sflag:s0] =	ssyncadd.s32 $0xFFFFFC00  }
0x40b: {  	_ =	swait.ge [sflag:s0], $0x400  }
0x40c: {  	[sflag:s0] =	ssyncset.done $0x0  }
0x40d: {  	[sflag:s0] =	ssyncadd.s32 $0xFFFFFC00  }
0x40e: {  	_ =	swait.ge [sflag:s0], $0x400  }
0x40f: {  	[sflag:s0] =	ssyncset.done $0x0  }
0x410: {  	[sflag:s0] =	ssyncadd.s32 $0xFFFFFC00  }
0x411: {  	_ =	swait.ge [sflag:s0], $0x400  }
0x412: {  	[sflag:s0] =	ssyncset.done $0x0  }
0x413: {  	[sflag:s0] =	ssyncadd.s32 $0xFFFFFC00  }
0x414: {  	_ =	swait.ge [sflag:s19], $0x400  }
0x415: {  	[sflag:s19] =	ssyncset.done $0x0  }
0x416: {  	[sflag:s19] =	ssyncadd.s32 $0xFFFFFC00  }
0x417: {  	_ =	swait.ge [sflag:s19], $0x400  }
0x418: {  	[sflag:s19] =	ssyncset.done $0x0  }
0x419: {  	[sflag:s19] =	ssyncadd.s32 $0xFFFFFC00  }
0x41a: {  	_ =	swait.ge [sflag:s19], $0x400  }
0x41b: {  	[sflag:s19] =	ssyncset.done $0x0  }
0x41c: {  	[sflag:s19] =	ssyncadd.s32 $0xFFFFFC00  }
0x41d: {  	_ =	swait.ge [sflag:s19], $0x400  }
0x41e: {  	[sflag:s19] =	ssyncset.done $0x0  }
0x41f: {  	[sflag:s19] =	ssyncadd.s32 $0xFFFFFC00  }
0x420: {  	_ =	swait.ge [sflag:s19], $0x400  }
0x421: {  	[sflag:s19] =	ssyncset.done $0x0  }
0x422: {  	[sflag:s19] =	ssyncadd.s32 $0xFFFFFC00  }
0x423: {  	_ =	swait.ge [sflag:s19], $0x400  }
0x424: {  	[sflag:s19] =	ssyncset.done $0x0  }
0x425: {  	[sflag:s19] =	ssyncadd.s32 $0xFFFFFC00  }
0x426: {  	_ =	swait.ge [sflag:s19], $0x400  }
0x427: {  	[sflag:s19] =	ssyncset.done $0x0  }
0x428: {  	[sflag:s19] =	ssyncadd.s32 $0xFFFFFC00  }
0x429: {  	_ =	swait.ge [sflag:s19], $0x400  }
0x42a: {  	[sflag:s19] =	ssyncset.done $0x0  }
0x42b: {  	[sflag:s19] =	ssyncadd.s32 $0xFFFFFC00  }
0x42c: {  	_ =	swait.ge [sflag:s19], $0x400  }
0x42d: {  	[sflag:s19] =	ssyncset.done $0x0  }
0x42e: {  	[sflag:s19] =	ssyncadd.s32 $0xFFFFFC00  }
0x42f: {  	_ =	swait.ge [sflag:s19], $0x400  }
0x430: {  	[sflag:s19] =	ssyncset.done $0x0  }
0x431: {  	[sflag:s19] =	ssyncadd.s32 $0xFFFFFC00  }
0x432: {  	_ =	swait.ge [sflag:s19], $0x400  }
0x433: {  	[sflag:s19] =	ssyncset.done $0x0  }
0x434: {  	[sflag:s19] =	ssyncadd.s32 $0xFFFFFC00  }
0x435: {  	_ =	swait.ge [sflag:s19], $0x400  }
0x436: {  	[sflag:s19] =	ssyncset.done $0x0  }
0x437: {  	[sflag:s19] =	ssyncadd.s32 $0xFFFFFC00  }
0x438: {  	_ =	swait.ge [sflag:s19], $0x400  }
0x439: {  	[sflag:s19] =	ssyncset.done $0x0  }
0x43a: {  	[sflag:s19] =	ssyncadd.s32 $0xFFFFFC00  }
0x43b: {  	_ =	swait.ge [sflag:s19], $0x400  }
0x43c: {  	[sflag:s19] =	ssyncset.done $0x0  }
0x43d: {  	[sflag:s19] =	ssyncadd.s32 $0xFFFFFC00  }
0x43e: {  	_ =	swait.ge [sflag:s19], $0x400  }
0x43f: {  	[sflag:s19] =	ssyncset.done $0x0  }
0x440: {  	[sflag:s19] =	ssyncadd.s32 $0xFFFFFC00  }
0x441: {  	_ =	swait.ge [sflag:s19], $0x400  }
0x442: {  	s1 =	rddreg [dreg:$0x6]  }
0x443: {  	s31 =	rddreg [dreg:$0x5];
	s1 =	sadd.s32 $0x1, s1  }
0x444: {  	p0 =	sne.s32 s1, s31  }
.Ltmp5:
0x445: {  	_ = 	snop;
	(pc) =	sbr.rel @p0 .LBB2_1-.Ltmp5, $3  }
0x446: {  	_ =	sdelay $0x1  }
0x447: {  	[sflag:s19] =	ssyncset.done $0x0  }
0x448: {  	[sflag:s19] =	ssyncadd.s32 $0xFFFFFC00  }
0x449: {  	_ =	sfence.sel $0x180000  }
0x44a: {  	[bflag:$0x0] =	sbarrier.arrive $0xFFFF  }
0x44b: {  	_ =	strace $0x90000047  }
0x44c: {  	s0 =	stileid.u32;
	[bflag:$0x2] =	sbarrier.arrive $0xFFFF  }
0x44d: {  	p0 =	sne.s32 s0, $0x0;
	s0 =	rddreg [dreg:$0x3]  }
0x44e: {  	s0 =	sadd.s32 @!p0 $0x100000, s0  }
0x44f: {  	[sflag:s0] =	ssyncadd.tile.s32 @!p0 $0x1;
	_ =	shalt  }
.Lfunc_end2:
_tile_overlayer_lowered:
.L_overlay_start_2:
0x450: {  	(tag) =	ssettag $0x2  }
0x451: {  	s0 =	rddreg [dreg:$0x0];
	s2 =	stileid.u32  }
0x452: {  	s1 =	rddreg [dreg:$0x1];
	p0 =	sne.s32 s2, $0x0  }
0x453: {  	s3 =	rddreg [dreg:$0x2];
	[bflag:$0x3] =	sbarrier.arrive $0xFFFF;
	s2 =	simm.s32 @!p0 $0x1C05  }
0x454: {  	[timem:s3], [sflag:s2] =	dma.local @!p0 [hbm:s0], s1  }
0x455: {  	s0 =	simm.s32 @!p0 $0x5  }
0x456: {  	_ =	swait.ge @!p0 [sflag:s0], s1  }
0x457: {  	s1 =	ssub.s32 @!p0 $0x0, s1;
	[sflag:s0] =	ssyncset.done @!p0 $0x0  }
0x458: {  	[sflag:s0] =	ssyncadd.s32 @!p0 s1  }
0x459: {  	[bflag:$0x3] =	sbarrier.arrive $0xFFFF  }
0x45a: {  	_ =	shalt  }

</sc_bundles>
